<compile_context>
chip_gen: v7x
topology: tpu7x:2x2x1
jax: 0.10.2.dev20260603
libtpu: 0.0.44.dev20260713+nightly
codegen_flags: <defaults>
</compile_context>

<pallas_src>
import dataclasses
import functools

import jax
import jax.numpy as jnp
from jax import lax
from jax.experimental import pallas as pl
from jax.experimental.pallas import tpu as pltpu
from jax.experimental.pallas import tpu_sc as plsc

_NC = 2
_NS = 16
_LANES = 16


def _pick_chunk(per_sub: int) -> int:
    for k in range(128, 0, -8):
        if per_sub % k == 0:
            return k
    raise ValueError(f"no valid chunk size for {per_sub}")


def _make_sc_spmm(N, E, H):
    per_sub = E // _NS
    assert per_sub * _NS == E
    K = _pick_chunk(per_sub)
    n_chunks = per_sub // K
    rows_per_sub = (N // (8 * _NS)) * 8
    tail_rows = N - _NS * rows_per_sub
    assert tail_rows % 8 == 0 and tail_rows <= K
    n_zfull, z_rem = divmod(rows_per_sub, K)
    f32 = jnp.float32

    mesh = plsc.VectorSubcoreMesh(core_axis_name="c", subcore_axis_name="s")
    cp = pltpu.CompilerParams()
    if "needs_layout_passes" in pltpu.CompilerParams.__dataclass_fields__:
        cp = dataclasses.replace(cp, needs_layout_passes=False)

    @functools.partial(
        pl.kernel,
        compiler_params=cp,
        out_type=(
            jax.ShapeDtypeStruct((N, H), f32),
            jax.ShapeDtypeStruct((N, H), f32),
        ),
        mesh=mesh,
        scratch_types=(
            [pltpu.VMEM_SHARED((N, H), f32)]
            + [pltpu.VMEM((K,), jnp.int32)] * 4
            + [pltpu.VMEM((K,), jnp.int32)] * 4
            + [pltpu.VMEM((K,), f32)] * 4
            + [pltpu.VMEM((K, H), f32)] * 4
            + [pltpu.SemaphoreType.DMA] * 12
        ),
    )
    def sc_spmm(lo_hbm, hi_hbm, row_hbm, col_hbm, w_hbm,
                out_lo, out_hi, acc, *scr):
        c = lax.axis_index("c")
        s = lax.axis_index("s")
        my_rows = s * rows_per_sub
        zero16 = jnp.zeros((_LANES,), f32)
        rowv = scr[0:4]
        colv = scr[4:8]
        wv = scr[8:12]
        rows = scr[12:16]
        sem_i = scr[16:20]
        sem_g = scr[20:24]
        sem_s = scr[24:28]
        rows0 = rows[0]

        def run(tbl_hbm, out_hbm):
            base0 = s * per_sub

            def _idx_descs(i, p, make):
                base = base0 + i * K
                return (
                    make(row_hbm.at[pl.ds(base, K)], rowv[p], sem_i[p]),
                    make(col_hbm.at[pl.ds(base, K)], colv[p], sem_i[p]),
                    make(w_hbm.at[pl.ds(base, K)], wv[p], sem_i[p]),
                )

            def idx_issue(i, p):
                _idx_descs(i, p, pltpu.async_copy)

            def idx_wait(i, p):
                for d in _idx_descs(i, p, pltpu.make_async_copy):
                    d.wait()

            def scale(p):
                @plsc.parallel_loop(0, K, unroll=4)
                def _(e):
                    e16 = jnp.full((_LANES,), e, jnp.int32)
                    wb = plsc.load_gather(wv[p], [e16])
                    for j in range(H // _LANES):
                        sl = pl.ds(j * _LANES, _LANES)
                        rows[p][e, sl] = rows[p][e, sl] * wb

            @pl.loop(0, K)
            def _(r):
                for j in range(H // _LANES):
                    rows0[r, pl.ds(j * _LANES, _LANES)] = zero16

            for t in range(n_zfull):
                pltpu.sync_copy(rows0, acc.at[pl.ds(my_rows + t * K, K)])
            if z_rem:
                pltpu.sync_copy(rows0.at[pl.ds(0, z_rem)],
                                acc.at[pl.ds(my_rows + n_zfull * K, z_rem)])
            if tail_rows:
                @pl.when(s == _NS - 1)
                def _():
                    pltpu.sync_copy(rows0.at[pl.ds(0, tail_rows)],
                                    acc.at[pl.ds(_NS * rows_per_sub, tail_rows)])
            plsc.subcore_barrier()

            def step(i, p):
                n2 = (p + 2) % 4
                n3 = (p + 3) % 4

                @pl.when(i >= 2)
                def _():
                    pltpu.make_async_copy(rows[n2], acc.at[rowv[n2]],
                                          sem_s[n2]).wait()

                @pl.when(i + 2 < n_chunks)
                def _():
                    idx_wait(i + 2, n2)
                    pltpu.async_copy(tbl_hbm.at[colv[n2]], rows[n2], sem_g[n2])

                pltpu.make_async_copy(tbl_hbm.at[colv[p]], rows[p],
                                      sem_g[p]).wait()
                scale(p)
                pltpu.async_copy(rows[p], acc.at[rowv[p]], sem_s[p], add=True)

                @pl.when(i + 3 < n_chunks)
                def _():
                    idx_issue(i + 3, n3)

            idx_issue(0, 0)
            idx_issue(1, 1)
            idx_issue(2, 2)
            idx_wait(0, 0)
            pltpu.async_copy(tbl_hbm.at[colv[0]], rows[0], sem_g[0])
            idx_wait(1, 1)
            pltpu.async_copy(tbl_hbm.at[colv[1]], rows[1], sem_g[1])

            n_quad = n_chunks - (n_chunks % 4)

            @pl.loop(0, n_quad, step=4)
            def _(g):
                step(g, 0)
                step(g + 1, 1)
                step(g + 2, 2)
                step(g + 3, 3)

            for i in range(n_quad, n_chunks):
                step(jnp.int32(i), i % 4)

            for i in (n_chunks - 2, n_chunks - 1):
                pltpu.make_async_copy(rows[i % 4], acc.at[rowv[i % 4]],
                                      sem_s[i % 4]).wait()
            plsc.subcore_barrier()
            pltpu.sync_copy(acc.at[pl.ds(my_rows, rows_per_sub)],
                            out_hbm.at[pl.ds(my_rows, rows_per_sub)])
            if tail_rows:
                @pl.when(s == _NS - 1)
                def _():
                    t0 = _NS * rows_per_sub
                    pltpu.sync_copy(acc.at[pl.ds(t0, tail_rows)],
                                    out_hbm.at[pl.ds(t0, tail_rows)])

        @pl.when(c == 0)
        def _():
            run(lo_hbm, out_lo)

        @pl.when(c == 1)
        def _():
            run(hi_hbm, out_hi)

    return sc_spmm


def _tc_head(agg_lo, agg_hi, Wl, Wh, N, H, D_OUT):
    bn = 1000 if N % 1000 == 0 else 8
    assert N % bn == 0

    def body(lo_ref, hi_ref, wl_ref, wh_ref, o_ref):
        h = jnp.dot(lo_ref[...], wl_ref[...], preferred_element_type=jnp.float32)
        h = h + jnp.dot(hi_ref[...], wh_ref[...], preferred_element_type=jnp.float32)
        h = jnp.tanh(h)
        norm = jnp.sqrt(jnp.sum(h * h, axis=1, keepdims=True))
        o_ref[...] = h / jnp.maximum(norm, 1e-12)

    return pl.pallas_call(
        body,
        grid=(N // bn,),
        in_specs=[
            pl.BlockSpec((bn, H), lambda i: (i, 0)),
            pl.BlockSpec((bn, H), lambda i: (i, 0)),
            pl.BlockSpec((H, D_OUT), lambda i: (0, 0)),
            pl.BlockSpec((H, D_OUT), lambda i: (0, 0)),
        ],
        out_specs=pl.BlockSpec((bn, D_OUT), lambda i: (i, 0)),
        out_shape=jax.ShapeDtypeStruct((N, D_OUT), jnp.float32),
    )(agg_lo, agg_hi, Wl, Wh)


def kernel(emb, edge_index, edge_weight, W):
    N, D_IN = emb.shape
    D_OUT = W.shape[0]
    E = edge_weight.shape[0]
    H = D_IN // 2

    row = edge_index[0]
    col = edge_index[1]
    emb_lo = emb[:, :H]
    emb_hi = emb[:, H:]

    sc_spmm = _make_sc_spmm(N, E, H)
    agg_lo, agg_hi = sc_spmm(emb_lo, emb_hi, row, col, edge_weight)

    Wl = W[:, :H].T
    Wh = W[:, H:].T
    return _tc_head(agg_lo, agg_hi, Wl, Wh, N, H, D_OUT)

# --- scband reference (transcript-rebuilt; emitter-appended) ---
"""Pipeline reference for scband-gcn-lyr-64965675319564 (READ-ONLY COPY).

The authoritative reference and input builder live on the scoring server;
editing this copy changes nothing except your own understanding.
"""

import jax, jax.numpy as jnp
import numpy as np

N = 10000
E = 160000
D_IN = 256
D_OUT = 256


def setup_inputs(seed: int = 0) -> dict:
    key = jax.random.key(seed)
    k1, k2, k3, k4 = jax.random.split(key, 4)
    emb = jax.random.normal(k1, (N, D_IN), dtype=jnp.float32)
    edge_index = jax.random.randint(k2, (2, E), 0, N, dtype=jnp.int32)
    edge_weight = jax.random.uniform(k3, (E,), dtype=jnp.float32)
    # nn.Linear(in_dim, out_dim, bias=False) weight has shape [out_dim, in_dim]
    W = jax.random.normal(k4, (D_OUT, D_IN), dtype=jnp.float32) * (1.0 / np.sqrt(D_IN))
    return {"emb": emb, "edge_index": edge_index, "edge_weight": edge_weight, "W": W}


def reference(emb, edge_index, edge_weight, W):
    # emb = torch.spmm(sup, emb): sup is sparse [N, N] given in COO form
    # edge_index[0] = row (dst / output node), edge_index[1] = col (src / gathered node)
    row = edge_index[0]
    col = edge_index[1]
    msgs = emb[col] * edge_weight[:, None]                      # gather
    agg = jnp.zeros((N, D_IN), dtype=emb.dtype).at[row].add(msgs)  # scatter-add (spmm)
    # feat_map: Linear without bias -> x @ W.T
    h = agg @ W.T
    # dropout with p=0.0 is identity (eval-equivalent)
    h = jnp.tanh(h)
    # F.normalize(h, dim=1, p=2) with eps=1e-12
    norm = jnp.sqrt(jnp.sum(h * h, axis=1, keepdims=True))
    h = h / jnp.maximum(norm, 1e-12)
    return h

if __name__ == "__main__":
    import jax
    _d = setup_inputs()
    print(jax.jit(kernel)(*tuple(_d.values())))

</pallas_src>

<mosaic_0001>
#map = affine_map<(d0, d1) -> (0, 0)>
#map1 = affine_map<(d0, d1) -> (0)>
module attributes {stable_mosaic.version = 14 : i64} {
  func.func @sc_spmm(%arg0: i32, %arg1: i32, %arg2: memref<10000x128xf32, #tpu.memory_space<hbm>>, %arg3: memref<10000x128xf32, #tpu.memory_space<hbm>>, %arg4: memref<160000xi32, #tpu.memory_space<hbm>>, %arg5: memref<160000xi32, #tpu.memory_space<hbm>>, %arg6: memref<160000xf32, #tpu.memory_space<hbm>>, %arg7: memref<10000x128xf32, #tpu.memory_space<hbm>>, %arg8: memref<10000x128xf32, #tpu.memory_space<hbm>>, %arg9: memref<10000x128xf32, #tpu.memory_space<vmem_shared>>, %arg10: memref<80xi32, #tpu.memory_space<vmem>>, %arg11: memref<80xi32, #tpu.memory_space<vmem>>, %arg12: memref<80xi32, #tpu.memory_space<vmem>>, %arg13: memref<80xi32, #tpu.memory_space<vmem>>, %arg14: memref<80xi32, #tpu.memory_space<vmem>>, %arg15: memref<80xi32, #tpu.memory_space<vmem>>, %arg16: memref<80xi32, #tpu.memory_space<vmem>>, %arg17: memref<80xi32, #tpu.memory_space<vmem>>, %arg18: memref<80xf32, #tpu.memory_space<vmem>>, %arg19: memref<80xf32, #tpu.memory_space<vmem>>, %arg20: memref<80xf32, #tpu.memory_space<vmem>>, %arg21: memref<80xf32, #tpu.memory_space<vmem>>, %arg22: memref<80x128xf32, #tpu.memory_space<vmem>>, %arg23: memref<80x128xf32, #tpu.memory_space<vmem>>, %arg24: memref<80x128xf32, #tpu.memory_space<vmem>>, %arg25: memref<80x128xf32, #tpu.memory_space<vmem>>, %arg26: memref<!tpu.dma_semaphore, #tpu.memory_space<semaphore_mem>>, %arg27: memref<!tpu.dma_semaphore, #tpu.memory_space<semaphore_mem>>, %arg28: memref<!tpu.dma_semaphore, #tpu.memory_space<semaphore_mem>>, %arg29: memref<!tpu.dma_semaphore, #tpu.memory_space<semaphore_mem>>, %arg30: memref<!tpu.dma_semaphore, #tpu.memory_space<semaphore_mem>>, %arg31: memref<!tpu.dma_semaphore, #tpu.memory_space<semaphore_mem>>, %arg32: memref<!tpu.dma_semaphore, #tpu.memory_space<semaphore_mem>>, %arg33: memref<!tpu.dma_semaphore, #tpu.memory_space<semaphore_mem>>, %arg34: memref<!tpu.dma_semaphore, #tpu.memory_space<semaphore_mem>>, %arg35: memref<!tpu.dma_semaphore, #tpu.memory_space<semaphore_mem>>, %arg36: memref<!tpu.dma_semaphore, #tpu.memory_space<semaphore_mem>>, %arg37: memref<!tpu.dma_semaphore, #tpu.memory_space<semaphore_mem>>) attributes {dimension_semantics = [#tpu.dimension_semantics<core_parallel>, #tpu.dimension_semantics<subcore_parallel>], iteration_bounds = array<i64: 2, 16>, scalar_prefetch = 0 : i64, scratch_operands = 29 : i64, tpu.core_type = #tpu.core_type<sc_vector_subcore>, window_params = [{transform_indices = #map}, {transform_indices = #map}, {transform_indices = #map1}, {transform_indices = #map1}, {transform_indices = #map1}, {transform_indices = #map}, {transform_indices = #map}]} {
    %mul3A = arith.constant 624 : i32
    %mul3A_0 = arith.muli %arg1, %mul3A : i32
    %broadcast_in_dim3A = arith.constant 0.000000e+00 : f32
    %broadcast_in_dim3A_1 = vector.broadcast %broadcast_in_dim3A : f32 to vector<16xf32>
    %eq3A = arith.constant 0 : i32
    %eq3A_2 = arith.cmpi eq, %arg0, %eq3A : i32
    %convert_element_type3A = arith.extui %eq3A_2 : i1 to i32
    %cond3A = arith.constant 0 : i32
    %cond3A_3 = arith.cmpi ne, %convert_element_type3A, %cond3A : i32
    scf.if %cond3A_3 {
      %mul3A_9 = arith.constant 10000 : i32
      %mul3A_10 = arith.muli %arg1, %mul3A_9 : i32
      %scan3A = arith.constant 0 : i32
      %scan3A_11 = arith.constant 80 : i32
      %scan3A_12 = arith.addi %scan3A, %scan3A_11 : i32
      %scan3A_13 = arith.constant 1 : i32
      scf.for %scan3A_126 = %scan3A to %scan3A_12 step %scan3A_13  : i32 {
        %mul3A_127 = arith.constant 1 : i32
        %mul3A_128 = arith.muli %scan3A_126, %mul3A_127 : i32
        %add3A_129 = arith.constant 0 : i32
        %add3A_130 = arith.addi %add3A_129, %mul3A_128 : i32
        %swap3A = arith.index_cast %add3A_130 : i32 to index
        %swap3A_131 = arith.constant 0 : index
        %swap3A_132 = tpu.vector_load %arg22[%swap3A, %swap3A_131] {strides = array<i32>} : memref<80x128xf32, #tpu.memory_space<vmem>>, vector<16xf32>,
        tpu.vector_store %arg22[%swap3A, %swap3A_131], %broadcast_in_dim3A_1 {strides = array<i32>} : memref<80x128xf32, #tpu.memory_space<vmem>>, vector<16xf32>,
        %swap3A_133 = arith.index_cast %add3A_130 : i32 to index
        %swap3A_134 = arith.constant 16 : index
        %swap3A_135 = tpu.vector_load %arg22[%swap3A_133, %swap3A_134] {strides = array<i32>} : memref<80x128xf32, #tpu.memory_space<vmem>>, vector<16xf32>,
        tpu.vector_store %arg22[%swap3A_133, %swap3A_134], %broadcast_in_dim3A_1 {strides = array<i32>} : memref<80x128xf32, #tpu.memory_space<vmem>>, vector<16xf32>,
        %swap3A_136 = arith.index_cast %add3A_130 : i32 to index
        %swap3A_137 = arith.constant 32 : index
        %swap3A_138 = tpu.vector_load %arg22[%swap3A_136, %swap3A_137] {strides = array<i32>} : memref<80x128xf32, #tpu.memory_space<vmem>>, vector<16xf32>,
        tpu.vector_store %arg22[%swap3A_136, %swap3A_137], %broadcast_in_dim3A_1 {strides = array<i32>} : memref<80x128xf32, #tpu.memory_space<vmem>>, vector<16xf32>,
        %swap3A_139 = arith.index_cast %add3A_130 : i32 to index
        %swap3A_140 = arith.constant 48 : index
        %swap3A_141 = tpu.vector_load %arg22[%swap3A_139, %swap3A_140] {strides = array<i32>} : memref<80x128xf32, #tpu.memory_space<vmem>>, vector<16xf32>,
        tpu.vector_store %arg22[%swap3A_139, %swap3A_140], %broadcast_in_dim3A_1 {strides = array<i32>} : memref<80x128xf32, #tpu.memory_space<vmem>>, vector<16xf32>,
        %swap3A_142 = arith.index_cast %add3A_130 : i32 to index
        %swap3A_143 = arith.constant 64 : index
        %swap3A_144 = tpu.vector_load %arg22[%swap3A_142, %swap3A_143] {strides = array<i32>} : memref<80x128xf32, #tpu.memory_space<vmem>>, vector<16xf32>,
        tpu.vector_store %arg22[%swap3A_142, %swap3A_143], %broadcast_in_dim3A_1 {strides = array<i32>} : memref<80x128xf32, #tpu.memory_space<vmem>>, vector<16xf32>,
        %swap3A_145 = arith.index_cast %add3A_130 : i32 to index
        %swap3A_146 = arith.constant 80 : index
        %swap3A_147 = tpu.vector_load %arg22[%swap3A_145, %swap3A_146] {strides = array<i32>} : memref<80x128xf32, #tpu.memory_space<vmem>>, vector<16xf32>,
        tpu.vector_store %arg22[%swap3A_145, %swap3A_146], %broadcast_in_dim3A_1 {strides = array<i32>} : memref<80x128xf32, #tpu.memory_space<vmem>>, vector<16xf32>,
        %swap3A_148 = arith.index_cast %add3A_130 : i32 to index
        %swap3A_149 = arith.constant 96 : index
        %swap3A_150 = tpu.vector_load %arg22[%swap3A_148, %swap3A_149] {strides = array<i32>} : memref<80x128xf32, #tpu.memory_space<vmem>>, vector<16xf32>,
        tpu.vector_store %arg22[%swap3A_148, %swap3A_149], %broadcast_in_dim3A_1 {strides = array<i32>} : memref<80x128xf32, #tpu.memory_space<vmem>>, vector<16xf32>,
        %swap3A_151 = arith.index_cast %add3A_130 : i32 to index
        %swap3A_152 = arith.constant 112 : index
        %swap3A_153 = tpu.vector_load %arg22[%swap3A_151, %swap3A_152] {strides = array<i32>} : memref<80x128xf32, #tpu.memory_space<vmem>>, vector<16xf32>,
        tpu.vector_store %arg22[%swap3A_151, %swap3A_152], %broadcast_in_dim3A_1 {strides = array<i32>} : memref<80x128xf32, #tpu.memory_space<vmem>>, vector<16xf32>,
      }
      %scan3A_14 = arith.constant 80 : i32
      %add3A = arith.constant 0 : i32
      %add3A_15 = arith.addi %mul3A_0, %add3A : i32
      "tpu.region"() ({
        %run_scoped3A = tpu.sem_alloc : memref<!tpu.dma_semaphore, #tpu.memory_space<semaphore_mem>>
        %dma_start3A_126 = arith.constant 0 : i32
        %dma_start3A_127 = tpu.memref_slice %arg9[%add3A_15, %dma_start3A_126] : memref<10000x128xf32, #tpu.memory_space<vmem_shared>> -> memref<80x128xf32, #tpu.memory_space<vmem_shared>>
        %dma_start3A_128 = arith.constant 0 : i32
        %dma_start3A_129 = tpu.memref_slice %arg9[%add3A_15, %dma_start3A_128] : memref<10000x128xf32, #tpu.memory_space<vmem_shared>> -> memref<80x128xf32, #tpu.memory_space<vmem_shared>>
        tpu.enqueue_dma source(%arg22 : memref<80x128xf32, #tpu.memory_space<vmem>>) target(%dma_start3A_129 : memref<80x128xf32, #tpu.memory_space<vmem_shared>>) target_semaphore(%run_scoped3A : memref<!tpu.dma_semaphore, #tpu.memory_space<semaphore_mem>>)
        %dma_wait3A_130 = arith.constant 0 : i32
        %dma_wait3A_131 = tpu.memref_slice %arg9[%add3A_15, %dma_wait3A_130] : memref<10000x128xf32, #tpu.memory_space<vmem_shared>> -> memref<80x128xf32, #tpu.memory_space<vmem_shared>>
        %dma_wait3A_132 = arith.constant 0 : i32
        %dma_wait3A_133 = tpu.memref_slice %arg9[%add3A_15, %dma_wait3A_132] : memref<10000x128xf32, #tpu.memory_space<vmem_shared>> -> memref<80x128xf32, #tpu.memory_space<vmem_shared>>
        tpu.wait_dma2 semaphore(%run_scoped3A : memref<!tpu.dma_semaphore, #tpu.memory_space<semaphore_mem>>) src(%arg22 : memref<80x128xf32, #tpu.memory_space<vmem>>) dst(%dma_wait3A_133 : memref<80x128xf32, #tpu.memory_space<vmem_shared>>)
        tpu.yield
      }) : () -> ()
      %add3A_16 = arith.constant 80 : i32
      %add3A_17 = arith.addi %mul3A_0, %add3A_16 : i32
      "tpu.region"() ({
        %run_scoped3A = tpu.sem_alloc : memref<!tpu.dma_semaphore, #tpu.memory_space<semaphore_mem>>
        %dma_start3A_126 = arith.constant 0 : i32
        %dma_start3A_127 = tpu.memref_slice %arg9[%add3A_17, %dma_start3A_126] : memref<10000x128xf32, #tpu.memory_space<vmem_shared>> -> memref<80x128xf32, #tpu.memory_space<vmem_shared>>
        %dma_start3A_128 = arith.constant 0 : i32
        %dma_start3A_129 = tpu.memref_slice %arg9[%add3A_17, %dma_start3A_128] : memref<10000x128xf32, #tpu.memory_space<vmem_shared>> -> memref<80x128xf32, #tpu.memory_space<vmem_shared>>
        tpu.enqueue_dma source(%arg22 : memref<80x128xf32, #tpu.memory_space<vmem>>) target(%dma_start3A_129 : memref<80x128xf32, #tpu.memory_space<vmem_shared>>) target_semaphore(%run_scoped3A : memref<!tpu.dma_semaphore, #tpu.memory_space<semaphore_mem>>)
        %dma_wait3A_130 = arith.constant 0 : i32
        %dma_wait3A_131 = tpu.memref_slice %arg9[%add3A_17, %dma_wait3A_130] : memref<10000x128xf32, #tpu.memory_space<vmem_shared>> -> memref<80x128xf32, #tpu.memory_space<vmem_shared>>
        %dma_wait3A_132 = arith.constant 0 : i32
        %dma_wait3A_133 = tpu.memref_slice %arg9[%add3A_17, %dma_wait3A_132] : memref<10000x128xf32, #tpu.memory_space<vmem_shared>> -> memref<80x128xf32, #tpu.memory_space<vmem_shared>>
        tpu.wait_dma2 semaphore(%run_scoped3A : memref<!tpu.dma_semaphore, #tpu.memory_space<semaphore_mem>>) src(%arg22 : memref<80x128xf32, #tpu.memory_space<vmem>>) dst(%dma_wait3A_133 : memref<80x128xf32, #tpu.memory_space<vmem_shared>>)
        tpu.yield
      }) : () -> ()
      %add3A_18 = arith.constant 160 : i32
      %add3A_19 = arith.addi %mul3A_0, %add3A_18 : i32
      "tpu.region"() ({
        %run_scoped3A = tpu.sem_alloc : memref<!tpu.dma_semaphore, #tpu.memory_space<semaphore_mem>>
        %dma_start3A_126 = arith.constant 0 : i32
        %dma_start3A_127 = tpu.memref_slice %arg9[%add3A_19, %dma_start3A_126] : memref<10000x128xf32, #tpu.memory_space<vmem_shared>> -> memref<80x128xf32, #tpu.memory_space<vmem_shared>>
        %dma_start3A_128 = arith.constant 0 : i32
        %dma_start3A_129 = tpu.memref_slice %arg9[%add3A_19, %dma_start3A_128] : memref<10000x128xf32, #tpu.memory_space<vmem_shared>> -> memref<80x128xf32, #tpu.memory_space<vmem_shared>>
        tpu.enqueue_dma source(%arg22 : memref<80x128xf32, #tpu.memory_space<vmem>>) target(%dma_start3A_129 : memref<80x128xf32, #tpu.memory_space<vmem_shared>>) target_semaphore(%run_scoped3A : memref<!tpu.dma_semaphore, #tpu.memory_space<semaphore_mem>>)
        %dma_wait3A_130 = arith.constant 0 : i32
        %dma_wait3A_131 = tpu.memref_slice %arg9[%add3A_19, %dma_wait3A_130] : memref<10000x128xf32, #tpu.memory_space<vmem_shared>> -> memref<80x128xf32, #tpu.memory_space<vmem_shared>>
        %dma_wait3A_132 = arith.constant 0 : i32
        %dma_wait3A_133 = tpu.memref_slice %arg9[%add3A_19, %dma_wait3A_132] : memref<10000x128xf32, #tpu.memory_space<vmem_shared>> -> memref<80x128xf32, #tpu.memory_space<vmem_shared>>
        tpu.wait_dma2 semaphore(%run_scoped3A : memref<!tpu.dma_semaphore, #tpu.memory_space<semaphore_mem>>) src(%arg22 : memref<80x128xf32, #tpu.memory_space<vmem>>) dst(%dma_wait3A_133 : memref<80x128xf32, #tpu.memory_space<vmem_shared>>)
        tpu.yield
      }) : () -> ()
      %add3A_20 = arith.constant 240 : i32
      %add3A_21 = arith.addi %mul3A_0, %add3A_20 : i32
      "tpu.region"() ({
        %run_scoped3A = tpu.sem_alloc : memref<!tpu.dma_semaphore, #tpu.memory_space<semaphore_mem>>
        %dma_start3A_126 = arith.constant 0 : i32
        %dma_start3A_127 = tpu.memref_slice %arg9[%add3A_21, %dma_start3A_126] : memref<10000x128xf32, #tpu.memory_space<vmem_shared>> -> memref<80x128xf32, #tpu.memory_space<vmem_shared>>
        %dma_start3A_128 = arith.constant 0 : i32
        %dma_start3A_129 = tpu.memref_slice %arg9[%add3A_21, %dma_start3A_128] : memref<10000x128xf32, #tpu.memory_space<vmem_shared>> -> memref<80x128xf32, #tpu.memory_space<vmem_shared>>
        tpu.enqueue_dma source(%arg22 : memref<80x128xf32, #tpu.memory_space<vmem>>) target(%dma_start3A_129 : memref<80x128xf32, #tpu.memory_space<vmem_shared>>) target_semaphore(%run_scoped3A : memref<!tpu.dma_semaphore, #tpu.memory_space<semaphore_mem>>)
        %dma_wait3A_130 = arith.constant 0 : i32
        %dma_wait3A_131 = tpu.memref_slice %arg9[%add3A_21, %dma_wait3A_130] : memref<10000x128xf32, #tpu.memory_space<vmem_shared>> -> memref<80x128xf32, #tpu.memory_space<vmem_shared>>
        %dma_wait3A_132 = arith.constant 0 : i32
        %dma_wait3A_133 = tpu.memref_slice %arg9[%add3A_21, %dma_wait3A_132] : memref<10000x128xf32, #tpu.memory_space<vmem_shared>> -> memref<80x128xf32, #tpu.memory_space<vmem_shared>>
        tpu.wait_dma2 semaphore(%run_scoped3A : memref<!tpu.dma_semaphore, #tpu.memory_space<semaphore_mem>>) src(%arg22 : memref<80x128xf32, #tpu.memory_space<vmem>>) dst(%dma_wait3A_133 : memref<80x128xf32, #tpu.memory_space<vmem_shared>>)
        tpu.yield
      }) : () -> ()
      %add3A_22 = arith.constant 320 : i32
      %add3A_23 = arith.addi %mul3A_0, %add3A_22 : i32
      "tpu.region"() ({
        %run_scoped3A = tpu.sem_alloc : memref<!tpu.dma_semaphore, #tpu.memory_space<semaphore_mem>>
        %dma_start3A_126 = arith.constant 0 : i32
        %dma_start3A_127 = tpu.memref_slice %arg9[%add3A_23, %dma_start3A_126] : memref<10000x128xf32, #tpu.memory_space<vmem_shared>> -> memref<80x128xf32, #tpu.memory_space<vmem_shared>>
        %dma_start3A_128 = arith.constant 0 : i32
        %dma_start3A_129 = tpu.memref_slice %arg9[%add3A_23, %dma_start3A_128] : memref<10000x128xf32, #tpu.memory_space<vmem_shared>> -> memref<80x128xf32, #tpu.memory_space<vmem_shared>>
        tpu.enqueue_dma source(%arg22 : memref<80x128xf32, #tpu.memory_space<vmem>>) target(%dma_start3A_129 : memref<80x128xf32, #tpu.memory_space<vmem_shared>>) target_semaphore(%run_scoped3A : memref<!tpu.dma_semaphore, #tpu.memory_space<semaphore_mem>>)
        %dma_wait3A_130 = arith.constant 0 : i32
        %dma_wait3A_131 = tpu.memref_slice %arg9[%add3A_23, %dma_wait3A_130] : memref<10000x128xf32, #tpu.memory_space<vmem_shared>> -> memref<80x128xf32, #tpu.memory_space<vmem_shared>>
        %dma_wait3A_132 = arith.constant 0 : i32
        %dma_wait3A_133 = tpu.memref_slice %arg9[%add3A_23, %dma_wait3A_132] : memref<10000x128xf32, #tpu.memory_space<vmem_shared>> -> memref<80x128xf32, #tpu.memory_space<vmem_shared>>
        tpu.wait_dma2 semaphore(%run_scoped3A : memref<!tpu.dma_semaphore, #tpu.memory_space<semaphore_mem>>) src(%arg22 : memref<80x128xf32, #tpu.memory_space<vmem>>) dst(%dma_wait3A_133 : memref<80x128xf32, #tpu.memory_space<vmem_shared>>)
        tpu.yield
      }) : () -> ()
      %add3A_24 = arith.constant 400 : i32
      %add3A_25 = arith.addi %mul3A_0, %add3A_24 : i32
      "tpu.region"() ({
        %run_scoped3A = tpu.sem_alloc : memref<!tpu.dma_semaphore, #tpu.memory_space<semaphore_mem>>
        %dma_start3A_126 = arith.constant 0 : i32
        %dma_start3A_127 = tpu.memref_slice %arg9[%add3A_25, %dma_start3A_126] : memref<10000x128xf32, #tpu.memory_space<vmem_shared>> -> memref<80x128xf32, #tpu.memory_space<vmem_shared>>
        %dma_start3A_128 = arith.constant 0 : i32
        %dma_start3A_129 = tpu.memref_slice %arg9[%add3A_25, %dma_start3A_128] : memref<10000x128xf32, #tpu.memory_space<vmem_shared>> -> memref<80x128xf32, #tpu.memory_space<vmem_shared>>
        tpu.enqueue_dma source(%arg22 : memref<80x128xf32, #tpu.memory_space<vmem>>) target(%dma_start3A_129 : memref<80x128xf32, #tpu.memory_space<vmem_shared>>) target_semaphore(%run_scoped3A : memref<!tpu.dma_semaphore, #tpu.memory_space<semaphore_mem>>)
        %dma_wait3A_130 = arith.constant 0 : i32
        %dma_wait3A_131 = tpu.memref_slice %arg9[%add3A_25, %dma_wait3A_130] : memref<10000x128xf32, #tpu.memory_space<vmem_shared>> -> memref<80x128xf32, #tpu.memory_space<vmem_shared>>
        %dma_wait3A_132 = arith.constant 0 : i32
        %dma_wait3A_133 = tpu.memref_slice %arg9[%add3A_25, %dma_wait3A_132] : memref<10000x128xf32, #tpu.memory_space<vmem_shared>> -> memref<80x128xf32, #tpu.memory_space<vmem_shared>>
        tpu.wait_dma2 semaphore(%run_scoped3A : memref<!tpu.dma_semaphore, #tpu.memory_space<semaphore_mem>>) src(%arg22 : memref<80x128xf32, #tpu.memory_space<vmem>>) dst(%dma_wait3A_133 : memref<80x128xf32, #tpu.memory_space<vmem_shared>>)
        tpu.yield
      }) : () -> ()
      %add3A_26 = arith.constant 480 : i32
      %add3A_27 = arith.addi %mul3A_0, %add3A_26 : i32
      "tpu.region"() ({
        %run_scoped3A = tpu.sem_alloc : memref<!tpu.dma_semaphore, #tpu.memory_space<semaphore_mem>>
        %dma_start3A_126 = arith.constant 0 : i32
        %dma_start3A_127 = tpu.memref_slice %arg9[%add3A_27, %dma_start3A_126] : memref<10000x128xf32, #tpu.memory_space<vmem_shared>> -> memref<80x128xf32, #tpu.memory_space<vmem_shared>>
        %dma_start3A_128 = arith.constant 0 : i32
        %dma_start3A_129 = tpu.memref_slice %arg9[%add3A_27, %dma_start3A_128] : memref<10000x128xf32, #tpu.memory_space<vmem_shared>> -> memref<80x128xf32, #tpu.memory_space<vmem_shared>>
        tpu.enqueue_dma source(%arg22 : memref<80x128xf32, #tpu.memory_space<vmem>>) target(%dma_start3A_129 : memref<80x128xf32, #tpu.memory_space<vmem_shared>>) target_semaphore(%run_scoped3A : memref<!tpu.dma_semaphore, #tpu.memory_space<semaphore_mem>>)
        %dma_wait3A_130 = arith.constant 0 : i32
        %dma_wait3A_131 = tpu.memref_slice %arg9[%add3A_27, %dma_wait3A_130] : memref<10000x128xf32, #tpu.memory_space<vmem_shared>> -> memref<80x128xf32, #tpu.memory_space<vmem_shared>>
        %dma_wait3A_132 = arith.constant 0 : i32
        %dma_wait3A_133 = tpu.memref_slice %arg9[%add3A_27, %dma_wait3A_132] : memref<10000x128xf32, #tpu.memory_space<vmem_shared>> -> memref<80x128xf32, #tpu.memory_space<vmem_shared>>
        tpu.wait_dma2 semaphore(%run_scoped3A : memref<!tpu.dma_semaphore, #tpu.memory_space<semaphore_mem>>) src(%arg22 : memref<80x128xf32, #tpu.memory_space<vmem>>) dst(%dma_wait3A_133 : memref<80x128xf32, #tpu.memory_space<vmem_shared>>)
        tpu.yield
      }) : () -> ()
      %add3A_28 = arith.constant 560 : i32
      %add3A_29 = arith.addi %mul3A_0, %add3A_28 : i32
      "tpu.region"() ({
        %run_scoped3A = tpu.sem_alloc : memref<!tpu.dma_semaphore, #tpu.memory_space<semaphore_mem>>
        %dma_start3A_126 = arith.constant 0 : i32
        %dma_start3A_127 = arith.constant 0 : i32
        %dma_start3A_128 = tpu.memref_slice %arg22[%dma_start3A_126, %dma_start3A_127] : memref<80x128xf32, #tpu.memory_space<vmem>> -> memref<64x128xf32, #tpu.memory_space<vmem>>
        %dma_start3A_129 = arith.constant 0 : i32
        %dma_start3A_130 = tpu.memref_slice %arg9[%add3A_29, %dma_start3A_129] : memref<10000x128xf32, #tpu.memory_space<vmem_shared>> -> memref<64x128xf32, #tpu.memory_space<vmem_shared>>
        %dma_start3A_131 = arith.constant 0 : i32
        %dma_start3A_132 = tpu.memref_slice %arg9[%add3A_29, %dma_start3A_131] : memref<10000x128xf32, #tpu.memory_space<vmem_shared>> -> memref<64x128xf32, #tpu.memory_space<vmem_shared>>
        %dma_start3A_133 = arith.constant 0 : i32
        %dma_start3A_134 = arith.constant 0 : i32
        %dma_start3A_135 = tpu.memref_slice %arg22[%dma_start3A_133, %dma_start3A_134] : memref<80x128xf32, #tpu.memory_space<vmem>> -> memref<64x128xf32, #tpu.memory_space<vmem>>
        tpu.enqueue_dma source(%dma_start3A_135 : memref<64x128xf32, #tpu.memory_space<vmem>>) target(%dma_start3A_132 : memref<64x128xf32, #tpu.memory_space<vmem_shared>>) target_semaphore(%run_scoped3A : memref<!tpu.dma_semaphore, #tpu.memory_space<semaphore_mem>>)
        %dma_wait3A_136 = arith.constant 0 : i32
        %dma_wait3A_137 = arith.constant 0 : i32
        %dma_wait3A_138 = tpu.memref_slice %arg22[%dma_wait3A_136, %dma_wait3A_137] : memref<80x128xf32, #tpu.memory_space<vmem>> -> memref<64x128xf32, #tpu.memory_space<vmem>>
        %dma_wait3A_139 = arith.constant 0 : i32
        %dma_wait3A_140 = tpu.memref_slice %arg9[%add3A_29, %dma_wait3A_139] : memref<10000x128xf32, #tpu.memory_space<vmem_shared>> -> memref<64x128xf32, #tpu.memory_space<vmem_shared>>
        %dma_wait3A_141 = arith.constant 0 : i32
        %dma_wait3A_142 = tpu.memref_slice %arg9[%add3A_29, %dma_wait3A_141] : memref<10000x128xf32, #tpu.memory_space<vmem_shared>> -> memref<64x128xf32, #tpu.memory_space<vmem_shared>>
        %dma_wait3A_143 = arith.constant 0 : i32
        %dma_wait3A_144 = arith.constant 0 : i32
        %dma_wait3A_145 = tpu.memref_slice %arg22[%dma_wait3A_143, %dma_wait3A_144] : memref<80x128xf32, #tpu.memory_space<vmem>> -> memref<64x128xf32, #tpu.memory_space<vmem>>
        tpu.wait_dma2 semaphore(%run_scoped3A : memref<!tpu.dma_semaphore, #tpu.memory_space<semaphore_mem>>) src(%dma_wait3A_145 : memref<64x128xf32, #tpu.memory_space<vmem>>) dst(%dma_wait3A_142 : memref<64x128xf32, #tpu.memory_space<vmem_shared>>)
        tpu.yield
      }) : () -> ()
      %eq3A_30 = arith.constant 15 : i32
      %eq3A_31 = arith.cmpi eq, %arg1, %eq3A_30 : i32
      %convert_element_type3A_32 = arith.extui %eq3A_31 : i1 to i32
      %cond3A_33 = arith.constant 0 : i32
      %cond3A_34 = arith.cmpi ne, %convert_element_type3A_32, %cond3A_33 : i32
      scf.if %cond3A_34 {
        "tpu.region"() ({
          %run_scoped3A = tpu.sem_alloc : memref<!tpu.dma_semaphore, #tpu.memory_space<semaphore_mem>>
          %dma_start3A_126 = arith.constant 0 : i32
          %dma_start3A_127 = arith.constant 0 : i32
          %dma_start3A_128 = tpu.memref_slice %arg22[%dma_start3A_126, %dma_start3A_127] : memref<80x128xf32, #tpu.memory_space<vmem>> -> memref<16x128xf32, #tpu.memory_space<vmem>>
          %dma_start3A_129 = arith.constant 9984 : i32
          %dma_start3A_130 = arith.constant 0 : i32
          %dma_start3A_131 = tpu.memref_slice %arg9[%dma_start3A_129, %dma_start3A_130] : memref<10000x128xf32, #tpu.memory_space<vmem_shared>> -> memref<16x128xf32, #tpu.memory_space<vmem_shared>>
          %dma_start3A_132 = arith.constant 9984 : i32
          %dma_start3A_133 = arith.constant 0 : i32
          %dma_start3A_134 = tpu.memref_slice %arg9[%dma_start3A_132, %dma_start3A_133] : memref<10000x128xf32, #tpu.memory_space<vmem_shared>> -> memref<16x128xf32, #tpu.memory_space<vmem_shared>>
          %dma_start3A_135 = arith.constant 0 : i32
          %dma_start3A_136 = arith.constant 0 : i32
          %dma_start3A_137 = tpu.memref_slice %arg22[%dma_start3A_135, %dma_start3A_136] : memref<80x128xf32, #tpu.memory_space<vmem>> -> memref<16x128xf32, #tpu.memory_space<vmem>>
          tpu.enqueue_dma source(%dma_start3A_137 : memref<16x128xf32, #tpu.memory_space<vmem>>) target(%dma_start3A_134 : memref<16x128xf32, #tpu.memory_space<vmem_shared>>) target_semaphore(%run_scoped3A : memref<!tpu.dma_semaphore, #tpu.memory_space<semaphore_mem>>)
          %dma_wait3A_138 = arith.constant 0 : i32
          %dma_wait3A_139 = arith.constant 0 : i32
          %dma_wait3A_140 = tpu.memref_slice %arg22[%dma_wait3A_138, %dma_wait3A_139] : memref<80x128xf32, #tpu.memory_space<vmem>> -> memref<16x128xf32, #tpu.memory_space<vmem>>
          %dma_wait3A_141 = arith.constant 9984 : i32
          %dma_wait3A_142 = arith.constant 0 : i32
          %dma_wait3A_143 = tpu.memref_slice %arg9[%dma_wait3A_141, %dma_wait3A_142] : memref<10000x128xf32, #tpu.memory_space<vmem_shared>> -> memref<16x128xf32, #tpu.memory_space<vmem_shared>>
          %dma_wait3A_144 = arith.constant 9984 : i32
          %dma_wait3A_145 = arith.constant 0 : i32
          %dma_wait3A_146 = tpu.memref_slice %arg9[%dma_wait3A_144, %dma_wait3A_145] : memref<10000x128xf32, #tpu.memory_space<vmem_shared>> -> memref<16x128xf32, #tpu.memory_space<vmem_shared>>
          %dma_wait3A_147 = arith.constant 0 : i32
          %dma_wait3A_148 = arith.constant 0 : i32
          %dma_wait3A_149 = tpu.memref_slice %arg22[%dma_wait3A_147, %dma_wait3A_148] : memref<80x128xf32, #tpu.memory_space<vmem>> -> memref<16x128xf32, #tpu.memory_space<vmem>>
          tpu.wait_dma2 semaphore(%run_scoped3A : memref<!tpu.dma_semaphore, #tpu.memory_space<semaphore_mem>>) src(%dma_wait3A_149 : memref<16x128xf32, #tpu.memory_space<vmem>>) dst(%dma_wait3A_146 : memref<16x128xf32, #tpu.memory_space<vmem_shared>>)
          tpu.yield
        }) : () -> ()
      } else {
      }
      %barrier3A = arith.constant 0 : index
      tpu.barrier barrier_id(%barrier3A)
      %add3A_35 = arith.constant 0 : i32
      %add3A_36 = arith.addi %mul3A_10, %add3A_35 : i32
      %dma_start3A = tpu.memref_slice %arg4[%add3A_36] : memref<160000xi32, #tpu.memory_space<hbm>> -> memref<80xi32, #tpu.memory_space<hbm>>
      %dma_start3A_37 = tpu.memref_slice %arg4[%add3A_36] : memref<160000xi32, #tpu.memory_space<hbm>> -> memref<80xi32, #tpu.memory_space<hbm>>
      tpu.enqueue_dma source(%dma_start3A_37 : memref<80xi32, #tpu.memory_space<hbm>>) target(%arg10 : memref<80xi32, #tpu.memory_space<vmem>>) target_semaphore(%arg26 : memref<!tpu.dma_semaphore, #tpu.memory_space<semaphore_mem>>)
      %dma_start3A_38 = tpu.memref_slice %arg5[%add3A_36] : memref<160000xi32, #tpu.memory_space<hbm>> -> memref<80xi32, #tpu.memory_space<hbm>>
      %dma_start3A_39 = tpu.memref_slice %arg5[%add3A_36] : memref<160000xi32, #tpu.memory_space<hbm>> -> memref<80xi32, #tpu.memory_space<hbm>>
      tpu.enqueue_dma source(%dma_start3A_39 : memref<80xi32, #tpu.memory_space<hbm>>) target(%arg14 : memref<80xi32, #tpu.memory_space<vmem>>) target_semaphore(%arg26 : memref<!tpu.dma_semaphore, #tpu.memory_space<semaphore_mem>>)
      %dma_start3A_40 = tpu.memref_slice %arg6[%add3A_36] : memref<160000xf32, #tpu.memory_space<hbm>> -> memref<80xf32, #tpu.memory_space<hbm>>
      %dma_start3A_41 = tpu.memref_slice %arg6[%add3A_36] : memref<160000xf32, #tpu.memory_space<hbm>> -> memref<80xf32, #tpu.memory_space<hbm>>
      tpu.enqueue_dma source(%dma_start3A_41 : memref<80xf32, #tpu.memory_space<hbm>>) target(%arg18 : memref<80xf32, #tpu.memory_space<vmem>>) target_semaphore(%arg26 : memref<!tpu.dma_semaphore, #tpu.memory_space<semaphore_mem>>)
      %add3A_42 = arith.constant 80 : i32
      %add3A_43 = arith.addi %mul3A_10, %add3A_42 : i32
      %dma_start3A_44 = tpu.memref_slice %arg4[%add3A_43] : memref<160000xi32, #tpu.memory_space<hbm>> -> memref<80xi32, #tpu.memory_space<hbm>>
      %dma_start3A_45 = tpu.memref_slice %arg4[%add3A_43] : memref<160000xi32, #tpu.memory_space<hbm>> -> memref<80xi32, #tpu.memory_space<hbm>>
      tpu.enqueue_dma source(%dma_start3A_45 : memref<80xi32, #tpu.memory_space<hbm>>) target(%arg11 : memref<80xi32, #tpu.memory_space<vmem>>) target_semaphore(%arg27 : memref<!tpu.dma_semaphore, #tpu.memory_space<semaphore_mem>>)
      %dma_start3A_46 = tpu.memref_slice %arg5[%add3A_43] : memref<160000xi32, #tpu.memory_space<hbm>> -> memref<80xi32, #tpu.memory_space<hbm>>
      %dma_start3A_47 = tpu.memref_slice %arg5[%add3A_43] : memref<160000xi32, #tpu.memory_space<hbm>> -> memref<80xi32, #tpu.memory_space<hbm>>
      tpu.enqueue_dma source(%dma_start3A_47 : memref<80xi32, #tpu.memory_space<hbm>>) target(%arg15 : memref<80xi32, #tpu.memory_space<vmem>>) target_semaphore(%arg27 : memref<!tpu.dma_semaphore, #tpu.memory_space<semaphore_mem>>)
      %dma_start3A_48 = tpu.memref_slice %arg6[%add3A_43] : memref<160000xf32, #tpu.memory_space<hbm>> -> memref<80xf32, #tpu.memory_space<hbm>>
      %dma_start3A_49 = tpu.memref_slice %arg6[%add3A_43] : memref<160000xf32, #tpu.memory_space<hbm>> -> memref<80xf32, #tpu.memory_space<hbm>>
      tpu.enqueue_dma source(%dma_start3A_49 : memref<80xf32, #tpu.memory_space<hbm>>) target(%arg19 : memref<80xf32, #tpu.memory_space<vmem>>) target_semaphore(%arg27 : memref<!tpu.dma_semaphore, #tpu.memory_space<semaphore_mem>>)
      %add3A_50 = arith.constant 160 : i32
      %add3A_51 = arith.addi %mul3A_10, %add3A_50 : i32
      %dma_start3A_52 = tpu.memref_slice %arg4[%add3A_51] : memref<160000xi32, #tpu.memory_space<hbm>> -> memref<80xi32, #tpu.memory_space<hbm>>
      %dma_start3A_53 = tpu.memref_slice %arg4[%add3A_51] : memref<160000xi32, #tpu.memory_space<hbm>> -> memref<80xi32, #tpu.memory_space<hbm>>
      tpu.enqueue_dma source(%dma_start3A_53 : memref<80xi32, #tpu.memory_space<hbm>>) target(%arg12 : memref<80xi32, #tpu.memory_space<vmem>>) target_semaphore(%arg28 : memref<!tpu.dma_semaphore, #tpu.memory_space<semaphore_mem>>)
      %dma_start3A_54 = tpu.memref_slice %arg5[%add3A_51] : memref<160000xi32, #tpu.memory_space<hbm>> -> memref<80xi32, #tpu.memory_space<hbm>>
      %dma_start3A_55 = tpu.memref_slice %arg5[%add3A_51] : memref<160000xi32, #tpu.memory_space<hbm>> -> memref<80xi32, #tpu.memory_space<hbm>>
      tpu.enqueue_dma source(%dma_start3A_55 : memref<80xi32, #tpu.memory_space<hbm>>) target(%arg16 : memref<80xi32, #tpu.memory_space<vmem>>) target_semaphore(%arg28 : memref<!tpu.dma_semaphore, #tpu.memory_space<semaphore_mem>>)
      %dma_start3A_56 = tpu.memref_slice %arg6[%add3A_51] : memref<160000xf32, #tpu.memory_space<hbm>> -> memref<80xf32, #tpu.memory_space<hbm>>
      %dma_start3A_57 = tpu.memref_slice %arg6[%add3A_51] : memref<160000xf32, #tpu.memory_space<hbm>> -> memref<80xf32, #tpu.memory_space<hbm>>
      tpu.enqueue_dma source(%dma_start3A_57 : memref<80xf32, #tpu.memory_space<hbm>>) target(%arg20 : memref<80xf32, #tpu.memory_space<vmem>>) target_semaphore(%arg28 : memref<!tpu.dma_semaphore, #tpu.memory_space<semaphore_mem>>)
      %add3A_58 = arith.constant 0 : i32
      %add3A_59 = arith.addi %mul3A_10, %add3A_58 : i32
      %dma_wait3A = tpu.memref_slice %arg4[%add3A_59] : memref<160000xi32, #tpu.memory_space<hbm>> -> memref<80xi32, #tpu.memory_space<hbm>>
      %dma_wait3A_60 = tpu.memref_slice %arg4[%add3A_59] : memref<160000xi32, #tpu.memory_space<hbm>> -> memref<80xi32, #tpu.memory_space<hbm>>
      tpu.wait_dma2 semaphore(%arg26 : memref<!tpu.dma_semaphore, #tpu.memory_space<semaphore_mem>>) src(%dma_wait3A_60 : memref<80xi32, #tpu.memory_space<hbm>>) dst(%arg10 : memref<80xi32, #tpu.memory_space<vmem>>)
      %dma_wait3A_61 = tpu.memref_slice %arg5[%add3A_59] : memref<160000xi32, #tpu.memory_space<hbm>> -> memref<80xi32, #tpu.memory_space<hbm>>
      %dma_wait3A_62 = tpu.memref_slice %arg5[%add3A_59] : memref<160000xi32, #tpu.memory_space<hbm>> -> memref<80xi32, #tpu.memory_space<hbm>>
      tpu.wait_dma2 semaphore(%arg26 : memref<!tpu.dma_semaphore, #tpu.memory_space<semaphore_mem>>) src(%dma_wait3A_62 : memref<80xi32, #tpu.memory_space<hbm>>) dst(%arg14 : memref<80xi32, #tpu.memory_space<vmem>>)
      %dma_wait3A_63 = tpu.memref_slice %arg6[%add3A_59] : memref<160000xf32, #tpu.memory_space<hbm>> -> memref<80xf32, #tpu.memory_space<hbm>>
      %dma_wait3A_64 = tpu.memref_slice %arg6[%add3A_59] : memref<160000xf32, #tpu.memory_space<hbm>> -> memref<80xf32, #tpu.memory_space<hbm>>
      tpu.wait_dma2 semaphore(%arg26 : memref<!tpu.dma_semaphore, #tpu.memory_space<semaphore_mem>>) src(%dma_wait3A_64 : memref<80xf32, #tpu.memory_space<hbm>>) dst(%arg18 : memref<80xf32, #tpu.memory_space<vmem>>)
      %dma_start3A_65 = arith.constant 0 : i32
      %dma_start3A_66 = arith.constant 0 : i32
      %dma_start3A_67 = tpu.memref_slice %arg2[%dma_start3A_65, %dma_start3A_66] : memref<10000x128xf32, #tpu.memory_space<hbm>> -> memref<10000x128xf32, #tpu.memory_space<hbm>>
      tpu.enqueue_indirect_dma source(%dma_start3A_67 : memref<10000x128xf32, #tpu.memory_space<hbm>>) target(%arg22 : memref<80x128xf32, #tpu.memory_space<vmem>>) offsets(%arg14 : memref<80xi32, #tpu.memory_space<vmem>>) semaphore(%arg30 : memref<!tpu.dma_semaphore, #tpu.memory_space<semaphore_mem>>)
      %add3A_68 = arith.constant 80 : i32
      %add3A_69 = arith.addi %mul3A_10, %add3A_68 : i32
      %dma_wait3A_70 = tpu.memref_slice %arg4[%add3A_69] : memref<160000xi32, #tpu.memory_space<hbm>> -> memref<80xi32, #tpu.memory_space<hbm>>
      %dma_wait3A_71 = tpu.memref_slice %arg4[%add3A_69] : memref<160000xi32, #tpu.memory_space<hbm>> -> memref<80xi32, #tpu.memory_space<hbm>>
      tpu.wait_dma2 semaphore(%arg27 : memref<!tpu.dma_semaphore, #tpu.memory_space<semaphore_mem>>) src(%dma_wait3A_71 : memref<80xi32, #tpu.memory_space<hbm>>) dst(%arg11 : memref<80xi32, #tpu.memory_space<vmem>>)
      %dma_wait3A_72 = tpu.memref_slice %arg5[%add3A_69] : memref<160000xi32, #tpu.memory_space<hbm>> -> memref<80xi32, #tpu.memory_space<hbm>>
      %dma_wait3A_73 = tpu.memref_slice %arg5[%add3A_69] : memref<160000xi32, #tpu.memory_space<hbm>> -> memref<80xi32, #tpu.memory_space<hbm>>
      tpu.wait_dma2 semaphore(%arg27 : memref<!tpu.dma_semaphore, #tpu.memory_space<semaphore_mem>>) src(%dma_wait3A_73 : memref<80xi32, #tpu.memory_space<hbm>>) dst(%arg15 : memref<80xi32, #tpu.memory_space<vmem>>)
      %dma_wait3A_74 = tpu.memref_slice %arg6[%add3A_69] : memref<160000xf32, #tpu.memory_space<hbm>> -> memref<80xf32, #tpu.memory_space<hbm>>
      %dma_wait3A_75 = tpu.memref_slice %arg6[%add3A_69] : memref<160000xf32, #tpu.memory_space<hbm>> -> memref<80xf32, #tpu.memory_space<hbm>>
      tpu.wait_dma2 semaphore(%arg27 : memref<!tpu.dma_semaphore, #tpu.memory_space<semaphore_mem>>) src(%dma_wait3A_75 : memref<80xf32, #tpu.memory_space<hbm>>) dst(%arg19 : memref<80xf32, #tpu.memory_space<vmem>>)
      %dma_start3A_76 = arith.constant 0 : i32
      %dma_start3A_77 = arith.constant 0 : i32
      %dma_start3A_78 = tpu.memref_slice %arg2[%dma_start3A_76, %dma_start3A_77] : memref<10000x128xf32, #tpu.memory_space<hbm>> -> memref<10000x128xf32, #tpu.memory_space<hbm>>
      tpu.enqueue_indirect_dma source(%dma_start3A_78 : memref<10000x128xf32, #tpu.memory_space<hbm>>) target(%arg23 : memref<80x128xf32, #tpu.memory_space<vmem>>) offsets(%arg15 : memref<80xi32, #tpu.memory_space<vmem>>) semaphore(%arg31 : memref<!tpu.dma_semaphore, #tpu.memory_space<semaphore_mem>>)
      %scan3A_79 = arith.constant 0 : i32
      %scan3A_80 = arith.constant 31 : i32
      %scan3A_81 = arith.addi %scan3A_79, %scan3A_80 : i32
      %scan3A_82 = arith.constant 1 : i32
      scf.for %scan3A_126 = %scan3A_79 to %scan3A_81 step %scan3A_82  : i32 {
        %mul3A_127 = arith.constant 4 : i32
        %mul3A_128 = arith.muli %scan3A_126, %mul3A_127 : i32
        %add3A_129 = arith.constant 0 : i32
        %add3A_130 = arith.addi %add3A_129, %mul3A_128 : i32
        %ge3A_131 = arith.constant 2 : i32
        %ge3A_132 = arith.cmpi sge, %add3A_130, %ge3A_131 : i32
        %convert_element_type3A_133 = arith.extui %ge3A_132 : i1 to i32
        %cond3A_134 = arith.constant 0 : i32
        %cond3A_135 = arith.cmpi ne, %convert_element_type3A_133, %cond3A_134 : i32
        scf.if %cond3A_135 {
          %dma_wait3A_249 = arith.constant 0 : i32
          %dma_wait3A_250 = arith.constant 0 : i32
          %dma_wait3A_251 = tpu.memref_slice %arg9[%dma_wait3A_249, %dma_wait3A_250] : memref<10000x128xf32, #tpu.memory_space<vmem_shared>> -> memref<10000x128xf32, #tpu.memory_space<vmem_shared>>
          tpu.wait_indirect_dma semaphore(%arg36 : memref<!tpu.dma_semaphore, #tpu.memory_space<semaphore_mem>>) src(%arg24 : memref<80x128xf32, #tpu.memory_space<vmem>>) dst(%dma_wait3A_251 : memref<10000x128xf32, #tpu.memory_space<vmem_shared>>)
        } else {
        }
        %add3A_136 = arith.constant 2 : i32
        %add3A_137 = arith.addi %add3A_130, %add3A_136 : i32
        %lt3A_138 = arith.constant 125 : i32
        %lt3A_139 = arith.cmpi slt, %add3A_137, %lt3A_138 : i32
        %convert_element_type3A_140 = arith.extui %lt3A_139 : i1 to i32
        %cond3A_141 = arith.constant 0 : i32
        %cond3A_142 = arith.cmpi ne, %convert_element_type3A_140, %cond3A_141 : i32
        scf.if %cond3A_142 {
          %add3A_249 = arith.constant 2 : i32
          %add3A_250 = arith.addi %add3A_130, %add3A_249 : i32
          %mul3A_251 = arith.constant 80 : i32
          %mul3A_252 = arith.muli %add3A_250, %mul3A_251 : i32
          %add3A_253 = arith.addi %mul3A_10, %mul3A_252 : i32
          %dma_wait3A_254 = tpu.memref_slice %arg4[%add3A_253] : memref<160000xi32, #tpu.memory_space<hbm>> -> memref<80xi32, #tpu.memory_space<hbm>>
          %dma_wait3A_255 = tpu.memref_slice %arg4[%add3A_253] : memref<160000xi32, #tpu.memory_space<hbm>> -> memref<80xi32, #tpu.memory_space<hbm>>
          tpu.wait_dma2 semaphore(%arg28 : memref<!tpu.dma_semaphore, #tpu.memory_space<semaphore_mem>>) src(%dma_wait3A_255 : memref<80xi32, #tpu.memory_space<hbm>>) dst(%arg12 : memref<80xi32, #tpu.memory_space<vmem>>)
          %dma_wait3A_256 = tpu.memref_slice %arg5[%add3A_253] : memref<160000xi32, #tpu.memory_space<hbm>> -> memref<80xi32, #tpu.memory_space<hbm>>
          %dma_wait3A_257 = tpu.memref_slice %arg5[%add3A_253] : memref<160000xi32, #tpu.memory_space<hbm>> -> memref<80xi32, #tpu.memory_space<hbm>>
          tpu.wait_dma2 semaphore(%arg28 : memref<!tpu.dma_semaphore, #tpu.memory_space<semaphore_mem>>) src(%dma_wait3A_257 : memref<80xi32, #tpu.memory_space<hbm>>) dst(%arg16 : memref<80xi32, #tpu.memory_space<vmem>>)
          %dma_wait3A_258 = tpu.memref_slice %arg6[%add3A_253] : memref<160000xf32, #tpu.memory_space<hbm>> -> memref<80xf32, #tpu.memory_space<hbm>>
          %dma_wait3A_259 = tpu.memref_slice %arg6[%add3A_253] : memref<160000xf32, #tpu.memory_space<hbm>> -> memref<80xf32, #tpu.memory_space<hbm>>
          tpu.wait_dma2 semaphore(%arg28 : memref<!tpu.dma_semaphore, #tpu.memory_space<semaphore_mem>>) src(%dma_wait3A_259 : memref<80xf32, #tpu.memory_space<hbm>>) dst(%arg20 : memref<80xf32, #tpu.memory_space<vmem>>)
          %dma_start3A_260 = arith.constant 0 : i32
          %dma_start3A_261 = arith.constant 0 : i32
          %dma_start3A_262 = tpu.memref_slice %arg2[%dma_start3A_260, %dma_start3A_261] : memref<10000x128xf32, #tpu.memory_space<hbm>> -> memref<10000x128xf32, #tpu.memory_space<hbm>>
          tpu.enqueue_indirect_dma source(%dma_start3A_262 : memref<10000x128xf32, #tpu.memory_space<hbm>>) target(%arg24 : memref<80x128xf32, #tpu.memory_space<vmem>>) offsets(%arg16 : memref<80xi32, #tpu.memory_space<vmem>>) semaphore(%arg32 : memref<!tpu.dma_semaphore, #tpu.memory_space<semaphore_mem>>)
        } else {
        }
        %dma_wait3A_143 = arith.constant 0 : i32
        %dma_wait3A_144 = arith.constant 0 : i32
        %dma_wait3A_145 = tpu.memref_slice %arg2[%dma_wait3A_143, %dma_wait3A_144] : memref<10000x128xf32, #tpu.memory_space<hbm>> -> memref<10000x128xf32, #tpu.memory_space<hbm>>
        tpu.wait_indirect_dma semaphore(%arg30 : memref<!tpu.dma_semaphore, #tpu.memory_space<semaphore_mem>>) src(%dma_wait3A_145 : memref<10000x128xf32, #tpu.memory_space<hbm>>) dst(%arg22 : memref<80x128xf32, #tpu.memory_space<vmem>>)
        %parallel_loop3A_146 = arith.constant 0 : i32
        %parallel_loop3A_147 = arith.constant 80 : i32
        %parallel_loop3A_148 = arith.constant 1 : i32
        scf.for %parallel_loop3A_249 = %parallel_loop3A_146 to %parallel_loop3A_147 step %parallel_loop3A_148  : i32 {
          %parallel_loop3A_250 = vector.broadcast %parallel_loop3A_249 : i32 to vector<16xi32>
          %parallel_loop3A_251 = tpu.vector_load_idx %arg18[%parallel_loop3A_250] : memref<80xf32, #tpu.memory_space<vmem>>[vector<16xi32>], vector<16xf32>,
          %parallel_loop3A_252 = arith.index_cast %parallel_loop3A_249 : i32 to index
          %parallel_loop3A_253 = arith.constant 0 : index
          %parallel_loop3A_254 = tpu.vector_load %arg22[%parallel_loop3A_252, %parallel_loop3A_253] {strides = array<i32>} : memref<80x128xf32, #tpu.memory_space<vmem>>, vector<16xf32>,
          %parallel_loop3A_255 = arith.mulf %parallel_loop3A_254, %parallel_loop3A_251 : vector<16xf32>
          %parallel_loop3A_256 = arith.index_cast %parallel_loop3A_249 : i32 to index
          %parallel_loop3A_257 = arith.constant 0 : index
          %parallel_loop3A_258 = tpu.vector_load %arg22[%parallel_loop3A_256, %parallel_loop3A_257] {strides = array<i32>} : memref<80x128xf32, #tpu.memory_space<vmem>>, vector<16xf32>,
          tpu.vector_store %arg22[%parallel_loop3A_256, %parallel_loop3A_257], %parallel_loop3A_255 {strides = array<i32>} : memref<80x128xf32, #tpu.memory_space<vmem>>, vector<16xf32>,
          %parallel_loop3A_259 = arith.index_cast %parallel_loop3A_249 : i32 to index
          %parallel_loop3A_260 = arith.constant 16 : index
          %parallel_loop3A_261 = tpu.vector_load %arg22[%parallel_loop3A_259, %parallel_loop3A_260] {strides = array<i32>} : memref<80x128xf32, #tpu.memory_space<vmem>>, vector<16xf32>,
          %parallel_loop3A_262 = arith.mulf %parallel_loop3A_261, %parallel_loop3A_251 : vector<16xf32>
          %parallel_loop3A_263 = arith.index_cast %parallel_loop3A_249 : i32 to index
          %parallel_loop3A_264 = arith.constant 16 : index
          %parallel_loop3A_265 = tpu.vector_load %arg22[%parallel_loop3A_263, %parallel_loop3A_264] {strides = array<i32>} : memref<80x128xf32, #tpu.memory_space<vmem>>, vector<16xf32>,
          tpu.vector_store %arg22[%parallel_loop3A_263, %parallel_loop3A_264], %parallel_loop3A_262 {strides = array<i32>} : memref<80x128xf32, #tpu.memory_space<vmem>>, vector<16xf32>,
          %parallel_loop3A_266 = arith.index_cast %parallel_loop3A_249 : i32 to index
          %parallel_loop3A_267 = arith.constant 32 : index
          %parallel_loop3A_268 = tpu.vector_load %arg22[%parallel_loop3A_266, %parallel_loop3A_267] {strides = array<i32>} : memref<80x128xf32, #tpu.memory_space<vmem>>, vector<16xf32>,
          %parallel_loop3A_269 = arith.mulf %parallel_loop3A_268, %parallel_loop3A_251 : vector<16xf32>
          %parallel_loop3A_270 = arith.index_cast %parallel_loop3A_249 : i32 to index
          %parallel_loop3A_271 = arith.constant 32 : index
          %parallel_loop3A_272 = tpu.vector_load %arg22[%parallel_loop3A_270, %parallel_loop3A_271] {strides = array<i32>} : memref<80x128xf32, #tpu.memory_space<vmem>>, vector<16xf32>,
          tpu.vector_store %arg22[%parallel_loop3A_270, %parallel_loop3A_271], %parallel_loop3A_269 {strides = array<i32>} : memref<80x128xf32, #tpu.memory_space<vmem>>, vector<16xf32>,
          %parallel_loop3A_273 = arith.index_cast %parallel_loop3A_249 : i32 to index
          %parallel_loop3A_274 = arith.constant 48 : index
          %parallel_loop3A_275 = tpu.vector_load %arg22[%parallel_loop3A_273, %parallel_loop3A_274] {strides = array<i32>} : memref<80x128xf32, #tpu.memory_space<vmem>>, vector<16xf32>,
          %parallel_loop3A_276 = arith.mulf %parallel_loop3A_275, %parallel_loop3A_251 : vector<16xf32>
          %parallel_loop3A_277 = arith.index_cast %parallel_loop3A_249 : i32 to index
          %parallel_loop3A_278 = arith.constant 48 : index
          %parallel_loop3A_279 = tpu.vector_load %arg22[%parallel_loop3A_277, %parallel_loop3A_278] {strides = array<i32>} : memref<80x128xf32, #tpu.memory_space<vmem>>, vector<16xf32>,
          tpu.vector_store %arg22[%parallel_loop3A_277, %parallel_loop3A_278], %parallel_loop3A_276 {strides = array<i32>} : memref<80x128xf32, #tpu.memory_space<vmem>>, vector<16xf32>,
          %parallel_loop3A_280 = arith.index_cast %parallel_loop3A_249 : i32 to index
          %parallel_loop3A_281 = arith.constant 64 : index
          %parallel_loop3A_282 = tpu.vector_load %arg22[%parallel_loop3A_280, %parallel_loop3A_281] {strides = array<i32>} : memref<80x128xf32, #tpu.memory_space<vmem>>, vector<16xf32>,
          %parallel_loop3A_283 = arith.mulf %parallel_loop3A_282, %parallel_loop3A_251 : vector<16xf32>
          %parallel_loop3A_284 = arith.index_cast %parallel_loop3A_249 : i32 to index
          %parallel_loop3A_285 = arith.constant 64 : index
          %parallel_loop3A_286 = tpu.vector_load %arg22[%parallel_loop3A_284, %parallel_loop3A_285] {strides = array<i32>} : memref<80x128xf32, #tpu.memory_space<vmem>>, vector<16xf32>,
          tpu.vector_store %arg22[%parallel_loop3A_284, %parallel_loop3A_285], %parallel_loop3A_283 {strides = array<i32>} : memref<80x128xf32, #tpu.memory_space<vmem>>, vector<16xf32>,
          %parallel_loop3A_287 = arith.index_cast %parallel_loop3A_249 : i32 to index
          %parallel_loop3A_288 = arith.constant 80 : index
          %parallel_loop3A_289 = tpu.vector_load %arg22[%parallel_loop3A_287, %parallel_loop3A_288] {strides = array<i32>} : memref<80x128xf32, #tpu.memory_space<vmem>>, vector<16xf32>,
          %parallel_loop3A_290 = arith.mulf %parallel_loop3A_289, %parallel_loop3A_251 : vector<16xf32>
          %parallel_loop3A_291 = arith.index_cast %parallel_loop3A_249 : i32 to index
          %parallel_loop3A_292 = arith.constant 80 : index
          %parallel_loop3A_293 = tpu.vector_load %arg22[%parallel_loop3A_291, %parallel_loop3A_292] {strides = array<i32>} : memref<80x128xf32, #tpu.memory_space<vmem>>, vector<16xf32>,
          tpu.vector_store %arg22[%parallel_loop3A_291, %parallel_loop3A_292], %parallel_loop3A_290 {strides = array<i32>} : memref<80x128xf32, #tpu.memory_space<vmem>>, vector<16xf32>,
          %parallel_loop3A_294 = arith.index_cast %parallel_loop3A_249 : i32 to index
          %parallel_loop3A_295 = arith.constant 96 : index
          %parallel_loop3A_296 = tpu.vector_load %arg22[%parallel_loop3A_294, %parallel_loop3A_295] {strides = array<i32>} : memref<80x128xf32, #tpu.memory_space<vmem>>, vector<16xf32>,
          %parallel_loop3A_297 = arith.mulf %parallel_loop3A_296, %parallel_loop3A_251 : vector<16xf32>
          %parallel_loop3A_298 = arith.index_cast %parallel_loop3A_249 : i32 to index
          %parallel_loop3A_299 = arith.constant 96 : index
          %parallel_loop3A_300 = tpu.vector_load %arg22[%parallel_loop3A_298, %parallel_loop3A_299] {strides = array<i32>} : memref<80x128xf32, #tpu.memory_space<vmem>>, vector<16xf32>,
          tpu.vector_store %arg22[%parallel_loop3A_298, %parallel_loop3A_299], %parallel_loop3A_297 {strides = array<i32>} : memref<80x128xf32, #tpu.memory_space<vmem>>, vector<16xf32>,
          %parallel_loop3A_301 = arith.index_cast %parallel_loop3A_249 : i32 to index
          %parallel_loop3A_302 = arith.constant 112 : index
          %parallel_loop3A_303 = tpu.vector_load %arg22[%parallel_loop3A_301, %parallel_loop3A_302] {strides = array<i32>} : memref<80x128xf32, #tpu.memory_space<vmem>>, vector<16xf32>,
          %parallel_loop3A_304 = arith.mulf %parallel_loop3A_303, %parallel_loop3A_251 : vector<16xf32>
          %parallel_loop3A_305 = arith.index_cast %parallel_loop3A_249 : i32 to index
          %parallel_loop3A_306 = arith.constant 112 : index
          %parallel_loop3A_307 = tpu.vector_load %arg22[%parallel_loop3A_305, %parallel_loop3A_306] {strides = array<i32>} : memref<80x128xf32, #tpu.memory_space<vmem>>, vector<16xf32>,
          tpu.vector_store %arg22[%parallel_loop3A_305, %parallel_loop3A_306], %parallel_loop3A_304 {strides = array<i32>} : memref<80x128xf32, #tpu.memory_space<vmem>>, vector<16xf32>,
        } {sc.loop_unroll_factor = 4 : i64, sc.parallel_access}
        %dma_start3A_149 = arith.constant 0 : i32
        %dma_start3A_150 = arith.constant 0 : i32
        %dma_start3A_151 = tpu.memref_slice %arg9[%dma_start3A_149, %dma_start3A_150] : memref<10000x128xf32, #tpu.memory_space<vmem_shared>> -> memref<10000x128xf32, #tpu.memory_space<vmem_shared>>
        tpu.enqueue_indirect_dma source(%arg22 : memref<80x128xf32, #tpu.memory_space<vmem>>) target(%dma_start3A_151 : memref<10000x128xf32, #tpu.memory_space<vmem_shared>>) offsets(%arg10 : memref<80xi32, #tpu.memory_space<vmem>>) semaphore(%arg34 : memref<!tpu.dma_semaphore, #tpu.memory_space<semaphore_mem>>) {add = true}
        %add3A_152 = arith.constant 3 : i32
        %add3A_153 = arith.addi %add3A_130, %add3A_152 : i32
        %lt3A_154 = arith.constant 125 : i32
        %lt3A_155 = arith.cmpi slt, %add3A_153, %lt3A_154 : i32
        %convert_element_type3A_156 = arith.extui %lt3A_155 : i1 to i32
        %cond3A_157 = arith.constant 0 : i32
        %cond3A_158 = arith.cmpi ne, %convert_element_type3A_156, %cond3A_157 : i32
        scf.if %cond3A_158 {
          %add3A_249 = arith.constant 3 : i32
          %add3A_250 = arith.addi %add3A_130, %add3A_249 : i32
          %mul3A_251 = arith.constant 80 : i32
          %mul3A_252 = arith.muli %add3A_250, %mul3A_251 : i32
          %add3A_253 = arith.addi %mul3A_10, %mul3A_252 : i32
          %dma_start3A_254 = tpu.memref_slice %arg4[%add3A_253] : memref<160000xi32, #tpu.memory_space<hbm>> -> memref<80xi32, #tpu.memory_space<hbm>>
          %dma_start3A_255 = tpu.memref_slice %arg4[%add3A_253] : memref<160000xi32, #tpu.memory_space<hbm>> -> memref<80xi32, #tpu.memory_space<hbm>>
          tpu.enqueue_dma source(%dma_start3A_255 : memref<80xi32, #tpu.memory_space<hbm>>) target(%arg13 : memref<80xi32, #tpu.memory_space<vmem>>) target_semaphore(%arg29 : memref<!tpu.dma_semaphore, #tpu.memory_space<semaphore_mem>>)
          %dma_start3A_256 = tpu.memref_slice %arg5[%add3A_253] : memref<160000xi32, #tpu.memory_space<hbm>> -> memref<80xi32, #tpu.memory_space<hbm>>
          %dma_start3A_257 = tpu.memref_slice %arg5[%add3A_253] : memref<160000xi32, #tpu.memory_space<hbm>> -> memref<80xi32, #tpu.memory_space<hbm>>
          tpu.enqueue_dma source(%dma_start3A_257 : memref<80xi32, #tpu.memory_space<hbm>>) target(%arg17 : memref<80xi32, #tpu.memory_space<vmem>>) target_semaphore(%arg29 : memref<!tpu.dma_semaphore, #tpu.memory_space<semaphore_mem>>)
          %dma_start3A_258 = tpu.memref_slice %arg6[%add3A_253] : memref<160000xf32, #tpu.memory_space<hbm>> -> memref<80xf32, #tpu.memory_space<hbm>>
          %dma_start3A_259 = tpu.memref_slice %arg6[%add3A_253] : memref<160000xf32, #tpu.memory_space<hbm>> -> memref<80xf32, #tpu.memory_space<hbm>>
          tpu.enqueue_dma source(%dma_start3A_259 : memref<80xf32, #tpu.memory_space<hbm>>) target(%arg21 : memref<80xf32, #tpu.memory_space<vmem>>) target_semaphore(%arg29 : memref<!tpu.dma_semaphore, #tpu.memory_space<semaphore_mem>>)
        } else {
        }
        %add3A_159 = arith.constant 1 : i32
        %add3A_160 = arith.addi %add3A_130, %add3A_159 : i32
        %ge3A_161 = arith.constant 2 : i32
        %ge3A_162 = arith.cmpi sge, %add3A_160, %ge3A_161 : i32
        %convert_element_type3A_163 = arith.extui %ge3A_162 : i1 to i32
        %cond3A_164 = arith.constant 0 : i32
        %cond3A_165 = arith.cmpi ne, %convert_element_type3A_163, %cond3A_164 : i32
        scf.if %cond3A_165 {
          %dma_wait3A_249 = arith.constant 0 : i32
          %dma_wait3A_250 = arith.constant 0 : i32
          %dma_wait3A_251 = tpu.memref_slice %arg9[%dma_wait3A_249, %dma_wait3A_250] : memref<10000x128xf32, #tpu.memory_space<vmem_shared>> -> memref<10000x128xf32, #tpu.memory_space<vmem_shared>>
          tpu.wait_indirect_dma semaphore(%arg37 : memref<!tpu.dma_semaphore, #tpu.memory_space<semaphore_mem>>) src(%arg25 : memref<80x128xf32, #tpu.memory_space<vmem>>) dst(%dma_wait3A_251 : memref<10000x128xf32, #tpu.memory_space<vmem_shared>>)
        } else {
        }
        %add3A_166 = arith.constant 2 : i32
        %add3A_167 = arith.addi %add3A_160, %add3A_166 : i32
        %lt3A_168 = arith.constant 125 : i32
        %lt3A_169 = arith.cmpi slt, %add3A_167, %lt3A_168 : i32
        %convert_element_type3A_170 = arith.extui %lt3A_169 : i1 to i32
        %cond3A_171 = arith.constant 0 : i32
        %cond3A_172 = arith.cmpi ne, %convert_element_type3A_170, %cond3A_171 : i32
        scf.if %cond3A_172 {
          %add3A_249 = arith.constant 2 : i32
          %add3A_250 = arith.addi %add3A_160, %add3A_249 : i32
          %mul3A_251 = arith.constant 80 : i32
          %mul3A_252 = arith.muli %add3A_250, %mul3A_251 : i32
          %add3A_253 = arith.addi %mul3A_10, %mul3A_252 : i32
          %dma_wait3A_254 = tpu.memref_slice %arg4[%add3A_253] : memref<160000xi32, #tpu.memory_space<hbm>> -> memref<80xi32, #tpu.memory_space<hbm>>
          %dma_wait3A_255 = tpu.memref_slice %arg4[%add3A_253] : memref<160000xi32, #tpu.memory_space<hbm>> -> memref<80xi32, #tpu.memory_space<hbm>>
          tpu.wait_dma2 semaphore(%arg29 : memref<!tpu.dma_semaphore, #tpu.memory_space<semaphore_mem>>) src(%dma_wait3A_255 : memref<80xi32, #tpu.memory_space<hbm>>) dst(%arg13 : memref<80xi32, #tpu.memory_space<vmem>>)
          %dma_wait3A_256 = tpu.memref_slice %arg5[%add3A_253] : memref<160000xi32, #tpu.memory_space<hbm>> -> memref<80xi32, #tpu.memory_space<hbm>>
          %dma_wait3A_257 = tpu.memref_slice %arg5[%add3A_253] : memref<160000xi32, #tpu.memory_space<hbm>> -> memref<80xi32, #tpu.memory_space<hbm>>
          tpu.wait_dma2 semaphore(%arg29 : memref<!tpu.dma_semaphore, #tpu.memory_space<semaphore_mem>>) src(%dma_wait3A_257 : memref<80xi32, #tpu.memory_space<hbm>>) dst(%arg17 : memref<80xi32, #tpu.memory_space<vmem>>)
          %dma_wait3A_258 = tpu.memref_slice %arg6[%add3A_253] : memref<160000xf32, #tpu.memory_space<hbm>> -> memref<80xf32, #tpu.memory_space<hbm>>
          %dma_wait3A_259 = tpu.memref_slice %arg6[%add3A_253] : memref<160000xf32, #tpu.memory_space<hbm>> -> memref<80xf32, #tpu.memory_space<hbm>>
          tpu.wait_dma2 semaphore(%arg29 : memref<!tpu.dma_semaphore, #tpu.memory_space<semaphore_mem>>) src(%dma_wait3A_259 : memref<80xf32, #tpu.memory_space<hbm>>) dst(%arg21 : memref<80xf32, #tpu.memory_space<vmem>>)
          %dma_start3A_260 = arith.constant 0 : i32
          %dma_start3A_261 = arith.constant 0 : i32
          %dma_start3A_262 = tpu.memref_slice %arg2[%dma_start3A_260, %dma_start3A_261] : memref<10000x128xf32, #tpu.memory_space<hbm>> -> memref<10000x128xf32, #tpu.memory_space<hbm>>
          tpu.enqueue_indirect_dma source(%dma_start3A_262 : memref<10000x128xf32, #tpu.memory_space<hbm>>) target(%arg25 : memref<80x128xf32, #tpu.memory_space<vmem>>) offsets(%arg17 : memref<80xi32, #tpu.memory_space<vmem>>) semaphore(%arg33 : memref<!tpu.dma_semaphore, #tpu.memory_space<semaphore_mem>>)
        } else {
        }
        %dma_wait3A_173 = arith.constant 0 : i32
        %dma_wait3A_174 = arith.constant 0 : i32
        %dma_wait3A_175 = tpu.memref_slice %arg2[%dma_wait3A_173, %dma_wait3A_174] : memref<10000x128xf32, #tpu.memory_space<hbm>> -> memref<10000x128xf32, #tpu.memory_space<hbm>>
        tpu.wait_indirect_dma semaphore(%arg31 : memref<!tpu.dma_semaphore, #tpu.memory_space<semaphore_mem>>) src(%dma_wait3A_175 : memref<10000x128xf32, #tpu.memory_space<hbm>>) dst(%arg23 : memref<80x128xf32, #tpu.memory_space<vmem>>)
        %parallel_loop3A_176 = arith.constant 0 : i32
        %parallel_loop3A_177 = arith.constant 80 : i32
        %parallel_loop3A_178 = arith.constant 1 : i32
        scf.for %parallel_loop3A_249 = %parallel_loop3A_176 to %parallel_loop3A_177 step %parallel_loop3A_178  : i32 {
          %parallel_loop3A_250 = vector.broadcast %parallel_loop3A_249 : i32 to vector<16xi32>
          %parallel_loop3A_251 = tpu.vector_load_idx %arg19[%parallel_loop3A_250] : memref<80xf32, #tpu.memory_space<vmem>>[vector<16xi32>], vector<16xf32>,
          %parallel_loop3A_252 = arith.index_cast %parallel_loop3A_249 : i32 to index
          %parallel_loop3A_253 = arith.constant 0 : index
          %parallel_loop3A_254 = tpu.vector_load %arg23[%parallel_loop3A_252, %parallel_loop3A_253] {strides = array<i32>} : memref<80x128xf32, #tpu.memory_space<vmem>>, vector<16xf32>,
          %parallel_loop3A_255 = arith.mulf %parallel_loop3A_254, %parallel_loop3A_251 : vector<16xf32>
          %parallel_loop3A_256 = arith.index_cast %parallel_loop3A_249 : i32 to index
          %parallel_loop3A_257 = arith.constant 0 : index
          %parallel_loop3A_258 = tpu.vector_load %arg23[%parallel_loop3A_256, %parallel_loop3A_257] {strides = array<i32>} : memref<80x128xf32, #tpu.memory_space<vmem>>, vector<16xf32>,
          tpu.vector_store %arg23[%parallel_loop3A_256, %parallel_loop3A_257], %parallel_loop3A_255 {strides = array<i32>} : memref<80x128xf32, #tpu.memory_space<vmem>>, vector<16xf32>,
          %parallel_loop3A_259 = arith.index_cast %parallel_loop3A_249 : i32 to index
          %parallel_loop3A_260 = arith.constant 16 : index
          %parallel_loop3A_261 = tpu.vector_load %arg23[%parallel_loop3A_259, %parallel_loop3A_260] {strides = array<i32>} : memref<80x128xf32, #tpu.memory_space<vmem>>, vector<16xf32>,
          %parallel_loop3A_262 = arith.mulf %parallel_loop3A_261, %parallel_loop3A_251 : vector<16xf32>
          %parallel_loop3A_263 = arith.index_cast %parallel_loop3A_249 : i32 to index
          %parallel_loop3A_264 = arith.constant 16 : index
          %parallel_loop3A_265 = tpu.vector_load %arg23[%parallel_loop3A_263, %parallel_loop3A_264] {strides = array<i32>} : memref<80x128xf32, #tpu.memory_space<vmem>>, vector<16xf32>,
          tpu.vector_store %arg23[%parallel_loop3A_263, %parallel_loop3A_264], %parallel_loop3A_262 {strides = array<i32>} : memref<80x128xf32, #tpu.memory_space<vmem>>, vector<16xf32>,
          %parallel_loop3A_266 = arith.index_cast %parallel_loop3A_249 : i32 to index
          %parallel_loop3A_267 = arith.constant 32 : index
          %parallel_loop3A_268 = tpu.vector_load %arg23[%parallel_loop3A_266, %parallel_loop3A_267] {strides = array<i32>} : memref<80x128xf32, #tpu.memory_space<vmem>>, vector<16xf32>,
          %parallel_loop3A_269 = arith.mulf %parallel_loop3A_268, %parallel_loop3A_251 : vector<16xf32>
          %parallel_loop3A_270 = arith.index_cast %parallel_loop3A_249 : i32 to index
          %parallel_loop3A_271 = arith.constant 32 : index
          %parallel_loop3A_272 = tpu.vector_load %arg23[%parallel_loop3A_270, %parallel_loop3A_271] {strides = array<i32>} : memref<80x128xf32, #tpu.memory_space<vmem>>, vector<16xf32>,
          tpu.vector_store %arg23[%parallel_loop3A_270, %parallel_loop3A_271], %parallel_loop3A_269 {strides = array<i32>} : memref<80x128xf32, #tpu.memory_space<vmem>>, vector<16xf32>,
          %parallel_loop3A_273 = arith.index_cast %parallel_loop3A_249 : i32 to index
          %parallel_loop3A_274 = arith.constant 48 : index
          %parallel_loop3A_275 = tpu.vector_load %arg23[%parallel_loop3A_273, %parallel_loop3A_274] {strides = array<i32>} : memref<80x128xf32, #tpu.memory_space<vmem>>, vector<16xf32>,
          %parallel_loop3A_276 = arith.mulf %parallel_loop3A_275, %parallel_loop3A_251 : vector<16xf32>
          %parallel_loop3A_277 = arith.index_cast %parallel_loop3A_249 : i32 to index
          %parallel_loop3A_278 = arith.constant 48 : index
          %parallel_loop3A_279 = tpu.vector_load %arg23[%parallel_loop3A_277, %parallel_loop3A_278] {strides = array<i32>} : memref<80x128xf32, #tpu.memory_space<vmem>>, vector<16xf32>,
          tpu.vector_store %arg23[%parallel_loop3A_277, %parallel_loop3A_278], %parallel_loop3A_276 {strides = array<i32>} : memref<80x128xf32, #tpu.memory_space<vmem>>, vector<16xf32>,
          %parallel_loop3A_280 = arith.index_cast %parallel_loop3A_249 : i32 to index
          %parallel_loop3A_281 = arith.constant 64 : index
          %parallel_loop3A_282 = tpu.vector_load %arg23[%parallel_loop3A_280, %parallel_loop3A_281] {strides = array<i32>} : memref<80x128xf32, #tpu.memory_space<vmem>>, vector<16xf32>,
          %parallel_loop3A_283 = arith.mulf %parallel_loop3A_282, %parallel_loop3A_251 : vector<16xf32>
          %parallel_loop3A_284 = arith.index_cast %parallel_loop3A_249 : i32 to index
          %parallel_loop3A_285 = arith.constant 64 : index
          %parallel_loop3A_286 = tpu.vector_load %arg23[%parallel_loop3A_284, %parallel_loop3A_285] {strides = array<i32>} : memref<80x128xf32, #tpu.memory_space<vmem>>, vector<16xf32>,
          tpu.vector_store %arg23[%parallel_loop3A_284, %parallel_loop3A_285], %parallel_loop3A_283 {strides = array<i32>} : memref<80x128xf32, #tpu.memory_space<vmem>>, vector<16xf32>,
          %parallel_loop3A_287 = arith.index_cast %parallel_loop3A_249 : i32 to index
          %parallel_loop3A_288 = arith.constant 80 : index
          %parallel_loop3A_289 = tpu.vector_load %arg23[%parallel_loop3A_287, %parallel_loop3A_288] {strides = array<i32>} : memref<80x128xf32, #tpu.memory_space<vmem>>, vector<16xf32>,
          %parallel_loop3A_290 = arith.mulf %parallel_loop3A_289, %parallel_loop3A_251 : vector<16xf32>
          %parallel_loop3A_291 = arith.index_cast %parallel_loop3A_249 : i32 to index
          %parallel_loop3A_292 = arith.constant 80 : index
          %parallel_loop3A_293 = tpu.vector_load %arg23[%parallel_loop3A_291, %parallel_loop3A_292] {strides = array<i32>} : memref<80x128xf32, #tpu.memory_space<vmem>>, vector<16xf32>,
          tpu.vector_store %arg23[%parallel_loop3A_291, %parallel_loop3A_292], %parallel_loop3A_290 {strides = array<i32>} : memref<80x128xf32, #tpu.memory_space<vmem>>, vector<16xf32>,
          %parallel_loop3A_294 = arith.index_cast %parallel_loop3A_249 : i32 to index
          %parallel_loop3A_295 = arith.constant 96 : index
          %parallel_loop3A_296 = tpu.vector_load %arg23[%parallel_loop3A_294, %parallel_loop3A_295] {strides = array<i32>} : memref<80x128xf32, #tpu.memory_space<vmem>>, vector<16xf32>,
          %parallel_loop3A_297 = arith.mulf %parallel_loop3A_296, %parallel_loop3A_251 : vector<16xf32>
          %parallel_loop3A_298 = arith.index_cast %parallel_loop3A_249 : i32 to index
          %parallel_loop3A_299 = arith.constant 96 : index
          %parallel_loop3A_300 = tpu.vector_load %arg23[%parallel_loop3A_298, %parallel_loop3A_299] {strides = array<i32>} : memref<80x128xf32, #tpu.memory_space<vmem>>, vector<16xf32>,
          tpu.vector_store %arg23[%parallel_loop3A_298, %parallel_loop3A_299], %parallel_loop3A_297 {strides = array<i32>} : memref<80x128xf32, #tpu.memory_space<vmem>>, vector<16xf32>,
          %parallel_loop3A_301 = arith.index_cast %parallel_loop3A_249 : i32 to index
          %parallel_loop3A_302 = arith.constant 112 : index
          %parallel_loop3A_303 = tpu.vector_load %arg23[%parallel_loop3A_301, %parallel_loop3A_302] {strides = array<i32>} : memref<80x128xf32, #tpu.memory_space<vmem>>, vector<16xf32>,
          %parallel_loop3A_304 = arith.mulf %parallel_loop3A_303, %parallel_loop3A_251 : vector<16xf32>
          %parallel_loop3A_305 = arith.index_cast %parallel_loop3A_249 : i32 to index
          %parallel_loop3A_306 = arith.constant 112 : index
          %parallel_loop3A_307 = tpu.vector_load %arg23[%parallel_loop3A_305, %parallel_loop3A_306] {strides = array<i32>} : memref<80x128xf32, #tpu.memory_space<vmem>>, vector<16xf32>,
          tpu.vector_store %arg23[%parallel_loop3A_305, %parallel_loop3A_306], %parallel_loop3A_304 {strides = array<i32>} : memref<80x128xf32, #tpu.memory_space<vmem>>, vector<16xf32>,
        } {sc.loop_unroll_factor = 4 : i64, sc.parallel_access}
        %dma_start3A_179 = arith.constant 0 : i32
        %dma_start3A_180 = arith.constant 0 : i32
        %dma_start3A_181 = tpu.memref_slice %arg9[%dma_start3A_179, %dma_start3A_180] : memref<10000x128xf32, #tpu.memory_space<vmem_shared>> -> memref<10000x128xf32, #tpu.memory_space<vmem_shared>>
        tpu.enqueue_indirect_dma source(%arg23 : memref<80x128xf32, #tpu.memory_space<vmem>>) target(%dma_start3A_181 : memref<10000x128xf32, #tpu.memory_space<vmem_shared>>) offsets(%arg11 : memref<80xi32, #tpu.memory_space<vmem>>) semaphore(%arg35 : memref<!tpu.dma_semaphore, #tpu.memory_space<semaphore_mem>>) {add = true}
        %add3A_182 = arith.constant 3 : i32
        %add3A_183 = arith.addi %add3A_160, %add3A_182 : i32
        %lt3A_184 = arith.constant 125 : i32
        %lt3A_185 = arith.cmpi slt, %add3A_183, %lt3A_184 : i32
        %convert_element_type3A_186 = arith.extui %lt3A_185 : i1 to i32
        %cond3A_187 = arith.constant 0 : i32
        %cond3A_188 = arith.cmpi ne, %convert_element_type3A_186, %cond3A_187 : i32
        scf.if %cond3A_188 {
          %add3A_249 = arith.constant 3 : i32
          %add3A_250 = arith.addi %add3A_160, %add3A_249 : i32
          %mul3A_251 = arith.constant 80 : i32
          %mul3A_252 = arith.muli %add3A_250, %mul3A_251 : i32
          %add3A_253 = arith.addi %mul3A_10, %mul3A_252 : i32
          %dma_start3A_254 = tpu.memref_slice %arg4[%add3A_253] : memref<160000xi32, #tpu.memory_space<hbm>> -> memref<80xi32, #tpu.memory_space<hbm>>
          %dma_start3A_255 = tpu.memref_slice %arg4[%add3A_253] : memref<160000xi32, #tpu.memory_space<hbm>> -> memref<80xi32, #tpu.memory_space<hbm>>
          tpu.enqueue_dma source(%dma_start3A_255 : memref<80xi32, #tpu.memory_space<hbm>>) target(%arg10 : memref<80xi32, #tpu.memory_space<vmem>>) target_semaphore(%arg26 : memref<!tpu.dma_semaphore, #tpu.memory_space<semaphore_mem>>)
          %dma_start3A_256 = tpu.memref_slice %arg5[%add3A_253] : memref<160000xi32, #tpu.memory_space<hbm>> -> memref<80xi32, #tpu.memory_space<hbm>>
          %dma_start3A_257 = tpu.memref_slice %arg5[%add3A_253] : memref<160000xi32, #tpu.memory_space<hbm>> -> memref<80xi32, #tpu.memory_space<hbm>>
          tpu.enqueue_dma source(%dma_start3A_257 : memref<80xi32, #tpu.memory_space<hbm>>) target(%arg14 : memref<80xi32, #tpu.memory_space<vmem>>) target_semaphore(%arg26 : memref<!tpu.dma_semaphore, #tpu.memory_space<semaphore_mem>>)
          %dma_start3A_258 = tpu.memref_slice %arg6[%add3A_253] : memref<160000xf32, #tpu.memory_space<hbm>> -> memref<80xf32, #tpu.memory_space<hbm>>
          %dma_start3A_259 = tpu.memref_slice %arg6[%add3A_253] : memref<160000xf32, #tpu.memory_space<hbm>> -> memref<80xf32, #tpu.memory_space<hbm>>
          tpu.enqueue_dma source(%dma_start3A_259 : memref<80xf32, #tpu.memory_space<hbm>>) target(%arg18 : memref<80xf32, #tpu.memory_space<vmem>>) target_semaphore(%arg26 : memref<!tpu.dma_semaphore, #tpu.memory_space<semaphore_mem>>)
        } else {
        }
        %add3A_189 = arith.constant 2 : i32
        %add3A_190 = arith.addi %add3A_130, %add3A_189 : i32
        %ge3A_191 = arith.constant 2 : i32
        %ge3A_192 = arith.cmpi sge, %add3A_190, %ge3A_191 : i32
        %convert_element_type3A_193 = arith.extui %ge3A_192 : i1 to i32
        %cond3A_194 = arith.constant 0 : i32
        %cond3A_195 = arith.cmpi ne, %convert_element_type3A_193, %cond3A_194 : i32
        scf.if %cond3A_195 {
          %dma_wait3A_249 = arith.constant 0 : i32
          %dma_wait3A_250 = arith.constant 0 : i32
          %dma_wait3A_251 = tpu.memref_slice %arg9[%dma_wait3A_249, %dma_wait3A_250] : memref<10000x128xf32, #tpu.memory_space<vmem_shared>> -> memref<10000x128xf32, #tpu.memory_space<vmem_shared>>
          tpu.wait_indirect_dma semaphore(%arg34 : memref<!tpu.dma_semaphore, #tpu.memory_space<semaphore_mem>>) src(%arg22 : memref<80x128xf32, #tpu.memory_space<vmem>>) dst(%dma_wait3A_251 : memref<10000x128xf32, #tpu.memory_space<vmem_shared>>)
        } else {
        }
        %add3A_196 = arith.constant 2 : i32
        %add3A_197 = arith.addi %add3A_190, %add3A_196 : i32
        %lt3A_198 = arith.constant 125 : i32
        %lt3A_199 = arith.cmpi slt, %add3A_197, %lt3A_198 : i32
        %convert_element_type3A_200 = arith.extui %lt3A_199 : i1 to i32
        %cond3A_201 = arith.constant 0 : i32
        %cond3A_202 = arith.cmpi ne, %convert_element_type3A_200, %cond3A_201 : i32
        scf.if %cond3A_202 {
          %add3A_249 = arith.constant 2 : i32
          %add3A_250 = arith.addi %add3A_190, %add3A_249 : i32
          %mul3A_251 = arith.constant 80 : i32
          %mul3A_252 = arith.muli %add3A_250, %mul3A_251 : i32
          %add3A_253 = arith.addi %mul3A_10, %mul3A_252 : i32
          %dma_wait3A_254 = tpu.memref_slice %arg4[%add3A_253] : memref<160000xi32, #tpu.memory_space<hbm>> -> memref<80xi32, #tpu.memory_space<hbm>>
          %dma_wait3A_255 = tpu.memref_slice %arg4[%add3A_253] : memref<160000xi32, #tpu.memory_space<hbm>> -> memref<80xi32, #tpu.memory_space<hbm>>
          tpu.wait_dma2 semaphore(%arg26 : memref<!tpu.dma_semaphore, #tpu.memory_space<semaphore_mem>>) src(%dma_wait3A_255 : memref<80xi32, #tpu.memory_space<hbm>>) dst(%arg10 : memref<80xi32, #tpu.memory_space<vmem>>)
          %dma_wait3A_256 = tpu.memref_slice %arg5[%add3A_253] : memref<160000xi32, #tpu.memory_space<hbm>> -> memref<80xi32, #tpu.memory_space<hbm>>
          %dma_wait3A_257 = tpu.memref_slice %arg5[%add3A_253] : memref<160000xi32, #tpu.memory_space<hbm>> -> memref<80xi32, #tpu.memory_space<hbm>>
          tpu.wait_dma2 semaphore(%arg26 : memref<!tpu.dma_semaphore, #tpu.memory_space<semaphore_mem>>) src(%dma_wait3A_257 : memref<80xi32, #tpu.memory_space<hbm>>) dst(%arg14 : memref<80xi32, #tpu.memory_space<vmem>>)
          %dma_wait3A_258 = tpu.memref_slice %arg6[%add3A_253] : memref<160000xf32, #tpu.memory_space<hbm>> -> memref<80xf32, #tpu.memory_space<hbm>>
          %dma_wait3A_259 = tpu.memref_slice %arg6[%add3A_253] : memref<160000xf32, #tpu.memory_space<hbm>> -> memref<80xf32, #tpu.memory_space<hbm>>
          tpu.wait_dma2 semaphore(%arg26 : memref<!tpu.dma_semaphore, #tpu.memory_space<semaphore_mem>>) src(%dma_wait3A_259 : memref<80xf32, #tpu.memory_space<hbm>>) dst(%arg18 : memref<80xf32, #tpu.memory_space<vmem>>)
          %dma_start3A_260 = arith.constant 0 : i32
          %dma_start3A_261 = arith.constant 0 : i32
          %dma_start3A_262 = tpu.memref_slice %arg2[%dma_start3A_260, %dma_start3A_261] : memref<10000x128xf32, #tpu.memory_space<hbm>> -> memref<10000x128xf32, #tpu.memory_space<hbm>>
          tpu.enqueue_indirect_dma source(%dma_start3A_262 : memref<10000x128xf32, #tpu.memory_space<hbm>>) target(%arg22 : memref<80x128xf32, #tpu.memory_space<vmem>>) offsets(%arg14 : memref<80xi32, #tpu.memory_space<vmem>>) semaphore(%arg30 : memref<!tpu.dma_semaphore, #tpu.memory_space<semaphore_mem>>)
        } else {
        }
        %dma_wait3A_203 = arith.constant 0 : i32
        %dma_wait3A_204 = arith.constant 0 : i32
        %dma_wait3A_205 = tpu.memref_slice %arg2[%dma_wait3A_203, %dma_wait3A_204] : memref<10000x128xf32, #tpu.memory_space<hbm>> -> memref<10000x128xf32, #tpu.memory_space<hbm>>
        tpu.wait_indirect_dma semaphore(%arg32 : memref<!tpu.dma_semaphore, #tpu.memory_space<semaphore_mem>>) src(%dma_wait3A_205 : memref<10000x128xf32, #tpu.memory_space<hbm>>) dst(%arg24 : memref<80x128xf32, #tpu.memory_space<vmem>>)
        %parallel_loop3A_206 = arith.constant 0 : i32
        %parallel_loop3A_207 = arith.constant 80 : i32
        %parallel_loop3A_208 = arith.constant 1 : i32
        scf.for %parallel_loop3A_249 = %parallel_loop3A_206 to %parallel_loop3A_207 step %parallel_loop3A_208  : i32 {
          %parallel_loop3A_250 = vector.broadcast %parallel_loop3A_249 : i32 to vector<16xi32>
          %parallel_loop3A_251 = tpu.vector_load_idx %arg20[%parallel_loop3A_250] : memref<80xf32, #tpu.memory_space<vmem>>[vector<16xi32>], vector<16xf32>,
          %parallel_loop3A_252 = arith.index_cast %parallel_loop3A_249 : i32 to index
          %parallel_loop3A_253 = arith.constant 0 : index
          %parallel_loop3A_254 = tpu.vector_load %arg24[%parallel_loop3A_252, %parallel_loop3A_253] {strides = array<i32>} : memref<80x128xf32, #tpu.memory_space<vmem>>, vector<16xf32>,
          %parallel_loop3A_255 = arith.mulf %parallel_loop3A_254, %parallel_loop3A_251 : vector<16xf32>
          %parallel_loop3A_256 = arith.index_cast %parallel_loop3A_249 : i32 to index
          %parallel_loop3A_257 = arith.constant 0 : index
          %parallel_loop3A_258 = tpu.vector_load %arg24[%parallel_loop3A_256, %parallel_loop3A_257] {strides = array<i32>} : memref<80x128xf32, #tpu.memory_space<vmem>>, vector<16xf32>,
          tpu.vector_store %arg24[%parallel_loop3A_256, %parallel_loop3A_257], %parallel_loop3A_255 {strides = array<i32>} : memref<80x128xf32, #tpu.memory_space<vmem>>, vector<16xf32>,
          %parallel_loop3A_259 = arith.index_cast %parallel_loop3A_249 : i32 to index
          %parallel_loop3A_260 = arith.constant 16 : index
          %parallel_loop3A_261 = tpu.vector_load %arg24[%parallel_loop3A_259, %parallel_loop3A_260] {strides = array<i32>} : memref<80x128xf32, #tpu.memory_space<vmem>>, vector<16xf32>,
          %parallel_loop3A_262 = arith.mulf %parallel_loop3A_261, %parallel_loop3A_251 : vector<16xf32>
          %parallel_loop3A_263 = arith.index_cast %parallel_loop3A_249 : i32 to index
          %parallel_loop3A_264 = arith.constant 16 : index
          %parallel_loop3A_265 = tpu.vector_load %arg24[%parallel_loop3A_263, %parallel_loop3A_264] {strides = array<i32>} : memref<80x128xf32, #tpu.memory_space<vmem>>, vector<16xf32>,
          tpu.vector_store %arg24[%parallel_loop3A_263, %parallel_loop3A_264], %parallel_loop3A_262 {strides = array<i32>} : memref<80x128xf32, #tpu.memory_space<vmem>>, vector<16xf32>,
          %parallel_loop3A_266 = arith.index_cast %parallel_loop3A_249 : i32 to index
          %parallel_loop3A_267 = arith.constant 32 : index
          %parallel_loop3A_268 = tpu.vector_load %arg24[%parallel_loop3A_266, %parallel_loop3A_267] {strides = array<i32>} : memref<80x128xf32, #tpu.memory_space<vmem>>, vector<16xf32>,
          %parallel_loop3A_269 = arith.mulf %parallel_loop3A_268, %parallel_loop3A_251 : vector<16xf32>
          %parallel_loop3A_270 = arith.index_cast %parallel_loop3A_249 : i32 to index
          %parallel_loop3A_271 = arith.constant 32 : index
          %parallel_loop3A_272 = tpu.vector_load %arg24[%parallel_loop3A_270, %parallel_loop3A_271] {strides = array<i32>} : memref<80x128xf32, #tpu.memory_space<vmem>>, vector<16xf32>,
          tpu.vector_store %arg24[%parallel_loop3A_270, %parallel_loop3A_271], %parallel_loop3A_269 {strides = array<i32>} : memref<80x128xf32, #tpu.memory_space<vmem>>, vector<16xf32>,
          %parallel_loop3A_273 = arith.index_cast %parallel_loop3A_249 : i32 to index
          %parallel_loop3A_274 = arith.constant 48 : index
          %parallel_loop3A_275 = tpu.vector_load %arg24[%parallel_loop3A_273, %parallel_loop3A_274] {strides = array<i32>} : memref<80x128xf32, #tpu.memory_space<vmem>>, vector<16xf32>,
          %parallel_loop3A_276 = arith.mulf %parallel_loop3A_275, %parallel_loop3A_251 : vector<16xf32>
          %parallel_loop3A_277 = arith.index_cast %parallel_loop3A_249 : i32 to index
          %parallel_loop3A_278 = arith.constant 48 : index
          %parallel_loop3A_279 = tpu.vector_load %arg24[%parallel_loop3A_277, %parallel_loop3A_278] {strides = array<i32>} : memref<80x128xf32, #tpu.memory_space<vmem>>, vector<16xf32>,
          tpu.vector_store %arg24[%parallel_loop3A_277, %parallel_loop3A_278], %parallel_loop3A_276 {strides = array<i32>} : memref<80x128xf32, #tpu.memory_space<vmem>>, vector<16xf32>,
          %parallel_loop3A_280 = arith.index_cast %parallel_loop3A_249 : i32 to index
          %parallel_loop3A_281 = arith.constant 64 : index
          %parallel_loop3A_282 = tpu.vector_load %arg24[%parallel_loop3A_280, %parallel_loop3A_281] {strides = array<i32>} : memref<80x128xf32, #tpu.memory_space<vmem>>, vector<16xf32>,
          %parallel_loop3A_283 = arith.mulf %parallel_loop3A_282, %parallel_loop3A_251 : vector<16xf32>
          %parallel_loop3A_284 = arith.index_cast %parallel_loop3A_249 : i32 to index
          %parallel_loop3A_285 = arith.constant 64 : index
          %parallel_loop3A_286 = tpu.vector_load %arg24[%parallel_loop3A_284, %parallel_loop3A_285] {strides = array<i32>} : memref<80x128xf32, #tpu.memory_space<vmem>>, vector<16xf32>,
          tpu.vector_store %arg24[%parallel_loop3A_284, %parallel_loop3A_285], %parallel_loop3A_283 {strides = array<i32>} : memref<80x128xf32, #tpu.memory_space<vmem>>, vector<16xf32>,
          %parallel_loop3A_287 = arith.index_cast %parallel_loop3A_249 : i32 to index
          %parallel_loop3A_288 = arith.constant 80 : index
          %parallel_loop3A_289 = tpu.vector_load %arg24[%parallel_loop3A_287, %parallel_loop3A_288] {strides = array<i32>} : memref<80x128xf32, #tpu.memory_space<vmem>>, vector<16xf32>,
          %parallel_loop3A_290 = arith.mulf %parallel_loop3A_289, %parallel_loop3A_251 : vector<16xf32>
          %parallel_loop3A_291 = arith.index_cast %parallel_loop3A_249 : i32 to index
          %parallel_loop3A_292 = arith.constant 80 : index
          %parallel_loop3A_293 = tpu.vector_load %arg24[%parallel_loop3A_291, %parallel_loop3A_292] {strides = array<i32>} : memref<80x128xf32, #tpu.memory_space<vmem>>, vector<16xf32>,
          tpu.vector_store %arg24[%parallel_loop3A_291, %parallel_loop3A_292], %parallel_loop3A_290 {strides = array<i32>} : memref<80x128xf32, #tpu.memory_space<vmem>>, vector<16xf32>,
          %parallel_loop3A_294 = arith.index_cast %parallel_loop3A_249 : i32 to index
          %parallel_loop3A_295 = arith.constant 96 : index
          %parallel_loop3A_296 = tpu.vector_load %arg24[%parallel_loop3A_294, %parallel_loop3A_295] {strides = array<i32>} : memref<80x128xf32, #tpu.memory_space<vmem>>, vector<16xf32>,
          %parallel_loop3A_297 = arith.mulf %parallel_loop3A_296, %parallel_loop3A_251 : vector<16xf32>
          %parallel_loop3A_298 = arith.index_cast %parallel_loop3A_249 : i32 to index
          %parallel_loop3A_299 = arith.constant 96 : index
          %parallel_loop3A_300 = tpu.vector_load %arg24[%parallel_loop3A_298, %parallel_loop3A_299] {strides = array<i32>} : memref<80x128xf32, #tpu.memory_space<vmem>>, vector<16xf32>,
          tpu.vector_store %arg24[%parallel_loop3A_298, %parallel_loop3A_299], %parallel_loop3A_297 {strides = array<i32>} : memref<80x128xf32, #tpu.memory_space<vmem>>, vector<16xf32>,
          %parallel_loop3A_301 = arith.index_cast %parallel_loop3A_249 : i32 to index
          %parallel_loop3A_302 = arith.constant 112 : index
          %parallel_loop3A_303 = tpu.vector_load %arg24[%parallel_loop3A_301, %parallel_loop3A_302] {strides = array<i32>} : memref<80x128xf32, #tpu.memory_space<vmem>>, vector<16xf32>,
          %parallel_loop3A_304 = arith.mulf %parallel_loop3A_303, %parallel_loop3A_251 : vector<16xf32>
          %parallel_loop3A_305 = arith.index_cast %parallel_loop3A_249 : i32 to index
          %parallel_loop3A_306 = arith.constant 112 : index
          %parallel_loop3A_307 = tpu.vector_load %arg24[%parallel_loop3A_305, %parallel_loop3A_306] {strides = array<i32>} : memref<80x128xf32, #tpu.memory_space<vmem>>, vector<16xf32>,
          tpu.vector_store %arg24[%parallel_loop3A_305, %parallel_loop3A_306], %parallel_loop3A_304 {strides = array<i32>} : memref<80x128xf32, #tpu.memory_space<vmem>>, vector<16xf32>,
        } {sc.loop_unroll_factor = 4 : i64, sc.parallel_access}
        %dma_start3A_209 = arith.constant 0 : i32
        %dma_start3A_210 = arith.constant 0 : i32
        %dma_start3A_211 = tpu.memref_slice %arg9[%dma_start3A_209, %dma_start3A_210] : memref<10000x128xf32, #tpu.memory_space<vmem_shared>> -> memref<10000x128xf32, #tpu.memory_space<vmem_shared>>
        tpu.enqueue_indirect_dma source(%arg24 : memref<80x128xf32, #tpu.memory_space<vmem>>) target(%dma_start3A_211 : memref<10000x128xf32, #tpu.memory_space<vmem_shared>>) offsets(%arg12 : memref<80xi32, #tpu.memory_space<vmem>>) semaphore(%arg36 : memref<!tpu.dma_semaphore, #tpu.memory_space<semaphore_mem>>) {add = true}
        %add3A_212 = arith.constant 3 : i32
        %add3A_213 = arith.addi %add3A_190, %add3A_212 : i32
        %lt3A_214 = arith.constant 125 : i32
        %lt3A_215 = arith.cmpi slt, %add3A_213, %lt3A_214 : i32
        %convert_element_type3A_216 = arith.extui %lt3A_215 : i1 to i32
        %cond3A_217 = arith.constant 0 : i32
        %cond3A_218 = arith.cmpi ne, %convert_element_type3A_216, %cond3A_217 : i32
        scf.if %cond3A_218 {
          %add3A_249 = arith.constant 3 : i32
          %add3A_250 = arith.addi %add3A_190, %add3A_249 : i32
          %mul3A_251 = arith.constant 80 : i32
          %mul3A_252 = arith.muli %add3A_250, %mul3A_251 : i32
          %add3A_253 = arith.addi %mul3A_10, %mul3A_252 : i32
          %dma_start3A_254 = tpu.memref_slice %arg4[%add3A_253] : memref<160000xi32, #tpu.memory_space<hbm>> -> memref<80xi32, #tpu.memory_space<hbm>>
          %dma_start3A_255 = tpu.memref_slice %arg4[%add3A_253] : memref<160000xi32, #tpu.memory_space<hbm>> -> memref<80xi32, #tpu.memory_space<hbm>>
          tpu.enqueue_dma source(%dma_start3A_255 : memref<80xi32, #tpu.memory_space<hbm>>) target(%arg11 : memref<80xi32, #tpu.memory_space<vmem>>) target_semaphore(%arg27 : memref<!tpu.dma_semaphore, #tpu.memory_space<semaphore_mem>>)
          %dma_start3A_256 = tpu.memref_slice %arg5[%add3A_253] : memref<160000xi32, #tpu.memory_space<hbm>> -> memref<80xi32, #tpu.memory_space<hbm>>
          %dma_start3A_257 = tpu.memref_slice %arg5[%add3A_253] : memref<160000xi32, #tpu.memory_space<hbm>> -> memref<80xi32, #tpu.memory_space<hbm>>
          tpu.enqueue_dma source(%dma_start3A_257 : memref<80xi32, #tpu.memory_space<hbm>>) target(%arg15 : memref<80xi32, #tpu.memory_space<vmem>>) target_semaphore(%arg27 : memref<!tpu.dma_semaphore, #tpu.memory_space<semaphore_mem>>)
          %dma_start3A_258 = tpu.memref_slice %arg6[%add3A_253] : memref<160000xf32, #tpu.memory_space<hbm>> -> memref<80xf32, #tpu.memory_space<hbm>>
          %dma_start3A_259 = tpu.memref_slice %arg6[%add3A_253] : memref<160000xf32, #tpu.memory_space<hbm>> -> memref<80xf32, #tpu.memory_space<hbm>>
          tpu.enqueue_dma source(%dma_start3A_259 : memref<80xf32, #tpu.memory_space<hbm>>) target(%arg19 : memref<80xf32, #tpu.memory_space<vmem>>) target_semaphore(%arg27 : memref<!tpu.dma_semaphore, #tpu.memory_space<semaphore_mem>>)
        } else {
        }
        %add3A_219 = arith.constant 3 : i32
        %add3A_220 = arith.addi %add3A_130, %add3A_219 : i32
        %ge3A_221 = arith.constant 2 : i32
        %ge3A_222 = arith.cmpi sge, %add3A_220, %ge3A_221 : i32
        %convert_element_type3A_223 = arith.extui %ge3A_222 : i1 to i32
        %cond3A_224 = arith.constant 0 : i32
        %cond3A_225 = arith.cmpi ne, %convert_element_type3A_223, %cond3A_224 : i32
        scf.if %cond3A_225 {
          %dma_wait3A_249 = arith.constant 0 : i32
          %dma_wait3A_250 = arith.constant 0 : i32
          %dma_wait3A_251 = tpu.memref_slice %arg9[%dma_wait3A_249, %dma_wait3A_250] : memref<10000x128xf32, #tpu.memory_space<vmem_shared>> -> memref<10000x128xf32, #tpu.memory_space<vmem_shared>>
          tpu.wait_indirect_dma semaphore(%arg35 : memref<!tpu.dma_semaphore, #tpu.memory_space<semaphore_mem>>) src(%arg23 : memref<80x128xf32, #tpu.memory_space<vmem>>) dst(%dma_wait3A_251 : memref<10000x128xf32, #tpu.memory_space<vmem_shared>>)
        } else {
        }
        %add3A_226 = arith.constant 2 : i32
        %add3A_227 = arith.addi %add3A_220, %add3A_226 : i32
        %lt3A_228 = arith.constant 125 : i32
        %lt3A_229 = arith.cmpi slt, %add3A_227, %lt3A_228 : i32
        %convert_element_type3A_230 = arith.extui %lt3A_229 : i1 to i32
        %cond3A_231 = arith.constant 0 : i32
        %cond3A_232 = arith.cmpi ne, %convert_element_type3A_230, %cond3A_231 : i32
        scf.if %cond3A_232 {
          %add3A_249 = arith.constant 2 : i32
          %add3A_250 = arith.addi %add3A_220, %add3A_249 : i32
          %mul3A_251 = arith.constant 80 : i32
          %mul3A_252 = arith.muli %add3A_250, %mul3A_251 : i32
          %add3A_253 = arith.addi %mul3A_10, %mul3A_252 : i32
          %dma_wait3A_254 = tpu.memref_slice %arg4[%add3A_253] : memref<160000xi32, #tpu.memory_space<hbm>> -> memref<80xi32, #tpu.memory_space<hbm>>
          %dma_wait3A_255 = tpu.memref_slice %arg4[%add3A_253] : memref<160000xi32, #tpu.memory_space<hbm>> -> memref<80xi32, #tpu.memory_space<hbm>>
          tpu.wait_dma2 semaphore(%arg27 : memref<!tpu.dma_semaphore, #tpu.memory_space<semaphore_mem>>) src(%dma_wait3A_255 : memref<80xi32, #tpu.memory_space<hbm>>) dst(%arg11 : memref<80xi32, #tpu.memory_space<vmem>>)
          %dma_wait3A_256 = tpu.memref_slice %arg5[%add3A_253] : memref<160000xi32, #tpu.memory_space<hbm>> -> memref<80xi32, #tpu.memory_space<hbm>>
          %dma_wait3A_257 = tpu.memref_slice %arg5[%add3A_253] : memref<160000xi32, #tpu.memory_space<hbm>> -> memref<80xi32, #tpu.memory_space<hbm>>
          tpu.wait_dma2 semaphore(%arg27 : memref<!tpu.dma_semaphore, #tpu.memory_space<semaphore_mem>>) src(%dma_wait3A_257 : memref<80xi32, #tpu.memory_space<hbm>>) dst(%arg15 : memref<80xi32, #tpu.memory_space<vmem>>)
          %dma_wait3A_258 = tpu.memref_slice %arg6[%add3A_253] : memref<160000xf32, #tpu.memory_space<hbm>> -> memref<80xf32, #tpu.memory_space<hbm>>
          %dma_wait3A_259 = tpu.memref_slice %arg6[%add3A_253] : memref<160000xf32, #tpu.memory_space<hbm>> -> memref<80xf32, #tpu.memory_space<hbm>>
          tpu.wait_dma2 semaphore(%arg27 : memref<!tpu.dma_semaphore, #tpu.memory_space<semaphore_mem>>) src(%dma_wait3A_259 : memref<80xf32, #tpu.memory_space<hbm>>) dst(%arg19 : memref<80xf32, #tpu.memory_space<vmem>>)
          %dma_start3A_260 = arith.constant 0 : i32
          %dma_start3A_261 = arith.constant 0 : i32
          %dma_start3A_262 = tpu.memref_slice %arg2[%dma_start3A_260, %dma_start3A_261] : memref<10000x128xf32, #tpu.memory_space<hbm>> -> memref<10000x128xf32, #tpu.memory_space<hbm>>
          tpu.enqueue_indirect_dma source(%dma_start3A_262 : memref<10000x128xf32, #tpu.memory_space<hbm>>) target(%arg23 : memref<80x128xf32, #tpu.memory_space<vmem>>) offsets(%arg15 : memref<80xi32, #tpu.memory_space<vmem>>) semaphore(%arg31 : memref<!tpu.dma_semaphore, #tpu.memory_space<semaphore_mem>>)
        } else {
        }
        %dma_wait3A_233 = arith.constant 0 : i32
        %dma_wait3A_234 = arith.constant 0 : i32
        %dma_wait3A_235 = tpu.memref_slice %arg2[%dma_wait3A_233, %dma_wait3A_234] : memref<10000x128xf32, #tpu.memory_space<hbm>> -> memref<10000x128xf32, #tpu.memory_space<hbm>>
        tpu.wait_indirect_dma semaphore(%arg33 : memref<!tpu.dma_semaphore, #tpu.memory_space<semaphore_mem>>) src(%dma_wait3A_235 : memref<10000x128xf32, #tpu.memory_space<hbm>>) dst(%arg25 : memref<80x128xf32, #tpu.memory_space<vmem>>)
        %parallel_loop3A_236 = arith.constant 0 : i32
        %parallel_loop3A_237 = arith.constant 80 : i32
        %parallel_loop3A_238 = arith.constant 1 : i32
        scf.for %parallel_loop3A_249 = %parallel_loop3A_236 to %parallel_loop3A_237 step %parallel_loop3A_238  : i32 {
          %parallel_loop3A_250 = vector.broadcast %parallel_loop3A_249 : i32 to vector<16xi32>
          %parallel_loop3A_251 = tpu.vector_load_idx %arg21[%parallel_loop3A_250] : memref<80xf32, #tpu.memory_space<vmem>>[vector<16xi32>], vector<16xf32>,
          %parallel_loop3A_252 = arith.index_cast %parallel_loop3A_249 : i32 to index
          %parallel_loop3A_253 = arith.constant 0 : index
          %parallel_loop3A_254 = tpu.vector_load %arg25[%parallel_loop3A_252, %parallel_loop3A_253] {strides = array<i32>} : memref<80x128xf32, #tpu.memory_space<vmem>>, vector<16xf32>,
          %parallel_loop3A_255 = arith.mulf %parallel_loop3A_254, %parallel_loop3A_251 : vector<16xf32>
          %parallel_loop3A_256 = arith.index_cast %parallel_loop3A_249 : i32 to index
          %parallel_loop3A_257 = arith.constant 0 : index
          %parallel_loop3A_258 = tpu.vector_load %arg25[%parallel_loop3A_256, %parallel_loop3A_257] {strides = array<i32>} : memref<80x128xf32, #tpu.memory_space<vmem>>, vector<16xf32>,
          tpu.vector_store %arg25[%parallel_loop3A_256, %parallel_loop3A_257], %parallel_loop3A_255 {strides = array<i32>} : memref<80x128xf32, #tpu.memory_space<vmem>>, vector<16xf32>,
          %parallel_loop3A_259 = arith.index_cast %parallel_loop3A_249 : i32 to index
          %parallel_loop3A_260 = arith.constant 16 : index
          %parallel_loop3A_261 = tpu.vector_load %arg25[%parallel_loop3A_259, %parallel_loop3A_260] {strides = array<i32>} : memref<80x128xf32, #tpu.memory_space<vmem>>, vector<16xf32>,
          %parallel_loop3A_262 = arith.mulf %parallel_loop3A_261, %parallel_loop3A_251 : vector<16xf32>
          %parallel_loop3A_263 = arith.index_cast %parallel_loop3A_249 : i32 to index
          %parallel_loop3A_264 = arith.constant 16 : index
          %parallel_loop3A_265 = tpu.vector_load %arg25[%parallel_loop3A_263, %parallel_loop3A_264] {strides = array<i32>} : memref<80x128xf32, #tpu.memory_space<vmem>>, vector<16xf32>,
          tpu.vector_store %arg25[%parallel_loop3A_263, %parallel_loop3A_264], %parallel_loop3A_262 {strides = array<i32>} : memref<80x128xf32, #tpu.memory_space<vmem>>, vector<16xf32>,
          %parallel_loop3A_266 = arith.index_cast %parallel_loop3A_249 : i32 to index
          %parallel_loop3A_267 = arith.constant 32 : index
          %parallel_loop3A_268 = tpu.vector_load %arg25[%parallel_loop3A_266, %parallel_loop3A_267] {strides = array<i32>} : memref<80x128xf32, #tpu.memory_space<vmem>>, vector<16xf32>,
          %parallel_loop3A_269 = arith.mulf %parallel_loop3A_268, %parallel_loop3A_251 : vector<16xf32>
          %parallel_loop3A_270 = arith.index_cast %parallel_loop3A_249 : i32 to index
          %parallel_loop3A_271 = arith.constant 32 : index
          %parallel_loop3A_272 = tpu.vector_load %arg25[%parallel_loop3A_270, %parallel_loop3A_271] {strides = array<i32>} : memref<80x128xf32, #tpu.memory_space<vmem>>, vector<16xf32>,
          tpu.vector_store %arg25[%parallel_loop3A_270, %parallel_loop3A_271], %parallel_loop3A_269 {strides = array<i32>} : memref<80x128xf32, #tpu.memory_space<vmem>>, vector<16xf32>,
          %parallel_loop3A_273 = arith.index_cast %parallel_loop3A_249 : i32 to index
          %parallel_loop3A_274 = arith.constant 48 : index
          %parallel_loop3A_275 = tpu.vector_load %arg25[%parallel_loop3A_273, %parallel_loop3A_274] {strides = array<i32>} : memref<80x128xf32, #tpu.memory_space<vmem>>, vector<16xf32>,
          %parallel_loop3A_276 = arith.mulf %parallel_loop3A_275, %parallel_loop3A_251 : vector<16xf32>
          %parallel_loop3A_277 = arith.index_cast %parallel_loop3A_249 : i32 to index
          %parallel_loop3A_278 = arith.constant 48 : index
          %parallel_loop3A_279 = tpu.vector_load %arg25[%parallel_loop3A_277, %parallel_loop3A_278] {strides = array<i32>} : memref<80x128xf32, #tpu.memory_space<vmem>>, vector<16xf32>,
          tpu.vector_store %arg25[%parallel_loop3A_277, %parallel_loop3A_278], %parallel_loop3A_276 {strides = array<i32>} : memref<80x128xf32, #tpu.memory_space<vmem>>, vector<16xf32>,
          %parallel_loop3A_280 = arith.index_cast %parallel_loop3A_249 : i32 to index
          %parallel_loop3A_281 = arith.constant 64 : index
          %parallel_loop3A_282 = tpu.vector_load %arg25[%parallel_loop3A_280, %parallel_loop3A_281] {strides = array<i32>} : memref<80x128xf32, #tpu.memory_space<vmem>>, vector<16xf32>,
          %parallel_loop3A_283 = arith.mulf %parallel_loop3A_282, %parallel_loop3A_251 : vector<16xf32>
          %parallel_loop3A_284 = arith.index_cast %parallel_loop3A_249 : i32 to index
          %parallel_loop3A_285 = arith.constant 64 : index
          %parallel_loop3A_286 = tpu.vector_load %arg25[%parallel_loop3A_284, %parallel_loop3A_285] {strides = array<i32>} : memref<80x128xf32, #tpu.memory_space<vmem>>, vector<16xf32>,
          tpu.vector_store %arg25[%parallel_loop3A_284, %parallel_loop3A_285], %parallel_loop3A_283 {strides = array<i32>} : memref<80x128xf32, #tpu.memory_space<vmem>>, vector<16xf32>,
          %parallel_loop3A_287 = arith.index_cast %parallel_loop3A_249 : i32 to index
          %parallel_loop3A_288 = arith.constant 80 : index
          %parallel_loop3A_289 = tpu.vector_load %arg25[%parallel_loop3A_287, %parallel_loop3A_288] {strides = array<i32>} : memref<80x128xf32, #tpu.memory_space<vmem>>, vector<16xf32>,
          %parallel_loop3A_290 = arith.mulf %parallel_loop3A_289, %parallel_loop3A_251 : vector<16xf32>
          %parallel_loop3A_291 = arith.index_cast %parallel_loop3A_249 : i32 to index
          %parallel_loop3A_292 = arith.constant 80 : index
          %parallel_loop3A_293 = tpu.vector_load %arg25[%parallel_loop3A_291, %parallel_loop3A_292] {strides = array<i32>} : memref<80x128xf32, #tpu.memory_space<vmem>>, vector<16xf32>,
          tpu.vector_store %arg25[%parallel_loop3A_291, %parallel_loop3A_292], %parallel_loop3A_290 {strides = array<i32>} : memref<80x128xf32, #tpu.memory_space<vmem>>, vector<16xf32>,
          %parallel_loop3A_294 = arith.index_cast %parallel_loop3A_249 : i32 to index
          %parallel_loop3A_295 = arith.constant 96 : index
          %parallel_loop3A_296 = tpu.vector_load %arg25[%parallel_loop3A_294, %parallel_loop3A_295] {strides = array<i32>} : memref<80x128xf32, #tpu.memory_space<vmem>>, vector<16xf32>,
          %parallel_loop3A_297 = arith.mulf %parallel_loop3A_296, %parallel_loop3A_251 : vector<16xf32>
          %parallel_loop3A_298 = arith.index_cast %parallel_loop3A_249 : i32 to index
          %parallel_loop3A_299 = arith.constant 96 : index
          %parallel_loop3A_300 = tpu.vector_load %arg25[%parallel_loop3A_298, %parallel_loop3A_299] {strides = array<i32>} : memref<80x128xf32, #tpu.memory_space<vmem>>, vector<16xf32>,
          tpu.vector_store %arg25[%parallel_loop3A_298, %parallel_loop3A_299], %parallel_loop3A_297 {strides = array<i32>} : memref<80x128xf32, #tpu.memory_space<vmem>>, vector<16xf32>,
          %parallel_loop3A_301 = arith.index_cast %parallel_loop3A_249 : i32 to index
          %parallel_loop3A_302 = arith.constant 112 : index
          %parallel_loop3A_303 = tpu.vector_load %arg25[%parallel_loop3A_301, %parallel_loop3A_302] {strides = array<i32>} : memref<80x128xf32, #tpu.memory_space<vmem>>, vector<16xf32>,
          %parallel_loop3A_304 = arith.mulf %parallel_loop3A_303, %parallel_loop3A_251 : vector<16xf32>
          %parallel_loop3A_305 = arith.index_cast %parallel_loop3A_249 : i32 to index
          %parallel_loop3A_306 = arith.constant 112 : index
          %parallel_loop3A_307 = tpu.vector_load %arg25[%parallel_loop3A_305, %parallel_loop3A_306] {strides = array<i32>} : memref<80x128xf32, #tpu.memory_space<vmem>>, vector<16xf32>,
          tpu.vector_store %arg25[%parallel_loop3A_305, %parallel_loop3A_306], %parallel_loop3A_304 {strides = array<i32>} : memref<80x128xf32, #tpu.memory_space<vmem>>, vector<16xf32>,
        } {sc.loop_unroll_factor = 4 : i64, sc.parallel_access}
        %dma_start3A_239 = arith.constant 0 : i32
        %dma_start3A_240 = arith.constant 0 : i32
        %dma_start3A_241 = tpu.memref_slice %arg9[%dma_start3A_239, %dma_start3A_240] : memref<10000x128xf32, #tpu.memory_space<vmem_shared>> -> memref<10000x128xf32, #tpu.memory_space<vmem_shared>>
        tpu.enqueue_indirect_dma source(%arg25 : memref<80x128xf32, #tpu.memory_space<vmem>>) target(%dma_start3A_241 : memref<10000x128xf32, #tpu.memory_space<vmem_shared>>) offsets(%arg13 : memref<80xi32, #tpu.memory_space<vmem>>) semaphore(%arg37 : memref<!tpu.dma_semaphore, #tpu.memory_space<semaphore_mem>>) {add = true}
        %add3A_242 = arith.constant 3 : i32
        %add3A_243 = arith.addi %add3A_220, %add3A_242 : i32
        %lt3A_244 = arith.constant 125 : i32
        %lt3A_245 = arith.cmpi slt, %add3A_243, %lt3A_244 : i32
        %convert_element_type3A_246 = arith.extui %lt3A_245 : i1 to i32
        %cond3A_247 = arith.constant 0 : i32
        %cond3A_248 = arith.cmpi ne, %convert_element_type3A_246, %cond3A_247 : i32
        scf.if %cond3A_248 {
          %add3A_249 = arith.constant 3 : i32
          %add3A_250 = arith.addi %add3A_220, %add3A_249 : i32
          %mul3A_251 = arith.constant 80 : i32
          %mul3A_252 = arith.muli %add3A_250, %mul3A_251 : i32
          %add3A_253 = arith.addi %mul3A_10, %mul3A_252 : i32
          %dma_start3A_254 = tpu.memref_slice %arg4[%add3A_253] : memref<160000xi32, #tpu.memory_space<hbm>> -> memref<80xi32, #tpu.memory_space<hbm>>
          %dma_start3A_255 = tpu.memref_slice %arg4[%add3A_253] : memref<160000xi32, #tpu.memory_space<hbm>> -> memref<80xi32, #tpu.memory_space<hbm>>
          tpu.enqueue_dma source(%dma_start3A_255 : memref<80xi32, #tpu.memory_space<hbm>>) target(%arg12 : memref<80xi32, #tpu.memory_space<vmem>>) target_semaphore(%arg28 : memref<!tpu.dma_semaphore, #tpu.memory_space<semaphore_mem>>)
          %dma_start3A_256 = tpu.memref_slice %arg5[%add3A_253] : memref<160000xi32, #tpu.memory_space<hbm>> -> memref<80xi32, #tpu.memory_space<hbm>>
          %dma_start3A_257 = tpu.memref_slice %arg5[%add3A_253] : memref<160000xi32, #tpu.memory_space<hbm>> -> memref<80xi32, #tpu.memory_space<hbm>>
          tpu.enqueue_dma source(%dma_start3A_257 : memref<80xi32, #tpu.memory_space<hbm>>) target(%arg16 : memref<80xi32, #tpu.memory_space<vmem>>) target_semaphore(%arg28 : memref<!tpu.dma_semaphore, #tpu.memory_space<semaphore_mem>>)
          %dma_start3A_258 = tpu.memref_slice %arg6[%add3A_253] : memref<160000xf32, #tpu.memory_space<hbm>> -> memref<80xf32, #tpu.memory_space<hbm>>
          %dma_start3A_259 = tpu.memref_slice %arg6[%add3A_253] : memref<160000xf32, #tpu.memory_space<hbm>> -> memref<80xf32, #tpu.memory_space<hbm>>
          tpu.enqueue_dma source(%dma_start3A_259 : memref<80xf32, #tpu.memory_space<hbm>>) target(%arg20 : memref<80xf32, #tpu.memory_space<vmem>>) target_semaphore(%arg28 : memref<!tpu.dma_semaphore, #tpu.memory_space<semaphore_mem>>)
        } else {
        }
      }
      %scan3A_83 = arith.constant 31 : i32
      %ge3A = arith.constant 124 : i32
      %ge3A_84 = arith.constant 2 : i32
      %ge3A_85 = arith.cmpi sge, %ge3A, %ge3A_84 : i32
      %convert_element_type3A_86 = arith.extui %ge3A_85 : i1 to i32
      %cond3A_87 = arith.constant 0 : i32
      %cond3A_88 = arith.cmpi ne, %convert_element_type3A_86, %cond3A_87 : i32
      scf.if %cond3A_88 {
        %dma_wait3A_126 = arith.constant 0 : i32
        %dma_wait3A_127 = arith.constant 0 : i32
        %dma_wait3A_128 = tpu.memref_slice %arg9[%dma_wait3A_126, %dma_wait3A_127] : memref<10000x128xf32, #tpu.memory_space<vmem_shared>> -> memref<10000x128xf32, #tpu.memory_space<vmem_shared>>
        tpu.wait_indirect_dma semaphore(%arg36 : memref<!tpu.dma_semaphore, #tpu.memory_space<semaphore_mem>>) src(%arg24 : memref<80x128xf32, #tpu.memory_space<vmem>>) dst(%dma_wait3A_128 : memref<10000x128xf32, #tpu.memory_space<vmem_shared>>)
      } else {
      }
      %add3A_89 = arith.constant 124 : i32
      %add3A_90 = arith.constant 2 : i32
      %add3A_91 = arith.addi %add3A_89, %add3A_90 : i32
      %lt3A = arith.constant 125 : i32
      %lt3A_92 = arith.cmpi slt, %add3A_91, %lt3A : i32
      %convert_element_type3A_93 = arith.extui %lt3A_92 : i1 to i32
      %cond3A_94 = arith.constant 124 : i32
      %cond3A_95 = arith.constant 0 : i32
      %cond3A_96 = arith.cmpi ne, %convert_element_type3A_93, %cond3A_95 : i32
      scf.if %cond3A_96 {
        %add3A_126 = arith.constant 2 : i32
        %add3A_127 = arith.addi %cond3A_94, %add3A_126 : i32
        %mul3A_128 = arith.constant 80 : i32
        %mul3A_129 = arith.muli %add3A_127, %mul3A_128 : i32
        %add3A_130 = arith.addi %mul3A_10, %mul3A_129 : i32
        %dma_wait3A_131 = tpu.memref_slice %arg4[%add3A_130] : memref<160000xi32, #tpu.memory_space<hbm>> -> memref<80xi32, #tpu.memory_space<hbm>>
        %dma_wait3A_132 = tpu.memref_slice %arg4[%add3A_130] : memref<160000xi32, #tpu.memory_space<hbm>> -> memref<80xi32, #tpu.memory_space<hbm>>
        tpu.wait_dma2 semaphore(%arg28 : memref<!tpu.dma_semaphore, #tpu.memory_space<semaphore_mem>>) src(%dma_wait3A_132 : memref<80xi32, #tpu.memory_space<hbm>>) dst(%arg12 : memref<80xi32, #tpu.memory_space<vmem>>)
        %dma_wait3A_133 = tpu.memref_slice %arg5[%add3A_130] : memref<160000xi32, #tpu.memory_space<hbm>> -> memref<80xi32, #tpu.memory_space<hbm>>
        %dma_wait3A_134 = tpu.memref_slice %arg5[%add3A_130] : memref<160000xi32, #tpu.memory_space<hbm>> -> memref<80xi32, #tpu.memory_space<hbm>>
        tpu.wait_dma2 semaphore(%arg28 : memref<!tpu.dma_semaphore, #tpu.memory_space<semaphore_mem>>) src(%dma_wait3A_134 : memref<80xi32, #tpu.memory_space<hbm>>) dst(%arg16 : memref<80xi32, #tpu.memory_space<vmem>>)
        %dma_wait3A_135 = tpu.memref_slice %arg6[%add3A_130] : memref<160000xf32, #tpu.memory_space<hbm>> -> memref<80xf32, #tpu.memory_space<hbm>>
        %dma_wait3A_136 = tpu.memref_slice %arg6[%add3A_130] : memref<160000xf32, #tpu.memory_space<hbm>> -> memref<80xf32, #tpu.memory_space<hbm>>
        tpu.wait_dma2 semaphore(%arg28 : memref<!tpu.dma_semaphore, #tpu.memory_space<semaphore_mem>>) src(%dma_wait3A_136 : memref<80xf32, #tpu.memory_space<hbm>>) dst(%arg20 : memref<80xf32, #tpu.memory_space<vmem>>)
        %dma_start3A_137 = arith.constant 0 : i32
        %dma_start3A_138 = arith.constant 0 : i32
        %dma_start3A_139 = tpu.memref_slice %arg2[%dma_start3A_137, %dma_start3A_138] : memref<10000x128xf32, #tpu.memory_space<hbm>> -> memref<10000x128xf32, #tpu.memory_space<hbm>>
        tpu.enqueue_indirect_dma source(%dma_start3A_139 : memref<10000x128xf32, #tpu.memory_space<hbm>>) target(%arg24 : memref<80x128xf32, #tpu.memory_space<vmem>>) offsets(%arg16 : memref<80xi32, #tpu.memory_space<vmem>>) semaphore(%arg32 : memref<!tpu.dma_semaphore, #tpu.memory_space<semaphore_mem>>)
      } else {
      }
      %dma_wait3A_97 = arith.constant 0 : i32
      %dma_wait3A_98 = arith.constant 0 : i32
      %dma_wait3A_99 = tpu.memref_slice %arg2[%dma_wait3A_97, %dma_wait3A_98] : memref<10000x128xf32, #tpu.memory_space<hbm>> -> memref<10000x128xf32, #tpu.memory_space<hbm>>
      tpu.wait_indirect_dma semaphore(%arg30 : memref<!tpu.dma_semaphore, #tpu.memory_space<semaphore_mem>>) src(%dma_wait3A_99 : memref<10000x128xf32, #tpu.memory_space<hbm>>) dst(%arg22 : memref<80x128xf32, #tpu.memory_space<vmem>>)
      %parallel_loop3A = arith.constant 0 : i32
      %parallel_loop3A_100 = arith.constant 80 : i32
      %parallel_loop3A_101 = arith.constant 1 : i32
      scf.for %parallel_loop3A_126 = %parallel_loop3A to %parallel_loop3A_100 step %parallel_loop3A_101  : i32 {
        %parallel_loop3A_127 = vector.broadcast %parallel_loop3A_126 : i32 to vector<16xi32>
        %parallel_loop3A_128 = tpu.vector_load_idx %arg18[%parallel_loop3A_127] : memref<80xf32, #tpu.memory_space<vmem>>[vector<16xi32>], vector<16xf32>,
        %parallel_loop3A_129 = arith.index_cast %parallel_loop3A_126 : i32 to index
        %parallel_loop3A_130 = arith.constant 0 : index
        %parallel_loop3A_131 = tpu.vector_load %arg22[%parallel_loop3A_129, %parallel_loop3A_130] {strides = array<i32>} : memref<80x128xf32, #tpu.memory_space<vmem>>, vector<16xf32>,
        %parallel_loop3A_132 = arith.mulf %parallel_loop3A_131, %parallel_loop3A_128 : vector<16xf32>
        %parallel_loop3A_133 = arith.index_cast %parallel_loop3A_126 : i32 to index
        %parallel_loop3A_134 = arith.constant 0 : index
        %parallel_loop3A_135 = tpu.vector_load %arg22[%parallel_loop3A_133, %parallel_loop3A_134] {strides = array<i32>} : memref<80x128xf32, #tpu.memory_space<vmem>>, vector<16xf32>,
        tpu.vector_store %arg22[%parallel_loop3A_133, %parallel_loop3A_134], %parallel_loop3A_132 {strides = array<i32>} : memref<80x128xf32, #tpu.memory_space<vmem>>, vector<16xf32>,
        %parallel_loop3A_136 = arith.index_cast %parallel_loop3A_126 : i32 to index
        %parallel_loop3A_137 = arith.constant 16 : index
        %parallel_loop3A_138 = tpu.vector_load %arg22[%parallel_loop3A_136, %parallel_loop3A_137] {strides = array<i32>} : memref<80x128xf32, #tpu.memory_space<vmem>>, vector<16xf32>,
        %parallel_loop3A_139 = arith.mulf %parallel_loop3A_138, %parallel_loop3A_128 : vector<16xf32>
        %parallel_loop3A_140 = arith.index_cast %parallel_loop3A_126 : i32 to index
        %parallel_loop3A_141 = arith.constant 16 : index
        %parallel_loop3A_142 = tpu.vector_load %arg22[%parallel_loop3A_140, %parallel_loop3A_141] {strides = array<i32>} : memref<80x128xf32, #tpu.memory_space<vmem>>, vector<16xf32>,
        tpu.vector_store %arg22[%parallel_loop3A_140, %parallel_loop3A_141], %parallel_loop3A_139 {strides = array<i32>} : memref<80x128xf32, #tpu.memory_space<vmem>>, vector<16xf32>,
        %parallel_loop3A_143 = arith.index_cast %parallel_loop3A_126 : i32 to index
        %parallel_loop3A_144 = arith.constant 32 : index
        %parallel_loop3A_145 = tpu.vector_load %arg22[%parallel_loop3A_143, %parallel_loop3A_144] {strides = array<i32>} : memref<80x128xf32, #tpu.memory_space<vmem>>, vector<16xf32>,
        %parallel_loop3A_146 = arith.mulf %parallel_loop3A_145, %parallel_loop3A_128 : vector<16xf32>
        %parallel_loop3A_147 = arith.index_cast %parallel_loop3A_126 : i32 to index
        %parallel_loop3A_148 = arith.constant 32 : index
        %parallel_loop3A_149 = tpu.vector_load %arg22[%parallel_loop3A_147, %parallel_loop3A_148] {strides = array<i32>} : memref<80x128xf32, #tpu.memory_space<vmem>>, vector<16xf32>,
        tpu.vector_store %arg22[%parallel_loop3A_147, %parallel_loop3A_148], %parallel_loop3A_146 {strides = array<i32>} : memref<80x128xf32, #tpu.memory_space<vmem>>, vector<16xf32>,
        %parallel_loop3A_150 = arith.index_cast %parallel_loop3A_126 : i32 to index
        %parallel_loop3A_151 = arith.constant 48 : index
        %parallel_loop3A_152 = tpu.vector_load %arg22[%parallel_loop3A_150, %parallel_loop3A_151] {strides = array<i32>} : memref<80x128xf32, #tpu.memory_space<vmem>>, vector<16xf32>,
        %parallel_loop3A_153 = arith.mulf %parallel_loop3A_152, %parallel_loop3A_128 : vector<16xf32>
        %parallel_loop3A_154 = arith.index_cast %parallel_loop3A_126 : i32 to index
        %parallel_loop3A_155 = arith.constant 48 : index
        %parallel_loop3A_156 = tpu.vector_load %arg22[%parallel_loop3A_154, %parallel_loop3A_155] {strides = array<i32>} : memref<80x128xf32, #tpu.memory_space<vmem>>, vector<16xf32>,
        tpu.vector_store %arg22[%parallel_loop3A_154, %parallel_loop3A_155], %parallel_loop3A_153 {strides = array<i32>} : memref<80x128xf32, #tpu.memory_space<vmem>>, vector<16xf32>,
        %parallel_loop3A_157 = arith.index_cast %parallel_loop3A_126 : i32 to index
        %parallel_loop3A_158 = arith.constant 64 : index
        %parallel_loop3A_159 = tpu.vector_load %arg22[%parallel_loop3A_157, %parallel_loop3A_158] {strides = array<i32>} : memref<80x128xf32, #tpu.memory_space<vmem>>, vector<16xf32>,
        %parallel_loop3A_160 = arith.mulf %parallel_loop3A_159, %parallel_loop3A_128 : vector<16xf32>
        %parallel_loop3A_161 = arith.index_cast %parallel_loop3A_126 : i32 to index
        %parallel_loop3A_162 = arith.constant 64 : index
        %parallel_loop3A_163 = tpu.vector_load %arg22[%parallel_loop3A_161, %parallel_loop3A_162] {strides = array<i32>} : memref<80x128xf32, #tpu.memory_space<vmem>>, vector<16xf32>,
        tpu.vector_store %arg22[%parallel_loop3A_161, %parallel_loop3A_162], %parallel_loop3A_160 {strides = array<i32>} : memref<80x128xf32, #tpu.memory_space<vmem>>, vector<16xf32>,
        %parallel_loop3A_164 = arith.index_cast %parallel_loop3A_126 : i32 to index
        %parallel_loop3A_165 = arith.constant 80 : index
        %parallel_loop3A_166 = tpu.vector_load %arg22[%parallel_loop3A_164, %parallel_loop3A_165] {strides = array<i32>} : memref<80x128xf32, #tpu.memory_space<vmem>>, vector<16xf32>,
        %parallel_loop3A_167 = arith.mulf %parallel_loop3A_166, %parallel_loop3A_128 : vector<16xf32>
        %parallel_loop3A_168 = arith.index_cast %parallel_loop3A_126 : i32 to index
        %parallel_loop3A_169 = arith.constant 80 : index
        %parallel_loop3A_170 = tpu.vector_load %arg22[%parallel_loop3A_168, %parallel_loop3A_169] {strides = array<i32>} : memref<80x128xf32, #tpu.memory_space<vmem>>, vector<16xf32>,
        tpu.vector_store %arg22[%parallel_loop3A_168, %parallel_loop3A_169], %parallel_loop3A_167 {strides = array<i32>} : memref<80x128xf32, #tpu.memory_space<vmem>>, vector<16xf32>,
        %parallel_loop3A_171 = arith.index_cast %parallel_loop3A_126 : i32 to index
        %parallel_loop3A_172 = arith.constant 96 : index
        %parallel_loop3A_173 = tpu.vector_load %arg22[%parallel_loop3A_171, %parallel_loop3A_172] {strides = array<i32>} : memref<80x128xf32, #tpu.memory_space<vmem>>, vector<16xf32>,
        %parallel_loop3A_174 = arith.mulf %parallel_loop3A_173, %parallel_loop3A_128 : vector<16xf32>
        %parallel_loop3A_175 = arith.index_cast %parallel_loop3A_126 : i32 to index
        %parallel_loop3A_176 = arith.constant 96 : index
        %parallel_loop3A_177 = tpu.vector_load %arg22[%parallel_loop3A_175, %parallel_loop3A_176] {strides = array<i32>} : memref<80x128xf32, #tpu.memory_space<vmem>>, vector<16xf32>,
        tpu.vector_store %arg22[%parallel_loop3A_175, %parallel_loop3A_176], %parallel_loop3A_174 {strides = array<i32>} : memref<80x128xf32, #tpu.memory_space<vmem>>, vector<16xf32>,
        %parallel_loop3A_178 = arith.index_cast %parallel_loop3A_126 : i32 to index
        %parallel_loop3A_179 = arith.constant 112 : index
        %parallel_loop3A_180 = tpu.vector_load %arg22[%parallel_loop3A_178, %parallel_loop3A_179] {strides = array<i32>} : memref<80x128xf32, #tpu.memory_space<vmem>>, vector<16xf32>,
        %parallel_loop3A_181 = arith.mulf %parallel_loop3A_180, %parallel_loop3A_128 : vector<16xf32>
        %parallel_loop3A_182 = arith.index_cast %parallel_loop3A_126 : i32 to index
        %parallel_loop3A_183 = arith.constant 112 : index
        %parallel_loop3A_184 = tpu.vector_load %arg22[%parallel_loop3A_182, %parallel_loop3A_183] {strides = array<i32>} : memref<80x128xf32, #tpu.memory_space<vmem>>, vector<16xf32>,
        tpu.vector_store %arg22[%parallel_loop3A_182, %parallel_loop3A_183], %parallel_loop3A_181 {strides = array<i32>} : memref<80x128xf32, #tpu.memory_space<vmem>>, vector<16xf32>,
      } {sc.loop_unroll_factor = 4 : i64, sc.parallel_access}
      %dma_start3A_102 = arith.constant 0 : i32
      %dma_start3A_103 = arith.constant 0 : i32
      %dma_start3A_104 = tpu.memref_slice %arg9[%dma_start3A_102, %dma_start3A_103] : memref<10000x128xf32, #tpu.memory_space<vmem_shared>> -> memref<10000x128xf32, #tpu.memory_space<vmem_shared>>
      tpu.enqueue_indirect_dma source(%arg22 : memref<80x128xf32, #tpu.memory_space<vmem>>) target(%dma_start3A_104 : memref<10000x128xf32, #tpu.memory_space<vmem_shared>>) offsets(%arg10 : memref<80xi32, #tpu.memory_space<vmem>>) semaphore(%arg34 : memref<!tpu.dma_semaphore, #tpu.memory_space<semaphore_mem>>) {add = true}
      %add3A_105 = arith.constant 124 : i32
      %add3A_106 = arith.constant 3 : i32
      %add3A_107 = arith.addi %add3A_105, %add3A_106 : i32
      %lt3A_108 = arith.constant 125 : i32
      %lt3A_109 = arith.cmpi slt, %add3A_107, %lt3A_108 : i32
      %convert_element_type3A_110 = arith.extui %lt3A_109 : i1 to i32
      %cond3A_111 = arith.constant 124 : i32
      %cond3A_112 = arith.constant 0 : i32
      %cond3A_113 = arith.cmpi ne, %convert_element_type3A_110, %cond3A_112 : i32
      scf.if %cond3A_113 {
        %add3A_126 = arith.constant 3 : i32
        %add3A_127 = arith.addi %cond3A_111, %add3A_126 : i32
        %mul3A_128 = arith.constant 80 : i32
        %mul3A_129 = arith.muli %add3A_127, %mul3A_128 : i32
        %add3A_130 = arith.addi %mul3A_10, %mul3A_129 : i32
        %dma_start3A_131 = tpu.memref_slice %arg4[%add3A_130] : memref<160000xi32, #tpu.memory_space<hbm>> -> memref<80xi32, #tpu.memory_space<hbm>>
        %dma_start3A_132 = tpu.memref_slice %arg4[%add3A_130] : memref<160000xi32, #tpu.memory_space<hbm>> -> memref<80xi32, #tpu.memory_space<hbm>>
        tpu.enqueue_dma source(%dma_start3A_132 : memref<80xi32, #tpu.memory_space<hbm>>) target(%arg13 : memref<80xi32, #tpu.memory_space<vmem>>) target_semaphore(%arg29 : memref<!tpu.dma_semaphore, #tpu.memory_space<semaphore_mem>>)
        %dma_start3A_133 = tpu.memref_slice %arg5[%add3A_130] : memref<160000xi32, #tpu.memory_space<hbm>> -> memref<80xi32, #tpu.memory_space<hbm>>
        %dma_start3A_134 = tpu.memref_slice %arg5[%add3A_130] : memref<160000xi32, #tpu.memory_space<hbm>> -> memref<80xi32, #tpu.memory_space<hbm>>
        tpu.enqueue_dma source(%dma_start3A_134 : memref<80xi32, #tpu.memory_space<hbm>>) target(%arg17 : memref<80xi32, #tpu.memory_space<vmem>>) target_semaphore(%arg29 : memref<!tpu.dma_semaphore, #tpu.memory_space<semaphore_mem>>)
        %dma_start3A_135 = tpu.memref_slice %arg6[%add3A_130] : memref<160000xf32, #tpu.memory_space<hbm>> -> memref<80xf32, #tpu.memory_space<hbm>>
        %dma_start3A_136 = tpu.memref_slice %arg6[%add3A_130] : memref<160000xf32, #tpu.memory_space<hbm>> -> memref<80xf32, #tpu.memory_space<hbm>>
        tpu.enqueue_dma source(%dma_start3A_136 : memref<80xf32, #tpu.memory_space<hbm>>) target(%arg21 : memref<80xf32, #tpu.memory_space<vmem>>) target_semaphore(%arg29 : memref<!tpu.dma_semaphore, #tpu.memory_space<semaphore_mem>>)
      } else {
      }
      %dma_wait3A_114 = arith.constant 0 : i32
      %dma_wait3A_115 = arith.constant 0 : i32
      %dma_wait3A_116 = tpu.memref_slice %arg9[%dma_wait3A_114, %dma_wait3A_115] : memref<10000x128xf32, #tpu.memory_space<vmem_shared>> -> memref<10000x128xf32, #tpu.memory_space<vmem_shared>>
      tpu.wait_indirect_dma semaphore(%arg37 : memref<!tpu.dma_semaphore, #tpu.memory_space<semaphore_mem>>) src(%arg25 : memref<80x128xf32, #tpu.memory_space<vmem>>) dst(%dma_wait3A_116 : memref<10000x128xf32, #tpu.memory_space<vmem_shared>>)
      %dma_wait3A_117 = arith.constant 0 : i32
      %dma_wait3A_118 = arith.constant 0 : i32
      %dma_wait3A_119 = tpu.memref_slice %arg9[%dma_wait3A_117, %dma_wait3A_118] : memref<10000x128xf32, #tpu.memory_space<vmem_shared>> -> memref<10000x128xf32, #tpu.memory_space<vmem_shared>>
      tpu.wait_indirect_dma semaphore(%arg34 : memref<!tpu.dma_semaphore, #tpu.memory_space<semaphore_mem>>) src(%arg22 : memref<80x128xf32, #tpu.memory_space<vmem>>) dst(%dma_wait3A_119 : memref<10000x128xf32, #tpu.memory_space<vmem_shared>>)
      %barrier3A_120 = arith.constant 0 : index
      tpu.barrier barrier_id(%barrier3A_120)
      "tpu.region"() ({
        %run_scoped3A = tpu.sem_alloc : memref<!tpu.dma_semaphore, #tpu.memory_space<semaphore_mem>>
        %dma_start3A_126 = arith.constant 0 : i32
        %dma_start3A_127 = tpu.memref_slice %arg7[%mul3A_0, %dma_start3A_126] : memref<10000x128xf32, #tpu.memory_space<hbm>> -> memref<624x128xf32, #tpu.memory_space<hbm>>
        %dma_start3A_128 = arith.constant 0 : i32
        %dma_start3A_129 = tpu.memref_slice %arg9[%mul3A_0, %dma_start3A_128] : memref<10000x128xf32, #tpu.memory_space<vmem_shared>> -> memref<624x128xf32, #tpu.memory_space<vmem_shared>>
        tpu.enqueue_dma source(%dma_start3A_129 : memref<624x128xf32, #tpu.memory_space<vmem_shared>>) target(%dma_start3A_127 : memref<624x128xf32, #tpu.memory_space<hbm>>) target_semaphore(%run_scoped3A : memref<!tpu.dma_semaphore, #tpu.memory_space<semaphore_mem>>)
        %dma_wait3A_130 = arith.constant 0 : i32
        %dma_wait3A_131 = tpu.memref_slice %arg7[%mul3A_0, %dma_wait3A_130] : memref<10000x128xf32, #tpu.memory_space<hbm>> -> memref<624x128xf32, #tpu.memory_space<hbm>>
        %dma_wait3A_132 = arith.constant 0 : i32
        %dma_wait3A_133 = tpu.memref_slice %arg9[%mul3A_0, %dma_wait3A_132] : memref<10000x128xf32, #tpu.memory_space<vmem_shared>> -> memref<624x128xf32, #tpu.memory_space<vmem_shared>>
        tpu.wait_dma2 semaphore(%run_scoped3A : memref<!tpu.dma_semaphore, #tpu.memory_space<semaphore_mem>>) src(%dma_wait3A_133 : memref<624x128xf32, #tpu.memory_space<vmem_shared>>) dst(%dma_wait3A_131 : memref<624x128xf32, #tpu.memory_space<hbm>>)
        tpu.yield
      }) : () -> ()
      %eq3A_121 = arith.constant 15 : i32
      %eq3A_122 = arith.cmpi eq, %arg1, %eq3A_121 : i32
      %convert_element_type3A_123 = arith.extui %eq3A_122 : i1 to i32
      %cond3A_124 = arith.constant 0 : i32
      %cond3A_125 = arith.cmpi ne, %convert_element_type3A_123, %cond3A_124 : i32
      scf.if %cond3A_125 {
        "tpu.region"() ({
          %run_scoped3A = tpu.sem_alloc : memref<!tpu.dma_semaphore, #tpu.memory_space<semaphore_mem>>
          %dma_start3A_126 = arith.constant 9984 : i32
          %dma_start3A_127 = arith.constant 0 : i32
          %dma_start3A_128 = tpu.memref_slice %arg7[%dma_start3A_126, %dma_start3A_127] : memref<10000x128xf32, #tpu.memory_space<hbm>> -> memref<16x128xf32, #tpu.memory_space<hbm>>
          %dma_start3A_129 = arith.constant 9984 : i32
          %dma_start3A_130 = arith.constant 0 : i32
          %dma_start3A_131 = tpu.memref_slice %arg9[%dma_start3A_129, %dma_start3A_130] : memref<10000x128xf32, #tpu.memory_space<vmem_shared>> -> memref<16x128xf32, #tpu.memory_space<vmem_shared>>
          tpu.enqueue_dma source(%dma_start3A_131 : memref<16x128xf32, #tpu.memory_space<vmem_shared>>) target(%dma_start3A_128 : memref<16x128xf32, #tpu.memory_space<hbm>>) target_semaphore(%run_scoped3A : memref<!tpu.dma_semaphore, #tpu.memory_space<semaphore_mem>>)
          %dma_wait3A_132 = arith.constant 9984 : i32
          %dma_wait3A_133 = arith.constant 0 : i32
          %dma_wait3A_134 = tpu.memref_slice %arg7[%dma_wait3A_132, %dma_wait3A_133] : memref<10000x128xf32, #tpu.memory_space<hbm>> -> memref<16x128xf32, #tpu.memory_space<hbm>>
          %dma_wait3A_135 = arith.constant 9984 : i32
          %dma_wait3A_136 = arith.constant 0 : i32
          %dma_wait3A_137 = tpu.memref_slice %arg9[%dma_wait3A_135, %dma_wait3A_136] : memref<10000x128xf32, #tpu.memory_space<vmem_shared>> -> memref<16x128xf32, #tpu.memory_space<vmem_shared>>
          tpu.wait_dma2 semaphore(%run_scoped3A : memref<!tpu.dma_semaphore, #tpu.memory_space<semaphore_mem>>) src(%dma_wait3A_137 : memref<16x128xf32, #tpu.memory_space<vmem_shared>>) dst(%dma_wait3A_134 : memref<16x128xf32, #tpu.memory_space<hbm>>)
          tpu.yield
        }) : () -> ()
      } else {
      }
    } else {
    }
    %eq3A_4 = arith.constant 1 : i32
    %eq3A_5 = arith.cmpi eq, %arg0, %eq3A_4 : i32
    %convert_element_type3A_6 = arith.extui %eq3A_5 : i1 to i32
    %cond3A_7 = arith.constant 0 : i32
    %cond3A_8 = arith.cmpi ne, %convert_element_type3A_6, %cond3A_7 : i32
    scf.if %cond3A_8 {
      %mul3A_9 = arith.constant 10000 : i32
      %mul3A_10 = arith.muli %arg1, %mul3A_9 : i32
      %scan3A = arith.constant 0 : i32
      %scan3A_11 = arith.constant 80 : i32
      %scan3A_12 = arith.addi %scan3A, %scan3A_11 : i32
      %scan3A_13 = arith.constant 1 : i32
      scf.for %scan3A_126 = %scan3A to %scan3A_12 step %scan3A_13  : i32 {
        %mul3A_127 = arith.constant 1 : i32
        %mul3A_128 = arith.muli %scan3A_126, %mul3A_127 : i32
        %add3A_129 = arith.constant 0 : i32
        %add3A_130 = arith.addi %add3A_129, %mul3A_128 : i32
        %swap3A = arith.index_cast %add3A_130 : i32 to index
        %swap3A_131 = arith.constant 0 : index
        %swap3A_132 = tpu.vector_load %arg22[%swap3A, %swap3A_131] {strides = array<i32>} : memref<80x128xf32, #tpu.memory_space<vmem>>, vector<16xf32>,
        tpu.vector_store %arg22[%swap3A, %swap3A_131], %broadcast_in_dim3A_1 {strides = array<i32>} : memref<80x128xf32, #tpu.memory_space<vmem>>, vector<16xf32>,
        %swap3A_133 = arith.index_cast %add3A_130 : i32 to index
        %swap3A_134 = arith.constant 16 : index
        %swap3A_135 = tpu.vector_load %arg22[%swap3A_133, %swap3A_134] {strides = array<i32>} : memref<80x128xf32, #tpu.memory_space<vmem>>, vector<16xf32>,
        tpu.vector_store %arg22[%swap3A_133, %swap3A_134], %broadcast_in_dim3A_1 {strides = array<i32>} : memref<80x128xf32, #tpu.memory_space<vmem>>, vector<16xf32>,
        %swap3A_136 = arith.index_cast %add3A_130 : i32 to index
        %swap3A_137 = arith.constant 32 : index
        %swap3A_138 = tpu.vector_load %arg22[%swap3A_136, %swap3A_137] {strides = array<i32>} : memref<80x128xf32, #tpu.memory_space<vmem>>, vector<16xf32>,
        tpu.vector_store %arg22[%swap3A_136, %swap3A_137], %broadcast_in_dim3A_1 {strides = array<i32>} : memref<80x128xf32, #tpu.memory_space<vmem>>, vector<16xf32>,
        %swap3A_139 = arith.index_cast %add3A_130 : i32 to index
        %swap3A_140 = arith.constant 48 : index
        %swap3A_141 = tpu.vector_load %arg22[%swap3A_139, %swap3A_140] {strides = array<i32>} : memref<80x128xf32, #tpu.memory_space<vmem>>, vector<16xf32>,
        tpu.vector_store %arg22[%swap3A_139, %swap3A_140], %broadcast_in_dim3A_1 {strides = array<i32>} : memref<80x128xf32, #tpu.memory_space<vmem>>, vector<16xf32>,
        %swap3A_142 = arith.index_cast %add3A_130 : i32 to index
        %swap3A_143 = arith.constant 64 : index
        %swap3A_144 = tpu.vector_load %arg22[%swap3A_142, %swap3A_143] {strides = array<i32>} : memref<80x128xf32, #tpu.memory_space<vmem>>, vector<16xf32>,
        tpu.vector_store %arg22[%swap3A_142, %swap3A_143], %broadcast_in_dim3A_1 {strides = array<i32>} : memref<80x128xf32, #tpu.memory_space<vmem>>, vector<16xf32>,
        %swap3A_145 = arith.index_cast %add3A_130 : i32 to index
        %swap3A_146 = arith.constant 80 : index
        %swap3A_147 = tpu.vector_load %arg22[%swap3A_145, %swap3A_146] {strides = array<i32>} : memref<80x128xf32, #tpu.memory_space<vmem>>, vector<16xf32>,
        tpu.vector_store %arg22[%swap3A_145, %swap3A_146], %broadcast_in_dim3A_1 {strides = array<i32>} : memref<80x128xf32, #tpu.memory_space<vmem>>, vector<16xf32>,
        %swap3A_148 = arith.index_cast %add3A_130 : i32 to index
        %swap3A_149 = arith.constant 96 : index
        %swap3A_150 = tpu.vector_load %arg22[%swap3A_148, %swap3A_149] {strides = array<i32>} : memref<80x128xf32, #tpu.memory_space<vmem>>, vector<16xf32>,
        tpu.vector_store %arg22[%swap3A_148, %swap3A_149], %broadcast_in_dim3A_1 {strides = array<i32>} : memref<80x128xf32, #tpu.memory_space<vmem>>, vector<16xf32>,
        %swap3A_151 = arith.index_cast %add3A_130 : i32 to index
        %swap3A_152 = arith.constant 112 : index
        %swap3A_153 = tpu.vector_load %arg22[%swap3A_151, %swap3A_152] {strides = array<i32>} : memref<80x128xf32, #tpu.memory_space<vmem>>, vector<16xf32>,
        tpu.vector_store %arg22[%swap3A_151, %swap3A_152], %broadcast_in_dim3A_1 {strides = array<i32>} : memref<80x128xf32, #tpu.memory_space<vmem>>, vector<16xf32>,
      }
      %scan3A_14 = arith.constant 80 : i32
      %add3A = arith.constant 0 : i32
      %add3A_15 = arith.addi %mul3A_0, %add3A : i32
      "tpu.region"() ({
        %run_scoped3A = tpu.sem_alloc : memref<!tpu.dma_semaphore, #tpu.memory_space<semaphore_mem>>
        %dma_start3A_126 = arith.constant 0 : i32
        %dma_start3A_127 = tpu.memref_slice %arg9[%add3A_15, %dma_start3A_126] : memref<10000x128xf32, #tpu.memory_space<vmem_shared>> -> memref<80x128xf32, #tpu.memory_space<vmem_shared>>
        %dma_start3A_128 = arith.constant 0 : i32
        %dma_start3A_129 = tpu.memref_slice %arg9[%add3A_15, %dma_start3A_128] : memref<10000x128xf32, #tpu.memory_space<vmem_shared>> -> memref<80x128xf32, #tpu.memory_space<vmem_shared>>
        tpu.enqueue_dma source(%arg22 : memref<80x128xf32, #tpu.memory_space<vmem>>) target(%dma_start3A_129 : memref<80x128xf32, #tpu.memory_space<vmem_shared>>) target_semaphore(%run_scoped3A : memref<!tpu.dma_semaphore, #tpu.memory_space<semaphore_mem>>)
        %dma_wait3A_130 = arith.constant 0 : i32
        %dma_wait3A_131 = tpu.memref_slice %arg9[%add3A_15, %dma_wait3A_130] : memref<10000x128xf32, #tpu.memory_space<vmem_shared>> -> memref<80x128xf32, #tpu.memory_space<vmem_shared>>
        %dma_wait3A_132 = arith.constant 0 : i32
        %dma_wait3A_133 = tpu.memref_slice %arg9[%add3A_15, %dma_wait3A_132] : memref<10000x128xf32, #tpu.memory_space<vmem_shared>> -> memref<80x128xf32, #tpu.memory_space<vmem_shared>>
        tpu.wait_dma2 semaphore(%run_scoped3A : memref<!tpu.dma_semaphore, #tpu.memory_space<semaphore_mem>>) src(%arg22 : memref<80x128xf32, #tpu.memory_space<vmem>>) dst(%dma_wait3A_133 : memref<80x128xf32, #tpu.memory_space<vmem_shared>>)
        tpu.yield
      }) : () -> ()
      %add3A_16 = arith.constant 80 : i32
      %add3A_17 = arith.addi %mul3A_0, %add3A_16 : i32
      "tpu.region"() ({
        %run_scoped3A = tpu.sem_alloc : memref<!tpu.dma_semaphore, #tpu.memory_space<semaphore_mem>>
        %dma_start3A_126 = arith.constant 0 : i32
        %dma_start3A_127 = tpu.memref_slice %arg9[%add3A_17, %dma_start3A_126] : memref<10000x128xf32, #tpu.memory_space<vmem_shared>> -> memref<80x128xf32, #tpu.memory_space<vmem_shared>>
        %dma_start3A_128 = arith.constant 0 : i32
        %dma_start3A_129 = tpu.memref_slice %arg9[%add3A_17, %dma_start3A_128] : memref<10000x128xf32, #tpu.memory_space<vmem_shared>> -> memref<80x128xf32, #tpu.memory_space<vmem_shared>>
        tpu.enqueue_dma source(%arg22 : memref<80x128xf32, #tpu.memory_space<vmem>>) target(%dma_start3A_129 : memref<80x128xf32, #tpu.memory_space<vmem_shared>>) target_semaphore(%run_scoped3A : memref<!tpu.dma_semaphore, #tpu.memory_space<semaphore_mem>>)
        %dma_wait3A_130 = arith.constant 0 : i32
        %dma_wait3A_131 = tpu.memref_slice %arg9[%add3A_17, %dma_wait3A_130] : memref<10000x128xf32, #tpu.memory_space<vmem_shared>> -> memref<80x128xf32, #tpu.memory_space<vmem_shared>>
        %dma_wait3A_132 = arith.constant 0 : i32
        %dma_wait3A_133 = tpu.memref_slice %arg9[%add3A_17, %dma_wait3A_132] : memref<10000x128xf32, #tpu.memory_space<vmem_shared>> -> memref<80x128xf32, #tpu.memory_space<vmem_shared>>
        tpu.wait_dma2 semaphore(%run_scoped3A : memref<!tpu.dma_semaphore, #tpu.memory_space<semaphore_mem>>) src(%arg22 : memref<80x128xf32, #tpu.memory_space<vmem>>) dst(%dma_wait3A_133 : memref<80x128xf32, #tpu.memory_space<vmem_shared>>)
        tpu.yield
      }) : () -> ()
      %add3A_18 = arith.constant 160 : i32
      %add3A_19 = arith.addi %mul3A_0, %add3A_18 : i32
      "tpu.region"() ({
        %run_scoped3A = tpu.sem_alloc : memref<!tpu.dma_semaphore, #tpu.memory_space<semaphore_mem>>
        %dma_start3A_126 = arith.constant 0 : i32
        %dma_start3A_127 = tpu.memref_slice %arg9[%add3A_19, %dma_start3A_126] : memref<10000x128xf32, #tpu.memory_space<vmem_shared>> -> memref<80x128xf32, #tpu.memory_space<vmem_shared>>
        %dma_start3A_128 = arith.constant 0 : i32
        %dma_start3A_129 = tpu.memref_slice %arg9[%add3A_19, %dma_start3A_128] : memref<10000x128xf32, #tpu.memory_space<vmem_shared>> -> memref<80x128xf32, #tpu.memory_space<vmem_shared>>
        tpu.enqueue_dma source(%arg22 : memref<80x128xf32, #tpu.memory_space<vmem>>) target(%dma_start3A_129 : memref<80x128xf32, #tpu.memory_space<vmem_shared>>) target_semaphore(%run_scoped3A : memref<!tpu.dma_semaphore, #tpu.memory_space<semaphore_mem>>)
        %dma_wait3A_130 = arith.constant 0 : i32
        %dma_wait3A_131 = tpu.memref_slice %arg9[%add3A_19, %dma_wait3A_130] : memref<10000x128xf32, #tpu.memory_space<vmem_shared>> -> memref<80x128xf32, #tpu.memory_space<vmem_shared>>
        %dma_wait3A_132 = arith.constant 0 : i32
        %dma_wait3A_133 = tpu.memref_slice %arg9[%add3A_19, %dma_wait3A_132] : memref<10000x128xf32, #tpu.memory_space<vmem_shared>> -> memref<80x128xf32, #tpu.memory_space<vmem_shared>>
        tpu.wait_dma2 semaphore(%run_scoped3A : memref<!tpu.dma_semaphore, #tpu.memory_space<semaphore_mem>>) src(%arg22 : memref<80x128xf32, #tpu.memory_space<vmem>>) dst(%dma_wait3A_133 : memref<80x128xf32, #tpu.memory_space<vmem_shared>>)
        tpu.yield
      }) : () -> ()
      %add3A_20 = arith.constant 240 : i32
      %add3A_21 = arith.addi %mul3A_0, %add3A_20 : i32
      "tpu.region"() ({
        %run_scoped3A = tpu.sem_alloc : memref<!tpu.dma_semaphore, #tpu.memory_space<semaphore_mem>>
        %dma_start3A_126 = arith.constant 0 : i32
        %dma_start3A_127 = tpu.memref_slice %arg9[%add3A_21, %dma_start3A_126] : memref<10000x128xf32, #tpu.memory_space<vmem_shared>> -> memref<80x128xf32, #tpu.memory_space<vmem_shared>>
        %dma_start3A_128 = arith.constant 0 : i32
        %dma_start3A_129 = tpu.memref_slice %arg9[%add3A_21, %dma_start3A_128] : memref<10000x128xf32, #tpu.memory_space<vmem_shared>> -> memref<80x128xf32, #tpu.memory_space<vmem_shared>>
        tpu.enqueue_dma source(%arg22 : memref<80x128xf32, #tpu.memory_space<vmem>>) target(%dma_start3A_129 : memref<80x128xf32, #tpu.memory_space<vmem_shared>>) target_semaphore(%run_scoped3A : memref<!tpu.dma_semaphore, #tpu.memory_space<semaphore_mem>>)
        %dma_wait3A_130 = arith.constant 0 : i32
        %dma_wait3A_131 = tpu.memref_slice %arg9[%add3A_21, %dma_wait3A_130] : memref<10000x128xf32, #tpu.memory_space<vmem_shared>> -> memref<80x128xf32, #tpu.memory_space<vmem_shared>>
        %dma_wait3A_132 = arith.constant 0 : i32
        %dma_wait3A_133 = tpu.memref_slice %arg9[%add3A_21, %dma_wait3A_132] : memref<10000x128xf32, #tpu.memory_space<vmem_shared>> -> memref<80x128xf32, #tpu.memory_space<vmem_shared>>
        tpu.wait_dma2 semaphore(%run_scoped3A : memref<!tpu.dma_semaphore, #tpu.memory_space<semaphore_mem>>) src(%arg22 : memref<80x128xf32, #tpu.memory_space<vmem>>) dst(%dma_wait3A_133 : memref<80x128xf32, #tpu.memory_space<vmem_shared>>)
        tpu.yield
      }) : () -> ()
      %add3A_22 = arith.constant 320 : i32
      %add3A_23 = arith.addi %mul3A_0, %add3A_22 : i32
      "tpu.region"() ({
        %run_scoped3A = tpu.sem_alloc : memref<!tpu.dma_semaphore, #tpu.memory_space<semaphore_mem>>
        %dma_start3A_126 = arith.constant 0 : i32
        %dma_start3A_127 = tpu.memref_slice %arg9[%add3A_23, %dma_start3A_126] : memref<10000x128xf32, #tpu.memory_space<vmem_shared>> -> memref<80x128xf32, #tpu.memory_space<vmem_shared>>
        %dma_start3A_128 = arith.constant 0 : i32
        %dma_start3A_129 = tpu.memref_slice %arg9[%add3A_23, %dma_start3A_128] : memref<10000x128xf32, #tpu.memory_space<vmem_shared>> -> memref<80x128xf32, #tpu.memory_space<vmem_shared>>
        tpu.enqueue_dma source(%arg22 : memref<80x128xf32, #tpu.memory_space<vmem>>) target(%dma_start3A_129 : memref<80x128xf32, #tpu.memory_space<vmem_shared>>) target_semaphore(%run_scoped3A : memref<!tpu.dma_semaphore, #tpu.memory_space<semaphore_mem>>)
        %dma_wait3A_130 = arith.constant 0 : i32
        %dma_wait3A_131 = tpu.memref_slice %arg9[%add3A_23, %dma_wait3A_130] : memref<10000x128xf32, #tpu.memory_space<vmem_shared>> -> memref<80x128xf32, #tpu.memory_space<vmem_shared>>
        %dma_wait3A_132 = arith.constant 0 : i32
        %dma_wait3A_133 = tpu.memref_slice %arg9[%add3A_23, %dma_wait3A_132] : memref<10000x128xf32, #tpu.memory_space<vmem_shared>> -> memref<80x128xf32, #tpu.memory_space<vmem_shared>>
        tpu.wait_dma2 semaphore(%run_scoped3A : memref<!tpu.dma_semaphore, #tpu.memory_space<semaphore_mem>>) src(%arg22 : memref<80x128xf32, #tpu.memory_space<vmem>>) dst(%dma_wait3A_133 : memref<80x128xf32, #tpu.memory_space<vmem_shared>>)
        tpu.yield
      }) : () -> ()
      %add3A_24 = arith.constant 400 : i32
      %add3A_25 = arith.addi %mul3A_0, %add3A_24 : i32
      "tpu.region"() ({
        %run_scoped3A = tpu.sem_alloc : memref<!tpu.dma_semaphore, #tpu.memory_space<semaphore_mem>>
        %dma_start3A_126 = arith.constant 0 : i32
        %dma_start3A_127 = tpu.memref_slice %arg9[%add3A_25, %dma_start3A_126] : memref<10000x128xf32, #tpu.memory_space<vmem_shared>> -> memref<80x128xf32, #tpu.memory_space<vmem_shared>>
        %dma_start3A_128 = arith.constant 0 : i32
        %dma_start3A_129 = tpu.memref_slice %arg9[%add3A_25, %dma_start3A_128] : memref<10000x128xf32, #tpu.memory_space<vmem_shared>> -> memref<80x128xf32, #tpu.memory_space<vmem_shared>>
        tpu.enqueue_dma source(%arg22 : memref<80x128xf32, #tpu.memory_space<vmem>>) target(%dma_start3A_129 : memref<80x128xf32, #tpu.memory_space<vmem_shared>>) target_semaphore(%run_scoped3A : memref<!tpu.dma_semaphore, #tpu.memory_space<semaphore_mem>>)
        %dma_wait3A_130 = arith.constant 0 : i32
        %dma_wait3A_131 = tpu.memref_slice %arg9[%add3A_25, %dma_wait3A_130] : memref<10000x128xf32, #tpu.memory_space<vmem_shared>> -> memref<80x128xf32, #tpu.memory_space<vmem_shared>>
        %dma_wait3A_132 = arith.constant 0 : i32
        %dma_wait3A_133 = tpu.memref_slice %arg9[%add3A_25, %dma_wait3A_132] : memref<10000x128xf32, #tpu.memory_space<vmem_shared>> -> memref<80x128xf32, #tpu.memory_space<vmem_shared>>
        tpu.wait_dma2 semaphore(%run_scoped3A : memref<!tpu.dma_semaphore, #tpu.memory_space<semaphore_mem>>) src(%arg22 : memref<80x128xf32, #tpu.memory_space<vmem>>) dst(%dma_wait3A_133 : memref<80x128xf32, #tpu.memory_space<vmem_shared>>)
        tpu.yield
      }) : () -> ()
      %add3A_26 = arith.constant 480 : i32
      %add3A_27 = arith.addi %mul3A_0, %add3A_26 : i32
      "tpu.region"() ({
        %run_scoped3A = tpu.sem_alloc : memref<!tpu.dma_semaphore, #tpu.memory_space<semaphore_mem>>
        %dma_start3A_126 = arith.constant 0 : i32
        %dma_start3A_127 = tpu.memref_slice %arg9[%add3A_27, %dma_start3A_126] : memref<10000x128xf32, #tpu.memory_space<vmem_shared>> -> memref<80x128xf32, #tpu.memory_space<vmem_shared>>
        %dma_start3A_128 = arith.constant 0 : i32
        %dma_start3A_129 = tpu.memref_slice %arg9[%add3A_27, %dma_start3A_128] : memref<10000x128xf32, #tpu.memory_space<vmem_shared>> -> memref<80x128xf32, #tpu.memory_space<vmem_shared>>
        tpu.enqueue_dma source(%arg22 : memref<80x128xf32, #tpu.memory_space<vmem>>) target(%dma_start3A_129 : memref<80x128xf32, #tpu.memory_space<vmem_shared>>) target_semaphore(%run_scoped3A : memref<!tpu.dma_semaphore, #tpu.memory_space<semaphore_mem>>)
        %dma_wait3A_130 = arith.constant 0 : i32
        %dma_wait3A_131 = tpu.memref_slice %arg9[%add3A_27, %dma_wait3A_130] : memref<10000x128xf32, #tpu.memory_space<vmem_shared>> -> memref<80x128xf32, #tpu.memory_space<vmem_shared>>
        %dma_wait3A_132 = arith.constant 0 : i32
        %dma_wait3A_133 = tpu.memref_slice %arg9[%add3A_27, %dma_wait3A_132] : memref<10000x128xf32, #tpu.memory_space<vmem_shared>> -> memref<80x128xf32, #tpu.memory_space<vmem_shared>>
        tpu.wait_dma2 semaphore(%run_scoped3A : memref<!tpu.dma_semaphore, #tpu.memory_space<semaphore_mem>>) src(%arg22 : memref<80x128xf32, #tpu.memory_space<vmem>>) dst(%dma_wait3A_133 : memref<80x128xf32, #tpu.memory_space<vmem_shared>>)
        tpu.yield
      }) : () -> ()
      %add3A_28 = arith.constant 560 : i32
      %add3A_29 = arith.addi %mul3A_0, %add3A_28 : i32
      "tpu.region"() ({
        %run_scoped3A = tpu.sem_alloc : memref<!tpu.dma_semaphore, #tpu.memory_space<semaphore_mem>>
        %dma_start3A_126 = arith.constant 0 : i32
        %dma_start3A_127 = arith.constant 0 : i32
        %dma_start3A_128 = tpu.memref_slice %arg22[%dma_start3A_126, %dma_start3A_127] : memref<80x128xf32, #tpu.memory_space<vmem>> -> memref<64x128xf32, #tpu.memory_space<vmem>>
        %dma_start3A_129 = arith.constant 0 : i32
        %dma_start3A_130 = tpu.memref_slice %arg9[%add3A_29, %dma_start3A_129] : memref<10000x128xf32, #tpu.memory_space<vmem_shared>> -> memref<64x128xf32, #tpu.memory_space<vmem_shared>>
        %dma_start3A_131 = arith.constant 0 : i32
        %dma_start3A_132 = tpu.memref_slice %arg9[%add3A_29, %dma_start3A_131] : memref<10000x128xf32, #tpu.memory_space<vmem_shared>> -> memref<64x128xf32, #tpu.memory_space<vmem_shared>>
        %dma_start3A_133 = arith.constant 0 : i32
        %dma_start3A_134 = arith.constant 0 : i32
        %dma_start3A_135 = tpu.memref_slice %arg22[%dma_start3A_133, %dma_start3A_134] : memref<80x128xf32, #tpu.memory_space<vmem>> -> memref<64x128xf32, #tpu.memory_space<vmem>>
        tpu.enqueue_dma source(%dma_start3A_135 : memref<64x128xf32, #tpu.memory_space<vmem>>) target(%dma_start3A_132 : memref<64x128xf32, #tpu.memory_space<vmem_shared>>) target_semaphore(%run_scoped3A : memref<!tpu.dma_semaphore, #tpu.memory_space<semaphore_mem>>)
        %dma_wait3A_136 = arith.constant 0 : i32
        %dma_wait3A_137 = arith.constant 0 : i32
        %dma_wait3A_138 = tpu.memref_slice %arg22[%dma_wait3A_136, %dma_wait3A_137] : memref<80x128xf32, #tpu.memory_space<vmem>> -> memref<64x128xf32, #tpu.memory_space<vmem>>
        %dma_wait3A_139 = arith.constant 0 : i32
        %dma_wait3A_140 = tpu.memref_slice %arg9[%add3A_29, %dma_wait3A_139] : memref<10000x128xf32, #tpu.memory_space<vmem_shared>> -> memref<64x128xf32, #tpu.memory_space<vmem_shared>>
        %dma_wait3A_141 = arith.constant 0 : i32
        %dma_wait3A_142 = tpu.memref_slice %arg9[%add3A_29, %dma_wait3A_141] : memref<10000x128xf32, #tpu.memory_space<vmem_shared>> -> memref<64x128xf32, #tpu.memory_space<vmem_shared>>
        %dma_wait3A_143 = arith.constant 0 : i32
        %dma_wait3A_144 = arith.constant 0 : i32
        %dma_wait3A_145 = tpu.memref_slice %arg22[%dma_wait3A_143, %dma_wait3A_144] : memref<80x128xf32, #tpu.memory_space<vmem>> -> memref<64x128xf32, #tpu.memory_space<vmem>>
        tpu.wait_dma2 semaphore(%run_scoped3A : memref<!tpu.dma_semaphore, #tpu.memory_space<semaphore_mem>>) src(%dma_wait3A_145 : memref<64x128xf32, #tpu.memory_space<vmem>>) dst(%dma_wait3A_142 : memref<64x128xf32, #tpu.memory_space<vmem_shared>>)
        tpu.yield
      }) : () -> ()
      %eq3A_30 = arith.constant 15 : i32
      %eq3A_31 = arith.cmpi eq, %arg1, %eq3A_30 : i32
      %convert_element_type3A_32 = arith.extui %eq3A_31 : i1 to i32
      %cond3A_33 = arith.constant 0 : i32
      %cond3A_34 = arith.cmpi ne, %convert_element_type3A_32, %cond3A_33 : i32
      scf.if %cond3A_34 {
        "tpu.region"() ({
          %run_scoped3A = tpu.sem_alloc : memref<!tpu.dma_semaphore, #tpu.memory_space<semaphore_mem>>
          %dma_start3A_126 = arith.constant 0 : i32
          %dma_start3A_127 = arith.constant 0 : i32
          %dma_start3A_128 = tpu.memref_slice %arg22[%dma_start3A_126, %dma_start3A_127] : memref<80x128xf32, #tpu.memory_space<vmem>> -> memref<16x128xf32, #tpu.memory_space<vmem>>
          %dma_start3A_129 = arith.constant 9984 : i32
          %dma_start3A_130 = arith.constant 0 : i32
          %dma_start3A_131 = tpu.memref_slice %arg9[%dma_start3A_129, %dma_start3A_130] : memref<10000x128xf32, #tpu.memory_space<vmem_shared>> -> memref<16x128xf32, #tpu.memory_space<vmem_shared>>
          %dma_start3A_132 = arith.constant 9984 : i32
          %dma_start3A_133 = arith.constant 0 : i32
          %dma_start3A_134 = tpu.memref_slice %arg9[%dma_start3A_132, %dma_start3A_133] : memref<10000x128xf32, #tpu.memory_space<vmem_shared>> -> memref<16x128xf32, #tpu.memory_space<vmem_shared>>
          %dma_start3A_135 = arith.constant 0 : i32
          %dma_start3A_136 = arith.constant 0 : i32
          %dma_start3A_137 = tpu.memref_slice %arg22[%dma_start3A_135, %dma_start3A_136] : memref<80x128xf32, #tpu.memory_space<vmem>> -> memref<16x128xf32, #tpu.memory_space<vmem>>
          tpu.enqueue_dma source(%dma_start3A_137 : memref<16x128xf32, #tpu.memory_space<vmem>>) target(%dma_start3A_134 : memref<16x128xf32, #tpu.memory_space<vmem_shared>>) target_semaphore(%run_scoped3A : memref<!tpu.dma_semaphore, #tpu.memory_space<semaphore_mem>>)
          %dma_wait3A_138 = arith.constant 0 : i32
          %dma_wait3A_139 = arith.constant 0 : i32
          %dma_wait3A_140 = tpu.memref_slice %arg22[%dma_wait3A_138, %dma_wait3A_139] : memref<80x128xf32, #tpu.memory_space<vmem>> -> memref<16x128xf32, #tpu.memory_space<vmem>>
          %dma_wait3A_141 = arith.constant 9984 : i32
          %dma_wait3A_142 = arith.constant 0 : i32
          %dma_wait3A_143 = tpu.memref_slice %arg9[%dma_wait3A_141, %dma_wait3A_142] : memref<10000x128xf32, #tpu.memory_space<vmem_shared>> -> memref<16x128xf32, #tpu.memory_space<vmem_shared>>
          %dma_wait3A_144 = arith.constant 9984 : i32
          %dma_wait3A_145 = arith.constant 0 : i32
          %dma_wait3A_146 = tpu.memref_slice %arg9[%dma_wait3A_144, %dma_wait3A_145] : memref<10000x128xf32, #tpu.memory_space<vmem_shared>> -> memref<16x128xf32, #tpu.memory_space<vmem_shared>>
          %dma_wait3A_147 = arith.constant 0 : i32
          %dma_wait3A_148 = arith.constant 0 : i32
          %dma_wait3A_149 = tpu.memref_slice %arg22[%dma_wait3A_147, %dma_wait3A_148] : memref<80x128xf32, #tpu.memory_space<vmem>> -> memref<16x128xf32, #tpu.memory_space<vmem>>
          tpu.wait_dma2 semaphore(%run_scoped3A : memref<!tpu.dma_semaphore, #tpu.memory_space<semaphore_mem>>) src(%dma_wait3A_149 : memref<16x128xf32, #tpu.memory_space<vmem>>) dst(%dma_wait3A_146 : memref<16x128xf32, #tpu.memory_space<vmem_shared>>)
          tpu.yield
        }) : () -> ()
      } else {
      }
      %barrier3A = arith.constant 0 : index
      tpu.barrier barrier_id(%barrier3A)
      %add3A_35 = arith.constant 0 : i32
      %add3A_36 = arith.addi %mul3A_10, %add3A_35 : i32
      %dma_start3A = tpu.memref_slice %arg4[%add3A_36] : memref<160000xi32, #tpu.memory_space<hbm>> -> memref<80xi32, #tpu.memory_space<hbm>>
      %dma_start3A_37 = tpu.memref_slice %arg4[%add3A_36] : memref<160000xi32, #tpu.memory_space<hbm>> -> memref<80xi32, #tpu.memory_space<hbm>>
      tpu.enqueue_dma source(%dma_start3A_37 : memref<80xi32, #tpu.memory_space<hbm>>) target(%arg10 : memref<80xi32, #tpu.memory_space<vmem>>) target_semaphore(%arg26 : memref<!tpu.dma_semaphore, #tpu.memory_space<semaphore_mem>>)
      %dma_start3A_38 = tpu.memref_slice %arg5[%add3A_36] : memref<160000xi32, #tpu.memory_space<hbm>> -> memref<80xi32, #tpu.memory_space<hbm>>
      %dma_start3A_39 = tpu.memref_slice %arg5[%add3A_36] : memref<160000xi32, #tpu.memory_space<hbm>> -> memref<80xi32, #tpu.memory_space<hbm>>
      tpu.enqueue_dma source(%dma_start3A_39 : memref<80xi32, #tpu.memory_space<hbm>>) target(%arg14 : memref<80xi32, #tpu.memory_space<vmem>>) target_semaphore(%arg26 : memref<!tpu.dma_semaphore, #tpu.memory_space<semaphore_mem>>)
      %dma_start3A_40 = tpu.memref_slice %arg6[%add3A_36] : memref<160000xf32, #tpu.memory_space<hbm>> -> memref<80xf32, #tpu.memory_space<hbm>>
      %dma_start3A_41 = tpu.memref_slice %arg6[%add3A_36] : memref<160000xf32, #tpu.memory_space<hbm>> -> memref<80xf32, #tpu.memory_space<hbm>>
      tpu.enqueue_dma source(%dma_start3A_41 : memref<80xf32, #tpu.memory_space<hbm>>) target(%arg18 : memref<80xf32, #tpu.memory_space<vmem>>) target_semaphore(%arg26 : memref<!tpu.dma_semaphore, #tpu.memory_space<semaphore_mem>>)
      %add3A_42 = arith.constant 80 : i32
      %add3A_43 = arith.addi %mul3A_10, %add3A_42 : i32
      %dma_start3A_44 = tpu.memref_slice %arg4[%add3A_43] : memref<160000xi32, #tpu.memory_space<hbm>> -> memref<80xi32, #tpu.memory_space<hbm>>
      %dma_start3A_45 = tpu.memref_slice %arg4[%add3A_43] : memref<160000xi32, #tpu.memory_space<hbm>> -> memref<80xi32, #tpu.memory_space<hbm>>
      tpu.enqueue_dma source(%dma_start3A_45 : memref<80xi32, #tpu.memory_space<hbm>>) target(%arg11 : memref<80xi32, #tpu.memory_space<vmem>>) target_semaphore(%arg27 : memref<!tpu.dma_semaphore, #tpu.memory_space<semaphore_mem>>)
      %dma_start3A_46 = tpu.memref_slice %arg5[%add3A_43] : memref<160000xi32, #tpu.memory_space<hbm>> -> memref<80xi32, #tpu.memory_space<hbm>>
      %dma_start3A_47 = tpu.memref_slice %arg5[%add3A_43] : memref<160000xi32, #tpu.memory_space<hbm>> -> memref<80xi32, #tpu.memory_space<hbm>>
      tpu.enqueue_dma source(%dma_start3A_47 : memref<80xi32, #tpu.memory_space<hbm>>) target(%arg15 : memref<80xi32, #tpu.memory_space<vmem>>) target_semaphore(%arg27 : memref<!tpu.dma_semaphore, #tpu.memory_space<semaphore_mem>>)
      %dma_start3A_48 = tpu.memref_slice %arg6[%add3A_43] : memref<160000xf32, #tpu.memory_space<hbm>> -> memref<80xf32, #tpu.memory_space<hbm>>
      %dma_start3A_49 = tpu.memref_slice %arg6[%add3A_43] : memref<160000xf32, #tpu.memory_space<hbm>> -> memref<80xf32, #tpu.memory_space<hbm>>
      tpu.enqueue_dma source(%dma_start3A_49 : memref<80xf32, #tpu.memory_space<hbm>>) target(%arg19 : memref<80xf32, #tpu.memory_space<vmem>>) target_semaphore(%arg27 : memref<!tpu.dma_semaphore, #tpu.memory_space<semaphore_mem>>)
      %add3A_50 = arith.constant 160 : i32
      %add3A_51 = arith.addi %mul3A_10, %add3A_50 : i32
      %dma_start3A_52 = tpu.memref_slice %arg4[%add3A_51] : memref<160000xi32, #tpu.memory_space<hbm>> -> memref<80xi32, #tpu.memory_space<hbm>>
      %dma_start3A_53 = tpu.memref_slice %arg4[%add3A_51] : memref<160000xi32, #tpu.memory_space<hbm>> -> memref<80xi32, #tpu.memory_space<hbm>>
      tpu.enqueue_dma source(%dma_start3A_53 : memref<80xi32, #tpu.memory_space<hbm>>) target(%arg12 : memref<80xi32, #tpu.memory_space<vmem>>) target_semaphore(%arg28 : memref<!tpu.dma_semaphore, #tpu.memory_space<semaphore_mem>>)
      %dma_start3A_54 = tpu.memref_slice %arg5[%add3A_51] : memref<160000xi32, #tpu.memory_space<hbm>> -> memref<80xi32, #tpu.memory_space<hbm>>
      %dma_start3A_55 = tpu.memref_slice %arg5[%add3A_51] : memref<160000xi32, #tpu.memory_space<hbm>> -> memref<80xi32, #tpu.memory_space<hbm>>
      tpu.enqueue_dma source(%dma_start3A_55 : memref<80xi32, #tpu.memory_space<hbm>>) target(%arg16 : memref<80xi32, #tpu.memory_space<vmem>>) target_semaphore(%arg28 : memref<!tpu.dma_semaphore, #tpu.memory_space<semaphore_mem>>)
      %dma_start3A_56 = tpu.memref_slice %arg6[%add3A_51] : memref<160000xf32, #tpu.memory_space<hbm>> -> memref<80xf32, #tpu.memory_space<hbm>>
      %dma_start3A_57 = tpu.memref_slice %arg6[%add3A_51] : memref<160000xf32, #tpu.memory_space<hbm>> -> memref<80xf32, #tpu.memory_space<hbm>>
      tpu.enqueue_dma source(%dma_start3A_57 : memref<80xf32, #tpu.memory_space<hbm>>) target(%arg20 : memref<80xf32, #tpu.memory_space<vmem>>) target_semaphore(%arg28 : memref<!tpu.dma_semaphore, #tpu.memory_space<semaphore_mem>>)
      %add3A_58 = arith.constant 0 : i32
      %add3A_59 = arith.addi %mul3A_10, %add3A_58 : i32
      %dma_wait3A = tpu.memref_slice %arg4[%add3A_59] : memref<160000xi32, #tpu.memory_space<hbm>> -> memref<80xi32, #tpu.memory_space<hbm>>
      %dma_wait3A_60 = tpu.memref_slice %arg4[%add3A_59] : memref<160000xi32, #tpu.memory_space<hbm>> -> memref<80xi32, #tpu.memory_space<hbm>>
      tpu.wait_dma2 semaphore(%arg26 : memref<!tpu.dma_semaphore, #tpu.memory_space<semaphore_mem>>) src(%dma_wait3A_60 : memref<80xi32, #tpu.memory_space<hbm>>) dst(%arg10 : memref<80xi32, #tpu.memory_space<vmem>>)
      %dma_wait3A_61 = tpu.memref_slice %arg5[%add3A_59] : memref<160000xi32, #tpu.memory_space<hbm>> -> memref<80xi32, #tpu.memory_space<hbm>>
      %dma_wait3A_62 = tpu.memref_slice %arg5[%add3A_59] : memref<160000xi32, #tpu.memory_space<hbm>> -> memref<80xi32, #tpu.memory_space<hbm>>
      tpu.wait_dma2 semaphore(%arg26 : memref<!tpu.dma_semaphore, #tpu.memory_space<semaphore_mem>>) src(%dma_wait3A_62 : memref<80xi32, #tpu.memory_space<hbm>>) dst(%arg14 : memref<80xi32, #tpu.memory_space<vmem>>)
      %dma_wait3A_63 = tpu.memref_slice %arg6[%add3A_59] : memref<160000xf32, #tpu.memory_space<hbm>> -> memref<80xf32, #tpu.memory_space<hbm>>
      %dma_wait3A_64 = tpu.memref_slice %arg6[%add3A_59] : memref<160000xf32, #tpu.memory_space<hbm>> -> memref<80xf32, #tpu.memory_space<hbm>>
      tpu.wait_dma2 semaphore(%arg26 : memref<!tpu.dma_semaphore, #tpu.memory_space<semaphore_mem>>) src(%dma_wait3A_64 : memref<80xf32, #tpu.memory_space<hbm>>) dst(%arg18 : memref<80xf32, #tpu.memory_space<vmem>>)
      %dma_start3A_65 = arith.constant 0 : i32
      %dma_start3A_66 = arith.constant 0 : i32
      %dma_start3A_67 = tpu.memref_slice %arg3[%dma_start3A_65, %dma_start3A_66] : memref<10000x128xf32, #tpu.memory_space<hbm>> -> memref<10000x128xf32, #tpu.memory_space<hbm>>
      tpu.enqueue_indirect_dma source(%dma_start3A_67 : memref<10000x128xf32, #tpu.memory_space<hbm>>) target(%arg22 : memref<80x128xf32, #tpu.memory_space<vmem>>) offsets(%arg14 : memref<80xi32, #tpu.memory_space<vmem>>) semaphore(%arg30 : memref<!tpu.dma_semaphore, #tpu.memory_space<semaphore_mem>>)
      %add3A_68 = arith.constant 80 : i32
      %add3A_69 = arith.addi %mul3A_10, %add3A_68 : i32
      %dma_wait3A_70 = tpu.memref_slice %arg4[%add3A_69] : memref<160000xi32, #tpu.memory_space<hbm>> -> memref<80xi32, #tpu.memory_space<hbm>>
      %dma_wait3A_71 = tpu.memref_slice %arg4[%add3A_69] : memref<160000xi32, #tpu.memory_space<hbm>> -> memref<80xi32, #tpu.memory_space<hbm>>
      tpu.wait_dma2 semaphore(%arg27 : memref<!tpu.dma_semaphore, #tpu.memory_space<semaphore_mem>>) src(%dma_wait3A_71 : memref<80xi32, #tpu.memory_space<hbm>>) dst(%arg11 : memref<80xi32, #tpu.memory_space<vmem>>)
      %dma_wait3A_72 = tpu.memref_slice %arg5[%add3A_69] : memref<160000xi32, #tpu.memory_space<hbm>> -> memref<80xi32, #tpu.memory_space<hbm>>
      %dma_wait3A_73 = tpu.memref_slice %arg5[%add3A_69] : memref<160000xi32, #tpu.memory_space<hbm>> -> memref<80xi32, #tpu.memory_space<hbm>>
      tpu.wait_dma2 semaphore(%arg27 : memref<!tpu.dma_semaphore, #tpu.memory_space<semaphore_mem>>) src(%dma_wait3A_73 : memref<80xi32, #tpu.memory_space<hbm>>) dst(%arg15 : memref<80xi32, #tpu.memory_space<vmem>>)
      %dma_wait3A_74 = tpu.memref_slice %arg6[%add3A_69] : memref<160000xf32, #tpu.memory_space<hbm>> -> memref<80xf32, #tpu.memory_space<hbm>>
      %dma_wait3A_75 = tpu.memref_slice %arg6[%add3A_69] : memref<160000xf32, #tpu.memory_space<hbm>> -> memref<80xf32, #tpu.memory_space<hbm>>
      tpu.wait_dma2 semaphore(%arg27 : memref<!tpu.dma_semaphore, #tpu.memory_space<semaphore_mem>>) src(%dma_wait3A_75 : memref<80xf32, #tpu.memory_space<hbm>>) dst(%arg19 : memref<80xf32, #tpu.memory_space<vmem>>)
      %dma_start3A_76 = arith.constant 0 : i32
      %dma_start3A_77 = arith.constant 0 : i32
      %dma_start3A_78 = tpu.memref_slice %arg3[%dma_start3A_76, %dma_start3A_77] : memref<10000x128xf32, #tpu.memory_space<hbm>> -> memref<10000x128xf32, #tpu.memory_space<hbm>>
      tpu.enqueue_indirect_dma source(%dma_start3A_78 : memref<10000x128xf32, #tpu.memory_space<hbm>>) target(%arg23 : memref<80x128xf32, #tpu.memory_space<vmem>>) offsets(%arg15 : memref<80xi32, #tpu.memory_space<vmem>>) semaphore(%arg31 : memref<!tpu.dma_semaphore, #tpu.memory_space<semaphore_mem>>)
      %scan3A_79 = arith.constant 0 : i32
      %scan3A_80 = arith.constant 31 : i32
      %scan3A_81 = arith.addi %scan3A_79, %scan3A_80 : i32
      %scan3A_82 = arith.constant 1 : i32
      scf.for %scan3A_126 = %scan3A_79 to %scan3A_81 step %scan3A_82  : i32 {
        %mul3A_127 = arith.constant 4 : i32
        %mul3A_128 = arith.muli %scan3A_126, %mul3A_127 : i32
        %add3A_129 = arith.constant 0 : i32
        %add3A_130 = arith.addi %add3A_129, %mul3A_128 : i32
        %ge3A_131 = arith.constant 2 : i32
        %ge3A_132 = arith.cmpi sge, %add3A_130, %ge3A_131 : i32
        %convert_element_type3A_133 = arith.extui %ge3A_132 : i1 to i32
        %cond3A_134 = arith.constant 0 : i32
        %cond3A_135 = arith.cmpi ne, %convert_element_type3A_133, %cond3A_134 : i32
        scf.if %cond3A_135 {
          %dma_wait3A_249 = arith.constant 0 : i32
          %dma_wait3A_250 = arith.constant 0 : i32
          %dma_wait3A_251 = tpu.memref_slice %arg9[%dma_wait3A_249, %dma_wait3A_250] : memref<10000x128xf32, #tpu.memory_space<vmem_shared>> -> memref<10000x128xf32, #tpu.memory_space<vmem_shared>>
          tpu.wait_indirect_dma semaphore(%arg36 : memref<!tpu.dma_semaphore, #tpu.memory_space<semaphore_mem>>) src(%arg24 : memref<80x128xf32, #tpu.memory_space<vmem>>) dst(%dma_wait3A_251 : memref<10000x128xf32, #tpu.memory_space<vmem_shared>>)
        } else {
        }
        %add3A_136 = arith.constant 2 : i32
        %add3A_137 = arith.addi %add3A_130, %add3A_136 : i32
        %lt3A_138 = arith.constant 125 : i32
        %lt3A_139 = arith.cmpi slt, %add3A_137, %lt3A_138 : i32
        %convert_element_type3A_140 = arith.extui %lt3A_139 : i1 to i32
        %cond3A_141 = arith.constant 0 : i32
        %cond3A_142 = arith.cmpi ne, %convert_element_type3A_140, %cond3A_141 : i32
        scf.if %cond3A_142 {
          %add3A_249 = arith.constant 2 : i32
          %add3A_250 = arith.addi %add3A_130, %add3A_249 : i32
          %mul3A_251 = arith.constant 80 : i32
          %mul3A_252 = arith.muli %add3A_250, %mul3A_251 : i32
          %add3A_253 = arith.addi %mul3A_10, %mul3A_252 : i32
          %dma_wait3A_254 = tpu.memref_slice %arg4[%add3A_253] : memref<160000xi32, #tpu.memory_space<hbm>> -> memref<80xi32, #tpu.memory_space<hbm>>
          %dma_wait3A_255 = tpu.memref_slice %arg4[%add3A_253] : memref<160000xi32, #tpu.memory_space<hbm>> -> memref<80xi32, #tpu.memory_space<hbm>>
          tpu.wait_dma2 semaphore(%arg28 : memref<!tpu.dma_semaphore, #tpu.memory_space<semaphore_mem>>) src(%dma_wait3A_255 : memref<80xi32, #tpu.memory_space<hbm>>) dst(%arg12 : memref<80xi32, #tpu.memory_space<vmem>>)
          %dma_wait3A_256 = tpu.memref_slice %arg5[%add3A_253] : memref<160000xi32, #tpu.memory_space<hbm>> -> memref<80xi32, #tpu.memory_space<hbm>>
          %dma_wait3A_257 = tpu.memref_slice %arg5[%add3A_253] : memref<160000xi32, #tpu.memory_space<hbm>> -> memref<80xi32, #tpu.memory_space<hbm>>
          tpu.wait_dma2 semaphore(%arg28 : memref<!tpu.dma_semaphore, #tpu.memory_space<semaphore_mem>>) src(%dma_wait3A_257 : memref<80xi32, #tpu.memory_space<hbm>>) dst(%arg16 : memref<80xi32, #tpu.memory_space<vmem>>)
          %dma_wait3A_258 = tpu.memref_slice %arg6[%add3A_253] : memref<160000xf32, #tpu.memory_space<hbm>> -> memref<80xf32, #tpu.memory_space<hbm>>
          %dma_wait3A_259 = tpu.memref_slice %arg6[%add3A_253] : memref<160000xf32, #tpu.memory_space<hbm>> -> memref<80xf32, #tpu.memory_space<hbm>>
          tpu.wait_dma2 semaphore(%arg28 : memref<!tpu.dma_semaphore, #tpu.memory_space<semaphore_mem>>) src(%dma_wait3A_259 : memref<80xf32, #tpu.memory_space<hbm>>) dst(%arg20 : memref<80xf32, #tpu.memory_space<vmem>>)
          %dma_start3A_260 = arith.constant 0 : i32
          %dma_start3A_261 = arith.constant 0 : i32
          %dma_start3A_262 = tpu.memref_slice %arg3[%dma_start3A_260, %dma_start3A_261] : memref<10000x128xf32, #tpu.memory_space<hbm>> -> memref<10000x128xf32, #tpu.memory_space<hbm>>
          tpu.enqueue_indirect_dma source(%dma_start3A_262 : memref<10000x128xf32, #tpu.memory_space<hbm>>) target(%arg24 : memref<80x128xf32, #tpu.memory_space<vmem>>) offsets(%arg16 : memref<80xi32, #tpu.memory_space<vmem>>) semaphore(%arg32 : memref<!tpu.dma_semaphore, #tpu.memory_space<semaphore_mem>>)
        } else {
        }
        %dma_wait3A_143 = arith.constant 0 : i32
        %dma_wait3A_144 = arith.constant 0 : i32
        %dma_wait3A_145 = tpu.memref_slice %arg3[%dma_wait3A_143, %dma_wait3A_144] : memref<10000x128xf32, #tpu.memory_space<hbm>> -> memref<10000x128xf32, #tpu.memory_space<hbm>>
        tpu.wait_indirect_dma semaphore(%arg30 : memref<!tpu.dma_semaphore, #tpu.memory_space<semaphore_mem>>) src(%dma_wait3A_145 : memref<10000x128xf32, #tpu.memory_space<hbm>>) dst(%arg22 : memref<80x128xf32, #tpu.memory_space<vmem>>)
        %parallel_loop3A_146 = arith.constant 0 : i32
        %parallel_loop3A_147 = arith.constant 80 : i32
        %parallel_loop3A_148 = arith.constant 1 : i32
        scf.for %parallel_loop3A_249 = %parallel_loop3A_146 to %parallel_loop3A_147 step %parallel_loop3A_148  : i32 {
          %parallel_loop3A_250 = vector.broadcast %parallel_loop3A_249 : i32 to vector<16xi32>
          %parallel_loop3A_251 = tpu.vector_load_idx %arg18[%parallel_loop3A_250] : memref<80xf32, #tpu.memory_space<vmem>>[vector<16xi32>], vector<16xf32>,
          %parallel_loop3A_252 = arith.index_cast %parallel_loop3A_249 : i32 to index
          %parallel_loop3A_253 = arith.constant 0 : index
          %parallel_loop3A_254 = tpu.vector_load %arg22[%parallel_loop3A_252, %parallel_loop3A_253] {strides = array<i32>} : memref<80x128xf32, #tpu.memory_space<vmem>>, vector<16xf32>,
          %parallel_loop3A_255 = arith.mulf %parallel_loop3A_254, %parallel_loop3A_251 : vector<16xf32>
          %parallel_loop3A_256 = arith.index_cast %parallel_loop3A_249 : i32 to index
          %parallel_loop3A_257 = arith.constant 0 : index
          %parallel_loop3A_258 = tpu.vector_load %arg22[%parallel_loop3A_256, %parallel_loop3A_257] {strides = array<i32>} : memref<80x128xf32, #tpu.memory_space<vmem>>, vector<16xf32>,
          tpu.vector_store %arg22[%parallel_loop3A_256, %parallel_loop3A_257], %parallel_loop3A_255 {strides = array<i32>} : memref<80x128xf32, #tpu.memory_space<vmem>>, vector<16xf32>,
          %parallel_loop3A_259 = arith.index_cast %parallel_loop3A_249 : i32 to index
          %parallel_loop3A_260 = arith.constant 16 : index
          %parallel_loop3A_261 = tpu.vector_load %arg22[%parallel_loop3A_259, %parallel_loop3A_260] {strides = array<i32>} : memref<80x128xf32, #tpu.memory_space<vmem>>, vector<16xf32>,
          %parallel_loop3A_262 = arith.mulf %parallel_loop3A_261, %parallel_loop3A_251 : vector<16xf32>
          %parallel_loop3A_263 = arith.index_cast %parallel_loop3A_249 : i32 to index
          %parallel_loop3A_264 = arith.constant 16 : index
          %parallel_loop3A_265 = tpu.vector_load %arg22[%parallel_loop3A_263, %parallel_loop3A_264] {strides = array<i32>} : memref<80x128xf32, #tpu.memory_space<vmem>>, vector<16xf32>,
          tpu.vector_store %arg22[%parallel_loop3A_263, %parallel_loop3A_264], %parallel_loop3A_262 {strides = array<i32>} : memref<80x128xf32, #tpu.memory_space<vmem>>, vector<16xf32>,
          %parallel_loop3A_266 = arith.index_cast %parallel_loop3A_249 : i32 to index
          %parallel_loop3A_267 = arith.constant 32 : index
          %parallel_loop3A_268 = tpu.vector_load %arg22[%parallel_loop3A_266, %parallel_loop3A_267] {strides = array<i32>} : memref<80x128xf32, #tpu.memory_space<vmem>>, vector<16xf32>,
          %parallel_loop3A_269 = arith.mulf %parallel_loop3A_268, %parallel_loop3A_251 : vector<16xf32>
          %parallel_loop3A_270 = arith.index_cast %parallel_loop3A_249 : i32 to index
          %parallel_loop3A_271 = arith.constant 32 : index
          %parallel_loop3A_272 = tpu.vector_load %arg22[%parallel_loop3A_270, %parallel_loop3A_271] {strides = array<i32>} : memref<80x128xf32, #tpu.memory_space<vmem>>, vector<16xf32>,
          tpu.vector_store %arg22[%parallel_loop3A_270, %parallel_loop3A_271], %parallel_loop3A_269 {strides = array<i32>} : memref<80x128xf32, #tpu.memory_space<vmem>>, vector<16xf32>,
          %parallel_loop3A_273 = arith.index_cast %parallel_loop3A_249 : i32 to index
          %parallel_loop3A_274 = arith.constant 48 : index
          %parallel_loop3A_275 = tpu.vector_load %arg22[%parallel_loop3A_273, %parallel_loop3A_274] {strides = array<i32>} : memref<80x128xf32, #tpu.memory_space<vmem>>, vector<16xf32>,
          %parallel_loop3A_276 = arith.mulf %parallel_loop3A_275, %parallel_loop3A_251 : vector<16xf32>
          %parallel_loop3A_277 = arith.index_cast %parallel_loop3A_249 : i32 to index
          %parallel_loop3A_278 = arith.constant 48 : index
          %parallel_loop3A_279 = tpu.vector_load %arg22[%parallel_loop3A_277, %parallel_loop3A_278] {strides = array<i32>} : memref<80x128xf32, #tpu.memory_space<vmem>>, vector<16xf32>,
          tpu.vector_store %arg22[%parallel_loop3A_277, %parallel_loop3A_278], %parallel_loop3A_276 {strides = array<i32>} : memref<80x128xf32, #tpu.memory_space<vmem>>, vector<16xf32>,
          %parallel_loop3A_280 = arith.index_cast %parallel_loop3A_249 : i32 to index
          %parallel_loop3A_281 = arith.constant 64 : index
          %parallel_loop3A_282 = tpu.vector_load %arg22[%parallel_loop3A_280, %parallel_loop3A_281] {strides = array<i32>} : memref<80x128xf32, #tpu.memory_space<vmem>>, vector<16xf32>,
          %parallel_loop3A_283 = arith.mulf %parallel_loop3A_282, %parallel_loop3A_251 : vector<16xf32>
          %parallel_loop3A_284 = arith.index_cast %parallel_loop3A_249 : i32 to index
          %parallel_loop3A_285 = arith.constant 64 : index
          %parallel_loop3A_286 = tpu.vector_load %arg22[%parallel_loop3A_284, %parallel_loop3A_285] {strides = array<i32>} : memref<80x128xf32, #tpu.memory_space<vmem>>, vector<16xf32>,
          tpu.vector_store %arg22[%parallel_loop3A_284, %parallel_loop3A_285], %parallel_loop3A_283 {strides = array<i32>} : memref<80x128xf32, #tpu.memory_space<vmem>>, vector<16xf32>,
          %parallel_loop3A_287 = arith.index_cast %parallel_loop3A_249 : i32 to index
          %parallel_loop3A_288 = arith.constant 80 : index
          %parallel_loop3A_289 = tpu.vector_load %arg22[%parallel_loop3A_287, %parallel_loop3A_288] {strides = array<i32>} : memref<80x128xf32, #tpu.memory_space<vmem>>, vector<16xf32>,
          %parallel_loop3A_290 = arith.mulf %parallel_loop3A_289, %parallel_loop3A_251 : vector<16xf32>
          %parallel_loop3A_291 = arith.index_cast %parallel_loop3A_249 : i32 to index
          %parallel_loop3A_292 = arith.constant 80 : index
          %parallel_loop3A_293 = tpu.vector_load %arg22[%parallel_loop3A_291, %parallel_loop3A_292] {strides = array<i32>} : memref<80x128xf32, #tpu.memory_space<vmem>>, vector<16xf32>,
          tpu.vector_store %arg22[%parallel_loop3A_291, %parallel_loop3A_292], %parallel_loop3A_290 {strides = array<i32>} : memref<80x128xf32, #tpu.memory_space<vmem>>, vector<16xf32>,
          %parallel_loop3A_294 = arith.index_cast %parallel_loop3A_249 : i32 to index
          %parallel_loop3A_295 = arith.constant 96 : index
          %parallel_loop3A_296 = tpu.vector_load %arg22[%parallel_loop3A_294, %parallel_loop3A_295] {strides = array<i32>} : memref<80x128xf32, #tpu.memory_space<vmem>>, vector<16xf32>,
          %parallel_loop3A_297 = arith.mulf %parallel_loop3A_296, %parallel_loop3A_251 : vector<16xf32>
          %parallel_loop3A_298 = arith.index_cast %parallel_loop3A_249 : i32 to index
          %parallel_loop3A_299 = arith.constant 96 : index
          %parallel_loop3A_300 = tpu.vector_load %arg22[%parallel_loop3A_298, %parallel_loop3A_299] {strides = array<i32>} : memref<80x128xf32, #tpu.memory_space<vmem>>, vector<16xf32>,
          tpu.vector_store %arg22[%parallel_loop3A_298, %parallel_loop3A_299], %parallel_loop3A_297 {strides = array<i32>} : memref<80x128xf32, #tpu.memory_space<vmem>>, vector<16xf32>,
          %parallel_loop3A_301 = arith.index_cast %parallel_loop3A_249 : i32 to index
          %parallel_loop3A_302 = arith.constant 112 : index
          %parallel_loop3A_303 = tpu.vector_load %arg22[%parallel_loop3A_301, %parallel_loop3A_302] {strides = array<i32>} : memref<80x128xf32, #tpu.memory_space<vmem>>, vector<16xf32>,
          %parallel_loop3A_304 = arith.mulf %parallel_loop3A_303, %parallel_loop3A_251 : vector<16xf32>
          %parallel_loop3A_305 = arith.index_cast %parallel_loop3A_249 : i32 to index
          %parallel_loop3A_306 = arith.constant 112 : index
          %parallel_loop3A_307 = tpu.vector_load %arg22[%parallel_loop3A_305, %parallel_loop3A_306] {strides = array<i32>} : memref<80x128xf32, #tpu.memory_space<vmem>>, vector<16xf32>,
          tpu.vector_store %arg22[%parallel_loop3A_305, %parallel_loop3A_306], %parallel_loop3A_304 {strides = array<i32>} : memref<80x128xf32, #tpu.memory_space<vmem>>, vector<16xf32>,
        } {sc.loop_unroll_factor = 4 : i64, sc.parallel_access}
        %dma_start3A_149 = arith.constant 0 : i32
        %dma_start3A_150 = arith.constant 0 : i32
        %dma_start3A_151 = tpu.memref_slice %arg9[%dma_start3A_149, %dma_start3A_150] : memref<10000x128xf32, #tpu.memory_space<vmem_shared>> -> memref<10000x128xf32, #tpu.memory_space<vmem_shared>>
        tpu.enqueue_indirect_dma source(%arg22 : memref<80x128xf32, #tpu.memory_space<vmem>>) target(%dma_start3A_151 : memref<10000x128xf32, #tpu.memory_space<vmem_shared>>) offsets(%arg10 : memref<80xi32, #tpu.memory_space<vmem>>) semaphore(%arg34 : memref<!tpu.dma_semaphore, #tpu.memory_space<semaphore_mem>>) {add = true}
        %add3A_152 = arith.constant 3 : i32
        %add3A_153 = arith.addi %add3A_130, %add3A_152 : i32
        %lt3A_154 = arith.constant 125 : i32
        %lt3A_155 = arith.cmpi slt, %add3A_153, %lt3A_154 : i32
        %convert_element_type3A_156 = arith.extui %lt3A_155 : i1 to i32
        %cond3A_157 = arith.constant 0 : i32
        %cond3A_158 = arith.cmpi ne, %convert_element_type3A_156, %cond3A_157 : i32
        scf.if %cond3A_158 {
          %add3A_249 = arith.constant 3 : i32
          %add3A_250 = arith.addi %add3A_130, %add3A_249 : i32
          %mul3A_251 = arith.constant 80 : i32
          %mul3A_252 = arith.muli %add3A_250, %mul3A_251 : i32
          %add3A_253 = arith.addi %mul3A_10, %mul3A_252 : i32
          %dma_start3A_254 = tpu.memref_slice %arg4[%add3A_253] : memref<160000xi32, #tpu.memory_space<hbm>> -> memref<80xi32, #tpu.memory_space<hbm>>
          %dma_start3A_255 = tpu.memref_slice %arg4[%add3A_253] : memref<160000xi32, #tpu.memory_space<hbm>> -> memref<80xi32, #tpu.memory_space<hbm>>
          tpu.enqueue_dma source(%dma_start3A_255 : memref<80xi32, #tpu.memory_space<hbm>>) target(%arg13 : memref<80xi32, #tpu.memory_space<vmem>>) target_semaphore(%arg29 : memref<!tpu.dma_semaphore, #tpu.memory_space<semaphore_mem>>)
          %dma_start3A_256 = tpu.memref_slice %arg5[%add3A_253] : memref<160000xi32, #tpu.memory_space<hbm>> -> memref<80xi32, #tpu.memory_space<hbm>>
          %dma_start3A_257 = tpu.memref_slice %arg5[%add3A_253] : memref<160000xi32, #tpu.memory_space<hbm>> -> memref<80xi32, #tpu.memory_space<hbm>>
          tpu.enqueue_dma source(%dma_start3A_257 : memref<80xi32, #tpu.memory_space<hbm>>) target(%arg17 : memref<80xi32, #tpu.memory_space<vmem>>) target_semaphore(%arg29 : memref<!tpu.dma_semaphore, #tpu.memory_space<semaphore_mem>>)
          %dma_start3A_258 = tpu.memref_slice %arg6[%add3A_253] : memref<160000xf32, #tpu.memory_space<hbm>> -> memref<80xf32, #tpu.memory_space<hbm>>
          %dma_start3A_259 = tpu.memref_slice %arg6[%add3A_253] : memref<160000xf32, #tpu.memory_space<hbm>> -> memref<80xf32, #tpu.memory_space<hbm>>
          tpu.enqueue_dma source(%dma_start3A_259 : memref<80xf32, #tpu.memory_space<hbm>>) target(%arg21 : memref<80xf32, #tpu.memory_space<vmem>>) target_semaphore(%arg29 : memref<!tpu.dma_semaphore, #tpu.memory_space<semaphore_mem>>)
        } else {
        }
        %add3A_159 = arith.constant 1 : i32
        %add3A_160 = arith.addi %add3A_130, %add3A_159 : i32
        %ge3A_161 = arith.constant 2 : i32
        %ge3A_162 = arith.cmpi sge, %add3A_160, %ge3A_161 : i32
        %convert_element_type3A_163 = arith.extui %ge3A_162 : i1 to i32
        %cond3A_164 = arith.constant 0 : i32
        %cond3A_165 = arith.cmpi ne, %convert_element_type3A_163, %cond3A_164 : i32
        scf.if %cond3A_165 {
          %dma_wait3A_249 = arith.constant 0 : i32
          %dma_wait3A_250 = arith.constant 0 : i32
          %dma_wait3A_251 = tpu.memref_slice %arg9[%dma_wait3A_249, %dma_wait3A_250] : memref<10000x128xf32, #tpu.memory_space<vmem_shared>> -> memref<10000x128xf32, #tpu.memory_space<vmem_shared>>
          tpu.wait_indirect_dma semaphore(%arg37 : memref<!tpu.dma_semaphore, #tpu.memory_space<semaphore_mem>>) src(%arg25 : memref<80x128xf32, #tpu.memory_space<vmem>>) dst(%dma_wait3A_251 : memref<10000x128xf32, #tpu.memory_space<vmem_shared>>)
        } else {
        }
        %add3A_166 = arith.constant 2 : i32
        %add3A_167 = arith.addi %add3A_160, %add3A_166 : i32
        %lt3A_168 = arith.constant 125 : i32
        %lt3A_169 = arith.cmpi slt, %add3A_167, %lt3A_168 : i32
        %convert_element_type3A_170 = arith.extui %lt3A_169 : i1 to i32
        %cond3A_171 = arith.constant 0 : i32
        %cond3A_172 = arith.cmpi ne, %convert_element_type3A_170, %cond3A_171 : i32
        scf.if %cond3A_172 {
          %add3A_249 = arith.constant 2 : i32
          %add3A_250 = arith.addi %add3A_160, %add3A_249 : i32
          %mul3A_251 = arith.constant 80 : i32
          %mul3A_252 = arith.muli %add3A_250, %mul3A_251 : i32
          %add3A_253 = arith.addi %mul3A_10, %mul3A_252 : i32
          %dma_wait3A_254 = tpu.memref_slice %arg4[%add3A_253] : memref<160000xi32, #tpu.memory_space<hbm>> -> memref<80xi32, #tpu.memory_space<hbm>>
          %dma_wait3A_255 = tpu.memref_slice %arg4[%add3A_253] : memref<160000xi32, #tpu.memory_space<hbm>> -> memref<80xi32, #tpu.memory_space<hbm>>
          tpu.wait_dma2 semaphore(%arg29 : memref<!tpu.dma_semaphore, #tpu.memory_space<semaphore_mem>>) src(%dma_wait3A_255 : memref<80xi32, #tpu.memory_space<hbm>>) dst(%arg13 : memref<80xi32, #tpu.memory_space<vmem>>)
          %dma_wait3A_256 = tpu.memref_slice %arg5[%add3A_253] : memref<160000xi32, #tpu.memory_space<hbm>> -> memref<80xi32, #tpu.memory_space<hbm>>
          %dma_wait3A_257 = tpu.memref_slice %arg5[%add3A_253] : memref<160000xi32, #tpu.memory_space<hbm>> -> memref<80xi32, #tpu.memory_space<hbm>>
          tpu.wait_dma2 semaphore(%arg29 : memref<!tpu.dma_semaphore, #tpu.memory_space<semaphore_mem>>) src(%dma_wait3A_257 : memref<80xi32, #tpu.memory_space<hbm>>) dst(%arg17 : memref<80xi32, #tpu.memory_space<vmem>>)
          %dma_wait3A_258 = tpu.memref_slice %arg6[%add3A_253] : memref<160000xf32, #tpu.memory_space<hbm>> -> memref<80xf32, #tpu.memory_space<hbm>>
          %dma_wait3A_259 = tpu.memref_slice %arg6[%add3A_253] : memref<160000xf32, #tpu.memory_space<hbm>> -> memref<80xf32, #tpu.memory_space<hbm>>
          tpu.wait_dma2 semaphore(%arg29 : memref<!tpu.dma_semaphore, #tpu.memory_space<semaphore_mem>>) src(%dma_wait3A_259 : memref<80xf32, #tpu.memory_space<hbm>>) dst(%arg21 : memref<80xf32, #tpu.memory_space<vmem>>)
          %dma_start3A_260 = arith.constant 0 : i32
          %dma_start3A_261 = arith.constant 0 : i32
          %dma_start3A_262 = tpu.memref_slice %arg3[%dma_start3A_260, %dma_start3A_261] : memref<10000x128xf32, #tpu.memory_space<hbm>> -> memref<10000x128xf32, #tpu.memory_space<hbm>>
          tpu.enqueue_indirect_dma source(%dma_start3A_262 : memref<10000x128xf32, #tpu.memory_space<hbm>>) target(%arg25 : memref<80x128xf32, #tpu.memory_space<vmem>>) offsets(%arg17 : memref<80xi32, #tpu.memory_space<vmem>>) semaphore(%arg33 : memref<!tpu.dma_semaphore, #tpu.memory_space<semaphore_mem>>)
        } else {
        }
        %dma_wait3A_173 = arith.constant 0 : i32
        %dma_wait3A_174 = arith.constant 0 : i32
        %dma_wait3A_175 = tpu.memref_slice %arg3[%dma_wait3A_173, %dma_wait3A_174] : memref<10000x128xf32, #tpu.memory_space<hbm>> -> memref<10000x128xf32, #tpu.memory_space<hbm>>
        tpu.wait_indirect_dma semaphore(%arg31 : memref<!tpu.dma_semaphore, #tpu.memory_space<semaphore_mem>>) src(%dma_wait3A_175 : memref<10000x128xf32, #tpu.memory_space<hbm>>) dst(%arg23 : memref<80x128xf32, #tpu.memory_space<vmem>>)
        %parallel_loop3A_176 = arith.constant 0 : i32
        %parallel_loop3A_177 = arith.constant 80 : i32
        %parallel_loop3A_178 = arith.constant 1 : i32
        scf.for %parallel_loop3A_249 = %parallel_loop3A_176 to %parallel_loop3A_177 step %parallel_loop3A_178  : i32 {
          %parallel_loop3A_250 = vector.broadcast %parallel_loop3A_249 : i32 to vector<16xi32>
          %parallel_loop3A_251 = tpu.vector_load_idx %arg19[%parallel_loop3A_250] : memref<80xf32, #tpu.memory_space<vmem>>[vector<16xi32>], vector<16xf32>,
          %parallel_loop3A_252 = arith.index_cast %parallel_loop3A_249 : i32 to index
          %parallel_loop3A_253 = arith.constant 0 : index
          %parallel_loop3A_254 = tpu.vector_load %arg23[%parallel_loop3A_252, %parallel_loop3A_253] {strides = array<i32>} : memref<80x128xf32, #tpu.memory_space<vmem>>, vector<16xf32>,
          %parallel_loop3A_255 = arith.mulf %parallel_loop3A_254, %parallel_loop3A_251 : vector<16xf32>
          %parallel_loop3A_256 = arith.index_cast %parallel_loop3A_249 : i32 to index
          %parallel_loop3A_257 = arith.constant 0 : index
          %parallel_loop3A_258 = tpu.vector_load %arg23[%parallel_loop3A_256, %parallel_loop3A_257] {strides = array<i32>} : memref<80x128xf32, #tpu.memory_space<vmem>>, vector<16xf32>,
          tpu.vector_store %arg23[%parallel_loop3A_256, %parallel_loop3A_257], %parallel_loop3A_255 {strides = array<i32>} : memref<80x128xf32, #tpu.memory_space<vmem>>, vector<16xf32>,
          %parallel_loop3A_259 = arith.index_cast %parallel_loop3A_249 : i32 to index
          %parallel_loop3A_260 = arith.constant 16 : index
          %parallel_loop3A_261 = tpu.vector_load %arg23[%parallel_loop3A_259, %parallel_loop3A_260] {strides = array<i32>} : memref<80x128xf32, #tpu.memory_space<vmem>>, vector<16xf32>,
          %parallel_loop3A_262 = arith.mulf %parallel_loop3A_261, %parallel_loop3A_251 : vector<16xf32>
          %parallel_loop3A_263 = arith.index_cast %parallel_loop3A_249 : i32 to index
          %parallel_loop3A_264 = arith.constant 16 : index
          %parallel_loop3A_265 = tpu.vector_load %arg23[%parallel_loop3A_263, %parallel_loop3A_264] {strides = array<i32>} : memref<80x128xf32, #tpu.memory_space<vmem>>, vector<16xf32>,
          tpu.vector_store %arg23[%parallel_loop3A_263, %parallel_loop3A_264], %parallel_loop3A_262 {strides = array<i32>} : memref<80x128xf32, #tpu.memory_space<vmem>>, vector<16xf32>,
          %parallel_loop3A_266 = arith.index_cast %parallel_loop3A_249 : i32 to index
          %parallel_loop3A_267 = arith.constant 32 : index
          %parallel_loop3A_268 = tpu.vector_load %arg23[%parallel_loop3A_266, %parallel_loop3A_267] {strides = array<i32>} : memref<80x128xf32, #tpu.memory_space<vmem>>, vector<16xf32>,
          %parallel_loop3A_269 = arith.mulf %parallel_loop3A_268, %parallel_loop3A_251 : vector<16xf32>
          %parallel_loop3A_270 = arith.index_cast %parallel_loop3A_249 : i32 to index
          %parallel_loop3A_271 = arith.constant 32 : index
          %parallel_loop3A_272 = tpu.vector_load %arg23[%parallel_loop3A_270, %parallel_loop3A_271] {strides = array<i32>} : memref<80x128xf32, #tpu.memory_space<vmem>>, vector<16xf32>,
          tpu.vector_store %arg23[%parallel_loop3A_270, %parallel_loop3A_271], %parallel_loop3A_269 {strides = array<i32>} : memref<80x128xf32, #tpu.memory_space<vmem>>, vector<16xf32>,
          %parallel_loop3A_273 = arith.index_cast %parallel_loop3A_249 : i32 to index
          %parallel_loop3A_274 = arith.constant 48 : index
          %parallel_loop3A_275 = tpu.vector_load %arg23[%parallel_loop3A_273, %parallel_loop3A_274] {strides = array<i32>} : memref<80x128xf32, #tpu.memory_space<vmem>>, vector<16xf32>,
          %parallel_loop3A_276 = arith.mulf %parallel_loop3A_275, %parallel_loop3A_251 : vector<16xf32>
          %parallel_loop3A_277 = arith.index_cast %parallel_loop3A_249 : i32 to index
          %parallel_loop3A_278 = arith.constant 48 : index
          %parallel_loop3A_279 = tpu.vector_load %arg23[%parallel_loop3A_277, %parallel_loop3A_278] {strides = array<i32>} : memref<80x128xf32, #tpu.memory_space<vmem>>, vector<16xf32>,
          tpu.vector_store %arg23[%parallel_loop3A_277, %parallel_loop3A_278], %parallel_loop3A_276 {strides = array<i32>} : memref<80x128xf32, #tpu.memory_space<vmem>>, vector<16xf32>,
          %parallel_loop3A_280 = arith.index_cast %parallel_loop3A_249 : i32 to index
          %parallel_loop3A_281 = arith.constant 64 : index
          %parallel_loop3A_282 = tpu.vector_load %arg23[%parallel_loop3A_280, %parallel_loop3A_281] {strides = array<i32>} : memref<80x128xf32, #tpu.memory_space<vmem>>, vector<16xf32>,
          %parallel_loop3A_283 = arith.mulf %parallel_loop3A_282, %parallel_loop3A_251 : vector<16xf32>
          %parallel_loop3A_284 = arith.index_cast %parallel_loop3A_249 : i32 to index
          %parallel_loop3A_285 = arith.constant 64 : index
          %parallel_loop3A_286 = tpu.vector_load %arg23[%parallel_loop3A_284, %parallel_loop3A_285] {strides = array<i32>} : memref<80x128xf32, #tpu.memory_space<vmem>>, vector<16xf32>,
          tpu.vector_store %arg23[%parallel_loop3A_284, %parallel_loop3A_285], %parallel_loop3A_283 {strides = array<i32>} : memref<80x128xf32, #tpu.memory_space<vmem>>, vector<16xf32>,
          %parallel_loop3A_287 = arith.index_cast %parallel_loop3A_249 : i32 to index
          %parallel_loop3A_288 = arith.constant 80 : index
          %parallel_loop3A_289 = tpu.vector_load %arg23[%parallel_loop3A_287, %parallel_loop3A_288] {strides = array<i32>} : memref<80x128xf32, #tpu.memory_space<vmem>>, vector<16xf32>,
          %parallel_loop3A_290 = arith.mulf %parallel_loop3A_289, %parallel_loop3A_251 : vector<16xf32>
          %parallel_loop3A_291 = arith.index_cast %parallel_loop3A_249 : i32 to index
          %parallel_loop3A_292 = arith.constant 80 : index
          %parallel_loop3A_293 = tpu.vector_load %arg23[%parallel_loop3A_291, %parallel_loop3A_292] {strides = array<i32>} : memref<80x128xf32, #tpu.memory_space<vmem>>, vector<16xf32>,
          tpu.vector_store %arg23[%parallel_loop3A_291, %parallel_loop3A_292], %parallel_loop3A_290 {strides = array<i32>} : memref<80x128xf32, #tpu.memory_space<vmem>>, vector<16xf32>,
          %parallel_loop3A_294 = arith.index_cast %parallel_loop3A_249 : i32 to index
          %parallel_loop3A_295 = arith.constant 96 : index
          %parallel_loop3A_296 = tpu.vector_load %arg23[%parallel_loop3A_294, %parallel_loop3A_295] {strides = array<i32>} : memref<80x128xf32, #tpu.memory_space<vmem>>, vector<16xf32>,
          %parallel_loop3A_297 = arith.mulf %parallel_loop3A_296, %parallel_loop3A_251 : vector<16xf32>
          %parallel_loop3A_298 = arith.index_cast %parallel_loop3A_249 : i32 to index
          %parallel_loop3A_299 = arith.constant 96 : index
          %parallel_loop3A_300 = tpu.vector_load %arg23[%parallel_loop3A_298, %parallel_loop3A_299] {strides = array<i32>} : memref<80x128xf32, #tpu.memory_space<vmem>>, vector<16xf32>,
          tpu.vector_store %arg23[%parallel_loop3A_298, %parallel_loop3A_299], %parallel_loop3A_297 {strides = array<i32>} : memref<80x128xf32, #tpu.memory_space<vmem>>, vector<16xf32>,
          %parallel_loop3A_301 = arith.index_cast %parallel_loop3A_249 : i32 to index
          %parallel_loop3A_302 = arith.constant 112 : index
          %parallel_loop3A_303 = tpu.vector_load %arg23[%parallel_loop3A_301, %parallel_loop3A_302] {strides = array<i32>} : memref<80x128xf32, #tpu.memory_space<vmem>>, vector<16xf32>,
          %parallel_loop3A_304 = arith.mulf %parallel_loop3A_303, %parallel_loop3A_251 : vector<16xf32>
          %parallel_loop3A_305 = arith.index_cast %parallel_loop3A_249 : i32 to index
          %parallel_loop3A_306 = arith.constant 112 : index
          %parallel_loop3A_307 = tpu.vector_load %arg23[%parallel_loop3A_305, %parallel_loop3A_306] {strides = array<i32>} : memref<80x128xf32, #tpu.memory_space<vmem>>, vector<16xf32>,
          tpu.vector_store %arg23[%parallel_loop3A_305, %parallel_loop3A_306], %parallel_loop3A_304 {strides = array<i32>} : memref<80x128xf32, #tpu.memory_space<vmem>>, vector<16xf32>,
        } {sc.loop_unroll_factor = 4 : i64, sc.parallel_access}
        %dma_start3A_179 = arith.constant 0 : i32
        %dma_start3A_180 = arith.constant 0 : i32
        %dma_start3A_181 = tpu.memref_slice %arg9[%dma_start3A_179, %dma_start3A_180] : memref<10000x128xf32, #tpu.memory_space<vmem_shared>> -> memref<10000x128xf32, #tpu.memory_space<vmem_shared>>
        tpu.enqueue_indirect_dma source(%arg23 : memref<80x128xf32, #tpu.memory_space<vmem>>) target(%dma_start3A_181 : memref<10000x128xf32, #tpu.memory_space<vmem_shared>>) offsets(%arg11 : memref<80xi32, #tpu.memory_space<vmem>>) semaphore(%arg35 : memref<!tpu.dma_semaphore, #tpu.memory_space<semaphore_mem>>) {add = true}
        %add3A_182 = arith.constant 3 : i32
        %add3A_183 = arith.addi %add3A_160, %add3A_182 : i32
        %lt3A_184 = arith.constant 125 : i32
        %lt3A_185 = arith.cmpi slt, %add3A_183, %lt3A_184 : i32
        %convert_element_type3A_186 = arith.extui %lt3A_185 : i1 to i32
        %cond3A_187 = arith.constant 0 : i32
        %cond3A_188 = arith.cmpi ne, %convert_element_type3A_186, %cond3A_187 : i32
        scf.if %cond3A_188 {
          %add3A_249 = arith.constant 3 : i32
          %add3A_250 = arith.addi %add3A_160, %add3A_249 : i32
          %mul3A_251 = arith.constant 80 : i32
          %mul3A_252 = arith.muli %add3A_250, %mul3A_251 : i32
          %add3A_253 = arith.addi %mul3A_10, %mul3A_252 : i32
          %dma_start3A_254 = tpu.memref_slice %arg4[%add3A_253] : memref<160000xi32, #tpu.memory_space<hbm>> -> memref<80xi32, #tpu.memory_space<hbm>>
          %dma_start3A_255 = tpu.memref_slice %arg4[%add3A_253] : memref<160000xi32, #tpu.memory_space<hbm>> -> memref<80xi32, #tpu.memory_space<hbm>>
          tpu.enqueue_dma source(%dma_start3A_255 : memref<80xi32, #tpu.memory_space<hbm>>) target(%arg10 : memref<80xi32, #tpu.memory_space<vmem>>) target_semaphore(%arg26 : memref<!tpu.dma_semaphore, #tpu.memory_space<semaphore_mem>>)
          %dma_start3A_256 = tpu.memref_slice %arg5[%add3A_253] : memref<160000xi32, #tpu.memory_space<hbm>> -> memref<80xi32, #tpu.memory_space<hbm>>
          %dma_start3A_257 = tpu.memref_slice %arg5[%add3A_253] : memref<160000xi32, #tpu.memory_space<hbm>> -> memref<80xi32, #tpu.memory_space<hbm>>
          tpu.enqueue_dma source(%dma_start3A_257 : memref<80xi32, #tpu.memory_space<hbm>>) target(%arg14 : memref<80xi32, #tpu.memory_space<vmem>>) target_semaphore(%arg26 : memref<!tpu.dma_semaphore, #tpu.memory_space<semaphore_mem>>)
          %dma_start3A_258 = tpu.memref_slice %arg6[%add3A_253] : memref<160000xf32, #tpu.memory_space<hbm>> -> memref<80xf32, #tpu.memory_space<hbm>>
          %dma_start3A_259 = tpu.memref_slice %arg6[%add3A_253] : memref<160000xf32, #tpu.memory_space<hbm>> -> memref<80xf32, #tpu.memory_space<hbm>>
          tpu.enqueue_dma source(%dma_start3A_259 : memref<80xf32, #tpu.memory_space<hbm>>) target(%arg18 : memref<80xf32, #tpu.memory_space<vmem>>) target_semaphore(%arg26 : memref<!tpu.dma_semaphore, #tpu.memory_space<semaphore_mem>>)
        } else {
        }
        %add3A_189 = arith.constant 2 : i32
        %add3A_190 = arith.addi %add3A_130, %add3A_189 : i32
        %ge3A_191 = arith.constant 2 : i32
        %ge3A_192 = arith.cmpi sge, %add3A_190, %ge3A_191 : i32
        %convert_element_type3A_193 = arith.extui %ge3A_192 : i1 to i32
        %cond3A_194 = arith.constant 0 : i32
        %cond3A_195 = arith.cmpi ne, %convert_element_type3A_193, %cond3A_194 : i32
        scf.if %cond3A_195 {
          %dma_wait3A_249 = arith.constant 0 : i32
          %dma_wait3A_250 = arith.constant 0 : i32
          %dma_wait3A_251 = tpu.memref_slice %arg9[%dma_wait3A_249, %dma_wait3A_250] : memref<10000x128xf32, #tpu.memory_space<vmem_shared>> -> memref<10000x128xf32, #tpu.memory_space<vmem_shared>>
          tpu.wait_indirect_dma semaphore(%arg34 : memref<!tpu.dma_semaphore, #tpu.memory_space<semaphore_mem>>) src(%arg22 : memref<80x128xf32, #tpu.memory_space<vmem>>) dst(%dma_wait3A_251 : memref<10000x128xf32, #tpu.memory_space<vmem_shared>>)
        } else {
        }
        %add3A_196 = arith.constant 2 : i32
        %add3A_197 = arith.addi %add3A_190, %add3A_196 : i32
        %lt3A_198 = arith.constant 125 : i32
        %lt3A_199 = arith.cmpi slt, %add3A_197, %lt3A_198 : i32
        %convert_element_type3A_200 = arith.extui %lt3A_199 : i1 to i32
        %cond3A_201 = arith.constant 0 : i32
        %cond3A_202 = arith.cmpi ne, %convert_element_type3A_200, %cond3A_201 : i32
        scf.if %cond3A_202 {
          %add3A_249 = arith.constant 2 : i32
          %add3A_250 = arith.addi %add3A_190, %add3A_249 : i32
          %mul3A_251 = arith.constant 80 : i32
          %mul3A_252 = arith.muli %add3A_250, %mul3A_251 : i32
          %add3A_253 = arith.addi %mul3A_10, %mul3A_252 : i32
          %dma_wait3A_254 = tpu.memref_slice %arg4[%add3A_253] : memref<160000xi32, #tpu.memory_space<hbm>> -> memref<80xi32, #tpu.memory_space<hbm>>
          %dma_wait3A_255 = tpu.memref_slice %arg4[%add3A_253] : memref<160000xi32, #tpu.memory_space<hbm>> -> memref<80xi32, #tpu.memory_space<hbm>>
          tpu.wait_dma2 semaphore(%arg26 : memref<!tpu.dma_semaphore, #tpu.memory_space<semaphore_mem>>) src(%dma_wait3A_255 : memref<80xi32, #tpu.memory_space<hbm>>) dst(%arg10 : memref<80xi32, #tpu.memory_space<vmem>>)
          %dma_wait3A_256 = tpu.memref_slice %arg5[%add3A_253] : memref<160000xi32, #tpu.memory_space<hbm>> -> memref<80xi32, #tpu.memory_space<hbm>>
          %dma_wait3A_257 = tpu.memref_slice %arg5[%add3A_253] : memref<160000xi32, #tpu.memory_space<hbm>> -> memref<80xi32, #tpu.memory_space<hbm>>
          tpu.wait_dma2 semaphore(%arg26 : memref<!tpu.dma_semaphore, #tpu.memory_space<semaphore_mem>>) src(%dma_wait3A_257 : memref<80xi32, #tpu.memory_space<hbm>>) dst(%arg14 : memref<80xi32, #tpu.memory_space<vmem>>)
          %dma_wait3A_258 = tpu.memref_slice %arg6[%add3A_253] : memref<160000xf32, #tpu.memory_space<hbm>> -> memref<80xf32, #tpu.memory_space<hbm>>
          %dma_wait3A_259 = tpu.memref_slice %arg6[%add3A_253] : memref<160000xf32, #tpu.memory_space<hbm>> -> memref<80xf32, #tpu.memory_space<hbm>>
          tpu.wait_dma2 semaphore(%arg26 : memref<!tpu.dma_semaphore, #tpu.memory_space<semaphore_mem>>) src(%dma_wait3A_259 : memref<80xf32, #tpu.memory_space<hbm>>) dst(%arg18 : memref<80xf32, #tpu.memory_space<vmem>>)
          %dma_start3A_260 = arith.constant 0 : i32
          %dma_start3A_261 = arith.constant 0 : i32
          %dma_start3A_262 = tpu.memref_slice %arg3[%dma_start3A_260, %dma_start3A_261] : memref<10000x128xf32, #tpu.memory_space<hbm>> -> memref<10000x128xf32, #tpu.memory_space<hbm>>
          tpu.enqueue_indirect_dma source(%dma_start3A_262 : memref<10000x128xf32, #tpu.memory_space<hbm>>) target(%arg22 : memref<80x128xf32, #tpu.memory_space<vmem>>) offsets(%arg14 : memref<80xi32, #tpu.memory_space<vmem>>) semaphore(%arg30 : memref<!tpu.dma_semaphore, #tpu.memory_space<semaphore_mem>>)
        } else {
        }
        %dma_wait3A_203 = arith.constant 0 : i32
        %dma_wait3A_204 = arith.constant 0 : i32
        %dma_wait3A_205 = tpu.memref_slice %arg3[%dma_wait3A_203, %dma_wait3A_204] : memref<10000x128xf32, #tpu.memory_space<hbm>> -> memref<10000x128xf32, #tpu.memory_space<hbm>>
        tpu.wait_indirect_dma semaphore(%arg32 : memref<!tpu.dma_semaphore, #tpu.memory_space<semaphore_mem>>) src(%dma_wait3A_205 : memref<10000x128xf32, #tpu.memory_space<hbm>>) dst(%arg24 : memref<80x128xf32, #tpu.memory_space<vmem>>)
        %parallel_loop3A_206 = arith.constant 0 : i32
        %parallel_loop3A_207 = arith.constant 80 : i32
        %parallel_loop3A_208 = arith.constant 1 : i32
        scf.for %parallel_loop3A_249 = %parallel_loop3A_206 to %parallel_loop3A_207 step %parallel_loop3A_208  : i32 {
          %parallel_loop3A_250 = vector.broadcast %parallel_loop3A_249 : i32 to vector<16xi32>
          %parallel_loop3A_251 = tpu.vector_load_idx %arg20[%parallel_loop3A_250] : memref<80xf32, #tpu.memory_space<vmem>>[vector<16xi32>], vector<16xf32>,
          %parallel_loop3A_252 = arith.index_cast %parallel_loop3A_249 : i32 to index
          %parallel_loop3A_253 = arith.constant 0 : index
          %parallel_loop3A_254 = tpu.vector_load %arg24[%parallel_loop3A_252, %parallel_loop3A_253] {strides = array<i32>} : memref<80x128xf32, #tpu.memory_space<vmem>>, vector<16xf32>,
          %parallel_loop3A_255 = arith.mulf %parallel_loop3A_254, %parallel_loop3A_251 : vector<16xf32>
          %parallel_loop3A_256 = arith.index_cast %parallel_loop3A_249 : i32 to index
          %parallel_loop3A_257 = arith.constant 0 : index
          %parallel_loop3A_258 = tpu.vector_load %arg24[%parallel_loop3A_256, %parallel_loop3A_257] {strides = array<i32>} : memref<80x128xf32, #tpu.memory_space<vmem>>, vector<16xf32>,
          tpu.vector_store %arg24[%parallel_loop3A_256, %parallel_loop3A_257], %parallel_loop3A_255 {strides = array<i32>} : memref<80x128xf32, #tpu.memory_space<vmem>>, vector<16xf32>,
          %parallel_loop3A_259 = arith.index_cast %parallel_loop3A_249 : i32 to index
          %parallel_loop3A_260 = arith.constant 16 : index
          %parallel_loop3A_261 = tpu.vector_load %arg24[%parallel_loop3A_259, %parallel_loop3A_260] {strides = array<i32>} : memref<80x128xf32, #tpu.memory_space<vmem>>, vector<16xf32>,
          %parallel_loop3A_262 = arith.mulf %parallel_loop3A_261, %parallel_loop3A_251 : vector<16xf32>
          %parallel_loop3A_263 = arith.index_cast %parallel_loop3A_249 : i32 to index
          %parallel_loop3A_264 = arith.constant 16 : index
          %parallel_loop3A_265 = tpu.vector_load %arg24[%parallel_loop3A_263, %parallel_loop3A_264] {strides = array<i32>} : memref<80x128xf32, #tpu.memory_space<vmem>>, vector<16xf32>,
          tpu.vector_store %arg24[%parallel_loop3A_263, %parallel_loop3A_264], %parallel_loop3A_262 {strides = array<i32>} : memref<80x128xf32, #tpu.memory_space<vmem>>, vector<16xf32>,
          %parallel_loop3A_266 = arith.index_cast %parallel_loop3A_249 : i32 to index
          %parallel_loop3A_267 = arith.constant 32 : index
          %parallel_loop3A_268 = tpu.vector_load %arg24[%parallel_loop3A_266, %parallel_loop3A_267] {strides = array<i32>} : memref<80x128xf32, #tpu.memory_space<vmem>>, vector<16xf32>,
          %parallel_loop3A_269 = arith.mulf %parallel_loop3A_268, %parallel_loop3A_251 : vector<16xf32>
          %parallel_loop3A_270 = arith.index_cast %parallel_loop3A_249 : i32 to index
          %parallel_loop3A_271 = arith.constant 32 : index
          %parallel_loop3A_272 = tpu.vector_load %arg24[%parallel_loop3A_270, %parallel_loop3A_271] {strides = array<i32>} : memref<80x128xf32, #tpu.memory_space<vmem>>, vector<16xf32>,
          tpu.vector_store %arg24[%parallel_loop3A_270, %parallel_loop3A_271], %parallel_loop3A_269 {strides = array<i32>} : memref<80x128xf32, #tpu.memory_space<vmem>>, vector<16xf32>,
          %parallel_loop3A_273 = arith.index_cast %parallel_loop3A_249 : i32 to index
          %parallel_loop3A_274 = arith.constant 48 : index
          %parallel_loop3A_275 = tpu.vector_load %arg24[%parallel_loop3A_273, %parallel_loop3A_274] {strides = array<i32>} : memref<80x128xf32, #tpu.memory_space<vmem>>, vector<16xf32>,
          %parallel_loop3A_276 = arith.mulf %parallel_loop3A_275, %parallel_loop3A_251 : vector<16xf32>
          %parallel_loop3A_277 = arith.index_cast %parallel_loop3A_249 : i32 to index
          %parallel_loop3A_278 = arith.constant 48 : index
          %parallel_loop3A_279 = tpu.vector_load %arg24[%parallel_loop3A_277, %parallel_loop3A_278] {strides = array<i32>} : memref<80x128xf32, #tpu.memory_space<vmem>>, vector<16xf32>,
          tpu.vector_store %arg24[%parallel_loop3A_277, %parallel_loop3A_278], %parallel_loop3A_276 {strides = array<i32>} : memref<80x128xf32, #tpu.memory_space<vmem>>, vector<16xf32>,
          %parallel_loop3A_280 = arith.index_cast %parallel_loop3A_249 : i32 to index
          %parallel_loop3A_281 = arith.constant 64 : index
          %parallel_loop3A_282 = tpu.vector_load %arg24[%parallel_loop3A_280, %parallel_loop3A_281] {strides = array<i32>} : memref<80x128xf32, #tpu.memory_space<vmem>>, vector<16xf32>,
          %parallel_loop3A_283 = arith.mulf %parallel_loop3A_282, %parallel_loop3A_251 : vector<16xf32>
          %parallel_loop3A_284 = arith.index_cast %parallel_loop3A_249 : i32 to index
          %parallel_loop3A_285 = arith.constant 64 : index
          %parallel_loop3A_286 = tpu.vector_load %arg24[%parallel_loop3A_284, %parallel_loop3A_285] {strides = array<i32>} : memref<80x128xf32, #tpu.memory_space<vmem>>, vector<16xf32>,
          tpu.vector_store %arg24[%parallel_loop3A_284, %parallel_loop3A_285], %parallel_loop3A_283 {strides = array<i32>} : memref<80x128xf32, #tpu.memory_space<vmem>>, vector<16xf32>,
          %parallel_loop3A_287 = arith.index_cast %parallel_loop3A_249 : i32 to index
          %parallel_loop3A_288 = arith.constant 80 : index
          %parallel_loop3A_289 = tpu.vector_load %arg24[%parallel_loop3A_287, %parallel_loop3A_288] {strides = array<i32>} : memref<80x128xf32, #tpu.memory_space<vmem>>, vector<16xf32>,
          %parallel_loop3A_290 = arith.mulf %parallel_loop3A_289, %parallel_loop3A_251 : vector<16xf32>
          %parallel_loop3A_291 = arith.index_cast %parallel_loop3A_249 : i32 to index
          %parallel_loop3A_292 = arith.constant 80 : index
          %parallel_loop3A_293 = tpu.vector_load %arg24[%parallel_loop3A_291, %parallel_loop3A_292] {strides = array<i32>} : memref<80x128xf32, #tpu.memory_space<vmem>>, vector<16xf32>,
          tpu.vector_store %arg24[%parallel_loop3A_291, %parallel_loop3A_292], %parallel_loop3A_290 {strides = array<i32>} : memref<80x128xf32, #tpu.memory_space<vmem>>, vector<16xf32>,
          %parallel_loop3A_294 = arith.index_cast %parallel_loop3A_249 : i32 to index
          %parallel_loop3A_295 = arith.constant 96 : index
          %parallel_loop3A_296 = tpu.vector_load %arg24[%parallel_loop3A_294, %parallel_loop3A_295] {strides = array<i32>} : memref<80x128xf32, #tpu.memory_space<vmem>>, vector<16xf32>,
          %parallel_loop3A_297 = arith.mulf %parallel_loop3A_296, %parallel_loop3A_251 : vector<16xf32>
          %parallel_loop3A_298 = arith.index_cast %parallel_loop3A_249 : i32 to index
          %parallel_loop3A_299 = arith.constant 96 : index
          %parallel_loop3A_300 = tpu.vector_load %arg24[%parallel_loop3A_298, %parallel_loop3A_299] {strides = array<i32>} : memref<80x128xf32, #tpu.memory_space<vmem>>, vector<16xf32>,
          tpu.vector_store %arg24[%parallel_loop3A_298, %parallel_loop3A_299], %parallel_loop3A_297 {strides = array<i32>} : memref<80x128xf32, #tpu.memory_space<vmem>>, vector<16xf32>,
          %parallel_loop3A_301 = arith.index_cast %parallel_loop3A_249 : i32 to index
          %parallel_loop3A_302 = arith.constant 112 : index
          %parallel_loop3A_303 = tpu.vector_load %arg24[%parallel_loop3A_301, %parallel_loop3A_302] {strides = array<i32>} : memref<80x128xf32, #tpu.memory_space<vmem>>, vector<16xf32>,
          %parallel_loop3A_304 = arith.mulf %parallel_loop3A_303, %parallel_loop3A_251 : vector<16xf32>
          %parallel_loop3A_305 = arith.index_cast %parallel_loop3A_249 : i32 to index
          %parallel_loop3A_306 = arith.constant 112 : index
          %parallel_loop3A_307 = tpu.vector_load %arg24[%parallel_loop3A_305, %parallel_loop3A_306] {strides = array<i32>} : memref<80x128xf32, #tpu.memory_space<vmem>>, vector<16xf32>,
          tpu.vector_store %arg24[%parallel_loop3A_305, %parallel_loop3A_306], %parallel_loop3A_304 {strides = array<i32>} : memref<80x128xf32, #tpu.memory_space<vmem>>, vector<16xf32>,
        } {sc.loop_unroll_factor = 4 : i64, sc.parallel_access}
        %dma_start3A_209 = arith.constant 0 : i32
        %dma_start3A_210 = arith.constant 0 : i32
        %dma_start3A_211 = tpu.memref_slice %arg9[%dma_start3A_209, %dma_start3A_210] : memref<10000x128xf32, #tpu.memory_space<vmem_shared>> -> memref<10000x128xf32, #tpu.memory_space<vmem_shared>>
        tpu.enqueue_indirect_dma source(%arg24 : memref<80x128xf32, #tpu.memory_space<vmem>>) target(%dma_start3A_211 : memref<10000x128xf32, #tpu.memory_space<vmem_shared>>) offsets(%arg12 : memref<80xi32, #tpu.memory_space<vmem>>) semaphore(%arg36 : memref<!tpu.dma_semaphore, #tpu.memory_space<semaphore_mem>>) {add = true}
        %add3A_212 = arith.constant 3 : i32
        %add3A_213 = arith.addi %add3A_190, %add3A_212 : i32
        %lt3A_214 = arith.constant 125 : i32
        %lt3A_215 = arith.cmpi slt, %add3A_213, %lt3A_214 : i32
        %convert_element_type3A_216 = arith.extui %lt3A_215 : i1 to i32
        %cond3A_217 = arith.constant 0 : i32
        %cond3A_218 = arith.cmpi ne, %convert_element_type3A_216, %cond3A_217 : i32
        scf.if %cond3A_218 {
          %add3A_249 = arith.constant 3 : i32
          %add3A_250 = arith.addi %add3A_190, %add3A_249 : i32
          %mul3A_251 = arith.constant 80 : i32
          %mul3A_252 = arith.muli %add3A_250, %mul3A_251 : i32
          %add3A_253 = arith.addi %mul3A_10, %mul3A_252 : i32
          %dma_start3A_254 = tpu.memref_slice %arg4[%add3A_253] : memref<160000xi32, #tpu.memory_space<hbm>> -> memref<80xi32, #tpu.memory_space<hbm>>
          %dma_start3A_255 = tpu.memref_slice %arg4[%add3A_253] : memref<160000xi32, #tpu.memory_space<hbm>> -> memref<80xi32, #tpu.memory_space<hbm>>
          tpu.enqueue_dma source(%dma_start3A_255 : memref<80xi32, #tpu.memory_space<hbm>>) target(%arg11 : memref<80xi32, #tpu.memory_space<vmem>>) target_semaphore(%arg27 : memref<!tpu.dma_semaphore, #tpu.memory_space<semaphore_mem>>)
          %dma_start3A_256 = tpu.memref_slice %arg5[%add3A_253] : memref<160000xi32, #tpu.memory_space<hbm>> -> memref<80xi32, #tpu.memory_space<hbm>>
          %dma_start3A_257 = tpu.memref_slice %arg5[%add3A_253] : memref<160000xi32, #tpu.memory_space<hbm>> -> memref<80xi32, #tpu.memory_space<hbm>>
          tpu.enqueue_dma source(%dma_start3A_257 : memref<80xi32, #tpu.memory_space<hbm>>) target(%arg15 : memref<80xi32, #tpu.memory_space<vmem>>) target_semaphore(%arg27 : memref<!tpu.dma_semaphore, #tpu.memory_space<semaphore_mem>>)
          %dma_start3A_258 = tpu.memref_slice %arg6[%add3A_253] : memref<160000xf32, #tpu.memory_space<hbm>> -> memref<80xf32, #tpu.memory_space<hbm>>
          %dma_start3A_259 = tpu.memref_slice %arg6[%add3A_253] : memref<160000xf32, #tpu.memory_space<hbm>> -> memref<80xf32, #tpu.memory_space<hbm>>
          tpu.enqueue_dma source(%dma_start3A_259 : memref<80xf32, #tpu.memory_space<hbm>>) target(%arg19 : memref<80xf32, #tpu.memory_space<vmem>>) target_semaphore(%arg27 : memref<!tpu.dma_semaphore, #tpu.memory_space<semaphore_mem>>)
        } else {
        }
        %add3A_219 = arith.constant 3 : i32
        %add3A_220 = arith.addi %add3A_130, %add3A_219 : i32
        %ge3A_221 = arith.constant 2 : i32
        %ge3A_222 = arith.cmpi sge, %add3A_220, %ge3A_221 : i32
        %convert_element_type3A_223 = arith.extui %ge3A_222 : i1 to i32
        %cond3A_224 = arith.constant 0 : i32
        %cond3A_225 = arith.cmpi ne, %convert_element_type3A_223, %cond3A_224 : i32
        scf.if %cond3A_225 {
          %dma_wait3A_249 = arith.constant 0 : i32
          %dma_wait3A_250 = arith.constant 0 : i32
          %dma_wait3A_251 = tpu.memref_slice %arg9[%dma_wait3A_249, %dma_wait3A_250] : memref<10000x128xf32, #tpu.memory_space<vmem_shared>> -> memref<10000x128xf32, #tpu.memory_space<vmem_shared>>
          tpu.wait_indirect_dma semaphore(%arg35 : memref<!tpu.dma_semaphore, #tpu.memory_space<semaphore_mem>>) src(%arg23 : memref<80x128xf32, #tpu.memory_space<vmem>>) dst(%dma_wait3A_251 : memref<10000x128xf32, #tpu.memory_space<vmem_shared>>)
        } else {
        }
        %add3A_226 = arith.constant 2 : i32
        %add3A_227 = arith.addi %add3A_220, %add3A_226 : i32
        %lt3A_228 = arith.constant 125 : i32
        %lt3A_229 = arith.cmpi slt, %add3A_227, %lt3A_228 : i32
        %convert_element_type3A_230 = arith.extui %lt3A_229 : i1 to i32
        %cond3A_231 = arith.constant 0 : i32
        %cond3A_232 = arith.cmpi ne, %convert_element_type3A_230, %cond3A_231 : i32
        scf.if %cond3A_232 {
          %add3A_249 = arith.constant 2 : i32
          %add3A_250 = arith.addi %add3A_220, %add3A_249 : i32
          %mul3A_251 = arith.constant 80 : i32
          %mul3A_252 = arith.muli %add3A_250, %mul3A_251 : i32
          %add3A_253 = arith.addi %mul3A_10, %mul3A_252 : i32
          %dma_wait3A_254 = tpu.memref_slice %arg4[%add3A_253] : memref<160000xi32, #tpu.memory_space<hbm>> -> memref<80xi32, #tpu.memory_space<hbm>>
          %dma_wait3A_255 = tpu.memref_slice %arg4[%add3A_253] : memref<160000xi32, #tpu.memory_space<hbm>> -> memref<80xi32, #tpu.memory_space<hbm>>
          tpu.wait_dma2 semaphore(%arg27 : memref<!tpu.dma_semaphore, #tpu.memory_space<semaphore_mem>>) src(%dma_wait3A_255 : memref<80xi32, #tpu.memory_space<hbm>>) dst(%arg11 : memref<80xi32, #tpu.memory_space<vmem>>)
          %dma_wait3A_256 = tpu.memref_slice %arg5[%add3A_253] : memref<160000xi32, #tpu.memory_space<hbm>> -> memref<80xi32, #tpu.memory_space<hbm>>
          %dma_wait3A_257 = tpu.memref_slice %arg5[%add3A_253] : memref<160000xi32, #tpu.memory_space<hbm>> -> memref<80xi32, #tpu.memory_space<hbm>>
          tpu.wait_dma2 semaphore(%arg27 : memref<!tpu.dma_semaphore, #tpu.memory_space<semaphore_mem>>) src(%dma_wait3A_257 : memref<80xi32, #tpu.memory_space<hbm>>) dst(%arg15 : memref<80xi32, #tpu.memory_space<vmem>>)
          %dma_wait3A_258 = tpu.memref_slice %arg6[%add3A_253] : memref<160000xf32, #tpu.memory_space<hbm>> -> memref<80xf32, #tpu.memory_space<hbm>>
          %dma_wait3A_259 = tpu.memref_slice %arg6[%add3A_253] : memref<160000xf32, #tpu.memory_space<hbm>> -> memref<80xf32, #tpu.memory_space<hbm>>
          tpu.wait_dma2 semaphore(%arg27 : memref<!tpu.dma_semaphore, #tpu.memory_space<semaphore_mem>>) src(%dma_wait3A_259 : memref<80xf32, #tpu.memory_space<hbm>>) dst(%arg19 : memref<80xf32, #tpu.memory_space<vmem>>)
          %dma_start3A_260 = arith.constant 0 : i32
          %dma_start3A_261 = arith.constant 0 : i32
          %dma_start3A_262 = tpu.memref_slice %arg3[%dma_start3A_260, %dma_start3A_261] : memref<10000x128xf32, #tpu.memory_space<hbm>> -> memref<10000x128xf32, #tpu.memory_space<hbm>>
          tpu.enqueue_indirect_dma source(%dma_start3A_262 : memref<10000x128xf32, #tpu.memory_space<hbm>>) target(%arg23 : memref<80x128xf32, #tpu.memory_space<vmem>>) offsets(%arg15 : memref<80xi32, #tpu.memory_space<vmem>>) semaphore(%arg31 : memref<!tpu.dma_semaphore, #tpu.memory_space<semaphore_mem>>)
        } else {
        }
        %dma_wait3A_233 = arith.constant 0 : i32
        %dma_wait3A_234 = arith.constant 0 : i32
        %dma_wait3A_235 = tpu.memref_slice %arg3[%dma_wait3A_233, %dma_wait3A_234] : memref<10000x128xf32, #tpu.memory_space<hbm>> -> memref<10000x128xf32, #tpu.memory_space<hbm>>
        tpu.wait_indirect_dma semaphore(%arg33 : memref<!tpu.dma_semaphore, #tpu.memory_space<semaphore_mem>>) src(%dma_wait3A_235 : memref<10000x128xf32, #tpu.memory_space<hbm>>) dst(%arg25 : memref<80x128xf32, #tpu.memory_space<vmem>>)
        %parallel_loop3A_236 = arith.constant 0 : i32
        %parallel_loop3A_237 = arith.constant 80 : i32
        %parallel_loop3A_238 = arith.constant 1 : i32
        scf.for %parallel_loop3A_249 = %parallel_loop3A_236 to %parallel_loop3A_237 step %parallel_loop3A_238  : i32 {
          %parallel_loop3A_250 = vector.broadcast %parallel_loop3A_249 : i32 to vector<16xi32>
          %parallel_loop3A_251 = tpu.vector_load_idx %arg21[%parallel_loop3A_250] : memref<80xf32, #tpu.memory_space<vmem>>[vector<16xi32>], vector<16xf32>,
          %parallel_loop3A_252 = arith.index_cast %parallel_loop3A_249 : i32 to index
          %parallel_loop3A_253 = arith.constant 0 : index
          %parallel_loop3A_254 = tpu.vector_load %arg25[%parallel_loop3A_252, %parallel_loop3A_253] {strides = array<i32>} : memref<80x128xf32, #tpu.memory_space<vmem>>, vector<16xf32>,
          %parallel_loop3A_255 = arith.mulf %parallel_loop3A_254, %parallel_loop3A_251 : vector<16xf32>
          %parallel_loop3A_256 = arith.index_cast %parallel_loop3A_249 : i32 to index
          %parallel_loop3A_257 = arith.constant 0 : index
          %parallel_loop3A_258 = tpu.vector_load %arg25[%parallel_loop3A_256, %parallel_loop3A_257] {strides = array<i32>} : memref<80x128xf32, #tpu.memory_space<vmem>>, vector<16xf32>,
          tpu.vector_store %arg25[%parallel_loop3A_256, %parallel_loop3A_257], %parallel_loop3A_255 {strides = array<i32>} : memref<80x128xf32, #tpu.memory_space<vmem>>, vector<16xf32>,
          %parallel_loop3A_259 = arith.index_cast %parallel_loop3A_249 : i32 to index
          %parallel_loop3A_260 = arith.constant 16 : index
          %parallel_loop3A_261 = tpu.vector_load %arg25[%parallel_loop3A_259, %parallel_loop3A_260] {strides = array<i32>} : memref<80x128xf32, #tpu.memory_space<vmem>>, vector<16xf32>,
          %parallel_loop3A_262 = arith.mulf %parallel_loop3A_261, %parallel_loop3A_251 : vector<16xf32>
          %parallel_loop3A_263 = arith.index_cast %parallel_loop3A_249 : i32 to index
          %parallel_loop3A_264 = arith.constant 16 : index
          %parallel_loop3A_265 = tpu.vector_load %arg25[%parallel_loop3A_263, %parallel_loop3A_264] {strides = array<i32>} : memref<80x128xf32, #tpu.memory_space<vmem>>, vector<16xf32>,
          tpu.vector_store %arg25[%parallel_loop3A_263, %parallel_loop3A_264], %parallel_loop3A_262 {strides = array<i32>} : memref<80x128xf32, #tpu.memory_space<vmem>>, vector<16xf32>,
          %parallel_loop3A_266 = arith.index_cast %parallel_loop3A_249 : i32 to index
          %parallel_loop3A_267 = arith.constant 32 : index
          %parallel_loop3A_268 = tpu.vector_load %arg25[%parallel_loop3A_266, %parallel_loop3A_267] {strides = array<i32>} : memref<80x128xf32, #tpu.memory_space<vmem>>, vector<16xf32>,
          %parallel_loop3A_269 = arith.mulf %parallel_loop3A_268, %parallel_loop3A_251 : vector<16xf32>
          %parallel_loop3A_270 = arith.index_cast %parallel_loop3A_249 : i32 to index
          %parallel_loop3A_271 = arith.constant 32 : index
          %parallel_loop3A_272 = tpu.vector_load %arg25[%parallel_loop3A_270, %parallel_loop3A_271] {strides = array<i32>} : memref<80x128xf32, #tpu.memory_space<vmem>>, vector<16xf32>,
          tpu.vector_store %arg25[%parallel_loop3A_270, %parallel_loop3A_271], %parallel_loop3A_269 {strides = array<i32>} : memref<80x128xf32, #tpu.memory_space<vmem>>, vector<16xf32>,
          %parallel_loop3A_273 = arith.index_cast %parallel_loop3A_249 : i32 to index
          %parallel_loop3A_274 = arith.constant 48 : index
          %parallel_loop3A_275 = tpu.vector_load %arg25[%parallel_loop3A_273, %parallel_loop3A_274] {strides = array<i32>} : memref<80x128xf32, #tpu.memory_space<vmem>>, vector<16xf32>,
          %parallel_loop3A_276 = arith.mulf %parallel_loop3A_275, %parallel_loop3A_251 : vector<16xf32>
          %parallel_loop3A_277 = arith.index_cast %parallel_loop3A_249 : i32 to index
          %parallel_loop3A_278 = arith.constant 48 : index
          %parallel_loop3A_279 = tpu.vector_load %arg25[%parallel_loop3A_277, %parallel_loop3A_278] {strides = array<i32>} : memref<80x128xf32, #tpu.memory_space<vmem>>, vector<16xf32>,
          tpu.vector_store %arg25[%parallel_loop3A_277, %parallel_loop3A_278], %parallel_loop3A_276 {strides = array<i32>} : memref<80x128xf32, #tpu.memory_space<vmem>>, vector<16xf32>,
          %parallel_loop3A_280 = arith.index_cast %parallel_loop3A_249 : i32 to index
          %parallel_loop3A_281 = arith.constant 64 : index
          %parallel_loop3A_282 = tpu.vector_load %arg25[%parallel_loop3A_280, %parallel_loop3A_281] {strides = array<i32>} : memref<80x128xf32, #tpu.memory_space<vmem>>, vector<16xf32>,
          %parallel_loop3A_283 = arith.mulf %parallel_loop3A_282, %parallel_loop3A_251 : vector<16xf32>
          %parallel_loop3A_284 = arith.index_cast %parallel_loop3A_249 : i32 to index
          %parallel_loop3A_285 = arith.constant 64 : index
          %parallel_loop3A_286 = tpu.vector_load %arg25[%parallel_loop3A_284, %parallel_loop3A_285] {strides = array<i32>} : memref<80x128xf32, #tpu.memory_space<vmem>>, vector<16xf32>,
          tpu.vector_store %arg25[%parallel_loop3A_284, %parallel_loop3A_285], %parallel_loop3A_283 {strides = array<i32>} : memref<80x128xf32, #tpu.memory_space<vmem>>, vector<16xf32>,
          %parallel_loop3A_287 = arith.index_cast %parallel_loop3A_249 : i32 to index
          %parallel_loop3A_288 = arith.constant 80 : index
          %parallel_loop3A_289 = tpu.vector_load %arg25[%parallel_loop3A_287, %parallel_loop3A_288] {strides = array<i32>} : memref<80x128xf32, #tpu.memory_space<vmem>>, vector<16xf32>,
          %parallel_loop3A_290 = arith.mulf %parallel_loop3A_289, %parallel_loop3A_251 : vector<16xf32>
          %parallel_loop3A_291 = arith.index_cast %parallel_loop3A_249 : i32 to index
          %parallel_loop3A_292 = arith.constant 80 : index
          %parallel_loop3A_293 = tpu.vector_load %arg25[%parallel_loop3A_291, %parallel_loop3A_292] {strides = array<i32>} : memref<80x128xf32, #tpu.memory_space<vmem>>, vector<16xf32>,
          tpu.vector_store %arg25[%parallel_loop3A_291, %parallel_loop3A_292], %parallel_loop3A_290 {strides = array<i32>} : memref<80x128xf32, #tpu.memory_space<vmem>>, vector<16xf32>,
          %parallel_loop3A_294 = arith.index_cast %parallel_loop3A_249 : i32 to index
          %parallel_loop3A_295 = arith.constant 96 : index
          %parallel_loop3A_296 = tpu.vector_load %arg25[%parallel_loop3A_294, %parallel_loop3A_295] {strides = array<i32>} : memref<80x128xf32, #tpu.memory_space<vmem>>, vector<16xf32>,
          %parallel_loop3A_297 = arith.mulf %parallel_loop3A_296, %parallel_loop3A_251 : vector<16xf32>
          %parallel_loop3A_298 = arith.index_cast %parallel_loop3A_249 : i32 to index
          %parallel_loop3A_299 = arith.constant 96 : index
          %parallel_loop3A_300 = tpu.vector_load %arg25[%parallel_loop3A_298, %parallel_loop3A_299] {strides = array<i32>} : memref<80x128xf32, #tpu.memory_space<vmem>>, vector<16xf32>,
          tpu.vector_store %arg25[%parallel_loop3A_298, %parallel_loop3A_299], %parallel_loop3A_297 {strides = array<i32>} : memref<80x128xf32, #tpu.memory_space<vmem>>, vector<16xf32>,
          %parallel_loop3A_301 = arith.index_cast %parallel_loop3A_249 : i32 to index
          %parallel_loop3A_302 = arith.constant 112 : index
          %parallel_loop3A_303 = tpu.vector_load %arg25[%parallel_loop3A_301, %parallel_loop3A_302] {strides = array<i32>} : memref<80x128xf32, #tpu.memory_space<vmem>>, vector<16xf32>,
          %parallel_loop3A_304 = arith.mulf %parallel_loop3A_303, %parallel_loop3A_251 : vector<16xf32>
          %parallel_loop3A_305 = arith.index_cast %parallel_loop3A_249 : i32 to index
          %parallel_loop3A_306 = arith.constant 112 : index
          %parallel_loop3A_307 = tpu.vector_load %arg25[%parallel_loop3A_305, %parallel_loop3A_306] {strides = array<i32>} : memref<80x128xf32, #tpu.memory_space<vmem>>, vector<16xf32>,
          tpu.vector_store %arg25[%parallel_loop3A_305, %parallel_loop3A_306], %parallel_loop3A_304 {strides = array<i32>} : memref<80x128xf32, #tpu.memory_space<vmem>>, vector<16xf32>,
        } {sc.loop_unroll_factor = 4 : i64, sc.parallel_access}
        %dma_start3A_239 = arith.constant 0 : i32
        %dma_start3A_240 = arith.constant 0 : i32
        %dma_start3A_241 = tpu.memref_slice %arg9[%dma_start3A_239, %dma_start3A_240] : memref<10000x128xf32, #tpu.memory_space<vmem_shared>> -> memref<10000x128xf32, #tpu.memory_space<vmem_shared>>
        tpu.enqueue_indirect_dma source(%arg25 : memref<80x128xf32, #tpu.memory_space<vmem>>) target(%dma_start3A_241 : memref<10000x128xf32, #tpu.memory_space<vmem_shared>>) offsets(%arg13 : memref<80xi32, #tpu.memory_space<vmem>>) semaphore(%arg37 : memref<!tpu.dma_semaphore, #tpu.memory_space<semaphore_mem>>) {add = true}
        %add3A_242 = arith.constant 3 : i32
        %add3A_243 = arith.addi %add3A_220, %add3A_242 : i32
        %lt3A_244 = arith.constant 125 : i32
        %lt3A_245 = arith.cmpi slt, %add3A_243, %lt3A_244 : i32
        %convert_element_type3A_246 = arith.extui %lt3A_245 : i1 to i32
        %cond3A_247 = arith.constant 0 : i32
        %cond3A_248 = arith.cmpi ne, %convert_element_type3A_246, %cond3A_247 : i32
        scf.if %cond3A_248 {
          %add3A_249 = arith.constant 3 : i32
          %add3A_250 = arith.addi %add3A_220, %add3A_249 : i32
          %mul3A_251 = arith.constant 80 : i32
          %mul3A_252 = arith.muli %add3A_250, %mul3A_251 : i32
          %add3A_253 = arith.addi %mul3A_10, %mul3A_252 : i32
          %dma_start3A_254 = tpu.memref_slice %arg4[%add3A_253] : memref<160000xi32, #tpu.memory_space<hbm>> -> memref<80xi32, #tpu.memory_space<hbm>>
          %dma_start3A_255 = tpu.memref_slice %arg4[%add3A_253] : memref<160000xi32, #tpu.memory_space<hbm>> -> memref<80xi32, #tpu.memory_space<hbm>>
          tpu.enqueue_dma source(%dma_start3A_255 : memref<80xi32, #tpu.memory_space<hbm>>) target(%arg12 : memref<80xi32, #tpu.memory_space<vmem>>) target_semaphore(%arg28 : memref<!tpu.dma_semaphore, #tpu.memory_space<semaphore_mem>>)
          %dma_start3A_256 = tpu.memref_slice %arg5[%add3A_253] : memref<160000xi32, #tpu.memory_space<hbm>> -> memref<80xi32, #tpu.memory_space<hbm>>
          %dma_start3A_257 = tpu.memref_slice %arg5[%add3A_253] : memref<160000xi32, #tpu.memory_space<hbm>> -> memref<80xi32, #tpu.memory_space<hbm>>
          tpu.enqueue_dma source(%dma_start3A_257 : memref<80xi32, #tpu.memory_space<hbm>>) target(%arg16 : memref<80xi32, #tpu.memory_space<vmem>>) target_semaphore(%arg28 : memref<!tpu.dma_semaphore, #tpu.memory_space<semaphore_mem>>)
          %dma_start3A_258 = tpu.memref_slice %arg6[%add3A_253] : memref<160000xf32, #tpu.memory_space<hbm>> -> memref<80xf32, #tpu.memory_space<hbm>>
          %dma_start3A_259 = tpu.memref_slice %arg6[%add3A_253] : memref<160000xf32, #tpu.memory_space<hbm>> -> memref<80xf32, #tpu.memory_space<hbm>>
          tpu.enqueue_dma source(%dma_start3A_259 : memref<80xf32, #tpu.memory_space<hbm>>) target(%arg20 : memref<80xf32, #tpu.memory_space<vmem>>) target_semaphore(%arg28 : memref<!tpu.dma_semaphore, #tpu.memory_space<semaphore_mem>>)
        } else {
        }
      }
      %scan3A_83 = arith.constant 31 : i32
      %ge3A = arith.constant 124 : i32
      %ge3A_84 = arith.constant 2 : i32
      %ge3A_85 = arith.cmpi sge, %ge3A, %ge3A_84 : i32
      %convert_element_type3A_86 = arith.extui %ge3A_85 : i1 to i32
      %cond3A_87 = arith.constant 0 : i32
      %cond3A_88 = arith.cmpi ne, %convert_element_type3A_86, %cond3A_87 : i32
      scf.if %cond3A_88 {
        %dma_wait3A_126 = arith.constant 0 : i32
        %dma_wait3A_127 = arith.constant 0 : i32
        %dma_wait3A_128 = tpu.memref_slice %arg9[%dma_wait3A_126, %dma_wait3A_127] : memref<10000x128xf32, #tpu.memory_space<vmem_shared>> -> memref<10000x128xf32, #tpu.memory_space<vmem_shared>>
        tpu.wait_indirect_dma semaphore(%arg36 : memref<!tpu.dma_semaphore, #tpu.memory_space<semaphore_mem>>) src(%arg24 : memref<80x128xf32, #tpu.memory_space<vmem>>) dst(%dma_wait3A_128 : memref<10000x128xf32, #tpu.memory_space<vmem_shared>>)
      } else {
      }
      %add3A_89 = arith.constant 124 : i32
      %add3A_90 = arith.constant 2 : i32
      %add3A_91 = arith.addi %add3A_89, %add3A_90 : i32
      %lt3A = arith.constant 125 : i32
      %lt3A_92 = arith.cmpi slt, %add3A_91, %lt3A : i32
      %convert_element_type3A_93 = arith.extui %lt3A_92 : i1 to i32
      %cond3A_94 = arith.constant 124 : i32
      %cond3A_95 = arith.constant 0 : i32
      %cond3A_96 = arith.cmpi ne, %convert_element_type3A_93, %cond3A_95 : i32
      scf.if %cond3A_96 {
        %add3A_126 = arith.constant 2 : i32
        %add3A_127 = arith.addi %cond3A_94, %add3A_126 : i32
        %mul3A_128 = arith.constant 80 : i32
        %mul3A_129 = arith.muli %add3A_127, %mul3A_128 : i32
        %add3A_130 = arith.addi %mul3A_10, %mul3A_129 : i32
        %dma_wait3A_131 = tpu.memref_slice %arg4[%add3A_130] : memref<160000xi32, #tpu.memory_space<hbm>> -> memref<80xi32, #tpu.memory_space<hbm>>
        %dma_wait3A_132 = tpu.memref_slice %arg4[%add3A_130] : memref<160000xi32, #tpu.memory_space<hbm>> -> memref<80xi32, #tpu.memory_space<hbm>>
        tpu.wait_dma2 semaphore(%arg28 : memref<!tpu.dma_semaphore, #tpu.memory_space<semaphore_mem>>) src(%dma_wait3A_132 : memref<80xi32, #tpu.memory_space<hbm>>) dst(%arg12 : memref<80xi32, #tpu.memory_space<vmem>>)
        %dma_wait3A_133 = tpu.memref_slice %arg5[%add3A_130] : memref<160000xi32, #tpu.memory_space<hbm>> -> memref<80xi32, #tpu.memory_space<hbm>>
        %dma_wait3A_134 = tpu.memref_slice %arg5[%add3A_130] : memref<160000xi32, #tpu.memory_space<hbm>> -> memref<80xi32, #tpu.memory_space<hbm>>
        tpu.wait_dma2 semaphore(%arg28 : memref<!tpu.dma_semaphore, #tpu.memory_space<semaphore_mem>>) src(%dma_wait3A_134 : memref<80xi32, #tpu.memory_space<hbm>>) dst(%arg16 : memref<80xi32, #tpu.memory_space<vmem>>)
        %dma_wait3A_135 = tpu.memref_slice %arg6[%add3A_130] : memref<160000xf32, #tpu.memory_space<hbm>> -> memref<80xf32, #tpu.memory_space<hbm>>
        %dma_wait3A_136 = tpu.memref_slice %arg6[%add3A_130] : memref<160000xf32, #tpu.memory_space<hbm>> -> memref<80xf32, #tpu.memory_space<hbm>>
        tpu.wait_dma2 semaphore(%arg28 : memref<!tpu.dma_semaphore, #tpu.memory_space<semaphore_mem>>) src(%dma_wait3A_136 : memref<80xf32, #tpu.memory_space<hbm>>) dst(%arg20 : memref<80xf32, #tpu.memory_space<vmem>>)
        %dma_start3A_137 = arith.constant 0 : i32
        %dma_start3A_138 = arith.constant 0 : i32
        %dma_start3A_139 = tpu.memref_slice %arg3[%dma_start3A_137, %dma_start3A_138] : memref<10000x128xf32, #tpu.memory_space<hbm>> -> memref<10000x128xf32, #tpu.memory_space<hbm>>
        tpu.enqueue_indirect_dma source(%dma_start3A_139 : memref<10000x128xf32, #tpu.memory_space<hbm>>) target(%arg24 : memref<80x128xf32, #tpu.memory_space<vmem>>) offsets(%arg16 : memref<80xi32, #tpu.memory_space<vmem>>) semaphore(%arg32 : memref<!tpu.dma_semaphore, #tpu.memory_space<semaphore_mem>>)
      } else {
      }
      %dma_wait3A_97 = arith.constant 0 : i32
      %dma_wait3A_98 = arith.constant 0 : i32
      %dma_wait3A_99 = tpu.memref_slice %arg3[%dma_wait3A_97, %dma_wait3A_98] : memref<10000x128xf32, #tpu.memory_space<hbm>> -> memref<10000x128xf32, #tpu.memory_space<hbm>>
      tpu.wait_indirect_dma semaphore(%arg30 : memref<!tpu.dma_semaphore, #tpu.memory_space<semaphore_mem>>) src(%dma_wait3A_99 : memref<10000x128xf32, #tpu.memory_space<hbm>>) dst(%arg22 : memref<80x128xf32, #tpu.memory_space<vmem>>)
      %parallel_loop3A = arith.constant 0 : i32
      %parallel_loop3A_100 = arith.constant 80 : i32
      %parallel_loop3A_101 = arith.constant 1 : i32
      scf.for %parallel_loop3A_126 = %parallel_loop3A to %parallel_loop3A_100 step %parallel_loop3A_101  : i32 {
        %parallel_loop3A_127 = vector.broadcast %parallel_loop3A_126 : i32 to vector<16xi32>
        %parallel_loop3A_128 = tpu.vector_load_idx %arg18[%parallel_loop3A_127] : memref<80xf32, #tpu.memory_space<vmem>>[vector<16xi32>], vector<16xf32>,
        %parallel_loop3A_129 = arith.index_cast %parallel_loop3A_126 : i32 to index
        %parallel_loop3A_130 = arith.constant 0 : index
        %parallel_loop3A_131 = tpu.vector_load %arg22[%parallel_loop3A_129, %parallel_loop3A_130] {strides = array<i32>} : memref<80x128xf32, #tpu.memory_space<vmem>>, vector<16xf32>,
        %parallel_loop3A_132 = arith.mulf %parallel_loop3A_131, %parallel_loop3A_128 : vector<16xf32>
        %parallel_loop3A_133 = arith.index_cast %parallel_loop3A_126 : i32 to index
        %parallel_loop3A_134 = arith.constant 0 : index
        %parallel_loop3A_135 = tpu.vector_load %arg22[%parallel_loop3A_133, %parallel_loop3A_134] {strides = array<i32>} : memref<80x128xf32, #tpu.memory_space<vmem>>, vector<16xf32>,
        tpu.vector_store %arg22[%parallel_loop3A_133, %parallel_loop3A_134], %parallel_loop3A_132 {strides = array<i32>} : memref<80x128xf32, #tpu.memory_space<vmem>>, vector<16xf32>,
        %parallel_loop3A_136 = arith.index_cast %parallel_loop3A_126 : i32 to index
        %parallel_loop3A_137 = arith.constant 16 : index
        %parallel_loop3A_138 = tpu.vector_load %arg22[%parallel_loop3A_136, %parallel_loop3A_137] {strides = array<i32>} : memref<80x128xf32, #tpu.memory_space<vmem>>, vector<16xf32>,
        %parallel_loop3A_139 = arith.mulf %parallel_loop3A_138, %parallel_loop3A_128 : vector<16xf32>
        %parallel_loop3A_140 = arith.index_cast %parallel_loop3A_126 : i32 to index
        %parallel_loop3A_141 = arith.constant 16 : index
        %parallel_loop3A_142 = tpu.vector_load %arg22[%parallel_loop3A_140, %parallel_loop3A_141] {strides = array<i32>} : memref<80x128xf32, #tpu.memory_space<vmem>>, vector<16xf32>,
        tpu.vector_store %arg22[%parallel_loop3A_140, %parallel_loop3A_141], %parallel_loop3A_139 {strides = array<i32>} : memref<80x128xf32, #tpu.memory_space<vmem>>, vector<16xf32>,
        %parallel_loop3A_143 = arith.index_cast %parallel_loop3A_126 : i32 to index
        %parallel_loop3A_144 = arith.constant 32 : index
        %parallel_loop3A_145 = tpu.vector_load %arg22[%parallel_loop3A_143, %parallel_loop3A_144] {strides = array<i32>} : memref<80x128xf32, #tpu.memory_space<vmem>>, vector<16xf32>,
        %parallel_loop3A_146 = arith.mulf %parallel_loop3A_145, %parallel_loop3A_128 : vector<16xf32>
        %parallel_loop3A_147 = arith.index_cast %parallel_loop3A_126 : i32 to index
        %parallel_loop3A_148 = arith.constant 32 : index
        %parallel_loop3A_149 = tpu.vector_load %arg22[%parallel_loop3A_147, %parallel_loop3A_148] {strides = array<i32>} : memref<80x128xf32, #tpu.memory_space<vmem>>, vector<16xf32>,
        tpu.vector_store %arg22[%parallel_loop3A_147, %parallel_loop3A_148], %parallel_loop3A_146 {strides = array<i32>} : memref<80x128xf32, #tpu.memory_space<vmem>>, vector<16xf32>,
        %parallel_loop3A_150 = arith.index_cast %parallel_loop3A_126 : i32 to index
        %parallel_loop3A_151 = arith.constant 48 : index
        %parallel_loop3A_152 = tpu.vector_load %arg22[%parallel_loop3A_150, %parallel_loop3A_151] {strides = array<i32>} : memref<80x128xf32, #tpu.memory_space<vmem>>, vector<16xf32>,
        %parallel_loop3A_153 = arith.mulf %parallel_loop3A_152, %parallel_loop3A_128 : vector<16xf32>
        %parallel_loop3A_154 = arith.index_cast %parallel_loop3A_126 : i32 to index
        %parallel_loop3A_155 = arith.constant 48 : index
        %parallel_loop3A_156 = tpu.vector_load %arg22[%parallel_loop3A_154, %parallel_loop3A_155] {strides = array<i32>} : memref<80x128xf32, #tpu.memory_space<vmem>>, vector<16xf32>,
        tpu.vector_store %arg22[%parallel_loop3A_154, %parallel_loop3A_155], %parallel_loop3A_153 {strides = array<i32>} : memref<80x128xf32, #tpu.memory_space<vmem>>, vector<16xf32>,
        %parallel_loop3A_157 = arith.index_cast %parallel_loop3A_126 : i32 to index
        %parallel_loop3A_158 = arith.constant 64 : index
        %parallel_loop3A_159 = tpu.vector_load %arg22[%parallel_loop3A_157, %parallel_loop3A_158] {strides = array<i32>} : memref<80x128xf32, #tpu.memory_space<vmem>>, vector<16xf32>,
        %parallel_loop3A_160 = arith.mulf %parallel_loop3A_159, %parallel_loop3A_128 : vector<16xf32>
        %parallel_loop3A_161 = arith.index_cast %parallel_loop3A_126 : i32 to index
        %parallel_loop3A_162 = arith.constant 64 : index
        %parallel_loop3A_163 = tpu.vector_load %arg22[%parallel_loop3A_161, %parallel_loop3A_162] {strides = array<i32>} : memref<80x128xf32, #tpu.memory_space<vmem>>, vector<16xf32>,
        tpu.vector_store %arg22[%parallel_loop3A_161, %parallel_loop3A_162], %parallel_loop3A_160 {strides = array<i32>} : memref<80x128xf32, #tpu.memory_space<vmem>>, vector<16xf32>,
        %parallel_loop3A_164 = arith.index_cast %parallel_loop3A_126 : i32 to index
        %parallel_loop3A_165 = arith.constant 80 : index
        %parallel_loop3A_166 = tpu.vector_load %arg22[%parallel_loop3A_164, %parallel_loop3A_165] {strides = array<i32>} : memref<80x128xf32, #tpu.memory_space<vmem>>, vector<16xf32>,
        %parallel_loop3A_167 = arith.mulf %parallel_loop3A_166, %parallel_loop3A_128 : vector<16xf32>
        %parallel_loop3A_168 = arith.index_cast %parallel_loop3A_126 : i32 to index
        %parallel_loop3A_169 = arith.constant 80 : index
        %parallel_loop3A_170 = tpu.vector_load %arg22[%parallel_loop3A_168, %parallel_loop3A_169] {strides = array<i32>} : memref<80x128xf32, #tpu.memory_space<vmem>>, vector<16xf32>,
        tpu.vector_store %arg22[%parallel_loop3A_168, %parallel_loop3A_169], %parallel_loop3A_167 {strides = array<i32>} : memref<80x128xf32, #tpu.memory_space<vmem>>, vector<16xf32>,
        %parallel_loop3A_171 = arith.index_cast %parallel_loop3A_126 : i32 to index
        %parallel_loop3A_172 = arith.constant 96 : index
        %parallel_loop3A_173 = tpu.vector_load %arg22[%parallel_loop3A_171, %parallel_loop3A_172] {strides = array<i32>} : memref<80x128xf32, #tpu.memory_space<vmem>>, vector<16xf32>,
        %parallel_loop3A_174 = arith.mulf %parallel_loop3A_173, %parallel_loop3A_128 : vector<16xf32>
        %parallel_loop3A_175 = arith.index_cast %parallel_loop3A_126 : i32 to index
        %parallel_loop3A_176 = arith.constant 96 : index
        %parallel_loop3A_177 = tpu.vector_load %arg22[%parallel_loop3A_175, %parallel_loop3A_176] {strides = array<i32>} : memref<80x128xf32, #tpu.memory_space<vmem>>, vector<16xf32>,
        tpu.vector_store %arg22[%parallel_loop3A_175, %parallel_loop3A_176], %parallel_loop3A_174 {strides = array<i32>} : memref<80x128xf32, #tpu.memory_space<vmem>>, vector<16xf32>,
        %parallel_loop3A_178 = arith.index_cast %parallel_loop3A_126 : i32 to index
        %parallel_loop3A_179 = arith.constant 112 : index
        %parallel_loop3A_180 = tpu.vector_load %arg22[%parallel_loop3A_178, %parallel_loop3A_179] {strides = array<i32>} : memref<80x128xf32, #tpu.memory_space<vmem>>, vector<16xf32>,
        %parallel_loop3A_181 = arith.mulf %parallel_loop3A_180, %parallel_loop3A_128 : vector<16xf32>
        %parallel_loop3A_182 = arith.index_cast %parallel_loop3A_126 : i32 to index
        %parallel_loop3A_183 = arith.constant 112 : index
        %parallel_loop3A_184 = tpu.vector_load %arg22[%parallel_loop3A_182, %parallel_loop3A_183] {strides = array<i32>} : memref<80x128xf32, #tpu.memory_space<vmem>>, vector<16xf32>,
        tpu.vector_store %arg22[%parallel_loop3A_182, %parallel_loop3A_183], %parallel_loop3A_181 {strides = array<i32>} : memref<80x128xf32, #tpu.memory_space<vmem>>, vector<16xf32>,
      } {sc.loop_unroll_factor = 4 : i64, sc.parallel_access}
      %dma_start3A_102 = arith.constant 0 : i32
      %dma_start3A_103 = arith.constant 0 : i32
      %dma_start3A_104 = tpu.memref_slice %arg9[%dma_start3A_102, %dma_start3A_103] : memref<10000x128xf32, #tpu.memory_space<vmem_shared>> -> memref<10000x128xf32, #tpu.memory_space<vmem_shared>>
      tpu.enqueue_indirect_dma source(%arg22 : memref<80x128xf32, #tpu.memory_space<vmem>>) target(%dma_start3A_104 : memref<10000x128xf32, #tpu.memory_space<vmem_shared>>) offsets(%arg10 : memref<80xi32, #tpu.memory_space<vmem>>) semaphore(%arg34 : memref<!tpu.dma_semaphore, #tpu.memory_space<semaphore_mem>>) {add = true}
      %add3A_105 = arith.constant 124 : i32
      %add3A_106 = arith.constant 3 : i32
      %add3A_107 = arith.addi %add3A_105, %add3A_106 : i32
      %lt3A_108 = arith.constant 125 : i32
      %lt3A_109 = arith.cmpi slt, %add3A_107, %lt3A_108 : i32
      %convert_element_type3A_110 = arith.extui %lt3A_109 : i1 to i32
      %cond3A_111 = arith.constant 124 : i32
      %cond3A_112 = arith.constant 0 : i32
      %cond3A_113 = arith.cmpi ne, %convert_element_type3A_110, %cond3A_112 : i32
      scf.if %cond3A_113 {
        %add3A_126 = arith.constant 3 : i32
        %add3A_127 = arith.addi %cond3A_111, %add3A_126 : i32
        %mul3A_128 = arith.constant 80 : i32
        %mul3A_129 = arith.muli %add3A_127, %mul3A_128 : i32
        %add3A_130 = arith.addi %mul3A_10, %mul3A_129 : i32
        %dma_start3A_131 = tpu.memref_slice %arg4[%add3A_130] : memref<160000xi32, #tpu.memory_space<hbm>> -> memref<80xi32, #tpu.memory_space<hbm>>
        %dma_start3A_132 = tpu.memref_slice %arg4[%add3A_130] : memref<160000xi32, #tpu.memory_space<hbm>> -> memref<80xi32, #tpu.memory_space<hbm>>
        tpu.enqueue_dma source(%dma_start3A_132 : memref<80xi32, #tpu.memory_space<hbm>>) target(%arg13 : memref<80xi32, #tpu.memory_space<vmem>>) target_semaphore(%arg29 : memref<!tpu.dma_semaphore, #tpu.memory_space<semaphore_mem>>)
        %dma_start3A_133 = tpu.memref_slice %arg5[%add3A_130] : memref<160000xi32, #tpu.memory_space<hbm>> -> memref<80xi32, #tpu.memory_space<hbm>>
        %dma_start3A_134 = tpu.memref_slice %arg5[%add3A_130] : memref<160000xi32, #tpu.memory_space<hbm>> -> memref<80xi32, #tpu.memory_space<hbm>>
        tpu.enqueue_dma source(%dma_start3A_134 : memref<80xi32, #tpu.memory_space<hbm>>) target(%arg17 : memref<80xi32, #tpu.memory_space<vmem>>) target_semaphore(%arg29 : memref<!tpu.dma_semaphore, #tpu.memory_space<semaphore_mem>>)
        %dma_start3A_135 = tpu.memref_slice %arg6[%add3A_130] : memref<160000xf32, #tpu.memory_space<hbm>> -> memref<80xf32, #tpu.memory_space<hbm>>
        %dma_start3A_136 = tpu.memref_slice %arg6[%add3A_130] : memref<160000xf32, #tpu.memory_space<hbm>> -> memref<80xf32, #tpu.memory_space<hbm>>
        tpu.enqueue_dma source(%dma_start3A_136 : memref<80xf32, #tpu.memory_space<hbm>>) target(%arg21 : memref<80xf32, #tpu.memory_space<vmem>>) target_semaphore(%arg29 : memref<!tpu.dma_semaphore, #tpu.memory_space<semaphore_mem>>)
      } else {
      }
      %dma_wait3A_114 = arith.constant 0 : i32
      %dma_wait3A_115 = arith.constant 0 : i32
      %dma_wait3A_116 = tpu.memref_slice %arg9[%dma_wait3A_114, %dma_wait3A_115] : memref<10000x128xf32, #tpu.memory_space<vmem_shared>> -> memref<10000x128xf32, #tpu.memory_space<vmem_shared>>
      tpu.wait_indirect_dma semaphore(%arg37 : memref<!tpu.dma_semaphore, #tpu.memory_space<semaphore_mem>>) src(%arg25 : memref<80x128xf32, #tpu.memory_space<vmem>>) dst(%dma_wait3A_116 : memref<10000x128xf32, #tpu.memory_space<vmem_shared>>)
      %dma_wait3A_117 = arith.constant 0 : i32
      %dma_wait3A_118 = arith.constant 0 : i32
      %dma_wait3A_119 = tpu.memref_slice %arg9[%dma_wait3A_117, %dma_wait3A_118] : memref<10000x128xf32, #tpu.memory_space<vmem_shared>> -> memref<10000x128xf32, #tpu.memory_space<vmem_shared>>
      tpu.wait_indirect_dma semaphore(%arg34 : memref<!tpu.dma_semaphore, #tpu.memory_space<semaphore_mem>>) src(%arg22 : memref<80x128xf32, #tpu.memory_space<vmem>>) dst(%dma_wait3A_119 : memref<10000x128xf32, #tpu.memory_space<vmem_shared>>)
      %barrier3A_120 = arith.constant 0 : index
      tpu.barrier barrier_id(%barrier3A_120)
      "tpu.region"() ({
        %run_scoped3A = tpu.sem_alloc : memref<!tpu.dma_semaphore, #tpu.memory_space<semaphore_mem>>
        %dma_start3A_126 = arith.constant 0 : i32
        %dma_start3A_127 = tpu.memref_slice %arg8[%mul3A_0, %dma_start3A_126] : memref<10000x128xf32, #tpu.memory_space<hbm>> -> memref<624x128xf32, #tpu.memory_space<hbm>>
        %dma_start3A_128 = arith.constant 0 : i32
        %dma_start3A_129 = tpu.memref_slice %arg9[%mul3A_0, %dma_start3A_128] : memref<10000x128xf32, #tpu.memory_space<vmem_shared>> -> memref<624x128xf32, #tpu.memory_space<vmem_shared>>
        tpu.enqueue_dma source(%dma_start3A_129 : memref<624x128xf32, #tpu.memory_space<vmem_shared>>) target(%dma_start3A_127 : memref<624x128xf32, #tpu.memory_space<hbm>>) target_semaphore(%run_scoped3A : memref<!tpu.dma_semaphore, #tpu.memory_space<semaphore_mem>>)
        %dma_wait3A_130 = arith.constant 0 : i32
        %dma_wait3A_131 = tpu.memref_slice %arg8[%mul3A_0, %dma_wait3A_130] : memref<10000x128xf32, #tpu.memory_space<hbm>> -> memref<624x128xf32, #tpu.memory_space<hbm>>
        %dma_wait3A_132 = arith.constant 0 : i32
        %dma_wait3A_133 = tpu.memref_slice %arg9[%mul3A_0, %dma_wait3A_132] : memref<10000x128xf32, #tpu.memory_space<vmem_shared>> -> memref<624x128xf32, #tpu.memory_space<vmem_shared>>
        tpu.wait_dma2 semaphore(%run_scoped3A : memref<!tpu.dma_semaphore, #tpu.memory_space<semaphore_mem>>) src(%dma_wait3A_133 : memref<624x128xf32, #tpu.memory_space<vmem_shared>>) dst(%dma_wait3A_131 : memref<624x128xf32, #tpu.memory_space<hbm>>)
        tpu.yield
      }) : () -> ()
      %eq3A_121 = arith.constant 15 : i32
      %eq3A_122 = arith.cmpi eq, %arg1, %eq3A_121 : i32
      %convert_element_type3A_123 = arith.extui %eq3A_122 : i1 to i32
      %cond3A_124 = arith.constant 0 : i32
      %cond3A_125 = arith.cmpi ne, %convert_element_type3A_123, %cond3A_124 : i32
      scf.if %cond3A_125 {
        "tpu.region"() ({
          %run_scoped3A = tpu.sem_alloc : memref<!tpu.dma_semaphore, #tpu.memory_space<semaphore_mem>>
          %dma_start3A_126 = arith.constant 9984 : i32
          %dma_start3A_127 = arith.constant 0 : i32
          %dma_start3A_128 = tpu.memref_slice %arg8[%dma_start3A_126, %dma_start3A_127] : memref<10000x128xf32, #tpu.memory_space<hbm>> -> memref<16x128xf32, #tpu.memory_space<hbm>>
          %dma_start3A_129 = arith.constant 9984 : i32
          %dma_start3A_130 = arith.constant 0 : i32
          %dma_start3A_131 = tpu.memref_slice %arg9[%dma_start3A_129, %dma_start3A_130] : memref<10000x128xf32, #tpu.memory_space<vmem_shared>> -> memref<16x128xf32, #tpu.memory_space<vmem_shared>>
          tpu.enqueue_dma source(%dma_start3A_131 : memref<16x128xf32, #tpu.memory_space<vmem_shared>>) target(%dma_start3A_128 : memref<16x128xf32, #tpu.memory_space<hbm>>) target_semaphore(%run_scoped3A : memref<!tpu.dma_semaphore, #tpu.memory_space<semaphore_mem>>)
          %dma_wait3A_132 = arith.constant 9984 : i32
          %dma_wait3A_133 = arith.constant 0 : i32
          %dma_wait3A_134 = tpu.memref_slice %arg8[%dma_wait3A_132, %dma_wait3A_133] : memref<10000x128xf32, #tpu.memory_space<hbm>> -> memref<16x128xf32, #tpu.memory_space<hbm>>
          %dma_wait3A_135 = arith.constant 9984 : i32
          %dma_wait3A_136 = arith.constant 0 : i32
          %dma_wait3A_137 = tpu.memref_slice %arg9[%dma_wait3A_135, %dma_wait3A_136] : memref<10000x128xf32, #tpu.memory_space<vmem_shared>> -> memref<16x128xf32, #tpu.memory_space<vmem_shared>>
          tpu.wait_dma2 semaphore(%run_scoped3A : memref<!tpu.dma_semaphore, #tpu.memory_space<semaphore_mem>>) src(%dma_wait3A_137 : memref<16x128xf32, #tpu.memory_space<vmem_shared>>) dst(%dma_wait3A_134 : memref<16x128xf32, #tpu.memory_space<hbm>>)
          tpu.yield
        }) : () -> ()
      } else {
      }
    } else {
    }
    return
  }
}

module attributes {stable_mosaic.version = 14 : i64} {
  func.func @body(%arg0: i32, %arg1: memref<1000x128xf32, #tpu.memory_space<vmem>>, %arg2: memref<1000x128xf32, #tpu.memory_space<vmem>>, %arg3: memref<128x256xf32, #tpu.memory_space<vmem>>, %arg4: memref<128x256xf32, #tpu.memory_space<vmem>>, %arg5: memref<1000x256xf32, #tpu.memory_space<vmem>>) attributes {dimension_semantics = [#tpu.dimension_semantics<arbitrary>], iteration_bounds = array<i64: 10>, scalar_prefetch = 0 : i64, scratch_operands = 0 : i64, tpu.core_type = #tpu.core_type<tc>, window_params = [{transform_indices = @transform_0, window_bounds = array<i64: 1000, 128>}, {transform_indices = @transform_1, window_bounds = array<i64: 1000, 128>}, {pipeline_mode = #tpu.pipeline_mode<synchronous>, transform_indices = @transform_2, window_bounds = array<i64: 128, 256>}, {pipeline_mode = #tpu.pipeline_mode<synchronous>, transform_indices = @transform_3, window_bounds = array<i64: 128, 256>}, {transform_indices = @transform_4, window_bounds = array<i64: 1000, 256>}]} {
    %get3A = arith.constant 0 : index
    %get3A_0 = arith.constant 0 : index
    %get3A_1 = vector.load %arg1[%get3A, %get3A_0] : memref<1000x128xf32, #tpu.memory_space<vmem>>, vector<1000x128xf32>
    %get3A_2 = arith.constant 0 : index
    %get3A_3 = arith.constant 0 : index
    %get3A_4 = vector.load %arg3[%get3A_2, %get3A_3] : memref<128x256xf32, #tpu.memory_space<vmem>>, vector<128x256xf32>
    %dot_general3A = arith.constant dense<0.000000e+00> : vector<1000x256xf32>
    %dot_general3A_5 = tpu.matmul %get3A_1, %get3A_4, %dot_general3A {dimension_numbers = #tpu.dot_dimension_numbers<[1], [0], [0], [1], [0, 0, 1, 1], [], []>, transpose_lhs_hint = false} : vector<1000x128xf32>, vector<128x256xf32>, vector<1000x256xf32> -> vector<1000x256xf32>
    %get3A_6 = arith.constant 0 : index
    %get3A_7 = arith.constant 0 : index
    %get3A_8 = vector.load %arg2[%get3A_6, %get3A_7] : memref<1000x128xf32, #tpu.memory_space<vmem>>, vector<1000x128xf32>
    %get3A_9 = arith.constant 0 : index
    %get3A_10 = arith.constant 0 : index
    %get3A_11 = vector.load %arg4[%get3A_9, %get3A_10] : memref<128x256xf32, #tpu.memory_space<vmem>>, vector<128x256xf32>
    %dot_general3A_12 = arith.constant dense<0.000000e+00> : vector<1000x256xf32>
    %dot_general3A_13 = tpu.matmul %get3A_8, %get3A_11, %dot_general3A_12 {dimension_numbers = #tpu.dot_dimension_numbers<[1], [0], [0], [1], [0, 0, 1, 1], [], []>, transpose_lhs_hint = false} : vector<1000x128xf32>, vector<128x256xf32>, vector<1000x256xf32> -> vector<1000x256xf32>
    %add3A = arith.addf %dot_general3A_5, %dot_general3A_13 : vector<1000x256xf32>
    %tanh3A = math.tanh %add3A : vector<1000x256xf32>
    %mul3A = arith.mulf %tanh3A, %tanh3A : vector<1000x256xf32>
    %reduce_sum3A = arith.constant dense<0.000000e+00> : vector<1000xf32>
    %reduce_sum3A_14 = vector.multi_reduction <add>, %mul3A, %reduce_sum3A [1] : vector<1000x256xf32> to vector<1000xf32>
    %broadcast_in_dim3A = vector.shape_cast %reduce_sum3A_14 : vector<1000xf32> to vector<1000x1xf32>
    %sqrt3A = math.sqrt %broadcast_in_dim3A : vector<1000x1xf32>
    %max3A = arith.constant 9.99999996E-13 : f32
    %max3A_15 = vector.broadcast %max3A : f32 to vector<1000x1xf32>
    %max3A_16 = arith.maximumf %sqrt3A, %max3A_15 : vector<1000x1xf32>
    %div3A = vector.broadcast %max3A_16 : vector<1000x1xf32> to vector<1000x256xf32>
    %div3A_17 = arith.divf %tanh3A, %div3A : vector<1000x256xf32>
    %swap3A = arith.constant 0 : index
    %swap3A_18 = arith.constant 0 : index
    %swap3A_19 = vector.load %arg5[%swap3A, %swap3A_18] : memref<1000x256xf32, #tpu.memory_space<vmem>>, vector<1000x256xf32>
    tpu.vector_store %arg5[%swap3A, %swap3A_18], %div3A_17 {strides = array<i32>} : memref<1000x256xf32, #tpu.memory_space<vmem>>, vector<1000x256xf32>,
    return
  }
  func.func @transform_0(%arg0: i32) -> (i32, i32) {
    %c0_i32 = arith.constant 0 : i32
    %c0_i32_0 = arith.constant 0 : i32
    return %arg0, %c0_i32 : i32, i32
  }
  func.func @transform_1(%arg0: i32) -> (i32, i32) {
    %c0_i32 = arith.constant 0 : i32
    %c0_i32_0 = arith.constant 0 : i32
    return %arg0, %c0_i32 : i32, i32
  }
  func.func @transform_2(%arg0: i32) -> (i32, i32) {
    %c0_i32 = arith.constant 0 : i32
    %c0_i32_0 = arith.constant 0 : i32
    %c0_i32_1 = arith.constant 0 : i32
    return %c0_i32, %c0_i32_0 : i32, i32
  }
  func.func @transform_3(%arg0: i32) -> (i32, i32) {
    %c0_i32 = arith.constant 0 : i32
    %c0_i32_0 = arith.constant 0 : i32
    %c0_i32_1 = arith.constant 0 : i32
    return %c0_i32, %c0_i32_0 : i32, i32
  }
  func.func @transform_4(%arg0: i32) -> (i32, i32) {
    %c0_i32 = arith.constant 0 : i32
    %c0_i32_0 = arith.constant 0 : i32
    return %arg0, %c0_i32 : i32, i32
  }
}

</mosaic_0001>

<sc_bundles>
// kernel: kernel.4.cloned.1.call-start
scs
__scs_entry_jumppad:
0x0: {  	(pc) =	sbr.rel $0x88, $3  }
0x1: {  	(tag) =	ssettag $0x0;
	lr =	simm.s32 $0x1  }
0x2: {  	[smem:$0x3F9D] =	sst lr;
	_ =	strace $0xD0000000  }
0x3: {  	_ = 	snop  }
0x4: {  	_ = 	snop  }
0x5: {  	_ = 	snop  }
0x6: {  	_ = 	snop  }
0x7: {  	_ = 	snop  }
__scs_overlays_trampoline_lowered:
0x8: {  	[smem:$0x3FAC] =	sst s0  }
0x9: {  	[smem:$0x3FAD] =	sst s1  }
0xa: {  	[smem:$0x3FAE] =	sst s2  }
0xb: {  	[smem:$0x3FAF] =	sst s3  }
0xc: {  	[smem:$0x3FB0] =	sst s4  }
0xd: {  	[smem:$0x3FB1] =	sst s5  }
0xe: {  	[smem:$0x3FB2] =	sst s6  }
0xf: {  	[smem:$0x3FB3] =	sst s7  }
0x10: {  	[smem:$0x3FB4] =	sst s8  }
0x11: {  	[smem:$0x3FB5] =	sst s9;
	s0 =	simm.s32 @!p0 $0x0  }
0x12: {  	s1 =	sld [smem:$0x3F9B];
	s0 =	simm.s32 @p0 $0x1  }
0x13: {  	[smem:$0x3FB6] =	sst s0;
	s0 =	simm.s32 @!p1 $0x0  }
0x14: {  	s2 =	sld [smem:$0x3F9A];
	s0 =	simm.s32 @p1 $0x1  }
0x15: {  	[smem:$0x3FB7] =	sst s0;
	s0 =	simm.s32 @!p2 $0x0  }
0x16: {  	s3 =	sld [smem:$0x3FDB];
	s0 =	simm.s32 @p2 $0x1  }
0x17: {  	s4 =	simm.s32 $0x1BF5;
	[smem:$0x3FB9] =	sst s0  }
0x18: {  	s0 =	sld [smem:$0x3F9C];
	_ =	swait.ge [sflag:s4], $0x0  }
0x19: {  	s7 =	sld [smem:$0x3F9D]  }
0x1a: {  	s8 =	sadd.s32 $0xFFFFE003, lr  }
0x1b: {  	s9 =	sadd.s32 $0xFFFFFEF7, lr;
	s5 =	simm.s32 $0xFFFFFFFF;
	p2 =	slt.u32 s8, $0xFFFFF086  }
0x1c: {  	p1 =	slt.u32 s9, $0xF7A;
	s5 =	simm.s32 @!p2 $0x0  }
0x1d: {  	s5 =	simm.s32 @p1 $0x1;
	p0 =	seq.s32 s7, s2  }
0x1e: {  	s7 =	smul.u32 @!p0 $0xF7A, s2;
	p2 =	seq.s32 @!p0 s5, $0x0  }
0x1f: {  	s9 =	smul.u32 $0xF7A, s1;
	s8 =	simm.s32 @!p0 $0x1BF5;
	p2 =	por !p2, p0  }
0x20: {  	[sflag:s8] =	ssyncset.s32 @!p0 $0xFFFFF086;
	s6 =	sadd.s32 @!p0 s3, s7;
	s7 =	simm.s32 @!p0 $0x108  }
0x21: {  	s3 =	sadd.s32 s3, s9;
	s6 =	sadd.s32 @!p0 $0x88, s6;
	s7 =	simm.s32 @p2 $0x1082  }
0x22: {  	[simem:s7], [sflag:s8] =	dma.local @!p0 [hbm:s6], $0xF7A  }
0x23: {  	s9 =	sor.u32 $0xD0000000, s2;
	s6 =	simm.s32 $0x108;
	_ =	swait.ge @!p0 [sflag:s8], $0x0  }
0x24: {  	s3 =	sadd.s32 $0x88, s3;
	s6 =	simm.s32 @!p1 $0x1082;
	[sflag:s4] =	ssyncset.s32 $0xFFFFF086  }
0x25: {  	[simem:s6], [sflag:s4] =	dma.local [hbm:s3], $0xF7A  }
0x26: {  	[smem:$0x3F9D] =	sst s1;
	(tag) =	ssettag s2;
	_ =	strace s9  }
0x27: {  	s1 =	sld [smem:$0x3FAD]  }
0x28: {  	s2 =	sld [smem:$0x3FAE]  }
0x29: {  	s4 =	sld [smem:$0x3FB0]  }
0x2a: {  	p0 =	seq.s32 s5, $0x0;
	s5 =	sld [smem:$0x3FB1]  }
0x2b: {  	s6 =	sld [smem:$0x3FB2]  }
0x2c: {  	s7 =	sld [smem:$0x3FB3]  }
0x2d: {  	s3 =	simm.s32 $0x108;
	s8 =	sld [smem:$0x3FB4]  }
0x2e: {  	s3 =	simm.s32 @!p0 $0x1082;
	s9 =	sld [smem:$0x3FB5]  }
0x2f: {  	lr =	sadd.s32 s0, s3;
	s0 =	sld [smem:$0x3FAC]  }
0x30: {  	s3 =	sld [smem:$0x3FAF]  }
0x31: {  	[smem:$0x3FB8] =	sst s10  }
0x32: {  	s10 =	sld [smem:$0x3FB6];
	_ =	sdelay $0x3  }
0x33: {  	p0 =	seq.s32 s10, $0x1;
	s10 =	sld [smem:$0x3FB8];
	_ =	sdelay $0x3  }
0x34: {  	[smem:$0x3FB8] =	sst s10  }
0x35: {  	s10 =	sld [smem:$0x3FB7];
	_ =	sdelay $0x3  }
0x36: {  	p1 =	seq.s32 s10, $0x1;
	s10 =	sld [smem:$0x3FB8];
	_ =	sdelay $0x3  }
0x37: {  	[smem:$0x3FB8] =	sst s10  }
0x38: {  	s10 =	sld [smem:$0x3FB9]  }
0x39: {  	_ = 	snop;
	(pc) =	sbr.ind lr, $3  }
0x3a: {  	_ = 	snop  }
0x3b: {  	_ = 	snop  }
0x3c: {  	p2 =	seq.s32 s10, $0x1;
	s10 =	sld [smem:$0x3FB8]  }
0x3d: {  	_ =	shalt  }
0x3e: {  	_ =	shalt  }
0x3f: {  	_ =	shalt  }
0x40: {  	_ =	shalt  }
0x41: {  	_ =	shalt  }
0x42: {  	_ =	shalt  }
0x43: {  	_ =	shalt  }
0x44: {  	_ =	shalt  }
0x45: {  	_ =	shalt  }
0x46: {  	_ =	shalt  }
0x47: {  	_ =	shalt  }
0x48: {  	_ =	shalt  }
0x49: {  	_ =	shalt  }
0x4a: {  	_ =	shalt  }
0x4b: {  	_ =	shalt  }
0x4c: {  	_ =	shalt  }
0x4d: {  	_ =	shalt  }
0x4e: {  	_ =	shalt  }
0x4f: {  	_ =	shalt  }
0x50: {  	_ =	shalt  }
0x51: {  	_ =	shalt  }
0x52: {  	_ =	shalt  }
0x53: {  	_ =	shalt  }
0x54: {  	_ =	shalt  }
0x55: {  	_ =	shalt  }
0x56: {  	_ =	shalt  }
0x57: {  	_ =	shalt  }
0x58: {  	_ =	shalt  }
0x59: {  	_ =	shalt  }
0x5a: {  	_ =	shalt  }
0x5b: {  	_ =	shalt  }
0x5c: {  	_ =	shalt  }
0x5d: {  	_ =	shalt  }
0x5e: {  	_ =	shalt  }
0x5f: {  	_ =	shalt  }
0x60: {  	_ =	shalt  }
0x61: {  	_ =	shalt  }
0x62: {  	_ =	shalt  }
0x63: {  	_ =	shalt  }
0x64: {  	_ =	shalt  }
0x65: {  	_ =	shalt  }
0x66: {  	_ =	shalt  }
0x67: {  	_ =	shalt  }
0x68: {  	_ =	shalt  }
0x69: {  	_ =	shalt  }
0x6a: {  	_ =	shalt  }
0x6b: {  	_ =	shalt  }
0x6c: {  	_ =	shalt  }
0x6d: {  	_ =	shalt  }
0x6e: {  	_ =	shalt  }
0x6f: {  	_ =	shalt  }
0x70: {  	_ =	shalt  }
0x71: {  	_ =	shalt  }
0x72: {  	_ =	shalt  }
0x73: {  	_ =	shalt  }
0x74: {  	_ =	shalt  }
0x75: {  	_ =	shalt  }
0x76: {  	_ =	shalt  }
0x77: {  	_ =	shalt  }
0x78: {  	_ =	shalt  }
0x79: {  	_ =	shalt  }
0x7a: {  	_ =	shalt  }
0x7b: {  	_ =	shalt  }
0x7c: {  	_ =	shalt  }
0x7d: {  	_ =	shalt  }
0x7e: {  	_ =	shalt  }
0x7f: {  	_ =	shalt  }
0x80: {  	_ =	shalt  }
0x81: {  	_ =	shalt  }
0x82: {  	_ =	shalt  }
0x83: {  	_ =	shalt  }
0x84: {  	_ =	shalt  }
0x85: {  	_ =	shalt  }
0x86: {  	_ =	shalt  }
0x87: {  	_ =	shalt  }
.Lfunc_end0:
.L_simem_size_0:
called_computation_lowered:
.L_overlay_start_0:
0x88: {  	s2 =	sld [smem:$0x3FD9]  }
0x89: {  	s3 =	sld [smem:$0x3FFE];
	_ =	sdelay $0x1  }
0x8a: {  	s1 =	srdreg.scid  }
0x8b: {  	s0 =	sand.u32 $0x1, s1  }
0x8c: {  	s17 =	sshll.u32 s0, $0xA;
	s2 =	sadd.s32 s3, s2  }
0x8d: {  	s2 =	sadd.s32 s2, s17  }
0x8e: {  	[smem:$0x3FC4] =	sst s2  }
0x8f: {  	_ = 	snop  }
0x90: {  	s2 =	sld [smem:$0x3FC7]  }
0x91: {  	s18 =	sld [smem:$0x3FD0];
	(tm) =	ssettm $0x1  }
0x92: {  	s4 =	sld [smem:$0x3FFB];
	_ =	sdelay $0x3  }
0x93: {  	_ =	strace s4  }
0x94: {  	s4 =	sld [smem:$0x3FFC];
	_ =	sdelay $0x3  }
0x95: {  	_ =	strace s4  }
0x96: {  	s4 =	sld [smem:$0x3FFD];
	_ =	sdelay $0x3  }
0x97: {  	_ =	strace s4  }
0x98: {  	_ =	strace $0x8FFFFFFF  }
0x99: {  	s19 =	sld [smem:$0x3FDB];
	_ =	sdelay $0x1  }
0x9a: {  	s5 =	simm.s32 $_scs_section_size  }
0x9b: {  	s6 =	simm.s32 $_size__tile_overlayer_lowered;
	s7 =	simm.s32 $_tile_overlayer_lowered  }
0x9c: {  	s22 =	simm.s32 $0x1BFF;
	s21 =	sshll.u32 s7, $0x1;
	s4 =	sadd.s32 s5, s19  }
0x9d: {  	s8 =	simm.s32 $0x0;
	s20 =	sshll.u32 s6, $0x1;
	s6 =	sadd.s32 s21, s4  }
0x9e: {  	[timem:s8], [sflag:s22] =	dma.local [hbm:s6], s20  }
0x9f: {  	_ =	swait.ge [sflag:s22], s20  }
0xa0: {  	s5 =	ssub.s32 $0x0, s20;
	[sflag:s22] =	ssyncset.done $0x0  }
0xa1: {  	[sflag:s22] =	ssyncadd.s32 s5;
	_ =	sdelay $0x1  }
0xa2: {  	s23 =	simm.s32 $0x1B8B  }
0xa3: {  	_ =	swait.ge [sflag:s23], $0x1  }
0xa4: {  	[sflag:s23] =	ssyncset.done $0x0  }
0xa5: {  	s25 =	simm.s32 $0x1B8E;
	s24 =	sld [smem:$0x3FFE];
	[sflag:s23] =	ssyncadd.s32 $0xFFFFFFFF  }
0xa6: {  	s26 =	simm.s32 $execute0_lowered;
	[smem:$0x3FD2] =	sst s25  }
0xa7: {  	s6 =	sshll.u32 s26, $0x1;
	_ =	strace $0x80000046;
	[dreg:$0x1] =	wrdreg $0xFFFFFFFF  }
0xa8: {  	s28 =	simm.s32 $_size_execute0_lowered;
	s4 =	sadd.s32 s4, s6;
	[dreg:$0x0] =	wrdreg $0x0  }
0xa9: {  	s6 =	sshll.u32 s28, $0x1;
	[dreg:$0x2] =	wrdreg s4  }
0xaa: {  	[dreg:$0x3] =	wrdreg s6  }
0xab: {  	[dreg:$0x4] =	wrdreg $0xC0  }
0xac: {  	_ =	task [dreg:s8], $0x5FFFF  }
0xad: {  	[dreg:$0x1] =	wrdreg $0xFFFFFFFF  }
0xae: {  	[dreg:$0x0] =	wrdreg $0x60  }
0xaf: {  	[dreg:$0x2] =	wrdreg s24  }
0xb0: {  	[dreg:$0x3] =	wrdreg s18  }
0xb1: {  	[dreg:$0x4] =	wrdreg s2  }
0xb2: {  	[dreg:$0x5] =	wrdreg $0x0  }
0xb3: {  	[dreg:$0x6] =	wrdreg $0x9  }
0xb4: {  	_ =	task.clear_ibuf [dreg:s8], $0x7FFFF;
	_ =	strace $0x90000046  }
0xb5: {  	s29 =	simm.s32 $0x9;
	_ =	strace $0x80000048  }
0xb6: {  	_ =	swait.ge [sflag:s29], $0x1  }
0xb7: {  	[sflag:s29] =	ssyncadd.s32 $0xFFFFFFFF  }
0xb8: {  	_ =	strace $0x90000048  }
0xb9: {  	_ =	sfence  }
0xba: {  	s30 =	sld [smem:$0x0];
	_ =	sdelay $0x2  }
0xbb: {  	s31 =	sshll.u32 s1, $0xD;
	s1 =	sshrl.u32 s1, $0x2  }
0xbc: {  	s3 =	sand.u32 $0x4000, s31;
	s1 =	sadd.s32 s1, s30  }
0xbd: {  	s0 =	sor.u32 s3, s0;
	s1 =	sshll.u32 s1, $0x11  }
0xbe: {  	s0 =	sor.u32 s1, s0  }
0xbf: {  	s0 =	sadd.s32 $0x8F2B, s0  }
0xc0: {  	[sflag:s0] =	ssyncadd.remote.s32 $0x1  }
0xc1: {  	_ =	sfence.sel $0xFFFF  }
0xc2: {  	[dreg:$0x0] =	wrdreg $0xFFFFFFFF;
	(pc) =	sbr.abs _section_cstart, $3  }
0xc3: {  	[dreg:$0x1] =	wrdreg $0xFFFFFFFF  }
0xc4: {  	_ =	task.clear_ibuf [dreg:s8], $0x2FFFF;
	_ =	strace $0x9FFFFFFF  }
0xc5: {  	(tm) =	ssettm $0x7FFFFFFF  }
tec
execute0_lowered:
.L_overlay_start_1:
0x0: {  	(tag) =	ssettag $0x1  }
0x1: {  	s0 =	rddreg [dreg:$0x0]  }
0x2: {  	s10 =	rddreg [dreg:$0x1]  }
0x3: {  	s2 =	rddreg [dreg:$0x2]  }
0x4: {  	s3 =	rddreg [dreg:$0x3]  }
0x5: {  	s4 =	simm.s32 $0x0;
	s1 =	srdreg.scid;
	s13 =	stileid.u32  }
0x6: {  	[smem:$0x7FF] =	sst s4;
	s6 =	sadd.s32 $0xC00, s0;
	s1 =	sand.u32 $0x1, s1  }
0x7: {  	s7 =	sadd.s32 $0x2CE00, s0;
	s9 =	smul.u32 $0x2710, s13;
	s8 =	sadd.s32 $0x27E00, s0  }
0x8: {  	s11 =	smul.u32 $0x4E000, s13;
	s14 =	sadd.s32 $0x31E00, s0;
	s15 =	sadd.s32 $0x59000, s0  }
0x9: {  	_ =	strace $0x80000047;
	s5 =	ssub.s32 $0x2, s1;
	[dreg:$0x5] =	wrdreg s14  }
0xa: {  	[dreg:$0x6] =	wrdreg s15;
	s12 =	sshrl.u32 s5, $0x1;
	s11 =	sshrl.u32 s11, $0x2  }
0xb: {  	s0 =	ssub.s32 s5, s12;
	s12 =	sshrl.u32 s9, $0x3;
	s22 =	sadd.s32 s11, s3  }
0xc: {  	s16 =	sadd.s32 s7, s12;
	[dreg:$0x7] =	wrdreg s22  }
0xd: {  	s23 =	smul.u32 $0x2700, s13;
	s18 =	sadd.s32 s8, s12;
	[dreg:$0x8] =	wrdreg s16  }
0xe: {  	s17 =	sadd.s32 $0xA, s12;
	s19 =	sadd.s32 s2, s12;
	[dreg:$0x9] =	wrdreg s18  }
0xf: {  	s5 =	sadd.s32 $0x14, s12;
	s12 =	sadd.s32 s14, s23;
	[dreg:$0xa] =	wrdreg s19  }
0x10: {  	s14 =	sadd.s32 s15, s23;
	[dreg:$0x12] =	wrdreg s12  }
0x11: {  	s28 =	simm.s32 $0x13B80;
	s0 =	smax.u32 s0, $0x1;
	[dreg:$0x13] =	wrdreg s14  }
0x12: {  	s29 =	simm.s32 $0x50;
	s15 =	sadd.s32 $0x190, s9;
	[dreg:$0x14] =	wrdreg s0  }
0x13: {  	s30 =	simm.s32 $0x4;
	s23 =	sadd.s32 $0xC800, s22;
	[dreg:$0x15] =	wrdreg s15  }
0x14: {  	s31 =	simm.s32 $0x9;
	s20 =	sadd.s32 s7, s17;
	[dreg:$0x1c] =	wrdreg s23  }
0x15: {  	p1 =	sne.s32 s13, $0xF;
	s21 =	sadd.s32 s8, s17;
	[dreg:$0xb] =	wrdreg s20  }
0x16: {  	p0 =	seq.s32 s1, $0x1;
	s1 =	sadd.s32 s2, s17;
	[dreg:$0xc] =	wrdreg s21  }
0x17: {  	p2 =	seq.s32 s13, $0xF;
	s24 =	sadd.s32 s7, s5;
	[dreg:$0xd] =	wrdreg s1  }
0x18: {  	s13 =	simm.s32 $0x13880;
	s25 =	sadd.s32 s8, s5;
	[dreg:$0xe] =	wrdreg s24  }
0x19: {  	s11 =	simm.s32 $0x13E00;
	s26 =	sadd.s32 s2, s5;
	[dreg:$0xf] =	wrdreg s25  }
0x1a: {  	s5 =	sadd.s32 $0x140, s9;
	s16 =	sadd.s32 $0x1E0, s9;
	[dreg:$0x10] =	wrdreg s26  }
0x1b: {  	s17 =	sadd.s32 $0xF0, s9;
	s18 =	sadd.s32 $0x2800, s22;
	[dreg:$0x11] =	wrdreg s5  }
0x1c: {  	s19 =	sadd.s32 $0x5000, s22;
	s14 =	simm.s32 $0x13A80;
	[dreg:$0x16] =	wrdreg s16  }
0x1d: {  	s15 =	simm.s32 $0x13C80;
	s0 =	simm.s32 $0x3;
	[dreg:$0x17] =	wrdreg s17  }
0x1e: {  	s23 =	simm.s32 $0x5;
	s12 =	simm.s32 $0x1B680;
	[dreg:$0x18] =	wrdreg s18  }
0x1f: {  	[dreg:$0x19] =	wrdreg s19;
	s20 =	sadd.s32 $0x7800, s22;
	s21 =	sadd.s32 $0xA000, s22  }
0x20: {  	s24 =	sadd.s32 $0xF000, s22;
	s25 =	sadd.s32 $0x11800, s22;
	[dreg:$0x1a] =	wrdreg s20  }
.Ltmp0:
0x21: {  	s26 =	sadd.s32 $0x138000, s3;
	[dreg:$0x1b] =	wrdreg s21;
	(pc) =	sbr.rel .LBB2_1-.Ltmp0, $4  }
0x22: {  	s5 =	simm.s32 $0x13E80;
	s17 =	simm.s32 $0x13D00;
	[dreg:$0x1d] =	wrdreg s24  }
0x23: {  	s16 =	simm.s32 $0x6;
	s19 =	simm.s32 $0x0;
	[dreg:$0x1e] =	wrdreg s25  }
0x24: {  	[dreg:$0x1f] =	wrdreg s26;
	s25 =	simm.s32 $0xD;
	s20 =	simm.s32 $0x13D80  }
0x25: {  	v0 =	vimm.f32 $0.0e+00;
	s24 =	simm.s32 $0x1;
	s26 =	simm.s32 $0x7;
	s21 =	simm.s32 $0x8  }
.LBB2_32:
0x26: {  	s9 =	rddreg [dreg:$0x1f]  }
0x27: {  	s1 =	sadd.s32 $0x27000, s1;
	s9 =	sshrl.u32 s9, $0x3  }
0x28: {  	[hbm:s1], [sflag:s18] =	dma.local [spmem:s9], $0x100  }
0x29: {  	_ =	swait.ge [sflag:s25], $0x100  }
0x2a: {  	[sflag:s25] =	ssyncset.done $0x0  }
0x2b: {  	[sflag:s25] =	ssyncadd.s32 $0xFFFFFF00  }
.LBB2_33:
0x2c: {  	s19 =	sadd.s32 $0x1, s19;
	s1 =	rddreg [dreg:$0x14]  }
0x2d: {  	p3 =	sne.s32 s19, s1  }
.Ltmp1:
0x2e: {  	_ = 	snop;
	(pc) =	sbr.rel @!p3 .LBB2_34-.Ltmp1, $1  }
0x2f: {  	_ =	sdelay $0x3  }
.LBB2_1:
.Ltmp2:
0x30: {  	(pc) =	sbr.rel @!p0 .LBB2_2-.Ltmp2, $2  }
0x31: {  	_ =	sdelay $0x2  }
0x32: {  	[smem:$0x7FD] =	sst s19;
	s18 =	sshra.s32 s4, $0x2;
	s19 =	sadd.s32 $0x200, s4  }
.LBB2_17:
0x33: {  	p3 =	sne.s32 s19, $0x9E00;
	[tilespmem:s18+$0x13EF0] =	vst v0  }
0x34: {  	[tilespmem:s18+$0x13E80] =	vst v0  }
0x35: {  	[tilespmem:s18+$0x13E90] =	vst v0  }
.Ltmp3:
0x36: {  	[tilespmem:s18+$0x13EA0] =	vst v0;
	(pc) =	sbr.rel @p3 .LBB2_17-.Ltmp3, $4  }
0x37: {  	[tilespmem:s18+$0x13EB0] =	vst v0  }
0x38: {  	[tilespmem:s18+$0x13EC0] =	vst v0  }
0x39: {  	[tilespmem:s18+$0x13ED0] =	vst v0  }
0x3a: {  	[tilespmem:s18+$0x13EE0] =	vst v0;
	s18 =	sshra.s32 s19, $0x2;
	s19 =	sadd.s32 $0x200, s19  }
0x3b: {  	[tilespmem:s18+$0x13EF0] =	vst v0  }
0x3c: {  	[tilespmem:s18+$0x13E80] =	vst v0  }
0x3d: {  	[tilespmem:s18+$0x13E90] =	vst v0  }
0x3e: {  	[tilespmem:s18+$0x13EA0] =	vst v0  }
0x3f: {  	[tilespmem:s18+$0x13EB0] =	vst v0  }
0x40: {  	[tilespmem:s18+$0x13EC0] =	vst v0  }
0x41: {  	[tilespmem:s18+$0x13ED0] =	vst v0  }
0x42: {  	[tilespmem:s18+$0x13EE0] =	vst v0  }
0x43: {  	[spmem:s22] =	stream.linear.scatter [tilespmem:s5], [sflag:$0xD], $0x2800, $0x38;
	[tilespmem:$0x1DE80] =	vst v63  }
0x44: {  	_ =	swait.ge [sflag:s25], $0x2800  }
0x45: {  	[sflag:s25] =	ssyncset.done $0x0  }
0x46: {  	s1 =	rddreg [dreg:$0x18];
	[sflag:s25] =	ssyncadd.s32 $0xFFFFD800  }
0x47: {  	[spmem:s1] =	stream.linear.scatter [tilespmem:s5], [sflag:$0xD], $0x2800, $0x38;
	[tilespmem:$0x1DE80] =	vst v63  }
0x48: {  	_ =	swait.ge [sflag:s25], $0x2800  }
0x49: {  	[sflag:s25] =	ssyncset.done $0x0  }
0x4a: {  	s22 =	rddreg [dreg:$0x19];
	[sflag:s25] =	ssyncadd.s32 $0xFFFFD800  }
0x4b: {  	[spmem:s22] =	stream.linear.scatter [tilespmem:s5], [sflag:$0xD], $0x2800, $0x38;
	[tilespmem:$0x1DE80] =	vst v63  }
0x4c: {  	_ =	swait.ge [sflag:s25], $0x2800  }
0x4d: {  	[sflag:s25] =	ssyncset.done $0x0  }
0x4e: {  	s9 =	rddreg [dreg:$0x1a];
	[sflag:s25] =	ssyncadd.s32 $0xFFFFD800  }
0x4f: {  	[spmem:s9] =	stream.linear.scatter [tilespmem:s5], [sflag:$0xD], $0x2800, $0x38;
	[tilespmem:$0x1DE80] =	vst v63  }
0x50: {  	_ =	swait.ge [sflag:s25], $0x2800  }
0x51: {  	[sflag:s25] =	ssyncset.done $0x0  }
0x52: {  	s18 =	rddreg [dreg:$0x1b];
	[sflag:s25] =	ssyncadd.s32 $0xFFFFD800  }
0x53: {  	[spmem:s18] =	stream.linear.scatter [tilespmem:s5], [sflag:$0xD], $0x2800, $0x38;
	[tilespmem:$0x1DE80] =	vst v63  }
0x54: {  	_ =	swait.ge [sflag:s25], $0x2800  }
0x55: {  	[sflag:s25] =	ssyncset.done $0x0  }
0x56: {  	s19 =	rddreg [dreg:$0x1c];
	[sflag:s25] =	ssyncadd.s32 $0xFFFFD800  }
0x57: {  	[spmem:s19] =	stream.linear.scatter [tilespmem:s5], [sflag:$0xD], $0x2800, $0x38;
	[tilespmem:$0x1DE80] =	vst v63  }
0x58: {  	_ =	swait.ge [sflag:s25], $0x2800  }
0x59: {  	[sflag:s25] =	ssyncset.done $0x0  }
0x5a: {  	s22 =	rddreg [dreg:$0x1d];
	[sflag:s25] =	ssyncadd.s32 $0xFFFFD800  }
0x5b: {  	[spmem:s22] =	stream.linear.scatter [tilespmem:s5], [sflag:$0xD], $0x2800, $0x38;
	[tilespmem:$0x1DE80] =	vst v63  }
0x5c: {  	_ =	swait.ge [sflag:s25], $0x2800  }
0x5d: {  	[sflag:s25] =	ssyncset.done $0x0  }
0x5e: {  	s9 =	rddreg [dreg:$0x1e];
	[sflag:s25] =	ssyncadd.s32 $0xFFFFD800  }
0x5f: {  	[spmem:s9] =	stream.linear.scatter [tilespmem:s5], [sflag:$0xD], $0x2000, $0x38;
	[tilespmem:$0x1DE80] =	vst v63  }
0x60: {  	_ =	swait.ge [sflag:s25], $0x2000  }
0x61: {  	[sflag:s25] =	ssyncset.done $0x0  }
0x62: {  	s1 =	simm.s32 @!p1 $0x13E80;
	s9 =	rddreg [dreg:$0x1f];
	[sflag:s25] =	ssyncadd.s32 $0xFFFFE000  }
0x63: {  	[spmem:s9] =	stream.linear.scatter @!p1 [tilespmem:s1], [sflag:$0xD], $0x800, $0x38;
	[tilespmem:$0x1DE80] =	vst v63  }
0x64: {  	s1 =	simm.s32 @!p1 $0xD  }
0x65: {  	_ =	swait.ge @!p1 [sflag:s1], $0x800  }
0x66: {  	[sflag:s1] =	ssyncset.done @!p1 $0x0  }
0x67: {  	[sflag:s1] =	ssyncadd.s32 @!p1 $0xFFFFF800  }
0x68: {  	[bflag:$0x0] =	sbarrier.arrive $0xFFFF  }
0x69: {  	s19 =	simm.s32 $0x0;
	s18 =	rddreg [dreg:$0x8]  }
0x6a: {  	[tilespmem:s13], [sflag:$0x1] =	stream.linear.gather [hbm4b:s18+s19], $0x50, $0x38;
	[tilespmem:$0x1DE80] =	vst v63  }
0x6b: {  	s22 =	rddreg [dreg:$0x9]  }
0x6c: {  	[tilespmem:s14], [sflag:$0x1] =	stream.linear.gather [hbm4b:s22+s19], $0x50, $0x38;
	[tilespmem:$0x1DE80] =	vst v63  }
0x6d: {  	s25 =	rddreg [dreg:$0xa]  }
0x6e: {  	[tilespmem:s15], [sflag:$0x1] =	stream.linear.gather [hbm4b:s25+s19], $0x50, $0x38;
	[tilespmem:$0x1DE80] =	vst v63  }
0x6f: {  	s9 =	rddreg [dreg:$0xb];
	s18 =	simm.s32 $0x13900  }
0x70: {  	[tilespmem:s18], [sflag:$0x2] =	stream.linear.gather [hbm4b:s9+s19], $0x50, $0x38;
	[tilespmem:$0x1DE80] =	vst v63  }
0x71: {  	s22 =	rddreg [dreg:$0xc];
	s9 =	simm.s32 $0x13B00  }
0x72: {  	[tilespmem:s9], [sflag:$0x2] =	stream.linear.gather [hbm4b:s22+s19], $0x50, $0x38;
	[tilespmem:$0x1DE80] =	vst v63  }
0x73: {  	s25 =	rddreg [dreg:$0xd]  }
0x74: {  	[tilespmem:s17], [sflag:$0x2] =	stream.linear.gather [hbm4b:s25+s19], $0x50, $0x38;
	[tilespmem:$0x1DE80] =	vst v63  }
0x75: {  	s18 =	rddreg [dreg:$0xe];
	s22 =	simm.s32 $0x13980  }
0x76: {  	[tilespmem:s22], [sflag:$0x3] =	stream.linear.gather [hbm4b:s18+s19], $0x50, $0x38;
	[tilespmem:$0x1DE80] =	vst v63  }
0x77: {  	s25 =	rddreg [dreg:$0xf]  }
0x78: {  	[tilespmem:s28], [sflag:$0x3] =	stream.linear.gather [hbm4b:s25+s19], $0x50, $0x38;
	[tilespmem:$0x1DE80] =	vst v63  }
0x79: {  	s18 =	rddreg [dreg:$0x10]  }
0x7a: {  	[tilespmem:s20], [sflag:$0x3] =	stream.linear.gather [hbm4b:s18+s19], $0x50, $0x38;
	[tilespmem:$0x1DE80] =	vst v63  }
0x7b: {  	_ =	swait.ge [sflag:s24], $0x50  }
0x7c: {  	[sflag:s24] =	ssyncset.done $0x0  }
0x7d: {  	[sflag:s24] =	ssyncadd.s32 $0xFFFFFFB0  }
0x7e: {  	_ =	swait.ge [sflag:s24], $0x50  }
0x7f: {  	[sflag:s24] =	ssyncset.done $0x0  }
0x80: {  	[sflag:s24] =	ssyncadd.s32 $0xFFFFFFB0  }
0x81: {  	_ =	swait.ge [sflag:s24], $0x50  }
0x82: {  	[sflag:s24] =	ssyncset.done $0x0  }
0x83: {  	s22 =	simm.s32 $0x2;
	[sflag:s24] =	ssyncadd.s32 $0xFFFFFFB0  }
0x84: {  	[tilespmem:s5], [sflag:$0x5] =	stream.indirect.gather [hbm4b:s10+s29], $0x80, s14, s29, $0xb8;
	[tilespmem:$0x1DE80] =	vst v63  }
0x85: {  	_ =	swait.ge [sflag:s22], $0x50  }
0x86: {  	[sflag:s22] =	ssyncset.done $0x0  }
0x87: {  	[sflag:s22] =	ssyncadd.s32 $0xFFFFFFB0  }
0x88: {  	_ =	swait.ge [sflag:s22], $0x50  }
0x89: {  	[sflag:s22] =	ssyncset.done $0x0  }
0x8a: {  	[sflag:s22] =	ssyncadd.s32 $0xFFFFFFB0  }
0x8b: {  	_ =	swait.ge [sflag:s22], $0x50  }
0x8c: {  	[sflag:s22] =	ssyncset.done $0x0  }
0x8d: {  	s25 =	simm.s32 $0x16680;
	[sflag:s22] =	ssyncadd.s32 $0xFFFFFFB0  }
0x8e: {  	[tilespmem:s25], [sflag:$0x6] =	stream.indirect.gather [hbm4b:s10+s29], $0x80, s9, s29, $0xb8;
	[tilespmem:$0x1DE80] =	vst v63  }
0x8f: {  	s25 =	simm.s32 $0x0  }
.LBB2_19:
0x90: {  	p3 =	seq.s32 s25, $0x0  }
0x91: {  	s1 =	simm.s32 @!p3 $0xB  }
0x92: {  	_ =	swait.ge @!p3 [sflag:s1], $0x2800  }
0x93: {  	[sflag:s1] =	ssyncset.done @!p3 $0x0  }
0x94: {  	[sflag:s1] =	ssyncadd.s32 @!p3 $0xFFFFD800  }
0x95: {  	_ =	swait.ge [sflag:s0], $0x50  }
0x96: {  	[sflag:s0] =	ssyncset.done $0x0  }
0x97: {  	[sflag:s0] =	ssyncadd.s32 $0xFFFFFFB0  }
0x98: {  	_ =	swait.ge [sflag:s0], $0x50  }
0x99: {  	s18 =	simm.s32 $0x0;
	[sflag:s0] =	ssyncset.done $0x0  }
0x9a: {  	s19 =	simm.s32 $0x2;
	v1 =	vmov s18;
	[sflag:s0] =	ssyncadd.s32 $0xFFFFFFB0  }
0x9b: {  	v2 =	vmov s19;
	v1 =	vand.u32 $0xFFFFFFFC, v1;
	_ =	swait.ge [sflag:s0], $0x50  }
0x9c: {  	v2 =	vand.u32 $0xFFFFFFFE, v2;
	v1 =	vbroadcast v1, $0x0;
	[sflag:s0] =	ssyncset.done $0x0  }
0x9d: {  	s22 =	simm.s32 $0x18E80;
	v2 =	vbroadcast v2, $0x0;
	[sflag:s0] =	ssyncadd.s32 $0xFFFFFFB0  }
0x9e: {  	[tilespmem:s22], [sflag:$0x7] =	stream.indirect.gather [hbm4b:s10+s29], $0x80, s28, s29, $0xb8;
	[tilespmem:$0x1DE80] =	vst v63  }
0x9f: {  	_ =	swait.ge [sflag:s23], $0x2800  }
0xa0: {  	[sflag:s23] =	ssyncset.done $0x0  }
0xa1: {  	[sflag:s23] =	ssyncadd.s32 $0xFFFFD800  }
0xa2: {  	v1 =	vld.idx.msk [tilespmem:v1+s15+$0x0], $0xffff  }
0xa3: {  	s9 =	simm.s32 $0x1;
	s18 =	simm.s32 $0x13F80;
	v2 =	vld.idx.msk [tilespmem:v2+s15+$0x0], $0xffff  }
0xa4: {  	v3 =	vmov s9;
	v4 =	vld [tilespmem:s18+$0x70]  }
0xa5: {  	v3 =	vand.u32 $0xFFFFFFFD, v3;
	v5 =	vld [tilespmem:s18+$0xFFFFFF00]  }
0xa6: {  	v3 =	vbroadcast v3, $0x0;
	v6 =	vld [tilespmem:s18+$0xFFFFFF10]  }
0xa7: {  	v7 =	vld [tilespmem:s18+$0xFFFFFF20]  }
0xa8: {  	v8 =	vld [tilespmem:s18+$0xFFFFFF30]  }
0xa9: {  	v9 =	vld [tilespmem:s18+$0xFFFFFF40]  }
0xaa: {  	v10 =	vld [tilespmem:s18+$0xFFFFFF50]  }
0xab: {  	v11 =	vld [tilespmem:s18+$0xFFFFFF60];
	v5 =	vmul.f32 v5, v1  }
0xac: {  	v3 =	vld.idx.msk [tilespmem:v3+s15+$0x0], $0xffff;
	v4 =	vmul.f32 v4, v2  }
0xad: {  	v13 =	vld [tilespmem:s18+$0x40];
	[tilespmem:s18+$0xFFFFFF00] =	vst v5;
	v5 =	vmul.f32 v6, v1  }
0xae: {  	v6 =	vld [tilespmem:s18+$0xFFFFFF70];
	[tilespmem:s18+$0x70] =	vst v4;
	v4 =	vmul.f32 v7, v1  }
0xaf: {  	v7 =	vld [tilespmem:s18+$0xFFFFFF80];
	[tilespmem:s18+$0xFFFFFF10] =	vst v5;
	v5 =	vmul.f32 v8, v1  }
0xb0: {  	v8 =	vld [tilespmem:s18+$0xFFFFFF90];
	[tilespmem:s18+$0xFFFFFF20] =	vst v4;
	v4 =	vmul.f32 v9, v1  }
0xb1: {  	v9 =	vld [tilespmem:s18+$0xFFFFFFA0];
	[tilespmem:s18+$0xFFFFFF30] =	vst v5;
	v5 =	vmul.f32 v10, v1  }
0xb2: {  	v10 =	vld [tilespmem:s18+$0xFFFFFFB0];
	[tilespmem:s18+$0xFFFFFF40] =	vst v4;
	v4 =	vmul.f32 v11, v1  }
0xb3: {  	v11 =	vld [tilespmem:s18+$0xFFFFFFC0];
	v6 =	vmul.f32 v6, v1;
	[tilespmem:s18+$0xFFFFFF50] =	vst v5  }
0xb4: {  	v5 =	vmul.f32 v7, v3;
	v7 =	vld [tilespmem:s18+$0xFFFFFFD0];
	[tilespmem:s18+$0xFFFFFF60] =	vst v4  }
0xb5: {  	s19 =	simm.s32 $0x3;
	v4 =	vld [tilespmem:s18+$0xFFFFFFE0];
	v8 =	vmul.f32 v8, v3;
	[tilespmem:s18+$0xFFFFFF70] =	vst v6  }
0xb6: {  	v12 =	vmov s19;
	v6 =	vld [tilespmem:s18+$0xFFFFFFF0];
	[tilespmem:s18+$0xFFFFFF80] =	vst v5;
	v5 =	vmul.f32 v9, v3  }
0xb7: {  	v9 =	vld [tilespmem:s18+$0x0];
	[tilespmem:s18+$0xFFFFFF90] =	vst v8;
	v8 =	vmul.f32 v10, v3  }
0xb8: {  	v10 =	vld [tilespmem:s18+$0x10];
	[tilespmem:s18+$0xFFFFFFA0] =	vst v5;
	v5 =	vmul.f32 v11, v3  }
0xb9: {  	[tilespmem:s18+$0xFFFFFFB0] =	vst v8;
	v7 =	vmul.f32 v7, v3;
	v8 =	vld [tilespmem:s18+$0x20]  }
0xba: {  	v11 =	vld [tilespmem:s18+$0x30];
	v4 =	vmul.f32 v4, v3;
	[tilespmem:s18+$0xFFFFFFC0] =	vst v5  }
0xbb: {  	v1 =	vld.idx.msk [tilespmem:v12+s15+$0x0], $0xffff;
	v3 =	vmul.f32 v6, v3;
	[tilespmem:s18+$0xFFFFFFD0] =	vst v7  }
0xbc: {  	[tilespmem:s18+$0xFFFFFFE0] =	vst v4;
	v5 =	vmul.f32 v9, v2;
	v4 =	vld [tilespmem:s18+$0x50]  }
0xbd: {  	s22 =	simm.s32 $0x4;
	[tilespmem:s18+$0xFFFFFFF0] =	vst v3;
	v6 =	vmul.f32 v10, v2;
	v3 =	vld [tilespmem:s18+$0x60]  }
0xbe: {  	s28 =	simm.s32 $0x7;
	v7 =	vmov s22;
	[tilespmem:s18+$0x0] =	vst v5;
	v9 =	vmul.f32 v8, v2;
	v8 =	vld [tilespmem:s18+$0x80]  }
0xbf: {  	s9 =	simm.s32 $0x5;
	v12 =	vand.u32 $0xFFFFFFFC, v7;
	v7 =	vld [tilespmem:s18+$0x90];
	v5 =	vmov s28;
	v10 =	vmul.f32 v11, v2;
	[tilespmem:s18+$0x10] =	vst v6  }
0xc0: {  	s19 =	simm.s32 $0x13F80;
	s1 =	simm.s32 $0x6;
	s22 =	simm.s32 $0x8;
	v11 =	vmul.f32 v13, v2;
	v6 =	vbroadcast v12, $0x0;
	v12 =	vmov s9;
	[tilespmem:s18+$0x20] =	vst v9;
	v9 =	vld [tilespmem:s18+$0xA0]  }
.LBB2_20:
0xc1: {  	p4 =	slt.u32 s22, $0x4C;
	v12 =	vand.u32 $0xFFFFFFFD, v12;
	v13 =	vmov s1;
	[tilespmem:s18+$0x30] =	vst v10;
	v4 =	vmul.f32 v4, v2;
	v10 =	vld [tilespmem:s18+$0xB0]  }
0xc2: {  	v12 =	vbroadcast v12, $0x0;
	v13 =	vand.u32 $0xFFFFFFFE, v13;
	[tilespmem:s18+$0x40] =	vst v11;
	v2 =	vmul.f32 v3, v2;
	v3 =	vld [tilespmem:s18+$0xC0]  }
0xc3: {  	v11 =	vbroadcast v13, $0x0;
	[tilespmem:s18+$0x50] =	vst v4;
	v4 =	vmul.f32 v8, v1;
	v8 =	vld [tilespmem:s18+$0xD0]  }
0xc4: {  	[tilespmem:s18+$0x60] =	vst v2;
	v2 =	vmul.f32 v7, v1;
	v7 =	vld [tilespmem:s18+$0xE0]  }
0xc5: {  	[tilespmem:s18+$0x80] =	vst v4;
	v4 =	vmul.f32 v9, v1;
	v9 =	vld [tilespmem:s18+$0xF0]  }
0xc6: {  	v5 =	vld.idx.msk [tilespmem:v5+s15+$0x0], $0xffff;
	[tilespmem:s18+$0x90] =	vst v2;
	v2 =	vmul.f32 v10, v1  }
0xc7: {  	v6 =	vld.idx.msk [tilespmem:v6+s15+$0x0], $0xffff;
	[tilespmem:s18+$0xA0] =	vst v4;
	v3 =	vmul.f32 v3, v1  }
0xc8: {  	v4 =	vld.idx.msk [tilespmem:v12+s15+$0x0], $0xffff;
	[tilespmem:s18+$0xB0] =	vst v2;
	v8 =	vmul.f32 v8, v1  }
0xc9: {  	s18 =	sadd.s32 $0x200, s18;
	v2 =	vld.idx.msk [tilespmem:v11+s15+$0x0], $0xffff;
	[tilespmem:s19+$0xC0] =	vst v3;
	v3 =	vmul.f32 v7, v1  }
0xca: {  	v7 =	vld [tilespmem:s18+$0x70];
	[tilespmem:s19+$0xD0] =	vst v8;
	v9 =	vmul.f32 v9, v1  }
0xcb: {  	v8 =	vld [tilespmem:s18+$0xFFFFFF00];
	[tilespmem:s19+$0xE0] =	vst v3  }
0xcc: {  	v1 =	vmov v5;
	v3 =	vld [tilespmem:s18+$0xFFFFFF10];
	[tilespmem:s19+$0xF0] =	vst v9;
	s19 =	smov.u32 s18  }
0xcd: {  	v5 =	vld [tilespmem:s18+$0xFFFFFF20]  }
0xce: {  	v9 =	vld [tilespmem:s18+$0xFFFFFF30]  }
0xcf: {  	v10 =	vld [tilespmem:s18+$0xFFFFFF40];
	v7 =	vmul.f32 v7, v2  }
0xd0: {  	v8 =	vmul.f32 v8, v6;
	v11 =	vld [tilespmem:s18+$0xFFFFFF50]  }
0xd1: {  	v3 =	vmul.f32 v3, v6;
	v12 =	vld [tilespmem:s18+$0xFFFFFF60];
	[tilespmem:s18+$0x70] =	vst v7  }
0xd2: {  	[tilespmem:s18+$0xFFFFFF00] =	vst v8;
	v5 =	vmul.f32 v5, v6;
	v7 =	vld [tilespmem:s18+$0xFFFFFF70]  }
0xd3: {  	[tilespmem:s18+$0xFFFFFF10] =	vst v3;
	v3 =	vmul.f32 v9, v6;
	v8 =	vld [tilespmem:s18+$0xFFFFFF80]  }
0xd4: {  	[tilespmem:s18+$0xFFFFFF20] =	vst v5;
	v5 =	vmul.f32 v10, v6;
	v9 =	vld [tilespmem:s18+$0xFFFFFF90]  }
0xd5: {  	[tilespmem:s18+$0xFFFFFF30] =	vst v3;
	v3 =	vmul.f32 v11, v6;
	v10 =	vld [tilespmem:s18+$0xFFFFFFA0]  }
0xd6: {  	[tilespmem:s18+$0xFFFFFF40] =	vst v5;
	v5 =	vmul.f32 v12, v6;
	v11 =	vld [tilespmem:s18+$0xFFFFFFB0]  }
0xd7: {  	[tilespmem:s18+$0xFFFFFF50] =	vst v3;
	v3 =	vmul.f32 v7, v6;
	v6 =	vld [tilespmem:s18+$0xFFFFFFC0]  }
0xd8: {  	[tilespmem:s18+$0xFFFFFF60] =	vst v5;
	v5 =	vmul.f32 v8, v4;
	v7 =	vld [tilespmem:s18+$0xFFFFFFD0]  }
0xd9: {  	[tilespmem:s18+$0xFFFFFF70] =	vst v3;
	v3 =	vmul.f32 v9, v4;
	v8 =	vld [tilespmem:s18+$0xFFFFFFE0]  }
0xda: {  	[tilespmem:s18+$0xFFFFFF80] =	vst v5;
	v5 =	vmul.f32 v10, v4;
	v9 =	vld [tilespmem:s18+$0xFFFFFFF0]  }
0xdb: {  	[tilespmem:s18+$0xFFFFFF90] =	vst v3;
	v3 =	vmul.f32 v11, v4;
	v10 =	vld [tilespmem:s18+$0x0]  }
0xdc: {  	[tilespmem:s18+$0xFFFFFFA0] =	vst v5;
	v5 =	vmul.f32 v6, v4;
	v6 =	vld [tilespmem:s18+$0x10]  }
0xdd: {  	[tilespmem:s18+$0xFFFFFFB0] =	vst v3;
	v3 =	vmul.f32 v7, v4;
	v7 =	vld [tilespmem:s18+$0x20]  }
0xde: {  	[tilespmem:s18+$0xFFFFFFC0] =	vst v5;
	v5 =	vmul.f32 v8, v4;
	v11 =	vld [tilespmem:s18+$0x30]  }
0xdf: {  	[tilespmem:s18+$0xFFFFFFD0] =	vst v3;
	v3 =	vmul.f32 v9, v4;
	v9 =	vld [tilespmem:s18+$0x40]  }
.Ltmp4:
0xe0: {  	[tilespmem:s18+$0xFFFFFFE0] =	vst v5;
	v5 =	vmul.f32 v10, v2;
	v4 =	vld [tilespmem:s18+$0x50];
	(pc) =	sbr.rel @p4 .LBB2_20-.Ltmp4, $4  }
0xe1: {  	[tilespmem:s18+$0xFFFFFFF0] =	vst v3;
	v6 =	vmul.f32 v6, v2;
	v3 =	vld [tilespmem:s18+$0x60]  }
0xe2: {  	s1 =	sadd.s32 $0x3, s22;
	v10 =	vmov s22;
	[tilespmem:s18+$0x0] =	vst v5;
	v13 =	vmul.f32 v7, v2;
	v8 =	vld [tilespmem:s18+$0x80]  }
0xe3: {  	s9 =	sadd.s32 $0x1, s22;
	v12 =	vand.u32 $0xFFFFFFFC, v10;
	v5 =	vmov s1;
	[tilespmem:s18+$0x10] =	vst v6;
	v10 =	vmul.f32 v11, v2;
	v7 =	vld [tilespmem:s18+$0x90]  }
0xe4: {  	s1 =	sadd.s32 $0x2, s22;
	s22 =	sadd.s32 $0x4, s22;
	v6 =	vbroadcast v12, $0x0;
	v12 =	vmov s9;
	[tilespmem:s18+$0x20] =	vst v13;
	v11 =	vmul.f32 v9, v2;
	v9 =	vld [tilespmem:s18+$0xA0]  }
0xe5: {  	v13 =	vld [tilespmem:s18+$0xB0]  }
0xe6: {  	v15 =	vld [tilespmem:s18+$0xC0]  }
0xe7: {  	v14 =	vmov s1;
	v16 =	vld [tilespmem:s18+$0xD0]  }
0xe8: {  	v17 =	vld [tilespmem:s18+$0xE0];
	[tilespmem:s18+$0x30] =	vst v10;
	v4 =	vmul.f32 v4, v2;
	v14 =	vand.u32 $0xFFFFFFFE, v14  }
0xe9: {  	v12 =	vand.u32 $0xFFFFFFFD, v12;
	v5 =	vld.idx.msk [tilespmem:v5+s15+$0x0], $0xffff;
	[tilespmem:s18+$0x40] =	vst v11;
	v2 =	vmul.f32 v3, v2;
	v14 =	vbroadcast v14, $0x0  }
0xea: {  	s22 =	sadd.s32 $0x200, s18;
	v12 =	vbroadcast v12, $0x0;
	v3 =	vld.idx.msk [tilespmem:v6+s15+$0x0], $0xffff;
	v8 =	vmul.f32 v8, v1;
	[tilespmem:s18+$0x50] =	vst v4  }
0xeb: {  	v10 =	vld [tilespmem:s22+$0xFFFFFF00];
	v4 =	vmul.f32 v7, v1;
	[tilespmem:s18+$0x60] =	vst v2  }
0xec: {  	[tilespmem:s18+$0x80] =	vst v8;
	v8 =	vld [tilespmem:s18+$0xF0];
	v2 =	vmul.f32 v9, v1  }
0xed: {  	v11 =	vld [tilespmem:s22+$0xFFFFFF10];
	[tilespmem:s18+$0x90] =	vst v4;
	v4 =	vmul.f32 v13, v1  }
0xee: {  	v9 =	vld [tilespmem:s22+$0x70];
	[tilespmem:s18+$0xA0] =	vst v2;
	v2 =	vmul.f32 v15, v1  }
0xef: {  	[tilespmem:s18+$0xB0] =	vst v4;
	v4 =	vmul.f32 v16, v1;
	v7 =	vld.idx.msk [tilespmem:v14+s15+$0x0], $0xffff  }
0xf0: {  	v6 =	vld.idx.msk [tilespmem:v12+s15+$0x0], $0xffff;
	[tilespmem:s19+$0xC0] =	vst v2;
	v2 =	vmul.f32 v17, v1  }
0xf1: {  	v12 =	vld [tilespmem:s22+$0xFFFFFF20];
	[tilespmem:s19+$0xD0] =	vst v4;
	v1 =	vmul.f32 v8, v1  }
0xf2: {  	v4 =	vld [tilespmem:s22+$0xFFFFFF30];
	[tilespmem:s19+$0xE0] =	vst v2  }
0xf3: {  	v2 =	vld [tilespmem:s22+$0xFFFFFF40];
	[tilespmem:s19+$0xF0] =	vst v1;
	v1 =	vmul.f32 v10, v3  }
0xf4: {  	v8 =	vmul.f32 v9, v7;
	v9 =	vld [tilespmem:s22+$0xFFFFFF50]  }
0xf5: {  	v10 =	vmul.f32 v11, v3;
	v11 =	vld [tilespmem:s22+$0xFFFFFF60];
	[tilespmem:s22+$0xFFFFFF00] =	vst v1  }
0xf6: {  	v1 =	vmul.f32 v12, v3;
	[tilespmem:s22+$0x70] =	vst v8;
	v8 =	vld [tilespmem:s22+$0xFFFFFF70]  }
0xf7: {  	[tilespmem:s22+$0xFFFFFF10] =	vst v10;
	v10 =	vld [tilespmem:s22+$0xFFFFFF80];
	v4 =	vmul.f32 v4, v3  }
0xf8: {  	[tilespmem:s22+$0xFFFFFF20] =	vst v1;
	v1 =	vmul.f32 v2, v3;
	v2 =	vld [tilespmem:s22+$0xFFFFFF90]  }
0xf9: {  	[tilespmem:s22+$0xFFFFFF30] =	vst v4;
	v4 =	vmul.f32 v9, v3;
	v9 =	vld [tilespmem:s22+$0xFFFFFFA0]  }
0xfa: {  	[tilespmem:s22+$0xFFFFFF40] =	vst v1;
	v1 =	vmul.f32 v11, v3;
	v11 =	vld [tilespmem:s22+$0xFFFFFFB0]  }
0xfb: {  	[tilespmem:s22+$0xFFFFFF50] =	vst v4;
	v3 =	vmul.f32 v8, v3;
	v4 =	vld [tilespmem:s22+$0xFFFFFFC0]  }
0xfc: {  	[tilespmem:s22+$0xFFFFFF60] =	vst v1;
	v1 =	vmul.f32 v10, v6;
	v8 =	vld [tilespmem:s22+$0xFFFFFFD0]  }
0xfd: {  	v2 =	vmul.f32 v2, v6;
	[tilespmem:s22+$0xFFFFFF70] =	vst v3;
	v3 =	vld [tilespmem:s22+$0xFFFFFFE0]  }
0xfe: {  	[tilespmem:s22+$0xFFFFFF80] =	vst v1;
	v1 =	vmul.f32 v9, v6;
	v9 =	vld [tilespmem:s22+$0xFFFFFFF0]  }
0xff: {  	v10 =	vld [tilespmem:s22+$0x0];
	[tilespmem:s22+$0xFFFFFF90] =	vst v2;
	v2 =	vmul.f32 v11, v6  }
0x100: {  	[tilespmem:s22+$0xFFFFFFA0] =	vst v1;
	v1 =	vmul.f32 v4, v6;
	v4 =	vld [tilespmem:s22+$0x10]  }
0x101: {  	[tilespmem:s22+$0xFFFFFFB0] =	vst v2;
	v2 =	vmul.f32 v8, v6;
	v8 =	vld [tilespmem:s22+$0x20]  }
0x102: {  	[tilespmem:s22+$0xFFFFFFC0] =	vst v1;
	v1 =	vmul.f32 v3, v6;
	v3 =	vld [tilespmem:s22+$0x30]  }
0x103: {  	[tilespmem:s22+$0xFFFFFFD0] =	vst v2;
	v2 =	vmul.f32 v9, v6;
	v6 =	vld [tilespmem:s22+$0x40]  }
0x104: {  	v9 =	vld [tilespmem:s22+$0x50];
	[tilespmem:s22+$0xFFFFFFE0] =	vst v1;
	v1 =	vmul.f32 v10, v7  }
0x105: {  	[tilespmem:s22+$0xFFFFFFF0] =	vst v2;
	v2 =	vmul.f32 v4, v7;
	v4 =	vld [tilespmem:s22+$0x60]  }
0x106: {  	[tilespmem:s22+$0x0] =	vst v1;
	v1 =	vmul.f32 v8, v7;
	v8 =	vld [tilespmem:s22+$0x80]  }
0x107: {  	[tilespmem:s22+$0x10] =	vst v2;
	v2 =	vmul.f32 v3, v7;
	v3 =	vld [tilespmem:s22+$0x90]  }
0x108: {  	[tilespmem:s22+$0x20] =	vst v1;
	v1 =	vmul.f32 v6, v7;
	v6 =	vld [tilespmem:s22+$0xA0]  }
0x109: {  	[tilespmem:s22+$0x30] =	vst v2;
	v2 =	vmul.f32 v9, v7;
	v9 =	vld [tilespmem:s22+$0xB0]  }
0x10a: {  	[tilespmem:s22+$0x40] =	vst v1;
	v1 =	vmul.f32 v4, v7;
	v4 =	vld [tilespmem:s22+$0xC0]  }
0x10b: {  	v7 =	vld [tilespmem:s22+$0xD0];
	[tilespmem:s22+$0x50] =	vst v2;
	v2 =	vmul.f32 v8, v5  }
0x10c: {  	[tilespmem:s22+$0x60] =	vst v1;
	v1 =	vmul.f32 v3, v5;
	v3 =	vld [tilespmem:s22+$0xE0]  }
0x10d: {  	[tilespmem:s22+$0x80] =	vst v2;
	v2 =	vmul.f32 v6, v5;
	v6 =	vld [tilespmem:s22+$0xF0]  }
0x10e: {  	[tilespmem:s22+$0x90] =	vst v1;
	v1 =	vmul.f32 v9, v5  }
0x10f: {  	[tilespmem:s22+$0xA0] =	vst v2;
	v2 =	vmul.f32 v4, v5  }
0x110: {  	[tilespmem:s22+$0xB0] =	vst v1;
	v1 =	vmul.f32 v7, v5  }
0x111: {  	[tilespmem:s22+$0xC0] =	vst v2;
	v2 =	vmul.f32 v3, v5  }
0x112: {  	[tilespmem:s22+$0xD0] =	vst v1;
	v1 =	vmul.f32 v6, v5  }
0x113: {  	[tilespmem:s22+$0xE0] =	vst v2  }
0x114: {  	s28 =	smul.u32 $0x140, s25;
	[tilespmem:s22+$0xF0] =	vst v1  }
0x115: {  	[spmem:s3] =	stream.indirect.scatter.add.f32 [tilespmem:s5], [sflag:$0x9], $0x80, s13, s29, $0xb8;
	[tilespmem:$0x1DE80] =	vst v63  }
0x116: {  	s19 =	rddreg [dreg:$0x17]  }
0x117: {  	s1 =	sadd.s32 s19, s28  }
0x118: {  	s1 =	sshrl.u32 s1, $0x3  }
0x119: {  	s22 =	simm.s32 $0x13A00;
	s9 =	sadd.s32 s7, s1  }
0x11a: {  	[tilespmem:s22], [sflag:$0x4] =	stream.linear.gather [hbm4b:s9+s4], $0x50, $0x38;
	[tilespmem:$0x1DE80] =	vst v63  }
0x11b: {  	s19 =	simm.s32 $0x13C00;
	s18 =	sadd.s32 s8, s1  }
0x11c: {  	[tilespmem:s19], [sflag:$0x4] =	stream.linear.gather [hbm4b:s18+s4], $0x50, $0x38;
	[tilespmem:$0x1DE80] =	vst v63  }
0x11d: {  	s1 =	sadd.s32 s2, s1  }
0x11e: {  	[tilespmem:s11], [sflag:$0x4] =	stream.linear.gather [hbm4b:s1+s4], $0x50, $0x38;
	[tilespmem:$0x1DE80] =	vst v63  }
0x11f: {  	s1 =	simm.s32 @!p3 $0xC  }
0x120: {  	_ =	swait.ge @!p3 [sflag:s1], $0x2800  }
0x121: {  	[sflag:s1] =	ssyncset.done @!p3 $0x0  }
0x122: {  	[sflag:s1] =	ssyncadd.s32 @!p3 $0xFFFFD800  }
0x123: {  	_ =	swait.ge [sflag:s30], $0x50  }
0x124: {  	[sflag:s30] =	ssyncset.done $0x0  }
0x125: {  	[sflag:s30] =	ssyncadd.s32 $0xFFFFFFB0  }
0x126: {  	_ =	swait.ge [sflag:s30], $0x50  }
0x127: {  	s22 =	simm.s32 $0x0;
	[sflag:s30] =	ssyncset.done $0x0  }
0x128: {  	s9 =	simm.s32 $0x2;
	v1 =	vmov s22;
	[sflag:s30] =	ssyncadd.s32 $0xFFFFFFB0  }
0x129: {  	v2 =	vmov s9;
	v1 =	vand.u32 $0xFFFFFFFC, v1;
	_ =	swait.ge [sflag:s30], $0x50  }
0x12a: {  	v2 =	vand.u32 $0xFFFFFFFE, v2;
	v1 =	vbroadcast v1, $0x0;
	[sflag:s30] =	ssyncset.done $0x0  }
0x12b: {  	v2 =	vbroadcast v2, $0x0;
	[sflag:s30] =	ssyncadd.s32 $0xFFFFFFB0  }
0x12c: {  	[tilespmem:s12], [sflag:$0x8] =	stream.indirect.gather [hbm4b:s10+s29], $0x80, s19, s29, $0xb8;
	[tilespmem:$0x1DE80] =	vst v63  }
0x12d: {  	_ =	swait.ge [sflag:s16], $0x2800  }
0x12e: {  	[sflag:s16] =	ssyncset.done $0x0  }
0x12f: {  	[sflag:s16] =	ssyncadd.s32 $0xFFFFD800  }
0x130: {  	v1 =	vld.idx.msk [tilespmem:v1+s17+$0x0], $0xffff  }
0x131: {  	s18 =	simm.s32 $0x16780;
	v2 =	vld.idx.msk [tilespmem:v2+s17+$0x0], $0xffff  }
0x132: {  	s19 =	simm.s32 $0x1;
	v4 =	vld [tilespmem:s18+$0x70]  }
0x133: {  	v3 =	vmov s19;
	v5 =	vld [tilespmem:s18+$0xFFFFFF00]  }
0x134: {  	v3 =	vand.u32 $0xFFFFFFFD, v3;
	v6 =	vld [tilespmem:s18+$0xFFFFFF10]  }
0x135: {  	v3 =	vbroadcast v3, $0x0;
	v7 =	vld [tilespmem:s18+$0xFFFFFF20]  }
0x136: {  	v8 =	vld [tilespmem:s18+$0xFFFFFF30]  }
0x137: {  	v9 =	vld [tilespmem:s18+$0xFFFFFF40]  }
0x138: {  	v10 =	vld [tilespmem:s18+$0xFFFFFF50]  }
0x139: {  	v11 =	vld [tilespmem:s18+$0xFFFFFF60];
	v5 =	vmul.f32 v5, v1  }
0x13a: {  	v13 =	vld [tilespmem:s18+$0x40];
	v4 =	vmul.f32 v4, v2  }
0x13b: {  	v3 =	vld.idx.msk [tilespmem:v3+s17+$0x0], $0xffff;
	[tilespmem:s18+$0xFFFFFF00] =	vst v5;
	v5 =	vmul.f32 v6, v1  }
0x13c: {  	v6 =	vld [tilespmem:s18+$0xFFFFFF70];
	[tilespmem:s18+$0x70] =	vst v4;
	v4 =	vmul.f32 v7, v1  }
0x13d: {  	v7 =	vld [tilespmem:s18+$0xFFFFFF80];
	[tilespmem:s18+$0xFFFFFF10] =	vst v5;
	v5 =	vmul.f32 v8, v1  }
0x13e: {  	v8 =	vld [tilespmem:s18+$0xFFFFFF90];
	[tilespmem:s18+$0xFFFFFF20] =	vst v4;
	v4 =	vmul.f32 v9, v1  }
0x13f: {  	v9 =	vld [tilespmem:s18+$0xFFFFFFA0];
	[tilespmem:s18+$0xFFFFFF30] =	vst v5;
	v5 =	vmul.f32 v10, v1  }
0x140: {  	v10 =	vld [tilespmem:s18+$0xFFFFFFB0];
	[tilespmem:s18+$0xFFFFFF40] =	vst v4;
	v4 =	vmul.f32 v11, v1  }
0x141: {  	v11 =	vld [tilespmem:s18+$0xFFFFFFC0];
	v6 =	vmul.f32 v6, v1;
	[tilespmem:s18+$0xFFFFFF50] =	vst v5  }
0x142: {  	v5 =	vmul.f32 v7, v3;
	v7 =	vld [tilespmem:s18+$0xFFFFFFD0];
	[tilespmem:s18+$0xFFFFFF60] =	vst v4  }
0x143: {  	s22 =	simm.s32 $0x3;
	v4 =	vld [tilespmem:s18+$0xFFFFFFE0];
	v8 =	vmul.f32 v8, v3;
	[tilespmem:s18+$0xFFFFFF70] =	vst v6  }
0x144: {  	v12 =	vmov s22;
	v6 =	vld [tilespmem:s18+$0xFFFFFFF0];
	[tilespmem:s18+$0xFFFFFF80] =	vst v5;
	v5 =	vmul.f32 v9, v3  }
0x145: {  	v9 =	vld [tilespmem:s18+$0x0];
	[tilespmem:s18+$0xFFFFFF90] =	vst v8;
	v8 =	vmul.f32 v10, v3  }
0x146: {  	v10 =	vld [tilespmem:s18+$0x10];
	[tilespmem:s18+$0xFFFFFFA0] =	vst v5;
	v5 =	vmul.f32 v11, v3  }
0x147: {  	[tilespmem:s18+$0xFFFFFFB0] =	vst v8;
	v7 =	vmul.f32 v7, v3;
	v8 =	vld [tilespmem:s18+$0x20]  }
0x148: {  	v11 =	vld [tilespmem:s18+$0x30];
	v4 =	vmul.f32 v4, v3;
	[tilespmem:s18+$0xFFFFFFC0] =	vst v5  }
0x149: {  	v1 =	vld.idx.msk [tilespmem:v12+s17+$0x0], $0xffff;
	v3 =	vmul.f32 v6, v3;
	[tilespmem:s18+$0xFFFFFFD0] =	vst v7  }
0x14a: {  	[tilespmem:s18+$0xFFFFFFE0] =	vst v4;
	v5 =	vmul.f32 v9, v2;
	v4 =	vld [tilespmem:s18+$0x50]  }
0x14b: {  	s9 =	simm.s32 $0x4;
	[tilespmem:s18+$0xFFFFFFF0] =	vst v3;
	v6 =	vmul.f32 v10, v2;
	v3 =	vld [tilespmem:s18+$0x60]  }
0x14c: {  	s19 =	simm.s32 $0x7;
	v7 =	vmov s9;
	[tilespmem:s18+$0x0] =	vst v5;
	v9 =	vmul.f32 v8, v2;
	v8 =	vld [tilespmem:s18+$0x80]  }
0x14d: {  	s22 =	simm.s32 $0x5;
	v12 =	vand.u32 $0xFFFFFFFC, v7;
	v7 =	vld [tilespmem:s18+$0x90];
	v5 =	vmov s19;
	v10 =	vmul.f32 v11, v2;
	[tilespmem:s18+$0x10] =	vst v6  }
0x14e: {  	s1 =	simm.s32 $0x6;
	v11 =	vmul.f32 v13, v2;
	s19 =	simm.s32 $0x16780;
	v6 =	vbroadcast v12, $0x0;
	v12 =	vmov s22;
	s22 =	simm.s32 $0x8;
	[tilespmem:s18+$0x20] =	vst v9;
	v9 =	vld [tilespmem:s18+$0xA0]  }
.LBB2_22:
0x14f: {  	p3 =	slt.u32 s22, $0x4C;
	v12 =	vand.u32 $0xFFFFFFFD, v12;
	v13 =	vmov s1;
	[tilespmem:s18+$0x30] =	vst v10;
	v4 =	vmul.f32 v4, v2;
	v10 =	vld [tilespmem:s18+$0xB0]  }
0x150: {  	v12 =	vbroadcast v12, $0x0;
	v13 =	vand.u32 $0xFFFFFFFE, v13;
	[tilespmem:s18+$0x40] =	vst v11;
	v2 =	vmul.f32 v3, v2;
	v3 =	vld [tilespmem:s18+$0xC0]  }
0x151: {  	v11 =	vbroadcast v13, $0x0;
	[tilespmem:s18+$0x50] =	vst v4;
	v4 =	vmul.f32 v8, v1;
	v8 =	vld [tilespmem:s18+$0xD0]  }
0x152: {  	[tilespmem:s18+$0x60] =	vst v2;
	v2 =	vmul.f32 v7, v1;
	v7 =	vld [tilespmem:s18+$0xE0]  }
0x153: {  	[tilespmem:s18+$0x80] =	vst v4;
	v4 =	vmul.f32 v9, v1;
	v9 =	vld [tilespmem:s18+$0xF0]  }
0x154: {  	v5 =	vld.idx.msk [tilespmem:v5+s17+$0x0], $0xffff;
	[tilespmem:s18+$0x90] =	vst v2;
	v2 =	vmul.f32 v10, v1  }
0x155: {  	v6 =	vld.idx.msk [tilespmem:v6+s17+$0x0], $0xffff;
	[tilespmem:s18+$0xA0] =	vst v4;
	v3 =	vmul.f32 v3, v1  }
0x156: {  	v4 =	vld.idx.msk [tilespmem:v12+s17+$0x0], $0xffff;
	[tilespmem:s18+$0xB0] =	vst v2;
	v8 =	vmul.f32 v8, v1  }
0x157: {  	s18 =	sadd.s32 $0x200, s18;
	v2 =	vld.idx.msk [tilespmem:v11+s17+$0x0], $0xffff;
	[tilespmem:s19+$0xC0] =	vst v3;
	v3 =	vmul.f32 v7, v1  }
0x158: {  	v7 =	vld [tilespmem:s18+$0x70];
	[tilespmem:s19+$0xD0] =	vst v8;
	v9 =	vmul.f32 v9, v1  }
0x159: {  	v8 =	vld [tilespmem:s18+$0xFFFFFF00];
	[tilespmem:s19+$0xE0] =	vst v3  }
0x15a: {  	v1 =	vmov v5;
	v3 =	vld [tilespmem:s18+$0xFFFFFF10];
	[tilespmem:s19+$0xF0] =	vst v9;
	s19 =	smov.u32 s18  }
0x15b: {  	v5 =	vld [tilespmem:s18+$0xFFFFFF20]  }
0x15c: {  	v9 =	vld [tilespmem:s18+$0xFFFFFF30]  }
0x15d: {  	v10 =	vld [tilespmem:s18+$0xFFFFFF40];
	v7 =	vmul.f32 v7, v2  }
0x15e: {  	v8 =	vmul.f32 v8, v6;
	v11 =	vld [tilespmem:s18+$0xFFFFFF50]  }
0x15f: {  	v3 =	vmul.f32 v3, v6;
	v12 =	vld [tilespmem:s18+$0xFFFFFF60];
	[tilespmem:s18+$0x70] =	vst v7  }
0x160: {  	[tilespmem:s18+$0xFFFFFF00] =	vst v8;
	v5 =	vmul.f32 v5, v6;
	v7 =	vld [tilespmem:s18+$0xFFFFFF70]  }
0x161: {  	[tilespmem:s18+$0xFFFFFF10] =	vst v3;
	v3 =	vmul.f32 v9, v6;
	v8 =	vld [tilespmem:s18+$0xFFFFFF80]  }
0x162: {  	[tilespmem:s18+$0xFFFFFF20] =	vst v5;
	v5 =	vmul.f32 v10, v6;
	v9 =	vld [tilespmem:s18+$0xFFFFFF90]  }
0x163: {  	[tilespmem:s18+$0xFFFFFF30] =	vst v3;
	v3 =	vmul.f32 v11, v6;
	v10 =	vld [tilespmem:s18+$0xFFFFFFA0]  }
0x164: {  	[tilespmem:s18+$0xFFFFFF40] =	vst v5;
	v5 =	vmul.f32 v12, v6;
	v11 =	vld [tilespmem:s18+$0xFFFFFFB0]  }
0x165: {  	[tilespmem:s18+$0xFFFFFF50] =	vst v3;
	v3 =	vmul.f32 v7, v6;
	v6 =	vld [tilespmem:s18+$0xFFFFFFC0]  }
0x166: {  	[tilespmem:s18+$0xFFFFFF60] =	vst v5;
	v5 =	vmul.f32 v8, v4;
	v7 =	vld [tilespmem:s18+$0xFFFFFFD0]  }
0x167: {  	[tilespmem:s18+$0xFFFFFF70] =	vst v3;
	v3 =	vmul.f32 v9, v4;
	v8 =	vld [tilespmem:s18+$0xFFFFFFE0]  }
0x168: {  	[tilespmem:s18+$0xFFFFFF80] =	vst v5;
	v5 =	vmul.f32 v10, v4;
	v9 =	vld [tilespmem:s18+$0xFFFFFFF0]  }
0x169: {  	[tilespmem:s18+$0xFFFFFF90] =	vst v3;
	v3 =	vmul.f32 v11, v4;
	v10 =	vld [tilespmem:s18+$0x0]  }
0x16a: {  	[tilespmem:s18+$0xFFFFFFA0] =	vst v5;
	v5 =	vmul.f32 v6, v4;
	v6 =	vld [tilespmem:s18+$0x10]  }
0x16b: {  	[tilespmem:s18+$0xFFFFFFB0] =	vst v3;
	v3 =	vmul.f32 v7, v4;
	v7 =	vld [tilespmem:s18+$0x20]  }
0x16c: {  	[tilespmem:s18+$0xFFFFFFC0] =	vst v5;
	v5 =	vmul.f32 v8, v4;
	v11 =	vld [tilespmem:s18+$0x30]  }
0x16d: {  	[tilespmem:s18+$0xFFFFFFD0] =	vst v3;
	v3 =	vmul.f32 v9, v4;
	v9 =	vld [tilespmem:s18+$0x40]  }
.Ltmp5:
0x16e: {  	[tilespmem:s18+$0xFFFFFFE0] =	vst v5;
	v5 =	vmul.f32 v10, v2;
	v4 =	vld [tilespmem:s18+$0x50];
	(pc) =	sbr.rel @p3 .LBB2_22-.Ltmp5, $4  }
0x16f: {  	[tilespmem:s18+$0xFFFFFFF0] =	vst v3;
	v6 =	vmul.f32 v6, v2;
	v3 =	vld [tilespmem:s18+$0x60]  }
0x170: {  	s1 =	sadd.s32 $0x3, s22;
	v10 =	vmov s22;
	[tilespmem:s18+$0x0] =	vst v5;
	v13 =	vmul.f32 v7, v2;
	v8 =	vld [tilespmem:s18+$0x80]  }
0x171: {  	s9 =	sadd.s32 $0x1, s22;
	v12 =	vand.u32 $0xFFFFFFFC, v10;
	v5 =	vmov s1;
	[tilespmem:s18+$0x10] =	vst v6;
	v10 =	vmul.f32 v11, v2;
	v7 =	vld [tilespmem:s18+$0x90]  }
0x172: {  	s1 =	sadd.s32 $0x2, s22;
	s22 =	sadd.s32 $0x4, s22;
	v6 =	vbroadcast v12, $0x0;
	v12 =	vmov s9;
	[tilespmem:s18+$0x20] =	vst v13;
	v11 =	vmul.f32 v9, v2;
	v9 =	vld [tilespmem:s18+$0xA0]  }
0x173: {  	v13 =	vld [tilespmem:s18+$0xB0]  }
0x174: {  	v15 =	vld [tilespmem:s18+$0xC0]  }
0x175: {  	v14 =	vmov s1;
	v16 =	vld [tilespmem:s18+$0xD0]  }
0x176: {  	v17 =	vld [tilespmem:s18+$0xE0];
	[tilespmem:s18+$0x30] =	vst v10;
	v4 =	vmul.f32 v4, v2;
	v14 =	vand.u32 $0xFFFFFFFE, v14  }
0x177: {  	v12 =	vand.u32 $0xFFFFFFFD, v12;
	v5 =	vld.idx.msk [tilespmem:v5+s17+$0x0], $0xffff;
	[tilespmem:s18+$0x40] =	vst v11;
	v2 =	vmul.f32 v3, v2;
	v14 =	vbroadcast v14, $0x0  }
0x178: {  	s22 =	sadd.s32 $0x200, s18;
	v12 =	vbroadcast v12, $0x0;
	v3 =	vld.idx.msk [tilespmem:v6+s17+$0x0], $0xffff;
	v8 =	vmul.f32 v8, v1;
	[tilespmem:s18+$0x50] =	vst v4  }
0x179: {  	v10 =	vld [tilespmem:s22+$0xFFFFFF00];
	v4 =	vmul.f32 v7, v1;
	[tilespmem:s18+$0x60] =	vst v2  }
0x17a: {  	[tilespmem:s18+$0x80] =	vst v8;
	v8 =	vld [tilespmem:s18+$0xF0];
	v2 =	vmul.f32 v9, v1  }
0x17b: {  	v11 =	vld [tilespmem:s22+$0xFFFFFF10];
	[tilespmem:s18+$0x90] =	vst v4;
	v4 =	vmul.f32 v13, v1  }
0x17c: {  	v9 =	vld [tilespmem:s22+$0x70];
	[tilespmem:s18+$0xA0] =	vst v2;
	v2 =	vmul.f32 v15, v1  }
0x17d: {  	[tilespmem:s18+$0xB0] =	vst v4;
	v4 =	vmul.f32 v16, v1;
	v7 =	vld.idx.msk [tilespmem:v14+s17+$0x0], $0xffff  }
0x17e: {  	v6 =	vld.idx.msk [tilespmem:v12+s17+$0x0], $0xffff;
	[tilespmem:s19+$0xC0] =	vst v2;
	v2 =	vmul.f32 v17, v1  }
0x17f: {  	v12 =	vld [tilespmem:s22+$0xFFFFFF20];
	[tilespmem:s19+$0xD0] =	vst v4;
	v1 =	vmul.f32 v8, v1  }
0x180: {  	v4 =	vld [tilespmem:s22+$0xFFFFFF30];
	[tilespmem:s19+$0xE0] =	vst v2  }
0x181: {  	v2 =	vld [tilespmem:s22+$0xFFFFFF40];
	[tilespmem:s19+$0xF0] =	vst v1;
	v1 =	vmul.f32 v10, v3  }
0x182: {  	v8 =	vmul.f32 v9, v7;
	v9 =	vld [tilespmem:s22+$0xFFFFFF50]  }
0x183: {  	v10 =	vmul.f32 v11, v3;
	v11 =	vld [tilespmem:s22+$0xFFFFFF60];
	[tilespmem:s22+$0xFFFFFF00] =	vst v1  }
0x184: {  	v1 =	vmul.f32 v12, v3;
	[tilespmem:s22+$0x70] =	vst v8;
	v8 =	vld [tilespmem:s22+$0xFFFFFF70]  }
0x185: {  	[tilespmem:s22+$0xFFFFFF10] =	vst v10;
	v10 =	vld [tilespmem:s22+$0xFFFFFF80];
	v4 =	vmul.f32 v4, v3  }
0x186: {  	[tilespmem:s22+$0xFFFFFF20] =	vst v1;
	v1 =	vmul.f32 v2, v3;
	v2 =	vld [tilespmem:s22+$0xFFFFFF90]  }
0x187: {  	[tilespmem:s22+$0xFFFFFF30] =	vst v4;
	v4 =	vmul.f32 v9, v3;
	v9 =	vld [tilespmem:s22+$0xFFFFFFA0]  }
0x188: {  	[tilespmem:s22+$0xFFFFFF40] =	vst v1;
	v1 =	vmul.f32 v11, v3;
	v11 =	vld [tilespmem:s22+$0xFFFFFFB0]  }
0x189: {  	[tilespmem:s22+$0xFFFFFF50] =	vst v4;
	v3 =	vmul.f32 v8, v3;
	v4 =	vld [tilespmem:s22+$0xFFFFFFC0]  }
0x18a: {  	[tilespmem:s22+$0xFFFFFF60] =	vst v1;
	v1 =	vmul.f32 v10, v6;
	v8 =	vld [tilespmem:s22+$0xFFFFFFD0]  }
0x18b: {  	v2 =	vmul.f32 v2, v6;
	[tilespmem:s22+$0xFFFFFF70] =	vst v3;
	v3 =	vld [tilespmem:s22+$0xFFFFFFE0]  }
0x18c: {  	[tilespmem:s22+$0xFFFFFF80] =	vst v1;
	v1 =	vmul.f32 v9, v6;
	v9 =	vld [tilespmem:s22+$0xFFFFFFF0]  }
0x18d: {  	v10 =	vld [tilespmem:s22+$0x0];
	[tilespmem:s22+$0xFFFFFF90] =	vst v2;
	v2 =	vmul.f32 v11, v6  }
0x18e: {  	[tilespmem:s22+$0xFFFFFFA0] =	vst v1;
	v1 =	vmul.f32 v4, v6;
	v4 =	vld [tilespmem:s22+$0x10]  }
0x18f: {  	[tilespmem:s22+$0xFFFFFFB0] =	vst v2;
	v2 =	vmul.f32 v8, v6;
	v8 =	vld [tilespmem:s22+$0x20]  }
0x190: {  	[tilespmem:s22+$0xFFFFFFC0] =	vst v1;
	v1 =	vmul.f32 v3, v6;
	v3 =	vld [tilespmem:s22+$0x30]  }
0x191: {  	[tilespmem:s22+$0xFFFFFFD0] =	vst v2;
	v2 =	vmul.f32 v9, v6;
	v6 =	vld [tilespmem:s22+$0x40]  }
0x192: {  	v9 =	vld [tilespmem:s22+$0x50];
	[tilespmem:s22+$0xFFFFFFE0] =	vst v1;
	v1 =	vmul.f32 v10, v7  }
0x193: {  	[tilespmem:s22+$0xFFFFFFF0] =	vst v2;
	v2 =	vmul.f32 v4, v7;
	v4 =	vld [tilespmem:s22+$0x60]  }
0x194: {  	[tilespmem:s22+$0x0] =	vst v1;
	v1 =	vmul.f32 v8, v7;
	v8 =	vld [tilespmem:s22+$0x80]  }
0x195: {  	[tilespmem:s22+$0x10] =	vst v2;
	v2 =	vmul.f32 v3, v7;
	v3 =	vld [tilespmem:s22+$0x90]  }
0x196: {  	[tilespmem:s22+$0x20] =	vst v1;
	v1 =	vmul.f32 v6, v7;
	v6 =	vld [tilespmem:s22+$0xA0]  }
0x197: {  	[tilespmem:s22+$0x30] =	vst v2;
	v2 =	vmul.f32 v9, v7;
	v9 =	vld [tilespmem:s22+$0xB0]  }
0x198: {  	[tilespmem:s22+$0x40] =	vst v1;
	v1 =	vmul.f32 v4, v7;
	v4 =	vld [tilespmem:s22+$0xC0]  }
0x199: {  	v7 =	vld [tilespmem:s22+$0xD0];
	[tilespmem:s22+$0x50] =	vst v2;
	v2 =	vmul.f32 v8, v5  }
0x19a: {  	[tilespmem:s22+$0x60] =	vst v1;
	v1 =	vmul.f32 v3, v5;
	v3 =	vld [tilespmem:s22+$0xE0]  }
0x19b: {  	[tilespmem:s22+$0x80] =	vst v2;
	v2 =	vmul.f32 v6, v5;
	v6 =	vld [tilespmem:s22+$0xF0]  }
0x19c: {  	[tilespmem:s22+$0x90] =	vst v1;
	v1 =	vmul.f32 v9, v5  }
0x19d: {  	[tilespmem:s22+$0xA0] =	vst v2;
	v2 =	vmul.f32 v4, v5  }
0x19e: {  	[tilespmem:s22+$0xB0] =	vst v1;
	v1 =	vmul.f32 v7, v5  }
0x19f: {  	[tilespmem:s22+$0xC0] =	vst v2;
	v2 =	vmul.f32 v3, v5  }
0x1a0: {  	[tilespmem:s22+$0xD0] =	vst v1;
	v1 =	vmul.f32 v6, v5  }
0x1a1: {  	[tilespmem:s22+$0xE0] =	vst v2  }
0x1a2: {  	s9 =	simm.s32 $0x16680;
	[tilespmem:s22+$0xF0] =	vst v1;
	s22 =	simm.s32 $0x13900  }
0x1a3: {  	[spmem:s3] =	stream.indirect.scatter.add.f32 [tilespmem:s9], [sflag:$0xA], $0x80, s22, s29, $0xb8;
	[tilespmem:$0x1DE80] =	vst v63  }
0x1a4: {  	s9 =	rddreg [dreg:$0x11]  }
0x1a5: {  	s1 =	sadd.s32 s28, s9  }
0x1a6: {  	s1 =	sshrl.u32 s1, $0x3  }
0x1a7: {  	s19 =	simm.s32 $0x0;
	s18 =	sadd.s32 s7, s1  }
0x1a8: {  	[tilespmem:s13], [sflag:$0x1] =	stream.linear.gather [hbm4b:s18+s19], $0x50, $0x38;
	[tilespmem:$0x1DE80] =	vst v63  }
0x1a9: {  	s22 =	sadd.s32 s8, s1  }
0x1aa: {  	[tilespmem:s14], [sflag:$0x1] =	stream.linear.gather [hbm4b:s22+s19], $0x50, $0x38;
	[tilespmem:$0x1DE80] =	vst v63  }
0x1ab: {  	s1 =	sadd.s32 s2, s1  }
0x1ac: {  	[tilespmem:s15], [sflag:$0x1] =	stream.linear.gather [hbm4b:s1+s19], $0x50, $0x38;
	[tilespmem:$0x1DE80] =	vst v63  }
0x1ad: {  	_ =	swait.ge [sflag:s31], $0x2800  }
0x1ae: {  	[sflag:s31] =	ssyncset.done $0x0  }
0x1af: {  	[sflag:s31] =	ssyncadd.s32 $0xFFFFD800  }
0x1b0: {  	_ =	swait.ge [sflag:s24], $0x50  }
0x1b1: {  	[sflag:s24] =	ssyncset.done $0x0  }
0x1b2: {  	[sflag:s24] =	ssyncadd.s32 $0xFFFFFFB0  }
0x1b3: {  	_ =	swait.ge [sflag:s24], $0x50  }
0x1b4: {  	[sflag:s24] =	ssyncset.done $0x0  }
0x1b5: {  	v1 =	vmov s19;
	s18 =	simm.s32 $0x2;
	[sflag:s24] =	ssyncadd.s32 $0xFFFFFFB0  }
0x1b6: {  	v1 =	vand.u32 $0xFFFFFFFC, v1;
	v2 =	vmov s18;
	_ =	swait.ge [sflag:s24], $0x50  }
0x1b7: {  	v1 =	vbroadcast v1, $0x0;
	v2 =	vand.u32 $0xFFFFFFFE, v2;
	[sflag:s24] =	ssyncset.done $0x0  }
0x1b8: {  	v2 =	vbroadcast v2, $0x0;
	[sflag:s24] =	ssyncadd.s32 $0xFFFFFFB0  }
0x1b9: {  	[tilespmem:s5], [sflag:$0x5] =	stream.indirect.gather [hbm4b:s10+s29], $0x80, s14, s29, $0xb8;
	[tilespmem:$0x1DE80] =	vst v63  }
0x1ba: {  	_ =	swait.ge [sflag:s26], $0x2800  }
0x1bb: {  	[sflag:s26] =	ssyncset.done $0x0  }
0x1bc: {  	[sflag:s26] =	ssyncadd.s32 $0xFFFFD800  }
0x1bd: {  	v1 =	vld.idx.msk [tilespmem:v1+s20+$0x0], $0xffff  }
0x1be: {  	s18 =	simm.s32 $0x18F80;
	s19 =	simm.s32 $0x1;
	v2 =	vld.idx.msk [tilespmem:v2+s20+$0x0], $0xffff  }
0x1bf: {  	v3 =	vmov s19;
	v4 =	vld [tilespmem:s18+$0x70]  }
0x1c0: {  	v3 =	vand.u32 $0xFFFFFFFD, v3;
	v5 =	vld [tilespmem:s18+$0xFFFFFF00]  }
0x1c1: {  	v3 =	vbroadcast v3, $0x0;
	v6 =	vld [tilespmem:s18+$0xFFFFFF10]  }
0x1c2: {  	v7 =	vld [tilespmem:s18+$0xFFFFFF20]  }
0x1c3: {  	v8 =	vld [tilespmem:s18+$0xFFFFFF30]  }
0x1c4: {  	v9 =	vld [tilespmem:s18+$0xFFFFFF40]  }
0x1c5: {  	v10 =	vld [tilespmem:s18+$0xFFFFFF50]  }
0x1c6: {  	v11 =	vld [tilespmem:s18+$0xFFFFFF60];
	v5 =	vmul.f32 v5, v1  }
0x1c7: {  	v3 =	vld.idx.msk [tilespmem:v3+s20+$0x0], $0xffff;
	v4 =	vmul.f32 v4, v2  }
0x1c8: {  	v13 =	vld [tilespmem:s18+$0x40];
	[tilespmem:s18+$0xFFFFFF00] =	vst v5;
	v5 =	vmul.f32 v6, v1  }
0x1c9: {  	v6 =	vld [tilespmem:s18+$0xFFFFFF70];
	[tilespmem:s18+$0x70] =	vst v4;
	v4 =	vmul.f32 v7, v1  }
0x1ca: {  	v7 =	vld [tilespmem:s18+$0xFFFFFF80];
	[tilespmem:s18+$0xFFFFFF10] =	vst v5;
	v5 =	vmul.f32 v8, v1  }
0x1cb: {  	v8 =	vld [tilespmem:s18+$0xFFFFFF90];
	[tilespmem:s18+$0xFFFFFF20] =	vst v4;
	v4 =	vmul.f32 v9, v1  }
0x1cc: {  	v9 =	vld [tilespmem:s18+$0xFFFFFFA0];
	[tilespmem:s18+$0xFFFFFF30] =	vst v5;
	v5 =	vmul.f32 v10, v1  }
0x1cd: {  	v10 =	vld [tilespmem:s18+$0xFFFFFFB0];
	[tilespmem:s18+$0xFFFFFF40] =	vst v4;
	v4 =	vmul.f32 v11, v1  }
0x1ce: {  	v11 =	vld [tilespmem:s18+$0xFFFFFFC0];
	v6 =	vmul.f32 v6, v1;
	[tilespmem:s18+$0xFFFFFF50] =	vst v5  }
0x1cf: {  	v5 =	vmul.f32 v7, v3;
	v7 =	vld [tilespmem:s18+$0xFFFFFFD0];
	[tilespmem:s18+$0xFFFFFF60] =	vst v4  }
0x1d0: {  	s22 =	simm.s32 $0x3;
	v4 =	vld [tilespmem:s18+$0xFFFFFFE0];
	v8 =	vmul.f32 v8, v3;
	[tilespmem:s18+$0xFFFFFF70] =	vst v6  }
0x1d1: {  	v12 =	vmov s22;
	v6 =	vld [tilespmem:s18+$0xFFFFFFF0];
	[tilespmem:s18+$0xFFFFFF80] =	vst v5;
	v5 =	vmul.f32 v9, v3  }
0x1d2: {  	v9 =	vld [tilespmem:s18+$0x0];
	[tilespmem:s18+$0xFFFFFF90] =	vst v8;
	v8 =	vmul.f32 v10, v3  }
0x1d3: {  	v10 =	vld [tilespmem:s18+$0x10];
	[tilespmem:s18+$0xFFFFFFA0] =	vst v5;
	v5 =	vmul.f32 v11, v3  }
0x1d4: {  	[tilespmem:s18+$0xFFFFFFB0] =	vst v8;
	v7 =	vmul.f32 v7, v3;
	v8 =	vld [tilespmem:s18+$0x20]  }
0x1d5: {  	v11 =	vld [tilespmem:s18+$0x30];
	v4 =	vmul.f32 v4, v3;
	[tilespmem:s18+$0xFFFFFFC0] =	vst v5  }
0x1d6: {  	v1 =	vld.idx.msk [tilespmem:v12+s20+$0x0], $0xffff;
	v3 =	vmul.f32 v6, v3;
	[tilespmem:s18+$0xFFFFFFD0] =	vst v7  }
0x1d7: {  	[tilespmem:s18+$0xFFFFFFE0] =	vst v4;
	v5 =	vmul.f32 v9, v2;
	v4 =	vld [tilespmem:s18+$0x50]  }
0x1d8: {  	s9 =	simm.s32 $0x4;
	[tilespmem:s18+$0xFFFFFFF0] =	vst v3;
	v6 =	vmul.f32 v10, v2;
	v3 =	vld [tilespmem:s18+$0x60]  }
0x1d9: {  	s19 =	simm.s32 $0x7;
	v7 =	vmov s9;
	[tilespmem:s18+$0x0] =	vst v5;
	v9 =	vmul.f32 v8, v2;
	v8 =	vld [tilespmem:s18+$0x80]  }
0x1da: {  	s22 =	simm.s32 $0x5;
	v12 =	vand.u32 $0xFFFFFFFC, v7;
	v7 =	vld [tilespmem:s18+$0x90];
	v5 =	vmov s19;
	v10 =	vmul.f32 v11, v2;
	[tilespmem:s18+$0x10] =	vst v6  }
0x1db: {  	s1 =	simm.s32 $0x6;
	v11 =	vmul.f32 v13, v2;
	s19 =	simm.s32 $0x18F80;
	v6 =	vbroadcast v12, $0x0;
	v12 =	vmov s22;
	s22 =	simm.s32 $0x8;
	[tilespmem:s18+$0x20] =	vst v9;
	v9 =	vld [tilespmem:s18+$0xA0]  }
.LBB2_24:
0x1dc: {  	p3 =	slt.u32 s22, $0x4C;
	v12 =	vand.u32 $0xFFFFFFFD, v12;
	v13 =	vmov s1;
	[tilespmem:s18+$0x30] =	vst v10;
	v4 =	vmul.f32 v4, v2;
	v10 =	vld [tilespmem:s18+$0xB0]  }
0x1dd: {  	v12 =	vbroadcast v12, $0x0;
	v13 =	vand.u32 $0xFFFFFFFE, v13;
	[tilespmem:s18+$0x40] =	vst v11;
	v2 =	vmul.f32 v3, v2;
	v3 =	vld [tilespmem:s18+$0xC0]  }
0x1de: {  	v11 =	vbroadcast v13, $0x0;
	[tilespmem:s18+$0x50] =	vst v4;
	v4 =	vmul.f32 v8, v1;
	v8 =	vld [tilespmem:s18+$0xD0]  }
0x1df: {  	[tilespmem:s18+$0x60] =	vst v2;
	v2 =	vmul.f32 v7, v1;
	v7 =	vld [tilespmem:s18+$0xE0]  }
0x1e0: {  	[tilespmem:s18+$0x80] =	vst v4;
	v4 =	vmul.f32 v9, v1;
	v9 =	vld [tilespmem:s18+$0xF0]  }
0x1e1: {  	v5 =	vld.idx.msk [tilespmem:v5+s20+$0x0], $0xffff;
	[tilespmem:s18+$0x90] =	vst v2;
	v2 =	vmul.f32 v10, v1  }
0x1e2: {  	v6 =	vld.idx.msk [tilespmem:v6+s20+$0x0], $0xffff;
	[tilespmem:s18+$0xA0] =	vst v4;
	v3 =	vmul.f32 v3, v1  }
0x1e3: {  	v4 =	vld.idx.msk [tilespmem:v12+s20+$0x0], $0xffff;
	[tilespmem:s18+$0xB0] =	vst v2;
	v8 =	vmul.f32 v8, v1  }
0x1e4: {  	s18 =	sadd.s32 $0x200, s18;
	v2 =	vld.idx.msk [tilespmem:v11+s20+$0x0], $0xffff;
	[tilespmem:s19+$0xC0] =	vst v3;
	v3 =	vmul.f32 v7, v1  }
0x1e5: {  	v7 =	vld [tilespmem:s18+$0x70];
	[tilespmem:s19+$0xD0] =	vst v8;
	v9 =	vmul.f32 v9, v1  }
0x1e6: {  	v8 =	vld [tilespmem:s18+$0xFFFFFF00];
	[tilespmem:s19+$0xE0] =	vst v3  }
0x1e7: {  	v1 =	vmov v5;
	v3 =	vld [tilespmem:s18+$0xFFFFFF10];
	[tilespmem:s19+$0xF0] =	vst v9;
	s19 =	smov.u32 s18  }
0x1e8: {  	v5 =	vld [tilespmem:s18+$0xFFFFFF20]  }
0x1e9: {  	v9 =	vld [tilespmem:s18+$0xFFFFFF30]  }
0x1ea: {  	v10 =	vld [tilespmem:s18+$0xFFFFFF40];
	v7 =	vmul.f32 v7, v2  }
0x1eb: {  	v8 =	vmul.f32 v8, v6;
	v11 =	vld [tilespmem:s18+$0xFFFFFF50]  }
0x1ec: {  	v3 =	vmul.f32 v3, v6;
	v12 =	vld [tilespmem:s18+$0xFFFFFF60];
	[tilespmem:s18+$0x70] =	vst v7  }
0x1ed: {  	[tilespmem:s18+$0xFFFFFF00] =	vst v8;
	v5 =	vmul.f32 v5, v6;
	v7 =	vld [tilespmem:s18+$0xFFFFFF70]  }
0x1ee: {  	[tilespmem:s18+$0xFFFFFF10] =	vst v3;
	v3 =	vmul.f32 v9, v6;
	v8 =	vld [tilespmem:s18+$0xFFFFFF80]  }
0x1ef: {  	[tilespmem:s18+$0xFFFFFF20] =	vst v5;
	v5 =	vmul.f32 v10, v6;
	v9 =	vld [tilespmem:s18+$0xFFFFFF90]  }
0x1f0: {  	[tilespmem:s18+$0xFFFFFF30] =	vst v3;
	v3 =	vmul.f32 v11, v6;
	v10 =	vld [tilespmem:s18+$0xFFFFFFA0]  }
0x1f1: {  	[tilespmem:s18+$0xFFFFFF40] =	vst v5;
	v5 =	vmul.f32 v12, v6;
	v11 =	vld [tilespmem:s18+$0xFFFFFFB0]  }
0x1f2: {  	[tilespmem:s18+$0xFFFFFF50] =	vst v3;
	v3 =	vmul.f32 v7, v6;
	v6 =	vld [tilespmem:s18+$0xFFFFFFC0]  }
0x1f3: {  	[tilespmem:s18+$0xFFFFFF60] =	vst v5;
	v5 =	vmul.f32 v8, v4;
	v7 =	vld [tilespmem:s18+$0xFFFFFFD0]  }
0x1f4: {  	[tilespmem:s18+$0xFFFFFF70] =	vst v3;
	v3 =	vmul.f32 v9, v4;
	v8 =	vld [tilespmem:s18+$0xFFFFFFE0]  }
0x1f5: {  	[tilespmem:s18+$0xFFFFFF80] =	vst v5;
	v5 =	vmul.f32 v10, v4;
	v9 =	vld [tilespmem:s18+$0xFFFFFFF0]  }
0x1f6: {  	[tilespmem:s18+$0xFFFFFF90] =	vst v3;
	v3 =	vmul.f32 v11, v4;
	v10 =	vld [tilespmem:s18+$0x0]  }
0x1f7: {  	[tilespmem:s18+$0xFFFFFFA0] =	vst v5;
	v5 =	vmul.f32 v6, v4;
	v6 =	vld [tilespmem:s18+$0x10]  }
0x1f8: {  	[tilespmem:s18+$0xFFFFFFB0] =	vst v3;
	v3 =	vmul.f32 v7, v4;
	v7 =	vld [tilespmem:s18+$0x20]  }
0x1f9: {  	[tilespmem:s18+$0xFFFFFFC0] =	vst v5;
	v5 =	vmul.f32 v8, v4;
	v11 =	vld [tilespmem:s18+$0x30]  }
0x1fa: {  	[tilespmem:s18+$0xFFFFFFD0] =	vst v3;
	v3 =	vmul.f32 v9, v4;
	v9 =	vld [tilespmem:s18+$0x40]  }
.Ltmp6:
0x1fb: {  	[tilespmem:s18+$0xFFFFFFE0] =	vst v5;
	v5 =	vmul.f32 v10, v2;
	v4 =	vld [tilespmem:s18+$0x50];
	(pc) =	sbr.rel @p3 .LBB2_24-.Ltmp6, $4  }
0x1fc: {  	[tilespmem:s18+$0xFFFFFFF0] =	vst v3;
	v6 =	vmul.f32 v6, v2;
	v3 =	vld [tilespmem:s18+$0x60]  }
0x1fd: {  	s1 =	sadd.s32 $0x3, s22;
	v10 =	vmov s22;
	[tilespmem:s18+$0x0] =	vst v5;
	v13 =	vmul.f32 v7, v2;
	v8 =	vld [tilespmem:s18+$0x80]  }
0x1fe: {  	s9 =	sadd.s32 $0x1, s22;
	v12 =	vand.u32 $0xFFFFFFFC, v10;
	v5 =	vmov s1;
	[tilespmem:s18+$0x10] =	vst v6;
	v10 =	vmul.f32 v11, v2;
	v7 =	vld [tilespmem:s18+$0x90]  }
0x1ff: {  	s1 =	sadd.s32 $0x2, s22;
	s22 =	sadd.s32 $0x4, s22;
	v6 =	vbroadcast v12, $0x0;
	v12 =	vmov s9;
	[tilespmem:s18+$0x20] =	vst v13;
	v11 =	vmul.f32 v9, v2;
	v9 =	vld [tilespmem:s18+$0xA0]  }
0x200: {  	v13 =	vld [tilespmem:s18+$0xB0]  }
0x201: {  	v15 =	vld [tilespmem:s18+$0xC0]  }
0x202: {  	v14 =	vmov s1;
	v16 =	vld [tilespmem:s18+$0xD0]  }
0x203: {  	v17 =	vld [tilespmem:s18+$0xE0];
	[tilespmem:s18+$0x30] =	vst v10;
	v4 =	vmul.f32 v4, v2;
	v14 =	vand.u32 $0xFFFFFFFE, v14  }
0x204: {  	v12 =	vand.u32 $0xFFFFFFFD, v12;
	v5 =	vld.idx.msk [tilespmem:v5+s20+$0x0], $0xffff;
	[tilespmem:s18+$0x40] =	vst v11;
	v2 =	vmul.f32 v3, v2;
	v14 =	vbroadcast v14, $0x0  }
0x205: {  	s22 =	sadd.s32 $0x200, s18;
	v12 =	vbroadcast v12, $0x0;
	v3 =	vld.idx.msk [tilespmem:v6+s20+$0x0], $0xffff;
	v8 =	vmul.f32 v8, v1;
	[tilespmem:s18+$0x50] =	vst v4  }
0x206: {  	v10 =	vld [tilespmem:s22+$0xFFFFFF00];
	v4 =	vmul.f32 v7, v1;
	[tilespmem:s18+$0x60] =	vst v2  }
0x207: {  	[tilespmem:s18+$0x80] =	vst v8;
	v8 =	vld [tilespmem:s18+$0xF0];
	v2 =	vmul.f32 v9, v1  }
0x208: {  	v11 =	vld [tilespmem:s22+$0xFFFFFF10];
	[tilespmem:s18+$0x90] =	vst v4;
	v4 =	vmul.f32 v13, v1  }
0x209: {  	v9 =	vld [tilespmem:s22+$0x70];
	[tilespmem:s18+$0xA0] =	vst v2;
	v2 =	vmul.f32 v15, v1  }
0x20a: {  	[tilespmem:s18+$0xB0] =	vst v4;
	v4 =	vmul.f32 v16, v1;
	v7 =	vld.idx.msk [tilespmem:v14+s20+$0x0], $0xffff  }
0x20b: {  	v6 =	vld.idx.msk [tilespmem:v12+s20+$0x0], $0xffff;
	[tilespmem:s19+$0xC0] =	vst v2;
	v2 =	vmul.f32 v17, v1  }
0x20c: {  	v12 =	vld [tilespmem:s22+$0xFFFFFF20];
	[tilespmem:s19+$0xD0] =	vst v4;
	v1 =	vmul.f32 v8, v1  }
0x20d: {  	v4 =	vld [tilespmem:s22+$0xFFFFFF30];
	[tilespmem:s19+$0xE0] =	vst v2  }
0x20e: {  	v2 =	vld [tilespmem:s22+$0xFFFFFF40];
	[tilespmem:s19+$0xF0] =	vst v1;
	v1 =	vmul.f32 v10, v3  }
0x20f: {  	v8 =	vmul.f32 v9, v7;
	v9 =	vld [tilespmem:s22+$0xFFFFFF50]  }
0x210: {  	v10 =	vmul.f32 v11, v3;
	v11 =	vld [tilespmem:s22+$0xFFFFFF60];
	[tilespmem:s22+$0xFFFFFF00] =	vst v1  }
0x211: {  	v1 =	vmul.f32 v12, v3;
	[tilespmem:s22+$0x70] =	vst v8;
	v8 =	vld [tilespmem:s22+$0xFFFFFF70]  }
0x212: {  	[tilespmem:s22+$0xFFFFFF10] =	vst v10;
	v10 =	vld [tilespmem:s22+$0xFFFFFF80];
	v4 =	vmul.f32 v4, v3  }
0x213: {  	[tilespmem:s22+$0xFFFFFF20] =	vst v1;
	v1 =	vmul.f32 v2, v3;
	v2 =	vld [tilespmem:s22+$0xFFFFFF90]  }
0x214: {  	[tilespmem:s22+$0xFFFFFF30] =	vst v4;
	v4 =	vmul.f32 v9, v3;
	v9 =	vld [tilespmem:s22+$0xFFFFFFA0]  }
0x215: {  	[tilespmem:s22+$0xFFFFFF40] =	vst v1;
	v1 =	vmul.f32 v11, v3;
	v11 =	vld [tilespmem:s22+$0xFFFFFFB0]  }
0x216: {  	[tilespmem:s22+$0xFFFFFF50] =	vst v4;
	v3 =	vmul.f32 v8, v3;
	v4 =	vld [tilespmem:s22+$0xFFFFFFC0]  }
0x217: {  	[tilespmem:s22+$0xFFFFFF60] =	vst v1;
	v1 =	vmul.f32 v10, v6;
	v8 =	vld [tilespmem:s22+$0xFFFFFFD0]  }
0x218: {  	v2 =	vmul.f32 v2, v6;
	[tilespmem:s22+$0xFFFFFF70] =	vst v3;
	v3 =	vld [tilespmem:s22+$0xFFFFFFE0]  }
0x219: {  	[tilespmem:s22+$0xFFFFFF80] =	vst v1;
	v1 =	vmul.f32 v9, v6;
	v9 =	vld [tilespmem:s22+$0xFFFFFFF0]  }
0x21a: {  	v10 =	vld [tilespmem:s22+$0x0];
	[tilespmem:s22+$0xFFFFFF90] =	vst v2;
	v2 =	vmul.f32 v11, v6  }
0x21b: {  	[tilespmem:s22+$0xFFFFFFA0] =	vst v1;
	v1 =	vmul.f32 v4, v6;
	v4 =	vld [tilespmem:s22+$0x10]  }
0x21c: {  	[tilespmem:s22+$0xFFFFFFB0] =	vst v2;
	v2 =	vmul.f32 v8, v6;
	v8 =	vld [tilespmem:s22+$0x20]  }
0x21d: {  	[tilespmem:s22+$0xFFFFFFC0] =	vst v1;
	v1 =	vmul.f32 v3, v6;
	v3 =	vld [tilespmem:s22+$0x30]  }
0x21e: {  	[tilespmem:s22+$0xFFFFFFD0] =	vst v2;
	v2 =	vmul.f32 v9, v6;
	v6 =	vld [tilespmem:s22+$0x40]  }
0x21f: {  	v9 =	vld [tilespmem:s22+$0x50];
	[tilespmem:s22+$0xFFFFFFE0] =	vst v1;
	v1 =	vmul.f32 v10, v7  }
0x220: {  	[tilespmem:s22+$0xFFFFFFF0] =	vst v2;
	v2 =	vmul.f32 v4, v7;
	v4 =	vld [tilespmem:s22+$0x60]  }
0x221: {  	[tilespmem:s22+$0x0] =	vst v1;
	v1 =	vmul.f32 v8, v7;
	v8 =	vld [tilespmem:s22+$0x80]  }
0x222: {  	[tilespmem:s22+$0x10] =	vst v2;
	v2 =	vmul.f32 v3, v7;
	v3 =	vld [tilespmem:s22+$0x90]  }
0x223: {  	[tilespmem:s22+$0x20] =	vst v1;
	v1 =	vmul.f32 v6, v7;
	v6 =	vld [tilespmem:s22+$0xA0]  }
0x224: {  	[tilespmem:s22+$0x30] =	vst v2;
	v2 =	vmul.f32 v9, v7;
	v9 =	vld [tilespmem:s22+$0xB0]  }
0x225: {  	[tilespmem:s22+$0x40] =	vst v1;
	v1 =	vmul.f32 v4, v7;
	v4 =	vld [tilespmem:s22+$0xC0]  }
0x226: {  	v7 =	vld [tilespmem:s22+$0xD0];
	[tilespmem:s22+$0x50] =	vst v2;
	v2 =	vmul.f32 v8, v5  }
0x227: {  	[tilespmem:s22+$0x60] =	vst v1;
	v1 =	vmul.f32 v3, v5;
	v3 =	vld [tilespmem:s22+$0xE0]  }
0x228: {  	[tilespmem:s22+$0x80] =	vst v2;
	v2 =	vmul.f32 v6, v5;
	v6 =	vld [tilespmem:s22+$0xF0]  }
0x229: {  	[tilespmem:s22+$0x90] =	vst v1;
	v1 =	vmul.f32 v9, v5  }
0x22a: {  	[tilespmem:s22+$0xA0] =	vst v2;
	v2 =	vmul.f32 v4, v5  }
0x22b: {  	[tilespmem:s22+$0xB0] =	vst v1;
	v1 =	vmul.f32 v7, v5  }
0x22c: {  	[tilespmem:s22+$0xC0] =	vst v2;
	v2 =	vmul.f32 v3, v5  }
0x22d: {  	[tilespmem:s22+$0xD0] =	vst v1;
	v1 =	vmul.f32 v6, v5  }
0x22e: {  	p3 =	seq.s32 s25, $0x1E;
	[tilespmem:s22+$0xE0] =	vst v2  }
0x22f: {  	s9 =	simm.s32 $0x18E80;
	s1 =	simm.s32 @p3 $0xA;
	s19 =	simm.s32 $0x13980;
	[tilespmem:s22+$0xF0] =	vst v1  }
0x230: {  	[spmem:s3] =	stream.indirect.scatter.add.f32 [tilespmem:s9], [sflag:$0xB], $0x80, s19, s29, $0xb8;
	[tilespmem:$0x1DE80] =	vst v63  }
0x231: {  	_ =	swait.ge @p3 [sflag:s1], $0x2800  }
0x232: {  	s9 =	rddreg [dreg:$0x15]  }
0x233: {  	[sflag:s1] =	ssyncset.done @p3 $0x0;
	s9 =	sadd.s32 @!p3 s28, s9  }
0x234: {  	[sflag:s1] =	ssyncadd.s32 @p3 $0xFFFFD800;
	s1 =	sshrl.u32 @!p3 s9, $0x3  }
0x235: {  	s18 =	simm.s32 @!p3 $0x0;
	s19 =	simm.s32 @!p3 $0x13900;
	s9 =	sadd.s32 @!p3 s7, s1  }
0x236: {  	[tilespmem:s19], [sflag:$0x2] =	stream.linear.gather @!p3 [hbm4b:s9+s18], $0x50, $0x38;
	[tilespmem:$0x1DE80] =	vst v63  }
0x237: {  	s9 =	sadd.s32 @!p3 s8, s1;
	s19 =	simm.s32 @!p3 $0x13B00  }
0x238: {  	[tilespmem:s19], [sflag:$0x2] =	stream.linear.gather @!p3 [hbm4b:s9+s18], $0x50, $0x38;
	[tilespmem:$0x1DE80] =	vst v63  }
0x239: {  	s1 =	sadd.s32 @!p3 s2, s1;
	s9 =	simm.s32 @!p3 $0x13D00  }
0x23a: {  	[tilespmem:s9], [sflag:$0x2] =	stream.linear.gather @!p3 [hbm4b:s1+s18], $0x50, $0x38;
	[tilespmem:$0x1DE80] =	vst v63  }
0x23b: {  	s1 =	simm.s32 @!p3 $0xA  }
0x23c: {  	_ =	swait.ge @!p3 [sflag:s1], $0x2800  }
0x23d: {  	[sflag:s1] =	ssyncset.done @!p3 $0x0  }
0x23e: {  	[sflag:s1] =	ssyncadd.s32 @!p3 $0xFFFFD800;
	s1 =	simm.s32 @!p3 $0x2  }
0x23f: {  	_ =	swait.ge @!p3 [sflag:s1], $0x50  }
0x240: {  	[sflag:s1] =	ssyncset.done @!p3 $0x0  }
0x241: {  	[sflag:s1] =	ssyncadd.s32 @!p3 $0xFFFFFFB0  }
0x242: {  	_ =	swait.ge @!p3 [sflag:s1], $0x50  }
0x243: {  	s22 =	simm.s32 $0x0;
	[sflag:s1] =	ssyncset.done @!p3 $0x0  }
0x244: {  	v1 =	vmov s22;
	s18 =	simm.s32 $0x2;
	[sflag:s1] =	ssyncadd.s32 @!p3 $0xFFFFFFB0  }
0x245: {  	v1 =	vand.u32 $0xFFFFFFFC, v1;
	v2 =	vmov s18;
	_ =	swait.ge @!p3 [sflag:s1], $0x50  }
0x246: {  	v1 =	vbroadcast v1, $0x0;
	v2 =	vand.u32 $0xFFFFFFFE, v2;
	[sflag:s1] =	ssyncset.done @!p3 $0x0  }
0x247: {  	s9 =	simm.s32 @!p3 $0x16680;
	v2 =	vbroadcast v2, $0x0;
	[sflag:s1] =	ssyncadd.s32 @!p3 $0xFFFFFFB0;
	s1 =	simm.s32 @!p3 $0x50  }
0x248: {  	[tilespmem:s9], [sflag:$0x6] =	stream.indirect.gather @!p3 [hbm4b:s10+s1], $0x80, s19, s1, $0xb8;
	[tilespmem:$0x1DE80] =	vst v63  }
0x249: {  	_ =	swait.ge [sflag:s21], $0x2800  }
0x24a: {  	[sflag:s21] =	ssyncset.done $0x0  }
0x24b: {  	[sflag:s21] =	ssyncadd.s32 $0xFFFFD800  }
0x24c: {  	v1 =	vld.idx.msk [tilespmem:v1+s11+$0x0], $0xffff  }
0x24d: {  	s18 =	simm.s32 $0x1B780;
	v2 =	vld.idx.msk [tilespmem:v2+s11+$0x0], $0xffff  }
0x24e: {  	s19 =	simm.s32 $0x1;
	v4 =	vld [tilespmem:s18+$0x70]  }
0x24f: {  	v3 =	vmov s19;
	v5 =	vld [tilespmem:s18+$0xFFFFFF00]  }
0x250: {  	v3 =	vand.u32 $0xFFFFFFFD, v3;
	v6 =	vld [tilespmem:s18+$0xFFFFFF10]  }
0x251: {  	v3 =	vbroadcast v3, $0x0;
	v7 =	vld [tilespmem:s18+$0xFFFFFF20]  }
0x252: {  	v8 =	vld [tilespmem:s18+$0xFFFFFF30]  }
0x253: {  	v9 =	vld [tilespmem:s18+$0xFFFFFF40]  }
0x254: {  	v10 =	vld [tilespmem:s18+$0xFFFFFF50]  }
0x255: {  	v11 =	vld [tilespmem:s18+$0xFFFFFF60];
	v5 =	vmul.f32 v5, v1  }
0x256: {  	v13 =	vld [tilespmem:s18+$0x40];
	v4 =	vmul.f32 v4, v2  }
0x257: {  	v3 =	vld.idx.msk [tilespmem:v3+s11+$0x0], $0xffff;
	[tilespmem:s18+$0xFFFFFF00] =	vst v5;
	v5 =	vmul.f32 v6, v1  }
0x258: {  	v6 =	vld [tilespmem:s18+$0xFFFFFF70];
	[tilespmem:s18+$0x70] =	vst v4;
	v4 =	vmul.f32 v7, v1  }
0x259: {  	v7 =	vld [tilespmem:s18+$0xFFFFFF80];
	[tilespmem:s18+$0xFFFFFF10] =	vst v5;
	v5 =	vmul.f32 v8, v1  }
0x25a: {  	v8 =	vld [tilespmem:s18+$0xFFFFFF90];
	[tilespmem:s18+$0xFFFFFF20] =	vst v4;
	v4 =	vmul.f32 v9, v1  }
0x25b: {  	v9 =	vld [tilespmem:s18+$0xFFFFFFA0];
	[tilespmem:s18+$0xFFFFFF30] =	vst v5;
	v5 =	vmul.f32 v10, v1  }
0x25c: {  	v10 =	vld [tilespmem:s18+$0xFFFFFFB0];
	[tilespmem:s18+$0xFFFFFF40] =	vst v4;
	v4 =	vmul.f32 v11, v1  }
0x25d: {  	v11 =	vld [tilespmem:s18+$0xFFFFFFC0];
	v6 =	vmul.f32 v6, v1;
	[tilespmem:s18+$0xFFFFFF50] =	vst v5  }
0x25e: {  	v5 =	vmul.f32 v7, v3;
	v7 =	vld [tilespmem:s18+$0xFFFFFFD0];
	[tilespmem:s18+$0xFFFFFF60] =	vst v4  }
0x25f: {  	s22 =	simm.s32 $0x3;
	v4 =	vld [tilespmem:s18+$0xFFFFFFE0];
	v8 =	vmul.f32 v8, v3;
	[tilespmem:s18+$0xFFFFFF70] =	vst v6  }
0x260: {  	v12 =	vmov s22;
	v6 =	vld [tilespmem:s18+$0xFFFFFFF0];
	[tilespmem:s18+$0xFFFFFF80] =	vst v5;
	v5 =	vmul.f32 v9, v3  }
0x261: {  	v9 =	vld [tilespmem:s18+$0x0];
	[tilespmem:s18+$0xFFFFFF90] =	vst v8;
	v8 =	vmul.f32 v10, v3  }
0x262: {  	v10 =	vld [tilespmem:s18+$0x10];
	[tilespmem:s18+$0xFFFFFFA0] =	vst v5;
	v5 =	vmul.f32 v11, v3  }
0x263: {  	[tilespmem:s18+$0xFFFFFFB0] =	vst v8;
	v7 =	vmul.f32 v7, v3;
	v8 =	vld [tilespmem:s18+$0x20]  }
0x264: {  	v11 =	vld [tilespmem:s18+$0x30];
	v4 =	vmul.f32 v4, v3;
	[tilespmem:s18+$0xFFFFFFC0] =	vst v5  }
0x265: {  	v1 =	vld.idx.msk [tilespmem:v12+s11+$0x0], $0xffff;
	v3 =	vmul.f32 v6, v3;
	[tilespmem:s18+$0xFFFFFFD0] =	vst v7  }
0x266: {  	[tilespmem:s18+$0xFFFFFFE0] =	vst v4;
	v5 =	vmul.f32 v9, v2;
	v4 =	vld [tilespmem:s18+$0x50]  }
0x267: {  	s9 =	simm.s32 $0x4;
	[tilespmem:s18+$0xFFFFFFF0] =	vst v3;
	v6 =	vmul.f32 v10, v2;
	v3 =	vld [tilespmem:s18+$0x60]  }
0x268: {  	s19 =	simm.s32 $0x7;
	v7 =	vmov s9;
	[tilespmem:s18+$0x0] =	vst v5;
	v9 =	vmul.f32 v8, v2;
	v8 =	vld [tilespmem:s18+$0x80]  }
0x269: {  	s22 =	simm.s32 $0x5;
	v12 =	vand.u32 $0xFFFFFFFC, v7;
	v7 =	vld [tilespmem:s18+$0x90];
	v5 =	vmov s19;
	v10 =	vmul.f32 v11, v2;
	[tilespmem:s18+$0x10] =	vst v6  }
0x26a: {  	s1 =	simm.s32 $0x6;
	v11 =	vmul.f32 v13, v2;
	s19 =	simm.s32 $0x1B780;
	v6 =	vbroadcast v12, $0x0;
	v12 =	vmov s22;
	s22 =	simm.s32 $0x8;
	[tilespmem:s18+$0x20] =	vst v9;
	v9 =	vld [tilespmem:s18+$0xA0]  }
.LBB2_26:
0x26b: {  	p4 =	slt.u32 s22, $0x4C;
	v12 =	vand.u32 $0xFFFFFFFD, v12;
	v13 =	vmov s1;
	[tilespmem:s18+$0x30] =	vst v10;
	v4 =	vmul.f32 v4, v2;
	v10 =	vld [tilespmem:s18+$0xB0]  }
0x26c: {  	v12 =	vbroadcast v12, $0x0;
	v13 =	vand.u32 $0xFFFFFFFE, v13;
	[tilespmem:s18+$0x40] =	vst v11;
	v2 =	vmul.f32 v3, v2;
	v3 =	vld [tilespmem:s18+$0xC0]  }
0x26d: {  	v11 =	vbroadcast v13, $0x0;
	[tilespmem:s18+$0x50] =	vst v4;
	v4 =	vmul.f32 v8, v1;
	v8 =	vld [tilespmem:s18+$0xD0]  }
0x26e: {  	[tilespmem:s18+$0x60] =	vst v2;
	v2 =	vmul.f32 v7, v1;
	v7 =	vld [tilespmem:s18+$0xE0]  }
0x26f: {  	[tilespmem:s18+$0x80] =	vst v4;
	v4 =	vmul.f32 v9, v1;
	v9 =	vld [tilespmem:s18+$0xF0]  }
0x270: {  	v5 =	vld.idx.msk [tilespmem:v5+s11+$0x0], $0xffff;
	[tilespmem:s18+$0x90] =	vst v2;
	v2 =	vmul.f32 v10, v1  }
0x271: {  	v6 =	vld.idx.msk [tilespmem:v6+s11+$0x0], $0xffff;
	[tilespmem:s18+$0xA0] =	vst v4;
	v3 =	vmul.f32 v3, v1  }
0x272: {  	v4 =	vld.idx.msk [tilespmem:v12+s11+$0x0], $0xffff;
	[tilespmem:s18+$0xB0] =	vst v2;
	v8 =	vmul.f32 v8, v1  }
0x273: {  	s18 =	sadd.s32 $0x200, s18;
	v2 =	vld.idx.msk [tilespmem:v11+s11+$0x0], $0xffff;
	[tilespmem:s19+$0xC0] =	vst v3;
	v3 =	vmul.f32 v7, v1  }
0x274: {  	v7 =	vld [tilespmem:s18+$0x70];
	[tilespmem:s19+$0xD0] =	vst v8;
	v9 =	vmul.f32 v9, v1  }
0x275: {  	v8 =	vld [tilespmem:s18+$0xFFFFFF00];
	[tilespmem:s19+$0xE0] =	vst v3  }
0x276: {  	v1 =	vmov v5;
	v3 =	vld [tilespmem:s18+$0xFFFFFF10];
	[tilespmem:s19+$0xF0] =	vst v9;
	s19 =	smov.u32 s18  }
0x277: {  	v5 =	vld [tilespmem:s18+$0xFFFFFF20]  }
0x278: {  	v9 =	vld [tilespmem:s18+$0xFFFFFF30]  }
0x279: {  	v10 =	vld [tilespmem:s18+$0xFFFFFF40];
	v7 =	vmul.f32 v7, v2  }
0x27a: {  	v8 =	vmul.f32 v8, v6;
	v11 =	vld [tilespmem:s18+$0xFFFFFF50]  }
0x27b: {  	v3 =	vmul.f32 v3, v6;
	v12 =	vld [tilespmem:s18+$0xFFFFFF60];
	[tilespmem:s18+$0x70] =	vst v7  }
0x27c: {  	[tilespmem:s18+$0xFFFFFF00] =	vst v8;
	v5 =	vmul.f32 v5, v6;
	v7 =	vld [tilespmem:s18+$0xFFFFFF70]  }
0x27d: {  	[tilespmem:s18+$0xFFFFFF10] =	vst v3;
	v3 =	vmul.f32 v9, v6;
	v8 =	vld [tilespmem:s18+$0xFFFFFF80]  }
0x27e: {  	[tilespmem:s18+$0xFFFFFF20] =	vst v5;
	v5 =	vmul.f32 v10, v6;
	v9 =	vld [tilespmem:s18+$0xFFFFFF90]  }
0x27f: {  	[tilespmem:s18+$0xFFFFFF30] =	vst v3;
	v3 =	vmul.f32 v11, v6;
	v10 =	vld [tilespmem:s18+$0xFFFFFFA0]  }
0x280: {  	[tilespmem:s18+$0xFFFFFF40] =	vst v5;
	v5 =	vmul.f32 v12, v6;
	v11 =	vld [tilespmem:s18+$0xFFFFFFB0]  }
0x281: {  	[tilespmem:s18+$0xFFFFFF50] =	vst v3;
	v3 =	vmul.f32 v7, v6;
	v6 =	vld [tilespmem:s18+$0xFFFFFFC0]  }
0x282: {  	[tilespmem:s18+$0xFFFFFF60] =	vst v5;
	v5 =	vmul.f32 v8, v4;
	v7 =	vld [tilespmem:s18+$0xFFFFFFD0]  }
0x283: {  	[tilespmem:s18+$0xFFFFFF70] =	vst v3;
	v3 =	vmul.f32 v9, v4;
	v8 =	vld [tilespmem:s18+$0xFFFFFFE0]  }
0x284: {  	[tilespmem:s18+$0xFFFFFF80] =	vst v5;
	v5 =	vmul.f32 v10, v4;
	v9 =	vld [tilespmem:s18+$0xFFFFFFF0]  }
0x285: {  	[tilespmem:s18+$0xFFFFFF90] =	vst v3;
	v3 =	vmul.f32 v11, v4;
	v10 =	vld [tilespmem:s18+$0x0]  }
0x286: {  	[tilespmem:s18+$0xFFFFFFA0] =	vst v5;
	v5 =	vmul.f32 v6, v4;
	v6 =	vld [tilespmem:s18+$0x10]  }
0x287: {  	[tilespmem:s18+$0xFFFFFFB0] =	vst v3;
	v3 =	vmul.f32 v7, v4;
	v7 =	vld [tilespmem:s18+$0x20]  }
0x288: {  	[tilespmem:s18+$0xFFFFFFC0] =	vst v5;
	v5 =	vmul.f32 v8, v4;
	v11 =	vld [tilespmem:s18+$0x30]  }
0x289: {  	[tilespmem:s18+$0xFFFFFFD0] =	vst v3;
	v3 =	vmul.f32 v9, v4;
	v9 =	vld [tilespmem:s18+$0x40]  }
.Ltmp7:
0x28a: {  	[tilespmem:s18+$0xFFFFFFE0] =	vst v5;
	v5 =	vmul.f32 v10, v2;
	v4 =	vld [tilespmem:s18+$0x50];
	(pc) =	sbr.rel @p4 .LBB2_26-.Ltmp7, $4  }
0x28b: {  	[tilespmem:s18+$0xFFFFFFF0] =	vst v3;
	v6 =	vmul.f32 v6, v2;
	v3 =	vld [tilespmem:s18+$0x60]  }
0x28c: {  	s1 =	sadd.s32 $0x3, s22;
	v10 =	vmov s22;
	[tilespmem:s18+$0x0] =	vst v5;
	v13 =	vmul.f32 v7, v2;
	v8 =	vld [tilespmem:s18+$0x80]  }
0x28d: {  	s9 =	sadd.s32 $0x1, s22;
	v12 =	vand.u32 $0xFFFFFFFC, v10;
	v5 =	vmov s1;
	[tilespmem:s18+$0x10] =	vst v6;
	v10 =	vmul.f32 v11, v2;
	v7 =	vld [tilespmem:s18+$0x90]  }
0x28e: {  	s1 =	sadd.s32 $0x2, s22;
	s22 =	sadd.s32 $0x4, s22;
	v6 =	vbroadcast v12, $0x0;
	v12 =	vmov s9;
	[tilespmem:s18+$0x20] =	vst v13;
	v11 =	vmul.f32 v9, v2;
	v9 =	vld [tilespmem:s18+$0xA0]  }
0x28f: {  	v13 =	vld [tilespmem:s18+$0xB0]  }
0x290: {  	v15 =	vld [tilespmem:s18+$0xC0]  }
0x291: {  	v16 =	vld [tilespmem:s18+$0xD0]  }
0x292: {  	v17 =	vld [tilespmem:s18+$0xE0]  }
0x293: {  	v29 =	vld [tilespmem:s18+$0xF0];
	[tilespmem:s18+$0x30] =	vst v10;
	v4 =	vmul.f32 v4, v2  }
0x294: {  	v5 =	vld.idx.msk [tilespmem:v5+s11+$0x0], $0xffff;
	[tilespmem:s18+$0x40] =	vst v11;
	v2 =	vmul.f32 v3, v2  }
0x295: {  	s22 =	sadd.s32 $0x200, s18;
	v3 =	vld.idx.msk [tilespmem:v6+s11+$0x0], $0xffff;
	v8 =	vmul.f32 v8, v1;
	[tilespmem:s18+$0x50] =	vst v4  }
0x296: {  	v14 =	vmov s1;
	v34 =	vld [tilespmem:s22+$0x70];
	v30 =	vmul.f32 v7, v1;
	[tilespmem:s18+$0x60] =	vst v2  }
0x297: {  	v14 =	vand.u32 $0xFFFFFFFE, v14;
	v35 =	vld [tilespmem:s22+$0xFFFFFF00];
	[tilespmem:s18+$0x80] =	vst v8;
	v2 =	vmul.f32 v9, v1  }
0x298: {  	v37 =	vld [tilespmem:s22+$0xFFFFFF10];
	v14 =	vbroadcast v14, $0x0;
	[tilespmem:s18+$0x90] =	vst v30;
	v33 =	vmul.f32 v13, v1  }
0x299: {  	v38 =	vld [tilespmem:s22+$0xFFFFFF20];
	[tilespmem:s18+$0xA0] =	vst v2;
	v2 =	vmul.f32 v15, v1  }
0x29a: {  	v12 =	vand.u32 $0xFFFFFFFD, v12;
	v39 =	vld [tilespmem:s22+$0xFFFFFF30];
	v36 =	vmul.f32 v16, v1;
	[tilespmem:s18+$0xB0] =	vst v33  }
0x29b: {  	v12 =	vbroadcast v12, $0x0;
	v41 =	vld [tilespmem:s22+$0xFFFFFF50];
	[tilespmem:s19+$0xC0] =	vst v2;
	v2 =	vmul.f32 v17, v1  }
0x29c: {  	v43 =	vld [tilespmem:s22+$0xFFFFFF60];
	[tilespmem:s19+$0xD0] =	vst v36;
	v1 =	vmul.f32 v29, v1  }
0x29d: {  	v42 =	vmul.f32 v37, v3;
	[tilespmem:s19+$0xE0] =	vst v2;
	v2 =	vld [tilespmem:s22+$0xFFFFFF40]  }
0x29e: {  	v32 =	vld.idx.msk [tilespmem:v14+s11+$0x0], $0xffff;
	[tilespmem:s19+$0xF0] =	vst v1;
	v1 =	vmul.f32 v35, v3  }
0x29f: {  	v44 =	vld [tilespmem:s22+$0xFFFFFF70];
	v4 =	vmul.f32 v39, v3;
	[tilespmem:s22+$0xFFFFFF10] =	vst v42  }
0x2a0: {  	v45 =	vld [tilespmem:s22+$0xFFFFFF80];
	[tilespmem:s22+$0xFFFFFF00] =	vst v1;
	v1 =	vmul.f32 v38, v3  }
0x2a1: {  	v46 =	vmul.f32 v41, v3;
	v31 =	vld.idx.msk [tilespmem:v12+s11+$0x0], $0xffff;
	[tilespmem:s22+$0xFFFFFF30] =	vst v4  }
0x2a2: {  	[tilespmem:s22+$0xFFFFFF20] =	vst v1;
	v1 =	vmul.f32 v2, v3;
	v2 =	vld [tilespmem:s22+$0xFFFFFF90]  }
0x2a3: {  	v47 =	vld [tilespmem:s22+$0xFFFFFFA0];
	[tilespmem:s22+$0xFFFFFF50] =	vst v46;
	v40 =	vmul.f32 v34, v32  }
0x2a4: {  	v48 =	vld [tilespmem:s22+$0xFFFFFFB0];
	[tilespmem:s22+$0xFFFFFF40] =	vst v1;
	v1 =	vmul.f32 v43, v3  }
0x2a5: {  	v49 =	vld [tilespmem:s22+$0xFFFFFFC0];
	[tilespmem:s22+$0x70] =	vst v40;
	v3 =	vmul.f32 v44, v3  }
0x2a6: {  	v50 =	vld [tilespmem:s22+$0xFFFFFFD0];
	[tilespmem:s22+$0xFFFFFF60] =	vst v1;
	v1 =	vmul.f32 v45, v31  }
0x2a7: {  	[tilespmem:s22+$0xFFFFFF70] =	vst v3;
	v3 =	vld [tilespmem:s22+$0xFFFFFFE0];
	v2 =	vmul.f32 v2, v31  }
0x2a8: {  	v51 =	vld [tilespmem:s22+$0xFFFFFFF0];
	[tilespmem:s22+$0xFFFFFF80] =	vst v1;
	v1 =	vmul.f32 v47, v31  }
0x2a9: {  	v52 =	vld [tilespmem:s22+$0x0];
	[tilespmem:s22+$0xFFFFFF90] =	vst v2;
	v2 =	vmul.f32 v48, v31  }
0x2aa: {  	v53 =	vld [tilespmem:s22+$0x10];
	[tilespmem:s22+$0xFFFFFFA0] =	vst v1;
	v1 =	vmul.f32 v49, v31  }
0x2ab: {  	v54 =	vld [tilespmem:s22+$0x20];
	[tilespmem:s22+$0xFFFFFFB0] =	vst v2;
	v2 =	vmul.f32 v50, v31  }
0x2ac: {  	[tilespmem:s22+$0xFFFFFFC0] =	vst v1;
	v1 =	vmul.f32 v3, v31;
	v3 =	vld [tilespmem:s22+$0x30]  }
0x2ad: {  	v55 =	vld [tilespmem:s22+$0x40];
	[tilespmem:s22+$0xFFFFFFD0] =	vst v2;
	v2 =	vmul.f32 v51, v31  }
0x2ae: {  	v56 =	vld [tilespmem:s22+$0x50];
	[tilespmem:s22+$0xFFFFFFE0] =	vst v1;
	v1 =	vmul.f32 v52, v32  }
0x2af: {  	v57 =	vld [tilespmem:s22+$0x60];
	[tilespmem:s22+$0xFFFFFFF0] =	vst v2;
	v2 =	vmul.f32 v53, v32  }
0x2b0: {  	v58 =	vld [tilespmem:s22+$0x80];
	[tilespmem:s22+$0x0] =	vst v1;
	v1 =	vmul.f32 v54, v32  }
0x2b1: {  	[tilespmem:s22+$0x10] =	vst v2;
	v2 =	vmul.f32 v3, v32;
	v3 =	vld [tilespmem:s22+$0x90]  }
0x2b2: {  	v59 =	vld [tilespmem:s22+$0xA0];
	[tilespmem:s22+$0x20] =	vst v1;
	v1 =	vmul.f32 v55, v32  }
0x2b3: {  	v60 =	vld [tilespmem:s22+$0xB0];
	[tilespmem:s22+$0x30] =	vst v2;
	v2 =	vmul.f32 v56, v32  }
0x2b4: {  	v61 =	vld [tilespmem:s22+$0xC0];
	[tilespmem:s22+$0x40] =	vst v1;
	v1 =	vmul.f32 v57, v32  }
0x2b5: {  	v62 =	vld [tilespmem:s22+$0xD0];
	[tilespmem:s22+$0x50] =	vst v2;
	v2 =	vmul.f32 v58, v5  }
0x2b6: {  	[tilespmem:s22+$0x60] =	vst v1;
	v1 =	vmul.f32 v3, v5;
	v3 =	vld [tilespmem:s22+$0xE0]  }
0x2b7: {  	v63 =	vld [tilespmem:s22+$0xF0];
	[tilespmem:s22+$0x80] =	vst v2;
	v2 =	vmul.f32 v59, v5  }
0x2b8: {  	[tilespmem:s22+$0x90] =	vst v1;
	v1 =	vmul.f32 v60, v5  }
0x2b9: {  	[tilespmem:s22+$0xA0] =	vst v2;
	v2 =	vmul.f32 v61, v5  }
0x2ba: {  	[tilespmem:s22+$0xB0] =	vst v1;
	v1 =	vmul.f32 v62, v5  }
.Ltmp8:
0x2bb: {  	[tilespmem:s22+$0xC0] =	vst v2;
	v2 =	vmul.f32 v3, v5;
	(pc) =	sbr.rel @p3 .LBB2_29-.Ltmp8, $4  }
0x2bc: {  	[tilespmem:s22+$0xD0] =	vst v1;
	v1 =	vmul.f32 v63, v5  }
0x2bd: {  	[tilespmem:s22+$0xE0] =	vst v2  }
0x2be: {  	[tilespmem:s22+$0xF0] =	vst v1;
	s22 =	simm.s32 $0x13A00  }
0x2bf: {  	[spmem:s3] =	stream.indirect.scatter.add.f32 [tilespmem:s12], [sflag:$0xC], $0x80, s22, s29, $0xb8;
	[tilespmem:$0x1DE80] =	vst v63  }
0x2c0: {  	s1 =	rddreg [dreg:$0x16]  }
0x2c1: {  	s1 =	sadd.s32 s28, s1  }
0x2c2: {  	s1 =	sshrl.u32 s1, $0x3  }
0x2c3: {  	s18 =	simm.s32 $0x13980;
	s9 =	sadd.s32 s7, s1  }
0x2c4: {  	[tilespmem:s18], [sflag:$0x3] =	stream.linear.gather [hbm4b:s9+s4], $0x50, $0x38;
	[tilespmem:$0x1DE80] =	vst v63  }
.Ltmp9:
0x2c5: {  	_ = 	snop;
	(pc) =	sbr.rel .LBB2_19-.Ltmp9, $4  }
0x2c6: {  	s28 =	simm.s32 $0x13B80;
	s22 =	sadd.s32 s8, s1  }
0x2c7: {  	[tilespmem:s28], [sflag:$0x3] =	stream.linear.gather [hbm4b:s22+s4], $0x50, $0x38;
	[tilespmem:$0x1DE80] =	vst v63  }
0x2c8: {  	s25 =	sadd.s32 $0x1, s25;
	s1 =	sadd.s32 s2, s1  }
0x2c9: {  	[tilespmem:s20], [sflag:$0x3] =	stream.linear.gather [hbm4b:s1+s4], $0x50, $0x38;
	[tilespmem:$0x1DE80] =	vst v63  }
.LBB2_2:
0x2ca: {  	p3 =	sne.s32 s19, $0x9E00;
	[tilespmem:s18+$0x13EF0] =	vst v0  }
0x2cb: {  	[tilespmem:s18+$0x13E80] =	vst v0  }
0x2cc: {  	[tilespmem:s18+$0x13E90] =	vst v0  }
.Ltmp10:
0x2cd: {  	[tilespmem:s18+$0x13EA0] =	vst v0;
	(pc) =	sbr.rel @p3 .LBB2_2-.Ltmp10, $4  }
0x2ce: {  	[tilespmem:s18+$0x13EB0] =	vst v0  }
0x2cf: {  	[tilespmem:s18+$0x13EC0] =	vst v0  }
0x2d0: {  	[tilespmem:s18+$0x13ED0] =	vst v0  }
0x2d1: {  	[tilespmem:s18+$0x13EE0] =	vst v0;
	s18 =	sshra.s32 s19, $0x2;
	s19 =	sadd.s32 $0x200, s19  }
0x2d2: {  	[tilespmem:s18+$0x13EF0] =	vst v0  }
0x2d3: {  	[tilespmem:s18+$0x13E80] =	vst v0  }
0x2d4: {  	[tilespmem:s18+$0x13E90] =	vst v0  }
0x2d5: {  	[tilespmem:s18+$0x13EA0] =	vst v0  }
0x2d6: {  	[tilespmem:s18+$0x13EB0] =	vst v0  }
0x2d7: {  	[tilespmem:s18+$0x13EC0] =	vst v0  }
0x2d8: {  	[tilespmem:s18+$0x13ED0] =	vst v0  }
0x2d9: {  	[tilespmem:s18+$0x13EE0] =	vst v0  }
0x2da: {  	[spmem:s22] =	stream.linear.scatter [tilespmem:s5], [sflag:$0xD], $0x2800, $0x38;
	[tilespmem:$0x1DE80] =	vst v63  }
0x2db: {  	_ =	swait.ge [sflag:s25], $0x2800  }
0x2dc: {  	[sflag:s25] =	ssyncset.done $0x0  }
0x2dd: {  	s1 =	rddreg [dreg:$0x18];
	[sflag:s25] =	ssyncadd.s32 $0xFFFFD800  }
0x2de: {  	[spmem:s1] =	stream.linear.scatter [tilespmem:s5], [sflag:$0xD], $0x2800, $0x38;
	[tilespmem:$0x1DE80] =	vst v63  }
0x2df: {  	_ =	swait.ge [sflag:s25], $0x2800  }
0x2e0: {  	[sflag:s25] =	ssyncset.done $0x0  }
0x2e1: {  	s22 =	rddreg [dreg:$0x19];
	[sflag:s25] =	ssyncadd.s32 $0xFFFFD800  }
0x2e2: {  	[spmem:s22] =	stream.linear.scatter [tilespmem:s5], [sflag:$0xD], $0x2800, $0x38;
	[tilespmem:$0x1DE80] =	vst v63  }
0x2e3: {  	_ =	swait.ge [sflag:s25], $0x2800  }
0x2e4: {  	[sflag:s25] =	ssyncset.done $0x0  }
0x2e5: {  	s9 =	rddreg [dreg:$0x1a];
	[sflag:s25] =	ssyncadd.s32 $0xFFFFD800  }
0x2e6: {  	[spmem:s9] =	stream.linear.scatter [tilespmem:s5], [sflag:$0xD], $0x2800, $0x38;
	[tilespmem:$0x1DE80] =	vst v63  }
0x2e7: {  	_ =	swait.ge [sflag:s25], $0x2800  }
0x2e8: {  	[sflag:s25] =	ssyncset.done $0x0  }
0x2e9: {  	s18 =	rddreg [dreg:$0x1b];
	[sflag:s25] =	ssyncadd.s32 $0xFFFFD800  }
0x2ea: {  	[spmem:s18] =	stream.linear.scatter [tilespmem:s5], [sflag:$0xD], $0x2800, $0x38;
	[tilespmem:$0x1DE80] =	vst v63  }
0x2eb: {  	_ =	swait.ge [sflag:s25], $0x2800  }
0x2ec: {  	[sflag:s25] =	ssyncset.done $0x0  }
0x2ed: {  	s19 =	rddreg [dreg:$0x1c];
	[sflag:s25] =	ssyncadd.s32 $0xFFFFD800  }
0x2ee: {  	[spmem:s19] =	stream.linear.scatter [tilespmem:s5], [sflag:$0xD], $0x2800, $0x38;
	[tilespmem:$0x1DE80] =	vst v63  }
0x2ef: {  	_ =	swait.ge [sflag:s25], $0x2800  }
0x2f0: {  	[sflag:s25] =	ssyncset.done $0x0  }
0x2f1: {  	s22 =	rddreg [dreg:$0x1d];
	[sflag:s25] =	ssyncadd.s32 $0xFFFFD800  }
0x2f2: {  	[spmem:s22] =	stream.linear.scatter [tilespmem:s5], [sflag:$0xD], $0x2800, $0x38;
	[tilespmem:$0x1DE80] =	vst v63  }
0x2f3: {  	_ =	swait.ge [sflag:s25], $0x2800  }
0x2f4: {  	[sflag:s25] =	ssyncset.done $0x0  }
0x2f5: {  	s9 =	rddreg [dreg:$0x1e];
	[sflag:s25] =	ssyncadd.s32 $0xFFFFD800  }
0x2f6: {  	[spmem:s9] =	stream.linear.scatter [tilespmem:s5], [sflag:$0xD], $0x2000, $0x38;
	[tilespmem:$0x1DE80] =	vst v63  }
0x2f7: {  	_ =	swait.ge [sflag:s25], $0x2000  }
0x2f8: {  	[sflag:s25] =	ssyncset.done $0x0  }
0x2f9: {  	s1 =	simm.s32 @!p1 $0x13E80;
	s9 =	rddreg [dreg:$0x1f];
	[sflag:s25] =	ssyncadd.s32 $0xFFFFE000  }
0x2fa: {  	[spmem:s9] =	stream.linear.scatter @!p1 [tilespmem:s1], [sflag:$0xD], $0x800, $0x38;
	[tilespmem:$0x1DE80] =	vst v63  }
0x2fb: {  	s1 =	simm.s32 @!p1 $0xD  }
0x2fc: {  	_ =	swait.ge @!p1 [sflag:s1], $0x800  }
0x2fd: {  	[sflag:s1] =	ssyncset.done @!p1 $0x0  }
0x2fe: {  	[sflag:s1] =	ssyncadd.s32 @!p1 $0xFFFFF800  }
0x2ff: {  	[bflag:$0x0] =	sbarrier.arrive $0xFFFF  }
0x300: {  	s19 =	simm.s32 $0x0;
	s18 =	rddreg [dreg:$0x8]  }
0x301: {  	[tilespmem:s13], [sflag:$0x1] =	stream.linear.gather [hbm4b:s18+s19], $0x50, $0x38;
	[tilespmem:$0x1DE80] =	vst v63  }
0x302: {  	s22 =	rddreg [dreg:$0x9]  }
0x303: {  	[tilespmem:s14], [sflag:$0x1] =	stream.linear.gather [hbm4b:s22+s19], $0x50, $0x38;
	[tilespmem:$0x1DE80] =	vst v63  }
0x304: {  	s25 =	rddreg [dreg:$0xa]  }
0x305: {  	[tilespmem:s15], [sflag:$0x1] =	stream.linear.gather [hbm4b:s25+s19], $0x50, $0x38;
	[tilespmem:$0x1DE80] =	vst v63  }
0x306: {  	s9 =	rddreg [dreg:$0xb];
	s18 =	simm.s32 $0x13900  }
0x307: {  	[tilespmem:s18], [sflag:$0x2] =	stream.linear.gather [hbm4b:s9+s19], $0x50, $0x38;
	[tilespmem:$0x1DE80] =	vst v63  }
0x308: {  	s22 =	rddreg [dreg:$0xc];
	s9 =	simm.s32 $0x13B00  }
0x309: {  	[tilespmem:s9], [sflag:$0x2] =	stream.linear.gather [hbm4b:s22+s19], $0x50, $0x38;
	[tilespmem:$0x1DE80] =	vst v63  }
0x30a: {  	s25 =	rddreg [dreg:$0xd]  }
0x30b: {  	[tilespmem:s17], [sflag:$0x2] =	stream.linear.gather [hbm4b:s25+s19], $0x50, $0x38;
	[tilespmem:$0x1DE80] =	vst v63  }
0x30c: {  	s18 =	rddreg [dreg:$0xe];
	s22 =	simm.s32 $0x13980  }
0x30d: {  	[tilespmem:s22], [sflag:$0x3] =	stream.linear.gather [hbm4b:s18+s19], $0x50, $0x38;
	[tilespmem:$0x1DE80] =	vst v63  }
0x30e: {  	s25 =	rddreg [dreg:$0xf]  }
0x30f: {  	[tilespmem:s28], [sflag:$0x3] =	stream.linear.gather [hbm4b:s25+s19], $0x50, $0x38;
	[tilespmem:$0x1DE80] =	vst v63  }
0x310: {  	s18 =	rddreg [dreg:$0x10]  }
0x311: {  	[tilespmem:s20], [sflag:$0x3] =	stream.linear.gather [hbm4b:s18+s19], $0x50, $0x38;
	[tilespmem:$0x1DE80] =	vst v63  }
0x312: {  	_ =	swait.ge [sflag:s24], $0x50  }
0x313: {  	[sflag:s24] =	ssyncset.done $0x0  }
0x314: {  	[sflag:s24] =	ssyncadd.s32 $0xFFFFFFB0  }
0x315: {  	_ =	swait.ge [sflag:s24], $0x50  }
0x316: {  	[sflag:s24] =	ssyncset.done $0x0  }
0x317: {  	[sflag:s24] =	ssyncadd.s32 $0xFFFFFFB0  }
0x318: {  	_ =	swait.ge [sflag:s24], $0x50  }
0x319: {  	[sflag:s24] =	ssyncset.done $0x0  }
0x31a: {  	s22 =	simm.s32 $0x2;
	[sflag:s24] =	ssyncadd.s32 $0xFFFFFFB0  }
0x31b: {  	[tilespmem:s5], [sflag:$0x5] =	stream.indirect.gather [hbm4b:s6+s29], $0x80, s14, s29, $0xb8;
	[tilespmem:$0x1DE80] =	vst v63  }
0x31c: {  	_ =	swait.ge [sflag:s22], $0x50  }
0x31d: {  	[sflag:s22] =	ssyncset.done $0x0  }
0x31e: {  	[sflag:s22] =	ssyncadd.s32 $0xFFFFFFB0  }
0x31f: {  	_ =	swait.ge [sflag:s22], $0x50  }
0x320: {  	[sflag:s22] =	ssyncset.done $0x0  }
0x321: {  	[sflag:s22] =	ssyncadd.s32 $0xFFFFFFB0  }
0x322: {  	_ =	swait.ge [sflag:s22], $0x50  }
0x323: {  	[sflag:s22] =	ssyncset.done $0x0  }
0x324: {  	s25 =	simm.s32 $0x16680;
	[sflag:s22] =	ssyncadd.s32 $0xFFFFFFB0  }
0x325: {  	[tilespmem:s25], [sflag:$0x6] =	stream.indirect.gather [hbm4b:s6+s29], $0x80, s9, s29, $0xb8;
	[tilespmem:$0x1DE80] =	vst v63  }
0x326: {  	s25 =	simm.s32 $0x0  }
.LBB2_4:
0x327: {  	p3 =	seq.s32 s25, $0x0  }
0x328: {  	s1 =	simm.s32 @!p3 $0xB  }
0x329: {  	_ =	swait.ge @!p3 [sflag:s1], $0x2800  }
0x32a: {  	[sflag:s1] =	ssyncset.done @!p3 $0x0  }
0x32b: {  	[sflag:s1] =	ssyncadd.s32 @!p3 $0xFFFFD800  }
0x32c: {  	_ =	swait.ge [sflag:s0], $0x50  }
0x32d: {  	[sflag:s0] =	ssyncset.done $0x0  }
0x32e: {  	[sflag:s0] =	ssyncadd.s32 $0xFFFFFFB0  }
0x32f: {  	_ =	swait.ge [sflag:s0], $0x50  }
0x330: {  	s18 =	simm.s32 $0x0;
	[sflag:s0] =	ssyncset.done $0x0  }
0x331: {  	s19 =	simm.s32 $0x2;
	v1 =	vmov s18;
	[sflag:s0] =	ssyncadd.s32 $0xFFFFFFB0  }
0x332: {  	v2 =	vmov s19;
	v1 =	vand.u32 $0xFFFFFFFC, v1;
	_ =	swait.ge [sflag:s0], $0x50  }
0x333: {  	v2 =	vand.u32 $0xFFFFFFFE, v2;
	v1 =	vbroadcast v1, $0x0;
	[sflag:s0] =	ssyncset.done $0x0  }
0x334: {  	s22 =	simm.s32 $0x18E80;
	v2 =	vbroadcast v2, $0x0;
	[sflag:s0] =	ssyncadd.s32 $0xFFFFFFB0  }
0x335: {  	[tilespmem:s22], [sflag:$0x7] =	stream.indirect.gather [hbm4b:s6+s29], $0x80, s28, s29, $0xb8;
	[tilespmem:$0x1DE80] =	vst v63  }
0x336: {  	_ =	swait.ge [sflag:s23], $0x2800  }
0x337: {  	[sflag:s23] =	ssyncset.done $0x0  }
0x338: {  	[sflag:s23] =	ssyncadd.s32 $0xFFFFD800  }
0x339: {  	v1 =	vld.idx.msk [tilespmem:v1+s15+$0x0], $0xffff  }
0x33a: {  	s9 =	simm.s32 $0x1;
	s28 =	simm.s32 $0x13F80;
	v2 =	vld.idx.msk [tilespmem:v2+s15+$0x0], $0xffff  }
0x33b: {  	v3 =	vmov s9;
	v4 =	vld [tilespmem:s28+$0x70]  }
0x33c: {  	v3 =	vand.u32 $0xFFFFFFFD, v3;
	v5 =	vld [tilespmem:s28+$0xFFFFFF00]  }
0x33d: {  	v3 =	vbroadcast v3, $0x0;
	v6 =	vld [tilespmem:s28+$0xFFFFFF10]  }
0x33e: {  	v7 =	vld [tilespmem:s28+$0xFFFFFF20]  }
0x33f: {  	v8 =	vld [tilespmem:s28+$0xFFFFFF30]  }
0x340: {  	v9 =	vld [tilespmem:s28+$0xFFFFFF40]  }
0x341: {  	v10 =	vld [tilespmem:s28+$0xFFFFFF50]  }
0x342: {  	v11 =	vld [tilespmem:s28+$0xFFFFFF60];
	v5 =	vmul.f32 v5, v1  }
0x343: {  	v3 =	vld.idx.msk [tilespmem:v3+s15+$0x0], $0xffff;
	v4 =	vmul.f32 v4, v2  }
0x344: {  	v13 =	vld [tilespmem:s28+$0x40];
	[tilespmem:s28+$0xFFFFFF00] =	vst v5;
	v5 =	vmul.f32 v6, v1  }
0x345: {  	v6 =	vld [tilespmem:s28+$0xFFFFFF70];
	[tilespmem:s28+$0x70] =	vst v4;
	v4 =	vmul.f32 v7, v1  }
0x346: {  	v7 =	vld [tilespmem:s28+$0xFFFFFF80];
	[tilespmem:s28+$0xFFFFFF10] =	vst v5;
	v5 =	vmul.f32 v8, v1  }
0x347: {  	v8 =	vld [tilespmem:s28+$0xFFFFFF90];
	[tilespmem:s28+$0xFFFFFF20] =	vst v4;
	v4 =	vmul.f32 v9, v1  }
0x348: {  	v9 =	vld [tilespmem:s28+$0xFFFFFFA0];
	[tilespmem:s28+$0xFFFFFF30] =	vst v5;
	v5 =	vmul.f32 v10, v1  }
0x349: {  	v10 =	vld [tilespmem:s28+$0xFFFFFFB0];
	[tilespmem:s28+$0xFFFFFF40] =	vst v4;
	v4 =	vmul.f32 v11, v1  }
0x34a: {  	v11 =	vld [tilespmem:s28+$0xFFFFFFC0];
	v6 =	vmul.f32 v6, v1;
	[tilespmem:s28+$0xFFFFFF50] =	vst v5  }
0x34b: {  	v5 =	vmul.f32 v7, v3;
	v7 =	vld [tilespmem:s28+$0xFFFFFFD0];
	[tilespmem:s28+$0xFFFFFF60] =	vst v4  }
0x34c: {  	s18 =	simm.s32 $0x3;
	v4 =	vld [tilespmem:s28+$0xFFFFFFE0];
	v8 =	vmul.f32 v8, v3;
	[tilespmem:s28+$0xFFFFFF70] =	vst v6  }
0x34d: {  	v12 =	vmov s18;
	v6 =	vld [tilespmem:s28+$0xFFFFFFF0];
	[tilespmem:s28+$0xFFFFFF80] =	vst v5;
	v5 =	vmul.f32 v9, v3  }
0x34e: {  	v9 =	vld [tilespmem:s28+$0x0];
	[tilespmem:s28+$0xFFFFFF90] =	vst v8;
	v8 =	vmul.f32 v10, v3  }
0x34f: {  	v10 =	vld [tilespmem:s28+$0x10];
	[tilespmem:s28+$0xFFFFFFA0] =	vst v5;
	v5 =	vmul.f32 v11, v3  }
0x350: {  	[tilespmem:s28+$0xFFFFFFB0] =	vst v8;
	v7 =	vmul.f32 v7, v3;
	v8 =	vld [tilespmem:s28+$0x20]  }
0x351: {  	v11 =	vld [tilespmem:s28+$0x30];
	v4 =	vmul.f32 v4, v3;
	[tilespmem:s28+$0xFFFFFFC0] =	vst v5  }
0x352: {  	v1 =	vld.idx.msk [tilespmem:v12+s15+$0x0], $0xffff;
	v3 =	vmul.f32 v6, v3;
	[tilespmem:s28+$0xFFFFFFD0] =	vst v7  }
0x353: {  	[tilespmem:s28+$0xFFFFFFE0] =	vst v4;
	v5 =	vmul.f32 v9, v2;
	v4 =	vld [tilespmem:s28+$0x50]  }
0x354: {  	s19 =	simm.s32 $0x4;
	[tilespmem:s28+$0xFFFFFFF0] =	vst v3;
	v6 =	vmul.f32 v10, v2;
	v3 =	vld [tilespmem:s28+$0x60]  }
0x355: {  	s22 =	simm.s32 $0x7;
	v7 =	vmov s19;
	[tilespmem:s28+$0x0] =	vst v5;
	v9 =	vmul.f32 v8, v2;
	v8 =	vld [tilespmem:s28+$0x80]  }
0x356: {  	s18 =	simm.s32 $0x5;
	v12 =	vand.u32 $0xFFFFFFFC, v7;
	v7 =	vld [tilespmem:s28+$0x90];
	v5 =	vmov s22;
	v10 =	vmul.f32 v11, v2;
	[tilespmem:s28+$0x10] =	vst v6  }
0x357: {  	s19 =	simm.s32 $0x8;
	s22 =	simm.s32 $0x6;
	v11 =	vmul.f32 v13, v2;
	v6 =	vbroadcast v12, $0x0;
	v12 =	vmov s18;
	s18 =	simm.s32 $0x13F80;
	[tilespmem:s28+$0x20] =	vst v9;
	v9 =	vld [tilespmem:s28+$0xA0]  }
.LBB2_5:
0x358: {  	p4 =	slt.u32 s19, $0x4C;
	v12 =	vand.u32 $0xFFFFFFFD, v12;
	v13 =	vmov s22;
	[tilespmem:s28+$0x30] =	vst v10;
	v4 =	vmul.f32 v4, v2;
	v10 =	vld [tilespmem:s28+$0xB0]  }
0x359: {  	v12 =	vbroadcast v12, $0x0;
	v13 =	vand.u32 $0xFFFFFFFE, v13;
	[tilespmem:s28+$0x40] =	vst v11;
	v2 =	vmul.f32 v3, v2;
	v3 =	vld [tilespmem:s28+$0xC0]  }
0x35a: {  	v11 =	vbroadcast v13, $0x0;
	[tilespmem:s28+$0x50] =	vst v4;
	v4 =	vmul.f32 v8, v1;
	v8 =	vld [tilespmem:s28+$0xD0]  }
0x35b: {  	[tilespmem:s28+$0x60] =	vst v2;
	v2 =	vmul.f32 v7, v1;
	v7 =	vld [tilespmem:s28+$0xE0]  }
0x35c: {  	[tilespmem:s28+$0x80] =	vst v4;
	v4 =	vmul.f32 v9, v1;
	v9 =	vld [tilespmem:s28+$0xF0]  }
0x35d: {  	v5 =	vld.idx.msk [tilespmem:v5+s15+$0x0], $0xffff;
	[tilespmem:s28+$0x90] =	vst v2;
	v2 =	vmul.f32 v10, v1  }
0x35e: {  	v6 =	vld.idx.msk [tilespmem:v6+s15+$0x0], $0xffff;
	[tilespmem:s28+$0xA0] =	vst v4;
	v3 =	vmul.f32 v3, v1  }
0x35f: {  	v4 =	vld.idx.msk [tilespmem:v12+s15+$0x0], $0xffff;
	[tilespmem:s28+$0xB0] =	vst v2;
	v8 =	vmul.f32 v8, v1  }
0x360: {  	s28 =	sadd.s32 $0x200, s28;
	v2 =	vld.idx.msk [tilespmem:v11+s15+$0x0], $0xffff;
	[tilespmem:s18+$0xC0] =	vst v3;
	v3 =	vmul.f32 v7, v1  }
0x361: {  	v7 =	vld [tilespmem:s28+$0x70];
	[tilespmem:s18+$0xD0] =	vst v8;
	v9 =	vmul.f32 v9, v1  }
0x362: {  	v8 =	vld [tilespmem:s28+$0xFFFFFF00];
	[tilespmem:s18+$0xE0] =	vst v3  }
0x363: {  	v1 =	vmov v5;
	v3 =	vld [tilespmem:s28+$0xFFFFFF10];
	[tilespmem:s18+$0xF0] =	vst v9;
	s18 =	smov.u32 s28  }
0x364: {  	v5 =	vld [tilespmem:s28+$0xFFFFFF20]  }
0x365: {  	v9 =	vld [tilespmem:s28+$0xFFFFFF30]  }
0x366: {  	v10 =	vld [tilespmem:s28+$0xFFFFFF40];
	v7 =	vmul.f32 v7, v2  }
0x367: {  	v8 =	vmul.f32 v8, v6;
	v11 =	vld [tilespmem:s28+$0xFFFFFF50]  }
0x368: {  	v3 =	vmul.f32 v3, v6;
	v12 =	vld [tilespmem:s28+$0xFFFFFF60];
	[tilespmem:s28+$0x70] =	vst v7  }
0x369: {  	[tilespmem:s28+$0xFFFFFF00] =	vst v8;
	v5 =	vmul.f32 v5, v6;
	v7 =	vld [tilespmem:s28+$0xFFFFFF70]  }
0x36a: {  	[tilespmem:s28+$0xFFFFFF10] =	vst v3;
	v3 =	vmul.f32 v9, v6;
	v8 =	vld [tilespmem:s28+$0xFFFFFF80]  }
0x36b: {  	[tilespmem:s28+$0xFFFFFF20] =	vst v5;
	v5 =	vmul.f32 v10, v6;
	v9 =	vld [tilespmem:s28+$0xFFFFFF90]  }
0x36c: {  	[tilespmem:s28+$0xFFFFFF30] =	vst v3;
	v3 =	vmul.f32 v11, v6;
	v10 =	vld [tilespmem:s28+$0xFFFFFFA0]  }
0x36d: {  	[tilespmem:s28+$0xFFFFFF40] =	vst v5;
	v5 =	vmul.f32 v12, v6;
	v11 =	vld [tilespmem:s28+$0xFFFFFFB0]  }
0x36e: {  	[tilespmem:s28+$0xFFFFFF50] =	vst v3;
	v3 =	vmul.f32 v7, v6;
	v6 =	vld [tilespmem:s28+$0xFFFFFFC0]  }
0x36f: {  	[tilespmem:s28+$0xFFFFFF60] =	vst v5;
	v5 =	vmul.f32 v8, v4;
	v7 =	vld [tilespmem:s28+$0xFFFFFFD0]  }
0x370: {  	[tilespmem:s28+$0xFFFFFF70] =	vst v3;
	v3 =	vmul.f32 v9, v4;
	v8 =	vld [tilespmem:s28+$0xFFFFFFE0]  }
0x371: {  	[tilespmem:s28+$0xFFFFFF80] =	vst v5;
	v5 =	vmul.f32 v10, v4;
	v9 =	vld [tilespmem:s28+$0xFFFFFFF0]  }
0x372: {  	[tilespmem:s28+$0xFFFFFF90] =	vst v3;
	v3 =	vmul.f32 v11, v4;
	v10 =	vld [tilespmem:s28+$0x0]  }
0x373: {  	[tilespmem:s28+$0xFFFFFFA0] =	vst v5;
	v5 =	vmul.f32 v6, v4;
	v6 =	vld [tilespmem:s28+$0x10]  }
0x374: {  	[tilespmem:s28+$0xFFFFFFB0] =	vst v3;
	v3 =	vmul.f32 v7, v4;
	v7 =	vld [tilespmem:s28+$0x20]  }
0x375: {  	[tilespmem:s28+$0xFFFFFFC0] =	vst v5;
	v5 =	vmul.f32 v8, v4;
	v11 =	vld [tilespmem:s28+$0x30]  }
0x376: {  	[tilespmem:s28+$0xFFFFFFD0] =	vst v3;
	v3 =	vmul.f32 v9, v4;
	v9 =	vld [tilespmem:s28+$0x40]  }
.Ltmp11:
0x377: {  	[tilespmem:s28+$0xFFFFFFE0] =	vst v5;
	v5 =	vmul.f32 v10, v2;
	v4 =	vld [tilespmem:s28+$0x50];
	(pc) =	sbr.rel @p4 .LBB2_5-.Ltmp11, $4  }
0x378: {  	[tilespmem:s28+$0xFFFFFFF0] =	vst v3;
	v6 =	vmul.f32 v6, v2;
	v3 =	vld [tilespmem:s28+$0x60]  }
0x379: {  	s1 =	sadd.s32 $0x3, s19;
	v10 =	vmov s19;
	[tilespmem:s28+$0x0] =	vst v5;
	v13 =	vmul.f32 v7, v2;
	v8 =	vld [tilespmem:s28+$0x80]  }
0x37a: {  	s22 =	sadd.s32 $0x1, s19;
	v12 =	vand.u32 $0xFFFFFFFC, v10;
	v5 =	vmov s1;
	[tilespmem:s28+$0x10] =	vst v6;
	v10 =	vmul.f32 v11, v2;
	v7 =	vld [tilespmem:s28+$0x90]  }
0x37b: {  	v6 =	vbroadcast v12, $0x0;
	v12 =	vmov s22;
	s22 =	sadd.s32 $0x2, s19;
	s19 =	sadd.s32 $0x4, s19;
	[tilespmem:s28+$0x20] =	vst v13;
	v11 =	vmul.f32 v9, v2;
	v9 =	vld [tilespmem:s28+$0xA0]  }
0x37c: {  	v13 =	vld [tilespmem:s28+$0xB0]  }
0x37d: {  	v15 =	vld [tilespmem:s28+$0xC0]  }
0x37e: {  	v14 =	vmov s22;
	v16 =	vld [tilespmem:s28+$0xD0]  }
0x37f: {  	v17 =	vld [tilespmem:s28+$0xE0];
	[tilespmem:s28+$0x30] =	vst v10;
	v4 =	vmul.f32 v4, v2;
	v14 =	vand.u32 $0xFFFFFFFE, v14  }
0x380: {  	v12 =	vand.u32 $0xFFFFFFFD, v12;
	v5 =	vld.idx.msk [tilespmem:v5+s15+$0x0], $0xffff;
	[tilespmem:s28+$0x40] =	vst v11;
	v2 =	vmul.f32 v3, v2;
	v14 =	vbroadcast v14, $0x0  }
0x381: {  	s19 =	sadd.s32 $0x200, s28;
	v12 =	vbroadcast v12, $0x0;
	v3 =	vld.idx.msk [tilespmem:v6+s15+$0x0], $0xffff;
	v8 =	vmul.f32 v8, v1;
	[tilespmem:s28+$0x50] =	vst v4  }
0x382: {  	v10 =	vld [tilespmem:s19+$0xFFFFFF00];
	v4 =	vmul.f32 v7, v1;
	[tilespmem:s28+$0x60] =	vst v2  }
0x383: {  	[tilespmem:s28+$0x80] =	vst v8;
	v8 =	vld [tilespmem:s28+$0xF0];
	v2 =	vmul.f32 v9, v1  }
0x384: {  	v11 =	vld [tilespmem:s19+$0xFFFFFF10];
	[tilespmem:s28+$0x90] =	vst v4;
	v4 =	vmul.f32 v13, v1  }
0x385: {  	v9 =	vld [tilespmem:s19+$0x70];
	[tilespmem:s28+$0xA0] =	vst v2;
	v2 =	vmul.f32 v15, v1  }
0x386: {  	[tilespmem:s28+$0xB0] =	vst v4;
	v4 =	vmul.f32 v16, v1;
	v7 =	vld.idx.msk [tilespmem:v14+s15+$0x0], $0xffff  }
0x387: {  	v6 =	vld.idx.msk [tilespmem:v12+s15+$0x0], $0xffff;
	[tilespmem:s18+$0xC0] =	vst v2;
	v2 =	vmul.f32 v17, v1  }
0x388: {  	v12 =	vld [tilespmem:s19+$0xFFFFFF20];
	[tilespmem:s18+$0xD0] =	vst v4;
	v1 =	vmul.f32 v8, v1  }
0x389: {  	v4 =	vld [tilespmem:s19+$0xFFFFFF30];
	[tilespmem:s18+$0xE0] =	vst v2  }
0x38a: {  	v2 =	vld [tilespmem:s19+$0xFFFFFF40];
	[tilespmem:s18+$0xF0] =	vst v1;
	v1 =	vmul.f32 v10, v3  }
0x38b: {  	v8 =	vmul.f32 v9, v7;
	v9 =	vld [tilespmem:s19+$0xFFFFFF50]  }
0x38c: {  	v10 =	vmul.f32 v11, v3;
	v11 =	vld [tilespmem:s19+$0xFFFFFF60];
	[tilespmem:s19+$0xFFFFFF00] =	vst v1  }
0x38d: {  	v1 =	vmul.f32 v12, v3;
	[tilespmem:s19+$0x70] =	vst v8;
	v8 =	vld [tilespmem:s19+$0xFFFFFF70]  }
0x38e: {  	[tilespmem:s19+$0xFFFFFF10] =	vst v10;
	v10 =	vld [tilespmem:s19+$0xFFFFFF80];
	v4 =	vmul.f32 v4, v3  }
0x38f: {  	[tilespmem:s19+$0xFFFFFF20] =	vst v1;
	v1 =	vmul.f32 v2, v3;
	v2 =	vld [tilespmem:s19+$0xFFFFFF90]  }
0x390: {  	[tilespmem:s19+$0xFFFFFF30] =	vst v4;
	v4 =	vmul.f32 v9, v3;
	v9 =	vld [tilespmem:s19+$0xFFFFFFA0]  }
0x391: {  	[tilespmem:s19+$0xFFFFFF40] =	vst v1;
	v1 =	vmul.f32 v11, v3;
	v11 =	vld [tilespmem:s19+$0xFFFFFFB0]  }
0x392: {  	[tilespmem:s19+$0xFFFFFF50] =	vst v4;
	v3 =	vmul.f32 v8, v3;
	v4 =	vld [tilespmem:s19+$0xFFFFFFC0]  }
0x393: {  	[tilespmem:s19+$0xFFFFFF60] =	vst v1;
	v1 =	vmul.f32 v10, v6;
	v8 =	vld [tilespmem:s19+$0xFFFFFFD0]  }
0x394: {  	v2 =	vmul.f32 v2, v6;
	[tilespmem:s19+$0xFFFFFF70] =	vst v3;
	v3 =	vld [tilespmem:s19+$0xFFFFFFE0]  }
0x395: {  	[tilespmem:s19+$0xFFFFFF80] =	vst v1;
	v1 =	vmul.f32 v9, v6;
	v9 =	vld [tilespmem:s19+$0xFFFFFFF0]  }
0x396: {  	v10 =	vld [tilespmem:s19+$0x0];
	[tilespmem:s19+$0xFFFFFF90] =	vst v2;
	v2 =	vmul.f32 v11, v6  }
0x397: {  	[tilespmem:s19+$0xFFFFFFA0] =	vst v1;
	v1 =	vmul.f32 v4, v6;
	v4 =	vld [tilespmem:s19+$0x10]  }
0x398: {  	[tilespmem:s19+$0xFFFFFFB0] =	vst v2;
	v2 =	vmul.f32 v8, v6;
	v8 =	vld [tilespmem:s19+$0x20]  }
0x399: {  	[tilespmem:s19+$0xFFFFFFC0] =	vst v1;
	v1 =	vmul.f32 v3, v6;
	v3 =	vld [tilespmem:s19+$0x30]  }
0x39a: {  	[tilespmem:s19+$0xFFFFFFD0] =	vst v2;
	v2 =	vmul.f32 v9, v6;
	v6 =	vld [tilespmem:s19+$0x40]  }
0x39b: {  	v9 =	vld [tilespmem:s19+$0x50];
	[tilespmem:s19+$0xFFFFFFE0] =	vst v1;
	v1 =	vmul.f32 v10, v7  }
0x39c: {  	[tilespmem:s19+$0xFFFFFFF0] =	vst v2;
	v2 =	vmul.f32 v4, v7;
	v4 =	vld [tilespmem:s19+$0x60]  }
0x39d: {  	[tilespmem:s19+$0x0] =	vst v1;
	v1 =	vmul.f32 v8, v7;
	v8 =	vld [tilespmem:s19+$0x80]  }
0x39e: {  	[tilespmem:s19+$0x10] =	vst v2;
	v2 =	vmul.f32 v3, v7;
	v3 =	vld [tilespmem:s19+$0x90]  }
0x39f: {  	[tilespmem:s19+$0x20] =	vst v1;
	v1 =	vmul.f32 v6, v7;
	v6 =	vld [tilespmem:s19+$0xA0]  }
0x3a0: {  	[tilespmem:s19+$0x30] =	vst v2;
	v2 =	vmul.f32 v9, v7;
	v9 =	vld [tilespmem:s19+$0xB0]  }
0x3a1: {  	[tilespmem:s19+$0x40] =	vst v1;
	v1 =	vmul.f32 v4, v7;
	v4 =	vld [tilespmem:s19+$0xC0]  }
0x3a2: {  	v7 =	vld [tilespmem:s19+$0xD0];
	[tilespmem:s19+$0x50] =	vst v2;
	v2 =	vmul.f32 v8, v5  }
0x3a3: {  	[tilespmem:s19+$0x60] =	vst v1;
	v1 =	vmul.f32 v3, v5;
	v3 =	vld [tilespmem:s19+$0xE0]  }
0x3a4: {  	[tilespmem:s19+$0x80] =	vst v2;
	v2 =	vmul.f32 v6, v5;
	v6 =	vld [tilespmem:s19+$0xF0]  }
0x3a5: {  	[tilespmem:s19+$0x90] =	vst v1;
	v1 =	vmul.f32 v9, v5  }
0x3a6: {  	[tilespmem:s19+$0xA0] =	vst v2;
	v2 =	vmul.f32 v4, v5  }
0x3a7: {  	[tilespmem:s19+$0xB0] =	vst v1;
	v1 =	vmul.f32 v7, v5  }
0x3a8: {  	[tilespmem:s19+$0xC0] =	vst v2;
	v2 =	vmul.f32 v3, v5  }
0x3a9: {  	[tilespmem:s19+$0xD0] =	vst v1;
	v1 =	vmul.f32 v6, v5  }
0x3aa: {  	[tilespmem:s19+$0xE0] =	vst v2  }
0x3ab: {  	s28 =	smul.u32 $0x140, s25;
	[tilespmem:s19+$0xF0] =	vst v1  }
0x3ac: {  	[spmem:s3] =	stream.indirect.scatter.add.f32 [tilespmem:s5], [sflag:$0x9], $0x80, s13, s29, $0xb8;
	[tilespmem:$0x1DE80] =	vst v63  }
0x3ad: {  	s1 =	rddreg [dreg:$0x17]  }
0x3ae: {  	s1 =	sadd.s32 s1, s28  }
0x3af: {  	s1 =	sshrl.u32 s1, $0x3  }
0x3b0: {  	s9 =	simm.s32 $0x13A00;
	s22 =	sadd.s32 s7, s1  }
0x3b1: {  	[tilespmem:s9], [sflag:$0x4] =	stream.linear.gather [hbm4b:s22+s4], $0x50, $0x38;
	[tilespmem:$0x1DE80] =	vst v63  }
0x3b2: {  	s19 =	simm.s32 $0x13C00;
	s9 =	sadd.s32 s8, s1  }
0x3b3: {  	[tilespmem:s19], [sflag:$0x4] =	stream.linear.gather [hbm4b:s9+s4], $0x50, $0x38;
	[tilespmem:$0x1DE80] =	vst v63  }
0x3b4: {  	s1 =	sadd.s32 s2, s1  }
0x3b5: {  	[tilespmem:s11], [sflag:$0x4] =	stream.linear.gather [hbm4b:s1+s4], $0x50, $0x38;
	[tilespmem:$0x1DE80] =	vst v63  }
0x3b6: {  	s1 =	simm.s32 @!p3 $0xC  }
0x3b7: {  	_ =	swait.ge @!p3 [sflag:s1], $0x2800  }
0x3b8: {  	[sflag:s1] =	ssyncset.done @!p3 $0x0  }
0x3b9: {  	[sflag:s1] =	ssyncadd.s32 @!p3 $0xFFFFD800  }
0x3ba: {  	_ =	swait.ge [sflag:s30], $0x50  }
0x3bb: {  	[sflag:s30] =	ssyncset.done $0x0  }
0x3bc: {  	[sflag:s30] =	ssyncadd.s32 $0xFFFFFFB0  }
0x3bd: {  	_ =	swait.ge [sflag:s30], $0x50  }
0x3be: {  	s22 =	simm.s32 $0x0;
	[sflag:s30] =	ssyncset.done $0x0  }
0x3bf: {  	s18 =	simm.s32 $0x2;
	v1 =	vmov s22;
	[sflag:s30] =	ssyncadd.s32 $0xFFFFFFB0  }
0x3c0: {  	v2 =	vmov s18;
	v1 =	vand.u32 $0xFFFFFFFC, v1;
	_ =	swait.ge [sflag:s30], $0x50  }
0x3c1: {  	v2 =	vand.u32 $0xFFFFFFFE, v2;
	v1 =	vbroadcast v1, $0x0;
	[sflag:s30] =	ssyncset.done $0x0  }
0x3c2: {  	v2 =	vbroadcast v2, $0x0;
	[sflag:s30] =	ssyncadd.s32 $0xFFFFFFB0  }
0x3c3: {  	[tilespmem:s12], [sflag:$0x8] =	stream.indirect.gather [hbm4b:s6+s29], $0x80, s19, s29, $0xb8;
	[tilespmem:$0x1DE80] =	vst v63  }
0x3c4: {  	_ =	swait.ge [sflag:s16], $0x2800  }
0x3c5: {  	[sflag:s16] =	ssyncset.done $0x0  }
0x3c6: {  	[sflag:s16] =	ssyncadd.s32 $0xFFFFD800  }
0x3c7: {  	v1 =	vld.idx.msk [tilespmem:v1+s17+$0x0], $0xffff  }
0x3c8: {  	s18 =	simm.s32 $0x16780;
	v2 =	vld.idx.msk [tilespmem:v2+s17+$0x0], $0xffff  }
0x3c9: {  	s19 =	simm.s32 $0x1;
	v4 =	vld [tilespmem:s18+$0x70]  }
0x3ca: {  	v3 =	vmov s19;
	v5 =	vld [tilespmem:s18+$0xFFFFFF00]  }
0x3cb: {  	v3 =	vand.u32 $0xFFFFFFFD, v3;
	v6 =	vld [tilespmem:s18+$0xFFFFFF10]  }
0x3cc: {  	v3 =	vbroadcast v3, $0x0;
	v7 =	vld [tilespmem:s18+$0xFFFFFF20]  }
0x3cd: {  	v8 =	vld [tilespmem:s18+$0xFFFFFF30]  }
0x3ce: {  	v9 =	vld [tilespmem:s18+$0xFFFFFF40]  }
0x3cf: {  	v10 =	vld [tilespmem:s18+$0xFFFFFF50]  }
0x3d0: {  	v11 =	vld [tilespmem:s18+$0xFFFFFF60];
	v5 =	vmul.f32 v5, v1  }
0x3d1: {  	v13 =	vld [tilespmem:s18+$0x40];
	v4 =	vmul.f32 v4, v2  }
0x3d2: {  	v3 =	vld.idx.msk [tilespmem:v3+s17+$0x0], $0xffff;
	[tilespmem:s18+$0xFFFFFF00] =	vst v5;
	v5 =	vmul.f32 v6, v1  }
0x3d3: {  	v6 =	vld [tilespmem:s18+$0xFFFFFF70];
	[tilespmem:s18+$0x70] =	vst v4;
	v4 =	vmul.f32 v7, v1  }
0x3d4: {  	v7 =	vld [tilespmem:s18+$0xFFFFFF80];
	[tilespmem:s18+$0xFFFFFF10] =	vst v5;
	v5 =	vmul.f32 v8, v1  }
0x3d5: {  	v8 =	vld [tilespmem:s18+$0xFFFFFF90];
	[tilespmem:s18+$0xFFFFFF20] =	vst v4;
	v4 =	vmul.f32 v9, v1  }
0x3d6: {  	v9 =	vld [tilespmem:s18+$0xFFFFFFA0];
	[tilespmem:s18+$0xFFFFFF30] =	vst v5;
	v5 =	vmul.f32 v10, v1  }
0x3d7: {  	v10 =	vld [tilespmem:s18+$0xFFFFFFB0];
	[tilespmem:s18+$0xFFFFFF40] =	vst v4;
	v4 =	vmul.f32 v11, v1  }
0x3d8: {  	v11 =	vld [tilespmem:s18+$0xFFFFFFC0];
	v6 =	vmul.f32 v6, v1;
	[tilespmem:s18+$0xFFFFFF50] =	vst v5  }
0x3d9: {  	v5 =	vmul.f32 v7, v3;
	v7 =	vld [tilespmem:s18+$0xFFFFFFD0];
	[tilespmem:s18+$0xFFFFFF60] =	vst v4  }
0x3da: {  	s22 =	simm.s32 $0x3;
	v4 =	vld [tilespmem:s18+$0xFFFFFFE0];
	v8 =	vmul.f32 v8, v3;
	[tilespmem:s18+$0xFFFFFF70] =	vst v6  }
0x3db: {  	v12 =	vmov s22;
	v6 =	vld [tilespmem:s18+$0xFFFFFFF0];
	[tilespmem:s18+$0xFFFFFF80] =	vst v5;
	v5 =	vmul.f32 v9, v3  }
0x3dc: {  	v9 =	vld [tilespmem:s18+$0x0];
	[tilespmem:s18+$0xFFFFFF90] =	vst v8;
	v8 =	vmul.f32 v10, v3  }
0x3dd: {  	v10 =	vld [tilespmem:s18+$0x10];
	[tilespmem:s18+$0xFFFFFFA0] =	vst v5;
	v5 =	vmul.f32 v11, v3  }
0x3de: {  	[tilespmem:s18+$0xFFFFFFB0] =	vst v8;
	v7 =	vmul.f32 v7, v3;
	v8 =	vld [tilespmem:s18+$0x20]  }
0x3df: {  	v11 =	vld [tilespmem:s18+$0x30];
	v4 =	vmul.f32 v4, v3;
	[tilespmem:s18+$0xFFFFFFC0] =	vst v5  }
0x3e0: {  	v1 =	vld.idx.msk [tilespmem:v12+s17+$0x0], $0xffff;
	v3 =	vmul.f32 v6, v3;
	[tilespmem:s18+$0xFFFFFFD0] =	vst v7  }
0x3e1: {  	[tilespmem:s18+$0xFFFFFFE0] =	vst v4;
	v5 =	vmul.f32 v9, v2;
	v4 =	vld [tilespmem:s18+$0x50]  }
0x3e2: {  	s9 =	simm.s32 $0x4;
	[tilespmem:s18+$0xFFFFFFF0] =	vst v3;
	v6 =	vmul.f32 v10, v2;
	v3 =	vld [tilespmem:s18+$0x60]  }
0x3e3: {  	s19 =	simm.s32 $0x7;
	v7 =	vmov s9;
	[tilespmem:s18+$0x0] =	vst v5;
	v9 =	vmul.f32 v8, v2;
	v8 =	vld [tilespmem:s18+$0x80]  }
0x3e4: {  	s22 =	simm.s32 $0x5;
	v12 =	vand.u32 $0xFFFFFFFC, v7;
	v7 =	vld [tilespmem:s18+$0x90];
	v5 =	vmov s19;
	v10 =	vmul.f32 v11, v2;
	[tilespmem:s18+$0x10] =	vst v6  }
0x3e5: {  	s1 =	simm.s32 $0x6;
	v11 =	vmul.f32 v13, v2;
	s19 =	simm.s32 $0x16780;
	v6 =	vbroadcast v12, $0x0;
	v12 =	vmov s22;
	s22 =	simm.s32 $0x8;
	[tilespmem:s18+$0x20] =	vst v9;
	v9 =	vld [tilespmem:s18+$0xA0]  }
.LBB2_7:
0x3e6: {  	p3 =	slt.u32 s22, $0x4C;
	v12 =	vand.u32 $0xFFFFFFFD, v12;
	v13 =	vmov s1;
	[tilespmem:s18+$0x30] =	vst v10;
	v4 =	vmul.f32 v4, v2;
	v10 =	vld [tilespmem:s18+$0xB0]  }
0x3e7: {  	v12 =	vbroadcast v12, $0x0;
	v13 =	vand.u32 $0xFFFFFFFE, v13;
	[tilespmem:s18+$0x40] =	vst v11;
	v2 =	vmul.f32 v3, v2;
	v3 =	vld [tilespmem:s18+$0xC0]  }
0x3e8: {  	v11 =	vbroadcast v13, $0x0;
	[tilespmem:s18+$0x50] =	vst v4;
	v4 =	vmul.f32 v8, v1;
	v8 =	vld [tilespmem:s18+$0xD0]  }
0x3e9: {  	[tilespmem:s18+$0x60] =	vst v2;
	v2 =	vmul.f32 v7, v1;
	v7 =	vld [tilespmem:s18+$0xE0]  }
0x3ea: {  	[tilespmem:s18+$0x80] =	vst v4;
	v4 =	vmul.f32 v9, v1;
	v9 =	vld [tilespmem:s18+$0xF0]  }
0x3eb: {  	v5 =	vld.idx.msk [tilespmem:v5+s17+$0x0], $0xffff;
	[tilespmem:s18+$0x90] =	vst v2;
	v2 =	vmul.f32 v10, v1  }
0x3ec: {  	v6 =	vld.idx.msk [tilespmem:v6+s17+$0x0], $0xffff;
	[tilespmem:s18+$0xA0] =	vst v4;
	v3 =	vmul.f32 v3, v1  }
0x3ed: {  	v4 =	vld.idx.msk [tilespmem:v12+s17+$0x0], $0xffff;
	[tilespmem:s18+$0xB0] =	vst v2;
	v8 =	vmul.f32 v8, v1  }
0x3ee: {  	s18 =	sadd.s32 $0x200, s18;
	v2 =	vld.idx.msk [tilespmem:v11+s17+$0x0], $0xffff;
	[tilespmem:s19+$0xC0] =	vst v3;
	v3 =	vmul.f32 v7, v1  }
0x3ef: {  	v7 =	vld [tilespmem:s18+$0x70];
	[tilespmem:s19+$0xD0] =	vst v8;
	v9 =	vmul.f32 v9, v1  }
0x3f0: {  	v8 =	vld [tilespmem:s18+$0xFFFFFF00];
	[tilespmem:s19+$0xE0] =	vst v3  }
0x3f1: {  	v1 =	vmov v5;
	v3 =	vld [tilespmem:s18+$0xFFFFFF10];
	[tilespmem:s19+$0xF0] =	vst v9;
	s19 =	smov.u32 s18  }
0x3f2: {  	v5 =	vld [tilespmem:s18+$0xFFFFFF20]  }
0x3f3: {  	v9 =	vld [tilespmem:s18+$0xFFFFFF30]  }
0x3f4: {  	v10 =	vld [tilespmem:s18+$0xFFFFFF40];
	v7 =	vmul.f32 v7, v2  }
0x3f5: {  	v8 =	vmul.f32 v8, v6;
	v11 =	vld [tilespmem:s18+$0xFFFFFF50]  }
0x3f6: {  	v3 =	vmul.f32 v3, v6;
	v12 =	vld [tilespmem:s18+$0xFFFFFF60];
	[tilespmem:s18+$0x70] =	vst v7  }
0x3f7: {  	[tilespmem:s18+$0xFFFFFF00] =	vst v8;
	v5 =	vmul.f32 v5, v6;
	v7 =	vld [tilespmem:s18+$0xFFFFFF70]  }
0x3f8: {  	[tilespmem:s18+$0xFFFFFF10] =	vst v3;
	v3 =	vmul.f32 v9, v6;
	v8 =	vld [tilespmem:s18+$0xFFFFFF80]  }
0x3f9: {  	[tilespmem:s18+$0xFFFFFF20] =	vst v5;
	v5 =	vmul.f32 v10, v6;
	v9 =	vld [tilespmem:s18+$0xFFFFFF90]  }
0x3fa: {  	[tilespmem:s18+$0xFFFFFF30] =	vst v3;
	v3 =	vmul.f32 v11, v6;
	v10 =	vld [tilespmem:s18+$0xFFFFFFA0]  }
0x3fb: {  	[tilespmem:s18+$0xFFFFFF40] =	vst v5;
	v5 =	vmul.f32 v12, v6;
	v11 =	vld [tilespmem:s18+$0xFFFFFFB0]  }
0x3fc: {  	[tilespmem:s18+$0xFFFFFF50] =	vst v3;
	v3 =	vmul.f32 v7, v6;
	v6 =	vld [tilespmem:s18+$0xFFFFFFC0]  }
0x3fd: {  	[tilespmem:s18+$0xFFFFFF60] =	vst v5;
	v5 =	vmul.f32 v8, v4;
	v7 =	vld [tilespmem:s18+$0xFFFFFFD0]  }
0x3fe: {  	[tilespmem:s18+$0xFFFFFF70] =	vst v3;
	v3 =	vmul.f32 v9, v4;
	v8 =	vld [tilespmem:s18+$0xFFFFFFE0]  }
0x3ff: {  	[tilespmem:s18+$0xFFFFFF80] =	vst v5;
	v5 =	vmul.f32 v10, v4;
	v9 =	vld [tilespmem:s18+$0xFFFFFFF0]  }
0x400: {  	[tilespmem:s18+$0xFFFFFF90] =	vst v3;
	v3 =	vmul.f32 v11, v4;
	v10 =	vld [tilespmem:s18+$0x0]  }
0x401: {  	[tilespmem:s18+$0xFFFFFFA0] =	vst v5;
	v5 =	vmul.f32 v6, v4;
	v6 =	vld [tilespmem:s18+$0x10]  }
0x402: {  	[tilespmem:s18+$0xFFFFFFB0] =	vst v3;
	v3 =	vmul.f32 v7, v4;
	v7 =	vld [tilespmem:s18+$0x20]  }
0x403: {  	[tilespmem:s18+$0xFFFFFFC0] =	vst v5;
	v5 =	vmul.f32 v8, v4;
	v11 =	vld [tilespmem:s18+$0x30]  }
0x404: {  	[tilespmem:s18+$0xFFFFFFD0] =	vst v3;
	v3 =	vmul.f32 v9, v4;
	v9 =	vld [tilespmem:s18+$0x40]  }
.Ltmp12:
0x405: {  	[tilespmem:s18+$0xFFFFFFE0] =	vst v5;
	v5 =	vmul.f32 v10, v2;
	v4 =	vld [tilespmem:s18+$0x50];
	(pc) =	sbr.rel @p3 .LBB2_7-.Ltmp12, $4  }
0x406: {  	[tilespmem:s18+$0xFFFFFFF0] =	vst v3;
	v6 =	vmul.f32 v6, v2;
	v3 =	vld [tilespmem:s18+$0x60]  }
0x407: {  	s1 =	sadd.s32 $0x3, s22;
	v10 =	vmov s22;
	[tilespmem:s18+$0x0] =	vst v5;
	v13 =	vmul.f32 v7, v2;
	v8 =	vld [tilespmem:s18+$0x80]  }
0x408: {  	s9 =	sadd.s32 $0x1, s22;
	v12 =	vand.u32 $0xFFFFFFFC, v10;
	v5 =	vmov s1;
	[tilespmem:s18+$0x10] =	vst v6;
	v10 =	vmul.f32 v11, v2;
	v7 =	vld [tilespmem:s18+$0x90]  }
0x409: {  	s1 =	sadd.s32 $0x2, s22;
	s22 =	sadd.s32 $0x4, s22;
	v6 =	vbroadcast v12, $0x0;
	v12 =	vmov s9;
	[tilespmem:s18+$0x20] =	vst v13;
	v11 =	vmul.f32 v9, v2;
	v9 =	vld [tilespmem:s18+$0xA0]  }
0x40a: {  	v13 =	vld [tilespmem:s18+$0xB0]  }
0x40b: {  	v15 =	vld [tilespmem:s18+$0xC0]  }
0x40c: {  	v14 =	vmov s1;
	v16 =	vld [tilespmem:s18+$0xD0]  }
0x40d: {  	v17 =	vld [tilespmem:s18+$0xE0];
	[tilespmem:s18+$0x30] =	vst v10;
	v4 =	vmul.f32 v4, v2;
	v14 =	vand.u32 $0xFFFFFFFE, v14  }
0x40e: {  	v12 =	vand.u32 $0xFFFFFFFD, v12;
	v5 =	vld.idx.msk [tilespmem:v5+s17+$0x0], $0xffff;
	[tilespmem:s18+$0x40] =	vst v11;
	v2 =	vmul.f32 v3, v2;
	v14 =	vbroadcast v14, $0x0  }
0x40f: {  	s22 =	sadd.s32 $0x200, s18;
	v12 =	vbroadcast v12, $0x0;
	v3 =	vld.idx.msk [tilespmem:v6+s17+$0x0], $0xffff;
	v8 =	vmul.f32 v8, v1;
	[tilespmem:s18+$0x50] =	vst v4  }
0x410: {  	v10 =	vld [tilespmem:s22+$0xFFFFFF00];
	v4 =	vmul.f32 v7, v1;
	[tilespmem:s18+$0x60] =	vst v2  }
0x411: {  	[tilespmem:s18+$0x80] =	vst v8;
	v8 =	vld [tilespmem:s18+$0xF0];
	v2 =	vmul.f32 v9, v1  }
0x412: {  	v11 =	vld [tilespmem:s22+$0xFFFFFF10];
	[tilespmem:s18+$0x90] =	vst v4;
	v4 =	vmul.f32 v13, v1  }
0x413: {  	v9 =	vld [tilespmem:s22+$0x70];
	[tilespmem:s18+$0xA0] =	vst v2;
	v2 =	vmul.f32 v15, v1  }
0x414: {  	[tilespmem:s18+$0xB0] =	vst v4;
	v4 =	vmul.f32 v16, v1;
	v7 =	vld.idx.msk [tilespmem:v14+s17+$0x0], $0xffff  }
0x415: {  	v6 =	vld.idx.msk [tilespmem:v12+s17+$0x0], $0xffff;
	[tilespmem:s19+$0xC0] =	vst v2;
	v2 =	vmul.f32 v17, v1  }
0x416: {  	v12 =	vld [tilespmem:s22+$0xFFFFFF20];
	[tilespmem:s19+$0xD0] =	vst v4;
	v1 =	vmul.f32 v8, v1  }
0x417: {  	v4 =	vld [tilespmem:s22+$0xFFFFFF30];
	[tilespmem:s19+$0xE0] =	vst v2  }
0x418: {  	v2 =	vld [tilespmem:s22+$0xFFFFFF40];
	[tilespmem:s19+$0xF0] =	vst v1;
	v1 =	vmul.f32 v10, v3  }
0x419: {  	v8 =	vmul.f32 v9, v7;
	v9 =	vld [tilespmem:s22+$0xFFFFFF50]  }
0x41a: {  	v10 =	vmul.f32 v11, v3;
	v11 =	vld [tilespmem:s22+$0xFFFFFF60];
	[tilespmem:s22+$0xFFFFFF00] =	vst v1  }
0x41b: {  	v1 =	vmul.f32 v12, v3;
	[tilespmem:s22+$0x70] =	vst v8;
	v8 =	vld [tilespmem:s22+$0xFFFFFF70]  }
0x41c: {  	[tilespmem:s22+$0xFFFFFF10] =	vst v10;
	v10 =	vld [tilespmem:s22+$0xFFFFFF80];
	v4 =	vmul.f32 v4, v3  }
0x41d: {  	[tilespmem:s22+$0xFFFFFF20] =	vst v1;
	v1 =	vmul.f32 v2, v3;
	v2 =	vld [tilespmem:s22+$0xFFFFFF90]  }
0x41e: {  	[tilespmem:s22+$0xFFFFFF30] =	vst v4;
	v4 =	vmul.f32 v9, v3;
	v9 =	vld [tilespmem:s22+$0xFFFFFFA0]  }
0x41f: {  	[tilespmem:s22+$0xFFFFFF40] =	vst v1;
	v1 =	vmul.f32 v11, v3;
	v11 =	vld [tilespmem:s22+$0xFFFFFFB0]  }
0x420: {  	[tilespmem:s22+$0xFFFFFF50] =	vst v4;
	v3 =	vmul.f32 v8, v3;
	v4 =	vld [tilespmem:s22+$0xFFFFFFC0]  }
0x421: {  	[tilespmem:s22+$0xFFFFFF60] =	vst v1;
	v1 =	vmul.f32 v10, v6;
	v8 =	vld [tilespmem:s22+$0xFFFFFFD0]  }
0x422: {  	v2 =	vmul.f32 v2, v6;
	[tilespmem:s22+$0xFFFFFF70] =	vst v3;
	v3 =	vld [tilespmem:s22+$0xFFFFFFE0]  }
0x423: {  	[tilespmem:s22+$0xFFFFFF80] =	vst v1;
	v1 =	vmul.f32 v9, v6;
	v9 =	vld [tilespmem:s22+$0xFFFFFFF0]  }
0x424: {  	v10 =	vld [tilespmem:s22+$0x0];
	[tilespmem:s22+$0xFFFFFF90] =	vst v2;
	v2 =	vmul.f32 v11, v6  }
0x425: {  	[tilespmem:s22+$0xFFFFFFA0] =	vst v1;
	v1 =	vmul.f32 v4, v6;
	v4 =	vld [tilespmem:s22+$0x10]  }
0x426: {  	[tilespmem:s22+$0xFFFFFFB0] =	vst v2;
	v2 =	vmul.f32 v8, v6;
	v8 =	vld [tilespmem:s22+$0x20]  }
0x427: {  	[tilespmem:s22+$0xFFFFFFC0] =	vst v1;
	v1 =	vmul.f32 v3, v6;
	v3 =	vld [tilespmem:s22+$0x30]  }
0x428: {  	[tilespmem:s22+$0xFFFFFFD0] =	vst v2;
	v2 =	vmul.f32 v9, v6;
	v6 =	vld [tilespmem:s22+$0x40]  }
0x429: {  	v9 =	vld [tilespmem:s22+$0x50];
	[tilespmem:s22+$0xFFFFFFE0] =	vst v1;
	v1 =	vmul.f32 v10, v7  }
0x42a: {  	[tilespmem:s22+$0xFFFFFFF0] =	vst v2;
	v2 =	vmul.f32 v4, v7;
	v4 =	vld [tilespmem:s22+$0x60]  }
0x42b: {  	[tilespmem:s22+$0x0] =	vst v1;
	v1 =	vmul.f32 v8, v7;
	v8 =	vld [tilespmem:s22+$0x80]  }
0x42c: {  	[tilespmem:s22+$0x10] =	vst v2;
	v2 =	vmul.f32 v3, v7;
	v3 =	vld [tilespmem:s22+$0x90]  }
0x42d: {  	[tilespmem:s22+$0x20] =	vst v1;
	v1 =	vmul.f32 v6, v7;
	v6 =	vld [tilespmem:s22+$0xA0]  }
0x42e: {  	[tilespmem:s22+$0x30] =	vst v2;
	v2 =	vmul.f32 v9, v7;
	v9 =	vld [tilespmem:s22+$0xB0]  }
0x42f: {  	[tilespmem:s22+$0x40] =	vst v1;
	v1 =	vmul.f32 v4, v7;
	v4 =	vld [tilespmem:s22+$0xC0]  }
0x430: {  	v7 =	vld [tilespmem:s22+$0xD0];
	[tilespmem:s22+$0x50] =	vst v2;
	v2 =	vmul.f32 v8, v5  }
0x431: {  	[tilespmem:s22+$0x60] =	vst v1;
	v1 =	vmul.f32 v3, v5;
	v3 =	vld [tilespmem:s22+$0xE0]  }
0x432: {  	[tilespmem:s22+$0x80] =	vst v2;
	v2 =	vmul.f32 v6, v5;
	v6 =	vld [tilespmem:s22+$0xF0]  }
0x433: {  	[tilespmem:s22+$0x90] =	vst v1;
	v1 =	vmul.f32 v9, v5  }
0x434: {  	[tilespmem:s22+$0xA0] =	vst v2;
	v2 =	vmul.f32 v4, v5  }
0x435: {  	[tilespmem:s22+$0xB0] =	vst v1;
	v1 =	vmul.f32 v7, v5  }
0x436: {  	[tilespmem:s22+$0xC0] =	vst v2;
	v2 =	vmul.f32 v3, v5  }
0x437: {  	[tilespmem:s22+$0xD0] =	vst v1;
	v1 =	vmul.f32 v6, v5  }
0x438: {  	[tilespmem:s22+$0xE0] =	vst v2  }
0x439: {  	s9 =	simm.s32 $0x16680;
	[tilespmem:s22+$0xF0] =	vst v1;
	s22 =	simm.s32 $0x13900  }
0x43a: {  	[spmem:s3] =	stream.indirect.scatter.add.f32 [tilespmem:s9], [sflag:$0xA], $0x80, s22, s29, $0xb8;
	[tilespmem:$0x1DE80] =	vst v63  }
0x43b: {  	s9 =	rddreg [dreg:$0x11]  }
0x43c: {  	s1 =	sadd.s32 s28, s9  }
0x43d: {  	s1 =	sshrl.u32 s1, $0x3  }
0x43e: {  	s19 =	simm.s32 $0x0;
	s18 =	sadd.s32 s7, s1  }
0x43f: {  	[tilespmem:s13], [sflag:$0x1] =	stream.linear.gather [hbm4b:s18+s19], $0x50, $0x38;
	[tilespmem:$0x1DE80] =	vst v63  }
0x440: {  	s22 =	sadd.s32 s8, s1  }
0x441: {  	[tilespmem:s14], [sflag:$0x1] =	stream.linear.gather [hbm4b:s22+s19], $0x50, $0x38;
	[tilespmem:$0x1DE80] =	vst v63  }
0x442: {  	s1 =	sadd.s32 s2, s1  }
0x443: {  	[tilespmem:s15], [sflag:$0x1] =	stream.linear.gather [hbm4b:s1+s19], $0x50, $0x38;
	[tilespmem:$0x1DE80] =	vst v63  }
0x444: {  	_ =	swait.ge [sflag:s31], $0x2800  }
0x445: {  	[sflag:s31] =	ssyncset.done $0x0  }
0x446: {  	[sflag:s31] =	ssyncadd.s32 $0xFFFFD800  }
0x447: {  	_ =	swait.ge [sflag:s24], $0x50  }
0x448: {  	[sflag:s24] =	ssyncset.done $0x0  }
0x449: {  	[sflag:s24] =	ssyncadd.s32 $0xFFFFFFB0  }
0x44a: {  	_ =	swait.ge [sflag:s24], $0x50  }
0x44b: {  	[sflag:s24] =	ssyncset.done $0x0  }
0x44c: {  	v1 =	vmov s19;
	s18 =	simm.s32 $0x2;
	[sflag:s24] =	ssyncadd.s32 $0xFFFFFFB0  }
0x44d: {  	v1 =	vand.u32 $0xFFFFFFFC, v1;
	v2 =	vmov s18;
	_ =	swait.ge [sflag:s24], $0x50  }
0x44e: {  	v1 =	vbroadcast v1, $0x0;
	v2 =	vand.u32 $0xFFFFFFFE, v2;
	[sflag:s24] =	ssyncset.done $0x0  }
0x44f: {  	v2 =	vbroadcast v2, $0x0;
	[sflag:s24] =	ssyncadd.s32 $0xFFFFFFB0  }
0x450: {  	[tilespmem:s5], [sflag:$0x5] =	stream.indirect.gather [hbm4b:s6+s29], $0x80, s14, s29, $0xb8;
	[tilespmem:$0x1DE80] =	vst v63  }
0x451: {  	_ =	swait.ge [sflag:s26], $0x2800  }
0x452: {  	[sflag:s26] =	ssyncset.done $0x0  }
0x453: {  	[sflag:s26] =	ssyncadd.s32 $0xFFFFD800  }
0x454: {  	v1 =	vld.idx.msk [tilespmem:v1+s20+$0x0], $0xffff  }
0x455: {  	s18 =	simm.s32 $0x18F80;
	s19 =	simm.s32 $0x1;
	v2 =	vld.idx.msk [tilespmem:v2+s20+$0x0], $0xffff  }
0x456: {  	v3 =	vmov s19;
	v4 =	vld [tilespmem:s18+$0x70]  }
0x457: {  	v3 =	vand.u32 $0xFFFFFFFD, v3;
	v5 =	vld [tilespmem:s18+$0xFFFFFF00]  }
0x458: {  	v3 =	vbroadcast v3, $0x0;
	v6 =	vld [tilespmem:s18+$0xFFFFFF10]  }
0x459: {  	v7 =	vld [tilespmem:s18+$0xFFFFFF20]  }
0x45a: {  	v8 =	vld [tilespmem:s18+$0xFFFFFF30]  }
0x45b: {  	v9 =	vld [tilespmem:s18+$0xFFFFFF40]  }
0x45c: {  	v10 =	vld [tilespmem:s18+$0xFFFFFF50]  }
0x45d: {  	v11 =	vld [tilespmem:s18+$0xFFFFFF60];
	v5 =	vmul.f32 v5, v1  }
0x45e: {  	v3 =	vld.idx.msk [tilespmem:v3+s20+$0x0], $0xffff;
	v4 =	vmul.f32 v4, v2  }
0x45f: {  	v13 =	vld [tilespmem:s18+$0x40];
	[tilespmem:s18+$0xFFFFFF00] =	vst v5;
	v5 =	vmul.f32 v6, v1  }
0x460: {  	v6 =	vld [tilespmem:s18+$0xFFFFFF70];
	[tilespmem:s18+$0x70] =	vst v4;
	v4 =	vmul.f32 v7, v1  }
0x461: {  	v7 =	vld [tilespmem:s18+$0xFFFFFF80];
	[tilespmem:s18+$0xFFFFFF10] =	vst v5;
	v5 =	vmul.f32 v8, v1  }
0x462: {  	v8 =	vld [tilespmem:s18+$0xFFFFFF90];
	[tilespmem:s18+$0xFFFFFF20] =	vst v4;
	v4 =	vmul.f32 v9, v1  }
0x463: {  	v9 =	vld [tilespmem:s18+$0xFFFFFFA0];
	[tilespmem:s18+$0xFFFFFF30] =	vst v5;
	v5 =	vmul.f32 v10, v1  }
0x464: {  	v10 =	vld [tilespmem:s18+$0xFFFFFFB0];
	[tilespmem:s18+$0xFFFFFF40] =	vst v4;
	v4 =	vmul.f32 v11, v1  }
0x465: {  	v11 =	vld [tilespmem:s18+$0xFFFFFFC0];
	v6 =	vmul.f32 v6, v1;
	[tilespmem:s18+$0xFFFFFF50] =	vst v5  }
0x466: {  	v5 =	vmul.f32 v7, v3;
	v7 =	vld [tilespmem:s18+$0xFFFFFFD0];
	[tilespmem:s18+$0xFFFFFF60] =	vst v4  }
0x467: {  	s22 =	simm.s32 $0x3;
	v4 =	vld [tilespmem:s18+$0xFFFFFFE0];
	v8 =	vmul.f32 v8, v3;
	[tilespmem:s18+$0xFFFFFF70] =	vst v6  }
0x468: {  	v12 =	vmov s22;
	v6 =	vld [tilespmem:s18+$0xFFFFFFF0];
	[tilespmem:s18+$0xFFFFFF80] =	vst v5;
	v5 =	vmul.f32 v9, v3  }
0x469: {  	v9 =	vld [tilespmem:s18+$0x0];
	[tilespmem:s18+$0xFFFFFF90] =	vst v8;
	v8 =	vmul.f32 v10, v3  }
0x46a: {  	v10 =	vld [tilespmem:s18+$0x10];
	[tilespmem:s18+$0xFFFFFFA0] =	vst v5;
	v5 =	vmul.f32 v11, v3  }
0x46b: {  	[tilespmem:s18+$0xFFFFFFB0] =	vst v8;
	v7 =	vmul.f32 v7, v3;
	v8 =	vld [tilespmem:s18+$0x20]  }
0x46c: {  	v11 =	vld [tilespmem:s18+$0x30];
	v4 =	vmul.f32 v4, v3;
	[tilespmem:s18+$0xFFFFFFC0] =	vst v5  }
0x46d: {  	v1 =	vld.idx.msk [tilespmem:v12+s20+$0x0], $0xffff;
	v3 =	vmul.f32 v6, v3;
	[tilespmem:s18+$0xFFFFFFD0] =	vst v7  }
0x46e: {  	[tilespmem:s18+$0xFFFFFFE0] =	vst v4;
	v5 =	vmul.f32 v9, v2;
	v4 =	vld [tilespmem:s18+$0x50]  }
0x46f: {  	s9 =	simm.s32 $0x4;
	[tilespmem:s18+$0xFFFFFFF0] =	vst v3;
	v6 =	vmul.f32 v10, v2;
	v3 =	vld [tilespmem:s18+$0x60]  }
0x470: {  	s19 =	simm.s32 $0x7;
	v7 =	vmov s9;
	[tilespmem:s18+$0x0] =	vst v5;
	v9 =	vmul.f32 v8, v2;
	v8 =	vld [tilespmem:s18+$0x80]  }
0x471: {  	s22 =	simm.s32 $0x5;
	v12 =	vand.u32 $0xFFFFFFFC, v7;
	v7 =	vld [tilespmem:s18+$0x90];
	v5 =	vmov s19;
	v10 =	vmul.f32 v11, v2;
	[tilespmem:s18+$0x10] =	vst v6  }
0x472: {  	s1 =	simm.s32 $0x6;
	v11 =	vmul.f32 v13, v2;
	s19 =	simm.s32 $0x18F80;
	v6 =	vbroadcast v12, $0x0;
	v12 =	vmov s22;
	s22 =	simm.s32 $0x8;
	[tilespmem:s18+$0x20] =	vst v9;
	v9 =	vld [tilespmem:s18+$0xA0]  }
.LBB2_9:
0x473: {  	p3 =	slt.u32 s22, $0x4C;
	v12 =	vand.u32 $0xFFFFFFFD, v12;
	v13 =	vmov s1;
	[tilespmem:s18+$0x30] =	vst v10;
	v4 =	vmul.f32 v4, v2;
	v10 =	vld [tilespmem:s18+$0xB0]  }
0x474: {  	v12 =	vbroadcast v12, $0x0;
	v13 =	vand.u32 $0xFFFFFFFE, v13;
	[tilespmem:s18+$0x40] =	vst v11;
	v2 =	vmul.f32 v3, v2;
	v3 =	vld [tilespmem:s18+$0xC0]  }
0x475: {  	v11 =	vbroadcast v13, $0x0;
	[tilespmem:s18+$0x50] =	vst v4;
	v4 =	vmul.f32 v8, v1;
	v8 =	vld [tilespmem:s18+$0xD0]  }
0x476: {  	[tilespmem:s18+$0x60] =	vst v2;
	v2 =	vmul.f32 v7, v1;
	v7 =	vld [tilespmem:s18+$0xE0]  }
0x477: {  	[tilespmem:s18+$0x80] =	vst v4;
	v4 =	vmul.f32 v9, v1;
	v9 =	vld [tilespmem:s18+$0xF0]  }
0x478: {  	v5 =	vld.idx.msk [tilespmem:v5+s20+$0x0], $0xffff;
	[tilespmem:s18+$0x90] =	vst v2;
	v2 =	vmul.f32 v10, v1  }
0x479: {  	v6 =	vld.idx.msk [tilespmem:v6+s20+$0x0], $0xffff;
	[tilespmem:s18+$0xA0] =	vst v4;
	v3 =	vmul.f32 v3, v1  }
0x47a: {  	v4 =	vld.idx.msk [tilespmem:v12+s20+$0x0], $0xffff;
	[tilespmem:s18+$0xB0] =	vst v2;
	v8 =	vmul.f32 v8, v1  }
0x47b: {  	s18 =	sadd.s32 $0x200, s18;
	v2 =	vld.idx.msk [tilespmem:v11+s20+$0x0], $0xffff;
	[tilespmem:s19+$0xC0] =	vst v3;
	v3 =	vmul.f32 v7, v1  }
0x47c: {  	v7 =	vld [tilespmem:s18+$0x70];
	[tilespmem:s19+$0xD0] =	vst v8;
	v9 =	vmul.f32 v9, v1  }
0x47d: {  	v8 =	vld [tilespmem:s18+$0xFFFFFF00];
	[tilespmem:s19+$0xE0] =	vst v3  }
0x47e: {  	v1 =	vmov v5;
	v3 =	vld [tilespmem:s18+$0xFFFFFF10];
	[tilespmem:s19+$0xF0] =	vst v9;
	s19 =	smov.u32 s18  }
0x47f: {  	v5 =	vld [tilespmem:s18+$0xFFFFFF20]  }
0x480: {  	v9 =	vld [tilespmem:s18+$0xFFFFFF30]  }
0x481: {  	v10 =	vld [tilespmem:s18+$0xFFFFFF40];
	v7 =	vmul.f32 v7, v2  }
0x482: {  	v8 =	vmul.f32 v8, v6;
	v11 =	vld [tilespmem:s18+$0xFFFFFF50]  }
0x483: {  	v3 =	vmul.f32 v3, v6;
	v12 =	vld [tilespmem:s18+$0xFFFFFF60];
	[tilespmem:s18+$0x70] =	vst v7  }
0x484: {  	[tilespmem:s18+$0xFFFFFF00] =	vst v8;
	v5 =	vmul.f32 v5, v6;
	v7 =	vld [tilespmem:s18+$0xFFFFFF70]  }
0x485: {  	[tilespmem:s18+$0xFFFFFF10] =	vst v3;
	v3 =	vmul.f32 v9, v6;
	v8 =	vld [tilespmem:s18+$0xFFFFFF80]  }
0x486: {  	[tilespmem:s18+$0xFFFFFF20] =	vst v5;
	v5 =	vmul.f32 v10, v6;
	v9 =	vld [tilespmem:s18+$0xFFFFFF90]  }
0x487: {  	[tilespmem:s18+$0xFFFFFF30] =	vst v3;
	v3 =	vmul.f32 v11, v6;
	v10 =	vld [tilespmem:s18+$0xFFFFFFA0]  }
0x488: {  	[tilespmem:s18+$0xFFFFFF40] =	vst v5;
	v5 =	vmul.f32 v12, v6;
	v11 =	vld [tilespmem:s18+$0xFFFFFFB0]  }
0x489: {  	[tilespmem:s18+$0xFFFFFF50] =	vst v3;
	v3 =	vmul.f32 v7, v6;
	v6 =	vld [tilespmem:s18+$0xFFFFFFC0]  }
0x48a: {  	[tilespmem:s18+$0xFFFFFF60] =	vst v5;
	v5 =	vmul.f32 v8, v4;
	v7 =	vld [tilespmem:s18+$0xFFFFFFD0]  }
0x48b: {  	[tilespmem:s18+$0xFFFFFF70] =	vst v3;
	v3 =	vmul.f32 v9, v4;
	v8 =	vld [tilespmem:s18+$0xFFFFFFE0]  }
0x48c: {  	[tilespmem:s18+$0xFFFFFF80] =	vst v5;
	v5 =	vmul.f32 v10, v4;
	v9 =	vld [tilespmem:s18+$0xFFFFFFF0]  }
0x48d: {  	[tilespmem:s18+$0xFFFFFF90] =	vst v3;
	v3 =	vmul.f32 v11, v4;
	v10 =	vld [tilespmem:s18+$0x0]  }
0x48e: {  	[tilespmem:s18+$0xFFFFFFA0] =	vst v5;
	v5 =	vmul.f32 v6, v4;
	v6 =	vld [tilespmem:s18+$0x10]  }
0x48f: {  	[tilespmem:s18+$0xFFFFFFB0] =	vst v3;
	v3 =	vmul.f32 v7, v4;
	v7 =	vld [tilespmem:s18+$0x20]  }
0x490: {  	[tilespmem:s18+$0xFFFFFFC0] =	vst v5;
	v5 =	vmul.f32 v8, v4;
	v11 =	vld [tilespmem:s18+$0x30]  }
0x491: {  	[tilespmem:s18+$0xFFFFFFD0] =	vst v3;
	v3 =	vmul.f32 v9, v4;
	v9 =	vld [tilespmem:s18+$0x40]  }
.Ltmp13:
0x492: {  	[tilespmem:s18+$0xFFFFFFE0] =	vst v5;
	v5 =	vmul.f32 v10, v2;
	v4 =	vld [tilespmem:s18+$0x50];
	(pc) =	sbr.rel @p3 .LBB2_9-.Ltmp13, $4  }
0x493: {  	[tilespmem:s18+$0xFFFFFFF0] =	vst v3;
	v6 =	vmul.f32 v6, v2;
	v3 =	vld [tilespmem:s18+$0x60]  }
0x494: {  	s1 =	sadd.s32 $0x3, s22;
	v10 =	vmov s22;
	[tilespmem:s18+$0x0] =	vst v5;
	v13 =	vmul.f32 v7, v2;
	v8 =	vld [tilespmem:s18+$0x80]  }
0x495: {  	s9 =	sadd.s32 $0x1, s22;
	v12 =	vand.u32 $0xFFFFFFFC, v10;
	v5 =	vmov s1;
	[tilespmem:s18+$0x10] =	vst v6;
	v10 =	vmul.f32 v11, v2;
	v7 =	vld [tilespmem:s18+$0x90]  }
0x496: {  	s1 =	sadd.s32 $0x2, s22;
	s22 =	sadd.s32 $0x4, s22;
	v6 =	vbroadcast v12, $0x0;
	v12 =	vmov s9;
	[tilespmem:s18+$0x20] =	vst v13;
	v11 =	vmul.f32 v9, v2;
	v9 =	vld [tilespmem:s18+$0xA0]  }
0x497: {  	v13 =	vld [tilespmem:s18+$0xB0]  }
0x498: {  	v15 =	vld [tilespmem:s18+$0xC0]  }
0x499: {  	v14 =	vmov s1;
	v16 =	vld [tilespmem:s18+$0xD0]  }
0x49a: {  	v17 =	vld [tilespmem:s18+$0xE0];
	[tilespmem:s18+$0x30] =	vst v10;
	v4 =	vmul.f32 v4, v2;
	v14 =	vand.u32 $0xFFFFFFFE, v14  }
0x49b: {  	v12 =	vand.u32 $0xFFFFFFFD, v12;
	v5 =	vld.idx.msk [tilespmem:v5+s20+$0x0], $0xffff;
	[tilespmem:s18+$0x40] =	vst v11;
	v2 =	vmul.f32 v3, v2;
	v14 =	vbroadcast v14, $0x0  }
0x49c: {  	s22 =	sadd.s32 $0x200, s18;
	v12 =	vbroadcast v12, $0x0;
	v3 =	vld.idx.msk [tilespmem:v6+s20+$0x0], $0xffff;
	v8 =	vmul.f32 v8, v1;
	[tilespmem:s18+$0x50] =	vst v4  }
0x49d: {  	v10 =	vld [tilespmem:s22+$0xFFFFFF00];
	v4 =	vmul.f32 v7, v1;
	[tilespmem:s18+$0x60] =	vst v2  }
0x49e: {  	[tilespmem:s18+$0x80] =	vst v8;
	v8 =	vld [tilespmem:s18+$0xF0];
	v2 =	vmul.f32 v9, v1  }
0x49f: {  	v11 =	vld [tilespmem:s22+$0xFFFFFF10];
	[tilespmem:s18+$0x90] =	vst v4;
	v4 =	vmul.f32 v13, v1  }
0x4a0: {  	v9 =	vld [tilespmem:s22+$0x70];
	[tilespmem:s18+$0xA0] =	vst v2;
	v2 =	vmul.f32 v15, v1  }
0x4a1: {  	[tilespmem:s18+$0xB0] =	vst v4;
	v4 =	vmul.f32 v16, v1;
	v7 =	vld.idx.msk [tilespmem:v14+s20+$0x0], $0xffff  }
0x4a2: {  	v6 =	vld.idx.msk [tilespmem:v12+s20+$0x0], $0xffff;
	[tilespmem:s19+$0xC0] =	vst v2;
	v2 =	vmul.f32 v17, v1  }
0x4a3: {  	v12 =	vld [tilespmem:s22+$0xFFFFFF20];
	[tilespmem:s19+$0xD0] =	vst v4;
	v1 =	vmul.f32 v8, v1  }
0x4a4: {  	v4 =	vld [tilespmem:s22+$0xFFFFFF30];
	[tilespmem:s19+$0xE0] =	vst v2  }
0x4a5: {  	v2 =	vld [tilespmem:s22+$0xFFFFFF40];
	[tilespmem:s19+$0xF0] =	vst v1;
	v1 =	vmul.f32 v10, v3  }
0x4a6: {  	v8 =	vmul.f32 v9, v7;
	v9 =	vld [tilespmem:s22+$0xFFFFFF50]  }
0x4a7: {  	v10 =	vmul.f32 v11, v3;
	v11 =	vld [tilespmem:s22+$0xFFFFFF60];
	[tilespmem:s22+$0xFFFFFF00] =	vst v1  }
0x4a8: {  	v1 =	vmul.f32 v12, v3;
	[tilespmem:s22+$0x70] =	vst v8;
	v8 =	vld [tilespmem:s22+$0xFFFFFF70]  }
0x4a9: {  	[tilespmem:s22+$0xFFFFFF10] =	vst v10;
	v10 =	vld [tilespmem:s22+$0xFFFFFF80];
	v4 =	vmul.f32 v4, v3  }
0x4aa: {  	[tilespmem:s22+$0xFFFFFF20] =	vst v1;
	v1 =	vmul.f32 v2, v3;
	v2 =	vld [tilespmem:s22+$0xFFFFFF90]  }
0x4ab: {  	[tilespmem:s22+$0xFFFFFF30] =	vst v4;
	v4 =	vmul.f32 v9, v3;
	v9 =	vld [tilespmem:s22+$0xFFFFFFA0]  }
0x4ac: {  	[tilespmem:s22+$0xFFFFFF40] =	vst v1;
	v1 =	vmul.f32 v11, v3;
	v11 =	vld [tilespmem:s22+$0xFFFFFFB0]  }
0x4ad: {  	[tilespmem:s22+$0xFFFFFF50] =	vst v4;
	v3 =	vmul.f32 v8, v3;
	v4 =	vld [tilespmem:s22+$0xFFFFFFC0]  }
0x4ae: {  	[tilespmem:s22+$0xFFFFFF60] =	vst v1;
	v1 =	vmul.f32 v10, v6;
	v8 =	vld [tilespmem:s22+$0xFFFFFFD0]  }
0x4af: {  	v2 =	vmul.f32 v2, v6;
	[tilespmem:s22+$0xFFFFFF70] =	vst v3;
	v3 =	vld [tilespmem:s22+$0xFFFFFFE0]  }
0x4b0: {  	[tilespmem:s22+$0xFFFFFF80] =	vst v1;
	v1 =	vmul.f32 v9, v6;
	v9 =	vld [tilespmem:s22+$0xFFFFFFF0]  }
0x4b1: {  	v10 =	vld [tilespmem:s22+$0x0];
	[tilespmem:s22+$0xFFFFFF90] =	vst v2;
	v2 =	vmul.f32 v11, v6  }
0x4b2: {  	[tilespmem:s22+$0xFFFFFFA0] =	vst v1;
	v1 =	vmul.f32 v4, v6;
	v4 =	vld [tilespmem:s22+$0x10]  }
0x4b3: {  	[tilespmem:s22+$0xFFFFFFB0] =	vst v2;
	v2 =	vmul.f32 v8, v6;
	v8 =	vld [tilespmem:s22+$0x20]  }
0x4b4: {  	[tilespmem:s22+$0xFFFFFFC0] =	vst v1;
	v1 =	vmul.f32 v3, v6;
	v3 =	vld [tilespmem:s22+$0x30]  }
0x4b5: {  	[tilespmem:s22+$0xFFFFFFD0] =	vst v2;
	v2 =	vmul.f32 v9, v6;
	v6 =	vld [tilespmem:s22+$0x40]  }
0x4b6: {  	v9 =	vld [tilespmem:s22+$0x50];
	[tilespmem:s22+$0xFFFFFFE0] =	vst v1;
	v1 =	vmul.f32 v10, v7  }
0x4b7: {  	[tilespmem:s22+$0xFFFFFFF0] =	vst v2;
	v2 =	vmul.f32 v4, v7;
	v4 =	vld [tilespmem:s22+$0x60]  }
0x4b8: {  	[tilespmem:s22+$0x0] =	vst v1;
	v1 =	vmul.f32 v8, v7;
	v8 =	vld [tilespmem:s22+$0x80]  }
0x4b9: {  	[tilespmem:s22+$0x10] =	vst v2;
	v2 =	vmul.f32 v3, v7;
	v3 =	vld [tilespmem:s22+$0x90]  }
0x4ba: {  	[tilespmem:s22+$0x20] =	vst v1;
	v1 =	vmul.f32 v6, v7;
	v6 =	vld [tilespmem:s22+$0xA0]  }
0x4bb: {  	[tilespmem:s22+$0x30] =	vst v2;
	v2 =	vmul.f32 v9, v7;
	v9 =	vld [tilespmem:s22+$0xB0]  }
0x4bc: {  	[tilespmem:s22+$0x40] =	vst v1;
	v1 =	vmul.f32 v4, v7;
	v4 =	vld [tilespmem:s22+$0xC0]  }
0x4bd: {  	v7 =	vld [tilespmem:s22+$0xD0];
	[tilespmem:s22+$0x50] =	vst v2;
	v2 =	vmul.f32 v8, v5  }
0x4be: {  	[tilespmem:s22+$0x60] =	vst v1;
	v1 =	vmul.f32 v3, v5;
	v3 =	vld [tilespmem:s22+$0xE0]  }
0x4bf: {  	[tilespmem:s22+$0x80] =	vst v2;
	v2 =	vmul.f32 v6, v5;
	v6 =	vld [tilespmem:s22+$0xF0]  }
0x4c0: {  	[tilespmem:s22+$0x90] =	vst v1;
	v1 =	vmul.f32 v9, v5  }
0x4c1: {  	[tilespmem:s22+$0xA0] =	vst v2;
	v2 =	vmul.f32 v4, v5  }
0x4c2: {  	[tilespmem:s22+$0xB0] =	vst v1;
	v1 =	vmul.f32 v7, v5  }
0x4c3: {  	[tilespmem:s22+$0xC0] =	vst v2;
	v2 =	vmul.f32 v3, v5  }
0x4c4: {  	[tilespmem:s22+$0xD0] =	vst v1;
	v1 =	vmul.f32 v6, v5  }
0x4c5: {  	p3 =	seq.s32 s25, $0x1E;
	[tilespmem:s22+$0xE0] =	vst v2  }
0x4c6: {  	s9 =	simm.s32 $0x18E80;
	s1 =	simm.s32 @p3 $0xA;
	s19 =	simm.s32 $0x13980;
	[tilespmem:s22+$0xF0] =	vst v1  }
0x4c7: {  	[spmem:s3] =	stream.indirect.scatter.add.f32 [tilespmem:s9], [sflag:$0xB], $0x80, s19, s29, $0xb8;
	[tilespmem:$0x1DE80] =	vst v63  }
0x4c8: {  	_ =	swait.ge @p3 [sflag:s1], $0x2800  }
0x4c9: {  	s9 =	rddreg [dreg:$0x15]  }
0x4ca: {  	[sflag:s1] =	ssyncset.done @p3 $0x0;
	s9 =	sadd.s32 @!p3 s28, s9  }
0x4cb: {  	[sflag:s1] =	ssyncadd.s32 @p3 $0xFFFFD800;
	s1 =	sshrl.u32 @!p3 s9, $0x3  }
0x4cc: {  	s18 =	simm.s32 @!p3 $0x0;
	s19 =	simm.s32 @!p3 $0x13900;
	s9 =	sadd.s32 @!p3 s7, s1  }
0x4cd: {  	[tilespmem:s19], [sflag:$0x2] =	stream.linear.gather @!p3 [hbm4b:s9+s18], $0x50, $0x38;
	[tilespmem:$0x1DE80] =	vst v63  }
0x4ce: {  	s9 =	sadd.s32 @!p3 s8, s1;
	s19 =	simm.s32 @!p3 $0x13B00  }
0x4cf: {  	[tilespmem:s19], [sflag:$0x2] =	stream.linear.gather @!p3 [hbm4b:s9+s18], $0x50, $0x38;
	[tilespmem:$0x1DE80] =	vst v63  }
0x4d0: {  	s1 =	sadd.s32 @!p3 s2, s1;
	s9 =	simm.s32 @!p3 $0x13D00  }
0x4d1: {  	[tilespmem:s9], [sflag:$0x2] =	stream.linear.gather @!p3 [hbm4b:s1+s18], $0x50, $0x38;
	[tilespmem:$0x1DE80] =	vst v63  }
0x4d2: {  	s1 =	simm.s32 @!p3 $0xA  }
0x4d3: {  	_ =	swait.ge @!p3 [sflag:s1], $0x2800  }
0x4d4: {  	[sflag:s1] =	ssyncset.done @!p3 $0x0  }
0x4d5: {  	[sflag:s1] =	ssyncadd.s32 @!p3 $0xFFFFD800;
	s1 =	simm.s32 @!p3 $0x2  }
0x4d6: {  	_ =	swait.ge @!p3 [sflag:s1], $0x50  }
0x4d7: {  	[sflag:s1] =	ssyncset.done @!p3 $0x0  }
0x4d8: {  	[sflag:s1] =	ssyncadd.s32 @!p3 $0xFFFFFFB0  }
0x4d9: {  	_ =	swait.ge @!p3 [sflag:s1], $0x50  }
0x4da: {  	s22 =	simm.s32 $0x0;
	[sflag:s1] =	ssyncset.done @!p3 $0x0  }
0x4db: {  	v1 =	vmov s22;
	s18 =	simm.s32 $0x2;
	[sflag:s1] =	ssyncadd.s32 @!p3 $0xFFFFFFB0  }
0x4dc: {  	v1 =	vand.u32 $0xFFFFFFFC, v1;
	v2 =	vmov s18;
	_ =	swait.ge @!p3 [sflag:s1], $0x50  }
0x4dd: {  	v1 =	vbroadcast v1, $0x0;
	v2 =	vand.u32 $0xFFFFFFFE, v2;
	[sflag:s1] =	ssyncset.done @!p3 $0x0  }
0x4de: {  	s9 =	simm.s32 @!p3 $0x16680;
	v2 =	vbroadcast v2, $0x0;
	[sflag:s1] =	ssyncadd.s32 @!p3 $0xFFFFFFB0;
	s1 =	simm.s32 @!p3 $0x50  }
0x4df: {  	[tilespmem:s9], [sflag:$0x6] =	stream.indirect.gather @!p3 [hbm4b:s6+s1], $0x80, s19, s1, $0xb8;
	[tilespmem:$0x1DE80] =	vst v63  }
0x4e0: {  	_ =	swait.ge [sflag:s21], $0x2800  }
0x4e1: {  	[sflag:s21] =	ssyncset.done $0x0  }
0x4e2: {  	[sflag:s21] =	ssyncadd.s32 $0xFFFFD800  }
0x4e3: {  	v1 =	vld.idx.msk [tilespmem:v1+s11+$0x0], $0xffff  }
0x4e4: {  	s18 =	simm.s32 $0x1B780;
	v2 =	vld.idx.msk [tilespmem:v2+s11+$0x0], $0xffff  }
0x4e5: {  	s19 =	simm.s32 $0x1;
	v4 =	vld [tilespmem:s18+$0x70]  }
0x4e6: {  	v3 =	vmov s19;
	v5 =	vld [tilespmem:s18+$0xFFFFFF00]  }
0x4e7: {  	v3 =	vand.u32 $0xFFFFFFFD, v3;
	v6 =	vld [tilespmem:s18+$0xFFFFFF10]  }
0x4e8: {  	v3 =	vbroadcast v3, $0x0;
	v7 =	vld [tilespmem:s18+$0xFFFFFF20]  }
0x4e9: {  	v8 =	vld [tilespmem:s18+$0xFFFFFF30]  }
0x4ea: {  	v9 =	vld [tilespmem:s18+$0xFFFFFF40]  }
0x4eb: {  	v10 =	vld [tilespmem:s18+$0xFFFFFF50]  }
0x4ec: {  	v11 =	vld [tilespmem:s18+$0xFFFFFF60];
	v5 =	vmul.f32 v5, v1  }
0x4ed: {  	v13 =	vld [tilespmem:s18+$0x40];
	v4 =	vmul.f32 v4, v2  }
0x4ee: {  	v3 =	vld.idx.msk [tilespmem:v3+s11+$0x0], $0xffff;
	[tilespmem:s18+$0xFFFFFF00] =	vst v5;
	v5 =	vmul.f32 v6, v1  }
0x4ef: {  	v6 =	vld [tilespmem:s18+$0xFFFFFF70];
	[tilespmem:s18+$0x70] =	vst v4;
	v4 =	vmul.f32 v7, v1  }
0x4f0: {  	v7 =	vld [tilespmem:s18+$0xFFFFFF80];
	[tilespmem:s18+$0xFFFFFF10] =	vst v5;
	v5 =	vmul.f32 v8, v1  }
0x4f1: {  	v8 =	vld [tilespmem:s18+$0xFFFFFF90];
	[tilespmem:s18+$0xFFFFFF20] =	vst v4;
	v4 =	vmul.f32 v9, v1  }
0x4f2: {  	v9 =	vld [tilespmem:s18+$0xFFFFFFA0];
	[tilespmem:s18+$0xFFFFFF30] =	vst v5;
	v5 =	vmul.f32 v10, v1  }
0x4f3: {  	v10 =	vld [tilespmem:s18+$0xFFFFFFB0];
	[tilespmem:s18+$0xFFFFFF40] =	vst v4;
	v4 =	vmul.f32 v11, v1  }
0x4f4: {  	v11 =	vld [tilespmem:s18+$0xFFFFFFC0];
	v6 =	vmul.f32 v6, v1;
	[tilespmem:s18+$0xFFFFFF50] =	vst v5  }
0x4f5: {  	v5 =	vmul.f32 v7, v3;
	v7 =	vld [tilespmem:s18+$0xFFFFFFD0];
	[tilespmem:s18+$0xFFFFFF60] =	vst v4  }
0x4f6: {  	s22 =	simm.s32 $0x3;
	v4 =	vld [tilespmem:s18+$0xFFFFFFE0];
	v8 =	vmul.f32 v8, v3;
	[tilespmem:s18+$0xFFFFFF70] =	vst v6  }
0x4f7: {  	v12 =	vmov s22;
	v6 =	vld [tilespmem:s18+$0xFFFFFFF0];
	[tilespmem:s18+$0xFFFFFF80] =	vst v5;
	v5 =	vmul.f32 v9, v3  }
0x4f8: {  	v9 =	vld [tilespmem:s18+$0x0];
	[tilespmem:s18+$0xFFFFFF90] =	vst v8;
	v8 =	vmul.f32 v10, v3  }
0x4f9: {  	v10 =	vld [tilespmem:s18+$0x10];
	[tilespmem:s18+$0xFFFFFFA0] =	vst v5;
	v5 =	vmul.f32 v11, v3  }
0x4fa: {  	[tilespmem:s18+$0xFFFFFFB0] =	vst v8;
	v7 =	vmul.f32 v7, v3;
	v8 =	vld [tilespmem:s18+$0x20]  }
0x4fb: {  	v11 =	vld [tilespmem:s18+$0x30];
	v4 =	vmul.f32 v4, v3;
	[tilespmem:s18+$0xFFFFFFC0] =	vst v5  }
0x4fc: {  	v1 =	vld.idx.msk [tilespmem:v12+s11+$0x0], $0xffff;
	v3 =	vmul.f32 v6, v3;
	[tilespmem:s18+$0xFFFFFFD0] =	vst v7  }
0x4fd: {  	[tilespmem:s18+$0xFFFFFFE0] =	vst v4;
	v5 =	vmul.f32 v9, v2;
	v4 =	vld [tilespmem:s18+$0x50]  }
0x4fe: {  	s9 =	simm.s32 $0x4;
	[tilespmem:s18+$0xFFFFFFF0] =	vst v3;
	v6 =	vmul.f32 v10, v2;
	v3 =	vld [tilespmem:s18+$0x60]  }
0x4ff: {  	s19 =	simm.s32 $0x7;
	v7 =	vmov s9;
	[tilespmem:s18+$0x0] =	vst v5;
	v9 =	vmul.f32 v8, v2;
	v8 =	vld [tilespmem:s18+$0x80]  }
0x500: {  	s22 =	simm.s32 $0x5;
	v12 =	vand.u32 $0xFFFFFFFC, v7;
	v7 =	vld [tilespmem:s18+$0x90];
	v5 =	vmov s19;
	v10 =	vmul.f32 v11, v2;
	[tilespmem:s18+$0x10] =	vst v6  }
0x501: {  	s1 =	simm.s32 $0x6;
	v11 =	vmul.f32 v13, v2;
	s19 =	simm.s32 $0x1B780;
	v6 =	vbroadcast v12, $0x0;
	v12 =	vmov s22;
	s22 =	simm.s32 $0x8;
	[tilespmem:s18+$0x20] =	vst v9;
	v9 =	vld [tilespmem:s18+$0xA0]  }
.LBB2_11:
0x502: {  	p4 =	slt.u32 s22, $0x4C;
	v12 =	vand.u32 $0xFFFFFFFD, v12;
	v13 =	vmov s1;
	[tilespmem:s18+$0x30] =	vst v10;
	v4 =	vmul.f32 v4, v2;
	v10 =	vld [tilespmem:s18+$0xB0]  }
0x503: {  	v12 =	vbroadcast v12, $0x0;
	v13 =	vand.u32 $0xFFFFFFFE, v13;
	[tilespmem:s18+$0x40] =	vst v11;
	v2 =	vmul.f32 v3, v2;
	v3 =	vld [tilespmem:s18+$0xC0]  }
0x504: {  	v11 =	vbroadcast v13, $0x0;
	[tilespmem:s18+$0x50] =	vst v4;
	v4 =	vmul.f32 v8, v1;
	v8 =	vld [tilespmem:s18+$0xD0]  }
0x505: {  	[tilespmem:s18+$0x60] =	vst v2;
	v2 =	vmul.f32 v7, v1;
	v7 =	vld [tilespmem:s18+$0xE0]  }
0x506: {  	[tilespmem:s18+$0x80] =	vst v4;
	v4 =	vmul.f32 v9, v1;
	v9 =	vld [tilespmem:s18+$0xF0]  }
0x507: {  	v5 =	vld.idx.msk [tilespmem:v5+s11+$0x0], $0xffff;
	[tilespmem:s18+$0x90] =	vst v2;
	v2 =	vmul.f32 v10, v1  }
0x508: {  	v6 =	vld.idx.msk [tilespmem:v6+s11+$0x0], $0xffff;
	[tilespmem:s18+$0xA0] =	vst v4;
	v3 =	vmul.f32 v3, v1  }
0x509: {  	v4 =	vld.idx.msk [tilespmem:v12+s11+$0x0], $0xffff;
	[tilespmem:s18+$0xB0] =	vst v2;
	v8 =	vmul.f32 v8, v1  }
0x50a: {  	s18 =	sadd.s32 $0x200, s18;
	v2 =	vld.idx.msk [tilespmem:v11+s11+$0x0], $0xffff;
	[tilespmem:s19+$0xC0] =	vst v3;
	v3 =	vmul.f32 v7, v1  }
0x50b: {  	v7 =	vld [tilespmem:s18+$0x70];
	[tilespmem:s19+$0xD0] =	vst v8;
	v9 =	vmul.f32 v9, v1  }
0x50c: {  	v8 =	vld [tilespmem:s18+$0xFFFFFF00];
	[tilespmem:s19+$0xE0] =	vst v3  }
0x50d: {  	v1 =	vmov v5;
	v3 =	vld [tilespmem:s18+$0xFFFFFF10];
	[tilespmem:s19+$0xF0] =	vst v9;
	s19 =	smov.u32 s18  }
0x50e: {  	v5 =	vld [tilespmem:s18+$0xFFFFFF20]  }
0x50f: {  	v9 =	vld [tilespmem:s18+$0xFFFFFF30]  }
0x510: {  	v10 =	vld [tilespmem:s18+$0xFFFFFF40];
	v7 =	vmul.f32 v7, v2  }
0x511: {  	v8 =	vmul.f32 v8, v6;
	v11 =	vld [tilespmem:s18+$0xFFFFFF50]  }
0x512: {  	v3 =	vmul.f32 v3, v6;
	v12 =	vld [tilespmem:s18+$0xFFFFFF60];
	[tilespmem:s18+$0x70] =	vst v7  }
0x513: {  	[tilespmem:s18+$0xFFFFFF00] =	vst v8;
	v5 =	vmul.f32 v5, v6;
	v7 =	vld [tilespmem:s18+$0xFFFFFF70]  }
0x514: {  	[tilespmem:s18+$0xFFFFFF10] =	vst v3;
	v3 =	vmul.f32 v9, v6;
	v8 =	vld [tilespmem:s18+$0xFFFFFF80]  }
0x515: {  	[tilespmem:s18+$0xFFFFFF20] =	vst v5;
	v5 =	vmul.f32 v10, v6;
	v9 =	vld [tilespmem:s18+$0xFFFFFF90]  }
0x516: {  	[tilespmem:s18+$0xFFFFFF30] =	vst v3;
	v3 =	vmul.f32 v11, v6;
	v10 =	vld [tilespmem:s18+$0xFFFFFFA0]  }
0x517: {  	[tilespmem:s18+$0xFFFFFF40] =	vst v5;
	v5 =	vmul.f32 v12, v6;
	v11 =	vld [tilespmem:s18+$0xFFFFFFB0]  }
0x518: {  	[tilespmem:s18+$0xFFFFFF50] =	vst v3;
	v3 =	vmul.f32 v7, v6;
	v6 =	vld [tilespmem:s18+$0xFFFFFFC0]  }
0x519: {  	[tilespmem:s18+$0xFFFFFF60] =	vst v5;
	v5 =	vmul.f32 v8, v4;
	v7 =	vld [tilespmem:s18+$0xFFFFFFD0]  }
0x51a: {  	[tilespmem:s18+$0xFFFFFF70] =	vst v3;
	v3 =	vmul.f32 v9, v4;
	v8 =	vld [tilespmem:s18+$0xFFFFFFE0]  }
0x51b: {  	[tilespmem:s18+$0xFFFFFF80] =	vst v5;
	v5 =	vmul.f32 v10, v4;
	v9 =	vld [tilespmem:s18+$0xFFFFFFF0]  }
0x51c: {  	[tilespmem:s18+$0xFFFFFF90] =	vst v3;
	v3 =	vmul.f32 v11, v4;
	v10 =	vld [tilespmem:s18+$0x0]  }
0x51d: {  	[tilespmem:s18+$0xFFFFFFA0] =	vst v5;
	v5 =	vmul.f32 v6, v4;
	v6 =	vld [tilespmem:s18+$0x10]  }
0x51e: {  	[tilespmem:s18+$0xFFFFFFB0] =	vst v3;
	v3 =	vmul.f32 v7, v4;
	v7 =	vld [tilespmem:s18+$0x20]  }
0x51f: {  	[tilespmem:s18+$0xFFFFFFC0] =	vst v5;
	v5 =	vmul.f32 v8, v4;
	v11 =	vld [tilespmem:s18+$0x30]  }
0x520: {  	[tilespmem:s18+$0xFFFFFFD0] =	vst v3;
	v3 =	vmul.f32 v9, v4;
	v9 =	vld [tilespmem:s18+$0x40]  }
.Ltmp14:
0x521: {  	[tilespmem:s18+$0xFFFFFFE0] =	vst v5;
	v5 =	vmul.f32 v10, v2;
	v4 =	vld [tilespmem:s18+$0x50];
	(pc) =	sbr.rel @p4 .LBB2_11-.Ltmp14, $4  }
0x522: {  	[tilespmem:s18+$0xFFFFFFF0] =	vst v3;
	v6 =	vmul.f32 v6, v2;
	v3 =	vld [tilespmem:s18+$0x60]  }
0x523: {  	s1 =	sadd.s32 $0x3, s22;
	v10 =	vmov s22;
	[tilespmem:s18+$0x0] =	vst v5;
	v13 =	vmul.f32 v7, v2;
	v8 =	vld [tilespmem:s18+$0x80]  }
0x524: {  	s9 =	sadd.s32 $0x1, s22;
	v12 =	vand.u32 $0xFFFFFFFC, v10;
	v5 =	vmov s1;
	[tilespmem:s18+$0x10] =	vst v6;
	v10 =	vmul.f32 v11, v2;
	v7 =	vld [tilespmem:s18+$0x90]  }
0x525: {  	s1 =	sadd.s32 $0x2, s22;
	s22 =	sadd.s32 $0x4, s22;
	v6 =	vbroadcast v12, $0x0;
	v12 =	vmov s9;
	[tilespmem:s18+$0x20] =	vst v13;
	v11 =	vmul.f32 v9, v2;
	v9 =	vld [tilespmem:s18+$0xA0]  }
0x526: {  	v13 =	vld [tilespmem:s18+$0xB0]  }
0x527: {  	v15 =	vld [tilespmem:s18+$0xC0]  }
0x528: {  	v16 =	vld [tilespmem:s18+$0xD0]  }
0x529: {  	v17 =	vld [tilespmem:s18+$0xE0]  }
0x52a: {  	v29 =	vld [tilespmem:s18+$0xF0];
	[tilespmem:s18+$0x30] =	vst v10;
	v4 =	vmul.f32 v4, v2  }
0x52b: {  	v5 =	vld.idx.msk [tilespmem:v5+s11+$0x0], $0xffff;
	[tilespmem:s18+$0x40] =	vst v11;
	v2 =	vmul.f32 v3, v2  }
0x52c: {  	s22 =	sadd.s32 $0x200, s18;
	v3 =	vld.idx.msk [tilespmem:v6+s11+$0x0], $0xffff;
	v8 =	vmul.f32 v8, v1;
	[tilespmem:s18+$0x50] =	vst v4  }
0x52d: {  	v14 =	vmov s1;
	v34 =	vld [tilespmem:s22+$0x70];
	v30 =	vmul.f32 v7, v1;
	[tilespmem:s18+$0x60] =	vst v2  }
0x52e: {  	v14 =	vand.u32 $0xFFFFFFFE, v14;
	v35 =	vld [tilespmem:s22+$0xFFFFFF00];
	[tilespmem:s18+$0x80] =	vst v8;
	v2 =	vmul.f32 v9, v1  }
0x52f: {  	v37 =	vld [tilespmem:s22+$0xFFFFFF10];
	v14 =	vbroadcast v14, $0x0;
	[tilespmem:s18+$0x90] =	vst v30;
	v33 =	vmul.f32 v13, v1  }
0x530: {  	v38 =	vld [tilespmem:s22+$0xFFFFFF20];
	[tilespmem:s18+$0xA0] =	vst v2;
	v2 =	vmul.f32 v15, v1  }
0x531: {  	v12 =	vand.u32 $0xFFFFFFFD, v12;
	v39 =	vld [tilespmem:s22+$0xFFFFFF30];
	v36 =	vmul.f32 v16, v1;
	[tilespmem:s18+$0xB0] =	vst v33  }
0x532: {  	v12 =	vbroadcast v12, $0x0;
	v41 =	vld [tilespmem:s22+$0xFFFFFF50];
	[tilespmem:s19+$0xC0] =	vst v2;
	v2 =	vmul.f32 v17, v1  }
0x533: {  	v43 =	vld [tilespmem:s22+$0xFFFFFF60];
	[tilespmem:s19+$0xD0] =	vst v36;
	v1 =	vmul.f32 v29, v1  }
0x534: {  	v42 =	vmul.f32 v37, v3;
	[tilespmem:s19+$0xE0] =	vst v2;
	v2 =	vld [tilespmem:s22+$0xFFFFFF40]  }
0x535: {  	v32 =	vld.idx.msk [tilespmem:v14+s11+$0x0], $0xffff;
	[tilespmem:s19+$0xF0] =	vst v1;
	v1 =	vmul.f32 v35, v3  }
0x536: {  	v44 =	vld [tilespmem:s22+$0xFFFFFF70];
	v4 =	vmul.f32 v39, v3;
	[tilespmem:s22+$0xFFFFFF10] =	vst v42  }
0x537: {  	v45 =	vld [tilespmem:s22+$0xFFFFFF80];
	[tilespmem:s22+$0xFFFFFF00] =	vst v1;
	v1 =	vmul.f32 v38, v3  }
0x538: {  	v46 =	vmul.f32 v41, v3;
	v31 =	vld.idx.msk [tilespmem:v12+s11+$0x0], $0xffff;
	[tilespmem:s22+$0xFFFFFF30] =	vst v4  }
0x539: {  	[tilespmem:s22+$0xFFFFFF20] =	vst v1;
	v1 =	vmul.f32 v2, v3;
	v2 =	vld [tilespmem:s22+$0xFFFFFF90]  }
0x53a: {  	v47 =	vld [tilespmem:s22+$0xFFFFFFA0];
	[tilespmem:s22+$0xFFFFFF50] =	vst v46;
	v40 =	vmul.f32 v34, v32  }
0x53b: {  	v48 =	vld [tilespmem:s22+$0xFFFFFFB0];
	[tilespmem:s22+$0xFFFFFF40] =	vst v1;
	v1 =	vmul.f32 v43, v3  }
0x53c: {  	v49 =	vld [tilespmem:s22+$0xFFFFFFC0];
	[tilespmem:s22+$0x70] =	vst v40;
	v3 =	vmul.f32 v44, v3  }
0x53d: {  	v50 =	vld [tilespmem:s22+$0xFFFFFFD0];
	[tilespmem:s22+$0xFFFFFF60] =	vst v1;
	v1 =	vmul.f32 v45, v31  }
0x53e: {  	[tilespmem:s22+$0xFFFFFF70] =	vst v3;
	v3 =	vld [tilespmem:s22+$0xFFFFFFE0];
	v2 =	vmul.f32 v2, v31  }
0x53f: {  	v51 =	vld [tilespmem:s22+$0xFFFFFFF0];
	[tilespmem:s22+$0xFFFFFF80] =	vst v1;
	v1 =	vmul.f32 v47, v31  }
0x540: {  	v52 =	vld [tilespmem:s22+$0x0];
	[tilespmem:s22+$0xFFFFFF90] =	vst v2;
	v2 =	vmul.f32 v48, v31  }
0x541: {  	v53 =	vld [tilespmem:s22+$0x10];
	[tilespmem:s22+$0xFFFFFFA0] =	vst v1;
	v1 =	vmul.f32 v49, v31  }
0x542: {  	v54 =	vld [tilespmem:s22+$0x20];
	[tilespmem:s22+$0xFFFFFFB0] =	vst v2;
	v2 =	vmul.f32 v50, v31  }
0x543: {  	[tilespmem:s22+$0xFFFFFFC0] =	vst v1;
	v1 =	vmul.f32 v3, v31;
	v3 =	vld [tilespmem:s22+$0x30]  }
0x544: {  	v55 =	vld [tilespmem:s22+$0x40];
	[tilespmem:s22+$0xFFFFFFD0] =	vst v2;
	v2 =	vmul.f32 v51, v31  }
0x545: {  	v56 =	vld [tilespmem:s22+$0x50];
	[tilespmem:s22+$0xFFFFFFE0] =	vst v1;
	v1 =	vmul.f32 v52, v32  }
0x546: {  	v57 =	vld [tilespmem:s22+$0x60];
	[tilespmem:s22+$0xFFFFFFF0] =	vst v2;
	v2 =	vmul.f32 v53, v32  }
0x547: {  	v58 =	vld [tilespmem:s22+$0x80];
	[tilespmem:s22+$0x0] =	vst v1;
	v1 =	vmul.f32 v54, v32  }
0x548: {  	[tilespmem:s22+$0x10] =	vst v2;
	v2 =	vmul.f32 v3, v32;
	v3 =	vld [tilespmem:s22+$0x90]  }
0x549: {  	v59 =	vld [tilespmem:s22+$0xA0];
	[tilespmem:s22+$0x20] =	vst v1;
	v1 =	vmul.f32 v55, v32  }
0x54a: {  	v60 =	vld [tilespmem:s22+$0xB0];
	[tilespmem:s22+$0x30] =	vst v2;
	v2 =	vmul.f32 v56, v32  }
0x54b: {  	v61 =	vld [tilespmem:s22+$0xC0];
	[tilespmem:s22+$0x40] =	vst v1;
	v1 =	vmul.f32 v57, v32  }
0x54c: {  	v62 =	vld [tilespmem:s22+$0xD0];
	[tilespmem:s22+$0x50] =	vst v2;
	v2 =	vmul.f32 v58, v5  }
0x54d: {  	[tilespmem:s22+$0x60] =	vst v1;
	v1 =	vmul.f32 v3, v5;
	v3 =	vld [tilespmem:s22+$0xE0]  }
0x54e: {  	v63 =	vld [tilespmem:s22+$0xF0];
	[tilespmem:s22+$0x80] =	vst v2;
	v2 =	vmul.f32 v59, v5  }
0x54f: {  	[tilespmem:s22+$0x90] =	vst v1;
	v1 =	vmul.f32 v60, v5  }
0x550: {  	[tilespmem:s22+$0xA0] =	vst v2;
	v2 =	vmul.f32 v61, v5  }
0x551: {  	[tilespmem:s22+$0xB0] =	vst v1;
	v1 =	vmul.f32 v62, v5  }
.Ltmp15:
0x552: {  	[tilespmem:s22+$0xC0] =	vst v2;
	v2 =	vmul.f32 v3, v5;
	(pc) =	sbr.rel @p3 .LBB2_14-.Ltmp15, $4  }
0x553: {  	[tilespmem:s22+$0xD0] =	vst v1;
	v1 =	vmul.f32 v63, v5  }
0x554: {  	[tilespmem:s22+$0xE0] =	vst v2  }
0x555: {  	[tilespmem:s22+$0xF0] =	vst v1;
	s22 =	simm.s32 $0x13A00  }
0x556: {  	[spmem:s3] =	stream.indirect.scatter.add.f32 [tilespmem:s12], [sflag:$0xC], $0x80, s22, s29, $0xb8;
	[tilespmem:$0x1DE80] =	vst v63  }
0x557: {  	s1 =	rddreg [dreg:$0x16]  }
0x558: {  	s1 =	sadd.s32 s28, s1  }
0x559: {  	s1 =	sshrl.u32 s1, $0x3  }
0x55a: {  	s18 =	simm.s32 $0x13980;
	s9 =	sadd.s32 s7, s1  }
0x55b: {  	[tilespmem:s18], [sflag:$0x3] =	stream.linear.gather [hbm4b:s9+s4], $0x50, $0x38;
	[tilespmem:$0x1DE80] =	vst v63  }
.Ltmp16:
0x55c: {  	_ = 	snop;
	(pc) =	sbr.rel .LBB2_4-.Ltmp16, $4  }
0x55d: {  	s28 =	simm.s32 $0x13B80;
	s22 =	sadd.s32 s8, s1  }
0x55e: {  	[tilespmem:s28], [sflag:$0x3] =	stream.linear.gather [hbm4b:s22+s4], $0x50, $0x38;
	[tilespmem:$0x1DE80] =	vst v63  }
0x55f: {  	s25 =	sadd.s32 $0x1, s25;
	s1 =	sadd.s32 s2, s1  }
0x560: {  	[tilespmem:s20], [sflag:$0x3] =	stream.linear.gather [hbm4b:s1+s4], $0x50, $0x38;
	[tilespmem:$0x1DE80] =	vst v63  }
.LBB2_29:
0x561: {  	s18 =	simm.s32 $0xB  }
0x562: {  	_ =	swait.ge [sflag:s18], $0x2800  }
0x563: {  	s1 =	simm.s32 $0x0;
	[sflag:s18] =	ssyncset.done $0x0  }
0x564: {  	s9 =	simm.s32 $0x2;
	v1 =	vmov s1;
	[sflag:s18] =	ssyncadd.s32 $0xFFFFD800  }
0x565: {  	v2 =	vmov s9;
	v1 =	vand.u32 $0xFFFFFFFC, v1;
	_ =	swait.ge [sflag:s23], $0x2800  }
0x566: {  	v2 =	vand.u32 $0xFFFFFFFE, v2;
	v1 =	vbroadcast v1, $0x0;
	[sflag:s23] =	ssyncset.done $0x0  }
0x567: {  	v2 =	vbroadcast v2, $0x0;
	s18 =	simm.s32 $0x13F80;
	[sflag:s23] =	ssyncadd.s32 $0xFFFFD800  }
0x568: {  	v4 =	vld [tilespmem:s18+$0x70]  }
0x569: {  	v5 =	vld [tilespmem:s18+$0xFFFFFF00]  }
0x56a: {  	s19 =	simm.s32 $0x1;
	v6 =	vld [tilespmem:s18+$0xFFFFFF10]  }
0x56b: {  	v3 =	vmov s19;
	v7 =	vld [tilespmem:s18+$0xFFFFFF20]  }
0x56c: {  	v3 =	vand.u32 $0xFFFFFFFD, v3;
	v1 =	vld.idx.msk [tilespmem:v1+s15+$0x0], $0xffff  }
0x56d: {  	v3 =	vbroadcast v3, $0x0;
	v2 =	vld.idx.msk [tilespmem:v2+s15+$0x0], $0xffff  }
0x56e: {  	v8 =	vld [tilespmem:s18+$0xFFFFFF30]  }
0x56f: {  	v9 =	vld [tilespmem:s18+$0xFFFFFF40]  }
0x570: {  	v10 =	vld [tilespmem:s18+$0xFFFFFF50]  }
0x571: {  	v11 =	vld [tilespmem:s18+$0xFFFFFF60];
	v5 =	vmul.f32 v5, v1  }
0x572: {  	v13 =	vld [tilespmem:s18+$0x40];
	v4 =	vmul.f32 v4, v2  }
0x573: {  	v3 =	vld.idx.msk [tilespmem:v3+s15+$0x0], $0xffff;
	[tilespmem:s18+$0xFFFFFF00] =	vst v5;
	v5 =	vmul.f32 v6, v1  }
0x574: {  	v6 =	vld [tilespmem:s18+$0xFFFFFF70];
	[tilespmem:s18+$0x70] =	vst v4;
	v4 =	vmul.f32 v7, v1  }
0x575: {  	v7 =	vld [tilespmem:s18+$0xFFFFFF80];
	[tilespmem:s18+$0xFFFFFF10] =	vst v5;
	v5 =	vmul.f32 v8, v1  }
0x576: {  	v8 =	vld [tilespmem:s18+$0xFFFFFF90];
	[tilespmem:s18+$0xFFFFFF20] =	vst v4;
	v4 =	vmul.f32 v9, v1  }
0x577: {  	v9 =	vld [tilespmem:s18+$0xFFFFFFA0];
	[tilespmem:s18+$0xFFFFFF30] =	vst v5;
	v5 =	vmul.f32 v10, v1  }
0x578: {  	v10 =	vld [tilespmem:s18+$0xFFFFFFB0];
	[tilespmem:s18+$0xFFFFFF40] =	vst v4;
	v4 =	vmul.f32 v11, v1  }
0x579: {  	v11 =	vld [tilespmem:s18+$0xFFFFFFC0];
	v6 =	vmul.f32 v6, v1;
	[tilespmem:s18+$0xFFFFFF50] =	vst v5  }
0x57a: {  	v5 =	vmul.f32 v7, v3;
	v7 =	vld [tilespmem:s18+$0xFFFFFFD0];
	[tilespmem:s18+$0xFFFFFF60] =	vst v4  }
0x57b: {  	s22 =	simm.s32 $0x3;
	v4 =	vld [tilespmem:s18+$0xFFFFFFE0];
	v8 =	vmul.f32 v8, v3;
	[tilespmem:s18+$0xFFFFFF70] =	vst v6  }
0x57c: {  	v12 =	vmov s22;
	v6 =	vld [tilespmem:s18+$0xFFFFFFF0];
	[tilespmem:s18+$0xFFFFFF80] =	vst v5;
	v5 =	vmul.f32 v9, v3  }
0x57d: {  	v9 =	vld [tilespmem:s18+$0x0];
	[tilespmem:s18+$0xFFFFFF90] =	vst v8;
	v8 =	vmul.f32 v10, v3  }
0x57e: {  	v10 =	vld [tilespmem:s18+$0x10];
	[tilespmem:s18+$0xFFFFFFA0] =	vst v5;
	v5 =	vmul.f32 v11, v3  }
0x57f: {  	[tilespmem:s18+$0xFFFFFFB0] =	vst v8;
	v7 =	vmul.f32 v7, v3;
	v8 =	vld [tilespmem:s18+$0x20]  }
0x580: {  	v11 =	vld [tilespmem:s18+$0x30];
	v4 =	vmul.f32 v4, v3;
	[tilespmem:s18+$0xFFFFFFC0] =	vst v5  }
0x581: {  	v1 =	vld.idx.msk [tilespmem:v12+s15+$0x0], $0xffff;
	v3 =	vmul.f32 v6, v3;
	[tilespmem:s18+$0xFFFFFFD0] =	vst v7  }
0x582: {  	[tilespmem:s18+$0xFFFFFFE0] =	vst v4;
	v5 =	vmul.f32 v9, v2;
	v4 =	vld [tilespmem:s18+$0x50]  }
0x583: {  	s25 =	simm.s32 $0x4;
	[tilespmem:s18+$0xFFFFFFF0] =	vst v3;
	v6 =	vmul.f32 v10, v2;
	v3 =	vld [tilespmem:s18+$0x60]  }
0x584: {  	s28 =	simm.s32 $0x7;
	v7 =	vmov s25;
	[tilespmem:s18+$0x0] =	vst v5;
	v9 =	vmul.f32 v8, v2;
	v8 =	vld [tilespmem:s18+$0x80]  }
0x585: {  	s9 =	simm.s32 $0x5;
	v12 =	vand.u32 $0xFFFFFFFC, v7;
	v7 =	vld [tilespmem:s18+$0x90];
	v5 =	vmov s28;
	v10 =	vmul.f32 v11, v2;
	[tilespmem:s18+$0x10] =	vst v6  }
0x586: {  	s1 =	simm.s32 $0x6;
	s22 =	simm.s32 $0x8;
	s19 =	simm.s32 $0x13F80;
	v11 =	vmul.f32 v13, v2;
	v6 =	vbroadcast v12, $0x0;
	v12 =	vmov s9;
	[tilespmem:s18+$0x20] =	vst v9;
	v9 =	vld [tilespmem:s18+$0xA0]  }
.LBB2_30:
0x587: {  	p3 =	slt.u32 s22, $0x4C;
	v12 =	vand.u32 $0xFFFFFFFD, v12;
	v13 =	vmov s1;
	[tilespmem:s18+$0x30] =	vst v10;
	v4 =	vmul.f32 v4, v2;
	v10 =	vld [tilespmem:s18+$0xB0]  }
0x588: {  	v12 =	vbroadcast v12, $0x0;
	v13 =	vand.u32 $0xFFFFFFFE, v13;
	[tilespmem:s18+$0x40] =	vst v11;
	v2 =	vmul.f32 v3, v2;
	v3 =	vld [tilespmem:s18+$0xC0]  }
0x589: {  	v11 =	vbroadcast v13, $0x0;
	[tilespmem:s18+$0x50] =	vst v4;
	v4 =	vmul.f32 v8, v1;
	v8 =	vld [tilespmem:s18+$0xD0]  }
0x58a: {  	[tilespmem:s18+$0x60] =	vst v2;
	v2 =	vmul.f32 v7, v1;
	v7 =	vld [tilespmem:s18+$0xE0]  }
0x58b: {  	[tilespmem:s18+$0x80] =	vst v4;
	v4 =	vmul.f32 v9, v1;
	v9 =	vld [tilespmem:s18+$0xF0]  }
0x58c: {  	v5 =	vld.idx.msk [tilespmem:v5+s15+$0x0], $0xffff;
	[tilespmem:s18+$0x90] =	vst v2;
	v2 =	vmul.f32 v10, v1  }
0x58d: {  	v6 =	vld.idx.msk [tilespmem:v6+s15+$0x0], $0xffff;
	[tilespmem:s18+$0xA0] =	vst v4;
	v3 =	vmul.f32 v3, v1  }
0x58e: {  	v4 =	vld.idx.msk [tilespmem:v12+s15+$0x0], $0xffff;
	[tilespmem:s18+$0xB0] =	vst v2;
	v8 =	vmul.f32 v8, v1  }
0x58f: {  	s18 =	sadd.s32 $0x200, s18;
	v2 =	vld.idx.msk [tilespmem:v11+s15+$0x0], $0xffff;
	[tilespmem:s19+$0xC0] =	vst v3;
	v3 =	vmul.f32 v7, v1  }
0x590: {  	v7 =	vld [tilespmem:s18+$0x70];
	[tilespmem:s19+$0xD0] =	vst v8;
	v9 =	vmul.f32 v9, v1  }
0x591: {  	v8 =	vld [tilespmem:s18+$0xFFFFFF00];
	[tilespmem:s19+$0xE0] =	vst v3  }
0x592: {  	v1 =	vmov v5;
	v3 =	vld [tilespmem:s18+$0xFFFFFF10];
	[tilespmem:s19+$0xF0] =	vst v9;
	s19 =	smov.u32 s18  }
0x593: {  	v5 =	vld [tilespmem:s18+$0xFFFFFF20]  }
0x594: {  	v9 =	vld [tilespmem:s18+$0xFFFFFF30]  }
0x595: {  	v10 =	vld [tilespmem:s18+$0xFFFFFF40];
	v7 =	vmul.f32 v7, v2  }
0x596: {  	v8 =	vmul.f32 v8, v6;
	v11 =	vld [tilespmem:s18+$0xFFFFFF50]  }
0x597: {  	v3 =	vmul.f32 v3, v6;
	v12 =	vld [tilespmem:s18+$0xFFFFFF60];
	[tilespmem:s18+$0x70] =	vst v7  }
0x598: {  	[tilespmem:s18+$0xFFFFFF00] =	vst v8;
	v5 =	vmul.f32 v5, v6;
	v7 =	vld [tilespmem:s18+$0xFFFFFF70]  }
0x599: {  	[tilespmem:s18+$0xFFFFFF10] =	vst v3;
	v3 =	vmul.f32 v9, v6;
	v8 =	vld [tilespmem:s18+$0xFFFFFF80]  }
0x59a: {  	[tilespmem:s18+$0xFFFFFF20] =	vst v5;
	v5 =	vmul.f32 v10, v6;
	v9 =	vld [tilespmem:s18+$0xFFFFFF90]  }
0x59b: {  	[tilespmem:s18+$0xFFFFFF30] =	vst v3;
	v3 =	vmul.f32 v11, v6;
	v10 =	vld [tilespmem:s18+$0xFFFFFFA0]  }
0x59c: {  	[tilespmem:s18+$0xFFFFFF40] =	vst v5;
	v5 =	vmul.f32 v12, v6;
	v11 =	vld [tilespmem:s18+$0xFFFFFFB0]  }
0x59d: {  	[tilespmem:s18+$0xFFFFFF50] =	vst v3;
	v3 =	vmul.f32 v7, v6;
	v6 =	vld [tilespmem:s18+$0xFFFFFFC0]  }
0x59e: {  	[tilespmem:s18+$0xFFFFFF60] =	vst v5;
	v5 =	vmul.f32 v8, v4;
	v7 =	vld [tilespmem:s18+$0xFFFFFFD0]  }
0x59f: {  	[tilespmem:s18+$0xFFFFFF70] =	vst v3;
	v3 =	vmul.f32 v9, v4;
	v8 =	vld [tilespmem:s18+$0xFFFFFFE0]  }
0x5a0: {  	[tilespmem:s18+$0xFFFFFF80] =	vst v5;
	v5 =	vmul.f32 v10, v4;
	v9 =	vld [tilespmem:s18+$0xFFFFFFF0]  }
0x5a1: {  	[tilespmem:s18+$0xFFFFFF90] =	vst v3;
	v3 =	vmul.f32 v11, v4;
	v10 =	vld [tilespmem:s18+$0x0]  }
0x5a2: {  	[tilespmem:s18+$0xFFFFFFA0] =	vst v5;
	v5 =	vmul.f32 v6, v4;
	v6 =	vld [tilespmem:s18+$0x10]  }
0x5a3: {  	[tilespmem:s18+$0xFFFFFFB0] =	vst v3;
	v3 =	vmul.f32 v7, v4;
	v7 =	vld [tilespmem:s18+$0x20]  }
0x5a4: {  	[tilespmem:s18+$0xFFFFFFC0] =	vst v5;
	v5 =	vmul.f32 v8, v4;
	v11 =	vld [tilespmem:s18+$0x30]  }
0x5a5: {  	[tilespmem:s18+$0xFFFFFFD0] =	vst v3;
	v3 =	vmul.f32 v9, v4;
	v9 =	vld [tilespmem:s18+$0x40]  }
.Ltmp17:
0x5a6: {  	[tilespmem:s18+$0xFFFFFFE0] =	vst v5;
	v5 =	vmul.f32 v10, v2;
	v4 =	vld [tilespmem:s18+$0x50];
	(pc) =	sbr.rel @p3 .LBB2_30-.Ltmp17, $4  }
0x5a7: {  	[tilespmem:s18+$0xFFFFFFF0] =	vst v3;
	v6 =	vmul.f32 v6, v2;
	v3 =	vld [tilespmem:s18+$0x60]  }
0x5a8: {  	s1 =	sadd.s32 $0x3, s22;
	v10 =	vmov s22;
	[tilespmem:s18+$0x0] =	vst v5;
	v13 =	vmul.f32 v7, v2;
	v8 =	vld [tilespmem:s18+$0x80]  }
0x5a9: {  	s9 =	sadd.s32 $0x1, s22;
	v12 =	vand.u32 $0xFFFFFFFC, v10;
	v5 =	vmov s1;
	[tilespmem:s18+$0x10] =	vst v6;
	v10 =	vmul.f32 v11, v2;
	v7 =	vld [tilespmem:s18+$0x90]  }
0x5aa: {  	s1 =	sadd.s32 $0x2, s22;
	s22 =	sadd.s32 $0x4, s22;
	v6 =	vbroadcast v12, $0x0;
	v12 =	vmov s9;
	[tilespmem:s18+$0x20] =	vst v13;
	v11 =	vmul.f32 v9, v2;
	v9 =	vld [tilespmem:s18+$0xA0]  }
0x5ab: {  	v13 =	vld [tilespmem:s18+$0xB0]  }
0x5ac: {  	v15 =	vld [tilespmem:s18+$0xC0]  }
0x5ad: {  	v16 =	vld [tilespmem:s18+$0xD0]  }
0x5ae: {  	v17 =	vld [tilespmem:s18+$0xE0]  }
0x5af: {  	v29 =	vld [tilespmem:s18+$0xF0];
	[tilespmem:s18+$0x30] =	vst v10;
	v4 =	vmul.f32 v4, v2  }
0x5b0: {  	v5 =	vld.idx.msk [tilespmem:v5+s15+$0x0], $0xffff;
	[tilespmem:s18+$0x40] =	vst v11;
	v2 =	vmul.f32 v3, v2  }
0x5b1: {  	s22 =	sadd.s32 $0x200, s18;
	v3 =	vld.idx.msk [tilespmem:v6+s15+$0x0], $0xffff;
	v8 =	vmul.f32 v8, v1;
	[tilespmem:s18+$0x50] =	vst v4  }
0x5b2: {  	v14 =	vmov s1;
	v34 =	vld [tilespmem:s22+$0x70];
	v30 =	vmul.f32 v7, v1;
	[tilespmem:s18+$0x60] =	vst v2  }
0x5b3: {  	v14 =	vand.u32 $0xFFFFFFFE, v14;
	v35 =	vld [tilespmem:s22+$0xFFFFFF00];
	[tilespmem:s18+$0x80] =	vst v8;
	v2 =	vmul.f32 v9, v1  }
0x5b4: {  	v37 =	vld [tilespmem:s22+$0xFFFFFF10];
	v14 =	vbroadcast v14, $0x0;
	[tilespmem:s18+$0x90] =	vst v30;
	v33 =	vmul.f32 v13, v1  }
0x5b5: {  	v38 =	vld [tilespmem:s22+$0xFFFFFF20];
	[tilespmem:s18+$0xA0] =	vst v2;
	v2 =	vmul.f32 v15, v1  }
0x5b6: {  	v12 =	vand.u32 $0xFFFFFFFD, v12;
	v39 =	vld [tilespmem:s22+$0xFFFFFF30];
	v36 =	vmul.f32 v16, v1;
	[tilespmem:s18+$0xB0] =	vst v33  }
0x5b7: {  	v12 =	vbroadcast v12, $0x0;
	v41 =	vld [tilespmem:s22+$0xFFFFFF50];
	[tilespmem:s19+$0xC0] =	vst v2;
	v2 =	vmul.f32 v17, v1  }
0x5b8: {  	v43 =	vld [tilespmem:s22+$0xFFFFFF60];
	[tilespmem:s19+$0xD0] =	vst v36;
	v1 =	vmul.f32 v29, v1  }
0x5b9: {  	v42 =	vmul.f32 v37, v3;
	[tilespmem:s19+$0xE0] =	vst v2;
	v2 =	vld [tilespmem:s22+$0xFFFFFF40]  }
0x5ba: {  	v32 =	vld.idx.msk [tilespmem:v14+s15+$0x0], $0xffff;
	[tilespmem:s19+$0xF0] =	vst v1;
	v1 =	vmul.f32 v35, v3  }
0x5bb: {  	v44 =	vld [tilespmem:s22+$0xFFFFFF70];
	v4 =	vmul.f32 v39, v3;
	[tilespmem:s22+$0xFFFFFF10] =	vst v42  }
0x5bc: {  	v45 =	vld [tilespmem:s22+$0xFFFFFF80];
	[tilespmem:s22+$0xFFFFFF00] =	vst v1;
	v1 =	vmul.f32 v38, v3  }
0x5bd: {  	v46 =	vmul.f32 v41, v3;
	v31 =	vld.idx.msk [tilespmem:v12+s15+$0x0], $0xffff;
	[tilespmem:s22+$0xFFFFFF30] =	vst v4  }
0x5be: {  	[tilespmem:s22+$0xFFFFFF20] =	vst v1;
	v1 =	vmul.f32 v2, v3;
	v2 =	vld [tilespmem:s22+$0xFFFFFF90]  }
0x5bf: {  	v47 =	vld [tilespmem:s22+$0xFFFFFFA0];
	[tilespmem:s22+$0xFFFFFF50] =	vst v46;
	v40 =	vmul.f32 v34, v32  }
0x5c0: {  	v48 =	vld [tilespmem:s22+$0xFFFFFFB0];
	[tilespmem:s22+$0xFFFFFF40] =	vst v1;
	v1 =	vmul.f32 v43, v3  }
0x5c1: {  	v49 =	vld [tilespmem:s22+$0xFFFFFFC0];
	[tilespmem:s22+$0x70] =	vst v40;
	v3 =	vmul.f32 v44, v3  }
0x5c2: {  	v50 =	vld [tilespmem:s22+$0xFFFFFFD0];
	[tilespmem:s22+$0xFFFFFF60] =	vst v1;
	v1 =	vmul.f32 v45, v31  }
0x5c3: {  	[tilespmem:s22+$0xFFFFFF70] =	vst v3;
	v3 =	vld [tilespmem:s22+$0xFFFFFFE0];
	v2 =	vmul.f32 v2, v31  }
0x5c4: {  	v51 =	vld [tilespmem:s22+$0xFFFFFFF0];
	[tilespmem:s22+$0xFFFFFF80] =	vst v1;
	v1 =	vmul.f32 v47, v31  }
0x5c5: {  	v52 =	vld [tilespmem:s22+$0x0];
	[tilespmem:s22+$0xFFFFFF90] =	vst v2;
	v2 =	vmul.f32 v48, v31  }
0x5c6: {  	v53 =	vld [tilespmem:s22+$0x10];
	[tilespmem:s22+$0xFFFFFFA0] =	vst v1;
	v1 =	vmul.f32 v49, v31  }
0x5c7: {  	v54 =	vld [tilespmem:s22+$0x20];
	[tilespmem:s22+$0xFFFFFFB0] =	vst v2;
	v2 =	vmul.f32 v50, v31  }
0x5c8: {  	[tilespmem:s22+$0xFFFFFFC0] =	vst v1;
	v1 =	vmul.f32 v3, v31;
	v3 =	vld [tilespmem:s22+$0x30]  }
0x5c9: {  	v55 =	vld [tilespmem:s22+$0x40];
	[tilespmem:s22+$0xFFFFFFD0] =	vst v2;
	v2 =	vmul.f32 v51, v31  }
0x5ca: {  	v56 =	vld [tilespmem:s22+$0x50];
	[tilespmem:s22+$0xFFFFFFE0] =	vst v1;
	v1 =	vmul.f32 v52, v32  }
0x5cb: {  	v57 =	vld [tilespmem:s22+$0x60];
	[tilespmem:s22+$0xFFFFFFF0] =	vst v2;
	v2 =	vmul.f32 v53, v32  }
0x5cc: {  	v58 =	vld [tilespmem:s22+$0x80];
	[tilespmem:s22+$0x0] =	vst v1;
	v1 =	vmul.f32 v54, v32  }
0x5cd: {  	[tilespmem:s22+$0x10] =	vst v2;
	v2 =	vmul.f32 v3, v32;
	v3 =	vld [tilespmem:s22+$0x90]  }
0x5ce: {  	v59 =	vld [tilespmem:s22+$0xA0];
	[tilespmem:s22+$0x20] =	vst v1;
	v1 =	vmul.f32 v55, v32  }
0x5cf: {  	v60 =	vld [tilespmem:s22+$0xB0];
	[tilespmem:s22+$0x30] =	vst v2;
	v2 =	vmul.f32 v56, v32  }
0x5d0: {  	v61 =	vld [tilespmem:s22+$0xC0];
	[tilespmem:s22+$0x40] =	vst v1;
	v1 =	vmul.f32 v57, v32  }
0x5d1: {  	v62 =	vld [tilespmem:s22+$0xD0];
	[tilespmem:s22+$0x50] =	vst v2;
	v2 =	vmul.f32 v58, v5  }
0x5d2: {  	[tilespmem:s22+$0x60] =	vst v1;
	v1 =	vmul.f32 v3, v5;
	v3 =	vld [tilespmem:s22+$0xE0]  }
0x5d3: {  	v63 =	vld [tilespmem:s22+$0xF0];
	[tilespmem:s22+$0x80] =	vst v2;
	v2 =	vmul.f32 v59, v5  }
0x5d4: {  	[tilespmem:s22+$0x90] =	vst v1;
	v1 =	vmul.f32 v60, v5  }
0x5d5: {  	[tilespmem:s22+$0xA0] =	vst v2;
	v2 =	vmul.f32 v61, v5  }
0x5d6: {  	[tilespmem:s22+$0xB0] =	vst v1;
	v1 =	vmul.f32 v62, v5  }
0x5d7: {  	[tilespmem:s22+$0xC0] =	vst v2;
	v2 =	vmul.f32 v3, v5  }
0x5d8: {  	[tilespmem:s22+$0xD0] =	vst v1;
	v1 =	vmul.f32 v63, v5  }
0x5d9: {  	[tilespmem:s22+$0xE0] =	vst v2  }
0x5da: {  	s19 =	simm.s32 $0xC;
	[tilespmem:s22+$0xF0] =	vst v1  }
0x5db: {  	[spmem:s3] =	stream.indirect.scatter.add.f32 [tilespmem:s5], [sflag:$0x9], $0x80, s13, s29, $0xb8;
	[tilespmem:$0x1DE80] =	vst v63  }
0x5dc: {  	_ =	swait.ge [sflag:s19], $0x2800  }
0x5dd: {  	[sflag:s19] =	ssyncset.done $0x0  }
0x5de: {  	[sflag:s19] =	ssyncadd.s32 $0xFFFFD800  }
0x5df: {  	_ =	swait.ge [sflag:s31], $0x2800  }
0x5e0: {  	[sflag:s31] =	ssyncset.done $0x0  }
0x5e1: {  	[sflag:s31] =	ssyncadd.s32 $0xFFFFD800  }
0x5e2: {  	s22 =	stileid.u32;
	[bflag:$0x0] =	sbarrier.arrive $0xFFFF  }
0x5e3: {  	s1 =	sshll.u32 s22, $0x6;
	s22 =	rddreg [dreg:$0x7]  }
0x5e4: {  	s18 =	sor.u32 $0x1C0D, s1;
	s9 =	rddreg [dreg:$0x13];
	s25 =	sshrl.u32 s22, $0x3  }
0x5e5: {  	[hbm:s9], [sflag:s18] =	dma.local [spmem:s25], $0x2700  }
.Ltmp18:
0x5e6: {  	_ = 	snop;
	(pc) =	sbr.rel @p1 .LBB2_33-.Ltmp18, $4  }
.Ltmp19:
0x5e7: {  	s25 =	simm.s32 $0xD;
	(pc) =	sbr.rel @!p1 .LBB2_32-.Ltmp19, $4  }
0x5e8: {  	_ =	swait.ge [sflag:s25], $0x2700  }
0x5e9: {  	[sflag:s25] =	ssyncset.done $0x0;
	s19 =	sld [smem:$0x7FD]  }
0x5ea: {  	s28 =	simm.s32 $0x13B80;
	s1 =	rddreg [dreg:$0x6];
	[sflag:s25] =	ssyncadd.s32 $0xFFFFD900  }
0x5eb: {  	_ = 	snop  }
.LBB2_14:
0x5ec: {  	s18 =	simm.s32 $0xB  }
0x5ed: {  	_ =	swait.ge [sflag:s18], $0x2800  }
0x5ee: {  	s1 =	simm.s32 $0x0;
	[sflag:s18] =	ssyncset.done $0x0  }
0x5ef: {  	s9 =	simm.s32 $0x2;
	v1 =	vmov s1;
	[sflag:s18] =	ssyncadd.s32 $0xFFFFD800  }
0x5f0: {  	v2 =	vmov s9;
	v1 =	vand.u32 $0xFFFFFFFC, v1;
	_ =	swait.ge [sflag:s23], $0x2800  }
0x5f1: {  	v2 =	vand.u32 $0xFFFFFFFE, v2;
	v1 =	vbroadcast v1, $0x0;
	[sflag:s23] =	ssyncset.done $0x0  }
0x5f2: {  	v2 =	vbroadcast v2, $0x0;
	s18 =	simm.s32 $0x13F80;
	[sflag:s23] =	ssyncadd.s32 $0xFFFFD800  }
0x5f3: {  	v4 =	vld [tilespmem:s18+$0x70]  }
0x5f4: {  	v5 =	vld [tilespmem:s18+$0xFFFFFF00]  }
0x5f5: {  	s19 =	simm.s32 $0x1;
	v6 =	vld [tilespmem:s18+$0xFFFFFF10]  }
0x5f6: {  	v3 =	vmov s19;
	v7 =	vld [tilespmem:s18+$0xFFFFFF20]  }
0x5f7: {  	v3 =	vand.u32 $0xFFFFFFFD, v3;
	v1 =	vld.idx.msk [tilespmem:v1+s15+$0x0], $0xffff  }
0x5f8: {  	v3 =	vbroadcast v3, $0x0;
	v2 =	vld.idx.msk [tilespmem:v2+s15+$0x0], $0xffff  }
0x5f9: {  	v8 =	vld [tilespmem:s18+$0xFFFFFF30]  }
0x5fa: {  	v9 =	vld [tilespmem:s18+$0xFFFFFF40]  }
0x5fb: {  	v10 =	vld [tilespmem:s18+$0xFFFFFF50]  }
0x5fc: {  	v11 =	vld [tilespmem:s18+$0xFFFFFF60];
	v5 =	vmul.f32 v5, v1  }
0x5fd: {  	v13 =	vld [tilespmem:s18+$0x40];
	v4 =	vmul.f32 v4, v2  }
0x5fe: {  	v3 =	vld.idx.msk [tilespmem:v3+s15+$0x0], $0xffff;
	[tilespmem:s18+$0xFFFFFF00] =	vst v5;
	v5 =	vmul.f32 v6, v1  }
0x5ff: {  	v6 =	vld [tilespmem:s18+$0xFFFFFF70];
	[tilespmem:s18+$0x70] =	vst v4;
	v4 =	vmul.f32 v7, v1  }
0x600: {  	v7 =	vld [tilespmem:s18+$0xFFFFFF80];
	[tilespmem:s18+$0xFFFFFF10] =	vst v5;
	v5 =	vmul.f32 v8, v1  }
0x601: {  	v8 =	vld [tilespmem:s18+$0xFFFFFF90];
	[tilespmem:s18+$0xFFFFFF20] =	vst v4;
	v4 =	vmul.f32 v9, v1  }
0x602: {  	v9 =	vld [tilespmem:s18+$0xFFFFFFA0];
	[tilespmem:s18+$0xFFFFFF30] =	vst v5;
	v5 =	vmul.f32 v10, v1  }
0x603: {  	v10 =	vld [tilespmem:s18+$0xFFFFFFB0];
	[tilespmem:s18+$0xFFFFFF40] =	vst v4;
	v4 =	vmul.f32 v11, v1  }
0x604: {  	v11 =	vld [tilespmem:s18+$0xFFFFFFC0];
	v6 =	vmul.f32 v6, v1;
	[tilespmem:s18+$0xFFFFFF50] =	vst v5  }
0x605: {  	v5 =	vmul.f32 v7, v3;
	v7 =	vld [tilespmem:s18+$0xFFFFFFD0];
	[tilespmem:s18+$0xFFFFFF60] =	vst v4  }
0x606: {  	s22 =	simm.s32 $0x3;
	v4 =	vld [tilespmem:s18+$0xFFFFFFE0];
	v8 =	vmul.f32 v8, v3;
	[tilespmem:s18+$0xFFFFFF70] =	vst v6  }
0x607: {  	v12 =	vmov s22;
	v6 =	vld [tilespmem:s18+$0xFFFFFFF0];
	[tilespmem:s18+$0xFFFFFF80] =	vst v5;
	v5 =	vmul.f32 v9, v3  }
0x608: {  	v9 =	vld [tilespmem:s18+$0x0];
	[tilespmem:s18+$0xFFFFFF90] =	vst v8;
	v8 =	vmul.f32 v10, v3  }
0x609: {  	v10 =	vld [tilespmem:s18+$0x10];
	[tilespmem:s18+$0xFFFFFFA0] =	vst v5;
	v5 =	vmul.f32 v11, v3  }
0x60a: {  	[tilespmem:s18+$0xFFFFFFB0] =	vst v8;
	v7 =	vmul.f32 v7, v3;
	v8 =	vld [tilespmem:s18+$0x20]  }
0x60b: {  	v11 =	vld [tilespmem:s18+$0x30];
	v4 =	vmul.f32 v4, v3;
	[tilespmem:s18+$0xFFFFFFC0] =	vst v5  }
0x60c: {  	v1 =	vld.idx.msk [tilespmem:v12+s15+$0x0], $0xffff;
	v3 =	vmul.f32 v6, v3;
	[tilespmem:s18+$0xFFFFFFD0] =	vst v7  }
0x60d: {  	[tilespmem:s18+$0xFFFFFFE0] =	vst v4;
	v5 =	vmul.f32 v9, v2;
	v4 =	vld [tilespmem:s18+$0x50]  }
0x60e: {  	s25 =	simm.s32 $0x4;
	[tilespmem:s18+$0xFFFFFFF0] =	vst v3;
	v6 =	vmul.f32 v10, v2;
	v3 =	vld [tilespmem:s18+$0x60]  }
0x60f: {  	s28 =	simm.s32 $0x7;
	v7 =	vmov s25;
	[tilespmem:s18+$0x0] =	vst v5;
	v9 =	vmul.f32 v8, v2;
	v8 =	vld [tilespmem:s18+$0x80]  }
0x610: {  	s9 =	simm.s32 $0x5;
	v12 =	vand.u32 $0xFFFFFFFC, v7;
	v7 =	vld [tilespmem:s18+$0x90];
	v5 =	vmov s28;
	v10 =	vmul.f32 v11, v2;
	[tilespmem:s18+$0x10] =	vst v6  }
0x611: {  	s1 =	simm.s32 $0x6;
	s22 =	simm.s32 $0x8;
	s19 =	simm.s32 $0x13F80;
	v11 =	vmul.f32 v13, v2;
	v6 =	vbroadcast v12, $0x0;
	v12 =	vmov s9;
	[tilespmem:s18+$0x20] =	vst v9;
	v9 =	vld [tilespmem:s18+$0xA0]  }
.LBB2_15:
0x612: {  	p3 =	slt.u32 s22, $0x4C;
	v12 =	vand.u32 $0xFFFFFFFD, v12;
	v13 =	vmov s1;
	[tilespmem:s18+$0x30] =	vst v10;
	v4 =	vmul.f32 v4, v2;
	v10 =	vld [tilespmem:s18+$0xB0]  }
0x613: {  	v12 =	vbroadcast v12, $0x0;
	v13 =	vand.u32 $0xFFFFFFFE, v13;
	[tilespmem:s18+$0x40] =	vst v11;
	v2 =	vmul.f32 v3, v2;
	v3 =	vld [tilespmem:s18+$0xC0]  }
0x614: {  	v11 =	vbroadcast v13, $0x0;
	[tilespmem:s18+$0x50] =	vst v4;
	v4 =	vmul.f32 v8, v1;
	v8 =	vld [tilespmem:s18+$0xD0]  }
0x615: {  	[tilespmem:s18+$0x60] =	vst v2;
	v2 =	vmul.f32 v7, v1;
	v7 =	vld [tilespmem:s18+$0xE0]  }
0x616: {  	[tilespmem:s18+$0x80] =	vst v4;
	v4 =	vmul.f32 v9, v1;
	v9 =	vld [tilespmem:s18+$0xF0]  }
0x617: {  	v5 =	vld.idx.msk [tilespmem:v5+s15+$0x0], $0xffff;
	[tilespmem:s18+$0x90] =	vst v2;
	v2 =	vmul.f32 v10, v1  }
0x618: {  	v6 =	vld.idx.msk [tilespmem:v6+s15+$0x0], $0xffff;
	[tilespmem:s18+$0xA0] =	vst v4;
	v3 =	vmul.f32 v3, v1  }
0x619: {  	v4 =	vld.idx.msk [tilespmem:v12+s15+$0x0], $0xffff;
	[tilespmem:s18+$0xB0] =	vst v2;
	v8 =	vmul.f32 v8, v1  }
0x61a: {  	s18 =	sadd.s32 $0x200, s18;
	v2 =	vld.idx.msk [tilespmem:v11+s15+$0x0], $0xffff;
	[tilespmem:s19+$0xC0] =	vst v3;
	v3 =	vmul.f32 v7, v1  }
0x61b: {  	v7 =	vld [tilespmem:s18+$0x70];
	[tilespmem:s19+$0xD0] =	vst v8;
	v9 =	vmul.f32 v9, v1  }
0x61c: {  	v8 =	vld [tilespmem:s18+$0xFFFFFF00];
	[tilespmem:s19+$0xE0] =	vst v3  }
0x61d: {  	v1 =	vmov v5;
	v3 =	vld [tilespmem:s18+$0xFFFFFF10];
	[tilespmem:s19+$0xF0] =	vst v9;
	s19 =	smov.u32 s18  }
0x61e: {  	v5 =	vld [tilespmem:s18+$0xFFFFFF20]  }
0x61f: {  	v9 =	vld [tilespmem:s18+$0xFFFFFF30]  }
0x620: {  	v10 =	vld [tilespmem:s18+$0xFFFFFF40];
	v7 =	vmul.f32 v7, v2  }
0x621: {  	v8 =	vmul.f32 v8, v6;
	v11 =	vld [tilespmem:s18+$0xFFFFFF50]  }
0x622: {  	v3 =	vmul.f32 v3, v6;
	v12 =	vld [tilespmem:s18+$0xFFFFFF60];
	[tilespmem:s18+$0x70] =	vst v7  }
0x623: {  	[tilespmem:s18+$0xFFFFFF00] =	vst v8;
	v5 =	vmul.f32 v5, v6;
	v7 =	vld [tilespmem:s18+$0xFFFFFF70]  }
0x624: {  	[tilespmem:s18+$0xFFFFFF10] =	vst v3;
	v3 =	vmul.f32 v9, v6;
	v8 =	vld [tilespmem:s18+$0xFFFFFF80]  }
0x625: {  	[tilespmem:s18+$0xFFFFFF20] =	vst v5;
	v5 =	vmul.f32 v10, v6;
	v9 =	vld [tilespmem:s18+$0xFFFFFF90]  }
0x626: {  	[tilespmem:s18+$0xFFFFFF30] =	vst v3;
	v3 =	vmul.f32 v11, v6;
	v10 =	vld [tilespmem:s18+$0xFFFFFFA0]  }
0x627: {  	[tilespmem:s18+$0xFFFFFF40] =	vst v5;
	v5 =	vmul.f32 v12, v6;
	v11 =	vld [tilespmem:s18+$0xFFFFFFB0]  }
0x628: {  	[tilespmem:s18+$0xFFFFFF50] =	vst v3;
	v3 =	vmul.f32 v7, v6;
	v6 =	vld [tilespmem:s18+$0xFFFFFFC0]  }
0x629: {  	[tilespmem:s18+$0xFFFFFF60] =	vst v5;
	v5 =	vmul.f32 v8, v4;
	v7 =	vld [tilespmem:s18+$0xFFFFFFD0]  }
0x62a: {  	[tilespmem:s18+$0xFFFFFF70] =	vst v3;
	v3 =	vmul.f32 v9, v4;
	v8 =	vld [tilespmem:s18+$0xFFFFFFE0]  }
0x62b: {  	[tilespmem:s18+$0xFFFFFF80] =	vst v5;
	v5 =	vmul.f32 v10, v4;
	v9 =	vld [tilespmem:s18+$0xFFFFFFF0]  }
0x62c: {  	[tilespmem:s18+$0xFFFFFF90] =	vst v3;
	v3 =	vmul.f32 v11, v4;
	v10 =	vld [tilespmem:s18+$0x0]  }
0x62d: {  	[tilespmem:s18+$0xFFFFFFA0] =	vst v5;
	v5 =	vmul.f32 v6, v4;
	v6 =	vld [tilespmem:s18+$0x10]  }
0x62e: {  	[tilespmem:s18+$0xFFFFFFB0] =	vst v3;
	v3 =	vmul.f32 v7, v4;
	v7 =	vld [tilespmem:s18+$0x20]  }
0x62f: {  	[tilespmem:s18+$0xFFFFFFC0] =	vst v5;
	v5 =	vmul.f32 v8, v4;
	v11 =	vld [tilespmem:s18+$0x30]  }
0x630: {  	[tilespmem:s18+$0xFFFFFFD0] =	vst v3;
	v3 =	vmul.f32 v9, v4;
	v9 =	vld [tilespmem:s18+$0x40]  }
.Ltmp20:
0x631: {  	[tilespmem:s18+$0xFFFFFFE0] =	vst v5;
	v5 =	vmul.f32 v10, v2;
	v4 =	vld [tilespmem:s18+$0x50];
	(pc) =	sbr.rel @p3 .LBB2_15-.Ltmp20, $4  }
0x632: {  	[tilespmem:s18+$0xFFFFFFF0] =	vst v3;
	v6 =	vmul.f32 v6, v2;
	v3 =	vld [tilespmem:s18+$0x60]  }
0x633: {  	s1 =	sadd.s32 $0x3, s22;
	v10 =	vmov s22;
	[tilespmem:s18+$0x0] =	vst v5;
	v13 =	vmul.f32 v7, v2;
	v8 =	vld [tilespmem:s18+$0x80]  }
0x634: {  	s9 =	sadd.s32 $0x1, s22;
	v12 =	vand.u32 $0xFFFFFFFC, v10;
	v5 =	vmov s1;
	[tilespmem:s18+$0x10] =	vst v6;
	v10 =	vmul.f32 v11, v2;
	v7 =	vld [tilespmem:s18+$0x90]  }
0x635: {  	s1 =	sadd.s32 $0x2, s22;
	s22 =	sadd.s32 $0x4, s22;
	v6 =	vbroadcast v12, $0x0;
	v12 =	vmov s9;
	[tilespmem:s18+$0x20] =	vst v13;
	v11 =	vmul.f32 v9, v2;
	v9 =	vld [tilespmem:s18+$0xA0]  }
0x636: {  	v13 =	vld [tilespmem:s18+$0xB0]  }
0x637: {  	v15 =	vld [tilespmem:s18+$0xC0]  }
0x638: {  	v16 =	vld [tilespmem:s18+$0xD0]  }
0x639: {  	v17 =	vld [tilespmem:s18+$0xE0]  }
0x63a: {  	v29 =	vld [tilespmem:s18+$0xF0];
	[tilespmem:s18+$0x30] =	vst v10;
	v4 =	vmul.f32 v4, v2  }
0x63b: {  	v5 =	vld.idx.msk [tilespmem:v5+s15+$0x0], $0xffff;
	[tilespmem:s18+$0x40] =	vst v11;
	v2 =	vmul.f32 v3, v2  }
0x63c: {  	s22 =	sadd.s32 $0x200, s18;
	v3 =	vld.idx.msk [tilespmem:v6+s15+$0x0], $0xffff;
	v8 =	vmul.f32 v8, v1;
	[tilespmem:s18+$0x50] =	vst v4  }
0x63d: {  	v14 =	vmov s1;
	v34 =	vld [tilespmem:s22+$0x70];
	v30 =	vmul.f32 v7, v1;
	[tilespmem:s18+$0x60] =	vst v2  }
0x63e: {  	v14 =	vand.u32 $0xFFFFFFFE, v14;
	v35 =	vld [tilespmem:s22+$0xFFFFFF00];
	[tilespmem:s18+$0x80] =	vst v8;
	v2 =	vmul.f32 v9, v1  }
0x63f: {  	v37 =	vld [tilespmem:s22+$0xFFFFFF10];
	v14 =	vbroadcast v14, $0x0;
	[tilespmem:s18+$0x90] =	vst v30;
	v33 =	vmul.f32 v13, v1  }
0x640: {  	v38 =	vld [tilespmem:s22+$0xFFFFFF20];
	[tilespmem:s18+$0xA0] =	vst v2;
	v2 =	vmul.f32 v15, v1  }
0x641: {  	v12 =	vand.u32 $0xFFFFFFFD, v12;
	v39 =	vld [tilespmem:s22+$0xFFFFFF30];
	v36 =	vmul.f32 v16, v1;
	[tilespmem:s18+$0xB0] =	vst v33  }
0x642: {  	v12 =	vbroadcast v12, $0x0;
	v41 =	vld [tilespmem:s22+$0xFFFFFF50];
	[tilespmem:s19+$0xC0] =	vst v2;
	v2 =	vmul.f32 v17, v1  }
0x643: {  	v43 =	vld [tilespmem:s22+$0xFFFFFF60];
	[tilespmem:s19+$0xD0] =	vst v36;
	v1 =	vmul.f32 v29, v1  }
0x644: {  	v42 =	vmul.f32 v37, v3;
	[tilespmem:s19+$0xE0] =	vst v2;
	v2 =	vld [tilespmem:s22+$0xFFFFFF40]  }
0x645: {  	v32 =	vld.idx.msk [tilespmem:v14+s15+$0x0], $0xffff;
	[tilespmem:s19+$0xF0] =	vst v1;
	v1 =	vmul.f32 v35, v3  }
0x646: {  	v44 =	vld [tilespmem:s22+$0xFFFFFF70];
	v4 =	vmul.f32 v39, v3;
	[tilespmem:s22+$0xFFFFFF10] =	vst v42  }
0x647: {  	v45 =	vld [tilespmem:s22+$0xFFFFFF80];
	[tilespmem:s22+$0xFFFFFF00] =	vst v1;
	v1 =	vmul.f32 v38, v3  }
0x648: {  	v46 =	vmul.f32 v41, v3;
	v31 =	vld.idx.msk [tilespmem:v12+s15+$0x0], $0xffff;
	[tilespmem:s22+$0xFFFFFF30] =	vst v4  }
0x649: {  	[tilespmem:s22+$0xFFFFFF20] =	vst v1;
	v1 =	vmul.f32 v2, v3;
	v2 =	vld [tilespmem:s22+$0xFFFFFF90]  }
0x64a: {  	v47 =	vld [tilespmem:s22+$0xFFFFFFA0];
	[tilespmem:s22+$0xFFFFFF50] =	vst v46;
	v40 =	vmul.f32 v34, v32  }
0x64b: {  	v48 =	vld [tilespmem:s22+$0xFFFFFFB0];
	[tilespmem:s22+$0xFFFFFF40] =	vst v1;
	v1 =	vmul.f32 v43, v3  }
0x64c: {  	v49 =	vld [tilespmem:s22+$0xFFFFFFC0];
	[tilespmem:s22+$0x70] =	vst v40;
	v3 =	vmul.f32 v44, v3  }
0x64d: {  	v50 =	vld [tilespmem:s22+$0xFFFFFFD0];
	[tilespmem:s22+$0xFFFFFF60] =	vst v1;
	v1 =	vmul.f32 v45, v31  }
0x64e: {  	[tilespmem:s22+$0xFFFFFF70] =	vst v3;
	v3 =	vld [tilespmem:s22+$0xFFFFFFE0];
	v2 =	vmul.f32 v2, v31  }
0x64f: {  	v51 =	vld [tilespmem:s22+$0xFFFFFFF0];
	[tilespmem:s22+$0xFFFFFF80] =	vst v1;
	v1 =	vmul.f32 v47, v31  }
0x650: {  	v52 =	vld [tilespmem:s22+$0x0];
	[tilespmem:s22+$0xFFFFFF90] =	vst v2;
	v2 =	vmul.f32 v48, v31  }
0x651: {  	v53 =	vld [tilespmem:s22+$0x10];
	[tilespmem:s22+$0xFFFFFFA0] =	vst v1;
	v1 =	vmul.f32 v49, v31  }
0x652: {  	v54 =	vld [tilespmem:s22+$0x20];
	[tilespmem:s22+$0xFFFFFFB0] =	vst v2;
	v2 =	vmul.f32 v50, v31  }
0x653: {  	[tilespmem:s22+$0xFFFFFFC0] =	vst v1;
	v1 =	vmul.f32 v3, v31;
	v3 =	vld [tilespmem:s22+$0x30]  }
0x654: {  	v55 =	vld [tilespmem:s22+$0x40];
	[tilespmem:s22+$0xFFFFFFD0] =	vst v2;
	v2 =	vmul.f32 v51, v31  }
0x655: {  	v56 =	vld [tilespmem:s22+$0x50];
	[tilespmem:s22+$0xFFFFFFE0] =	vst v1;
	v1 =	vmul.f32 v52, v32  }
0x656: {  	v57 =	vld [tilespmem:s22+$0x60];
	[tilespmem:s22+$0xFFFFFFF0] =	vst v2;
	v2 =	vmul.f32 v53, v32  }
0x657: {  	v58 =	vld [tilespmem:s22+$0x80];
	[tilespmem:s22+$0x0] =	vst v1;
	v1 =	vmul.f32 v54, v32  }
0x658: {  	[tilespmem:s22+$0x10] =	vst v2;
	v2 =	vmul.f32 v3, v32;
	v3 =	vld [tilespmem:s22+$0x90]  }
0x659: {  	v59 =	vld [tilespmem:s22+$0xA0];
	[tilespmem:s22+$0x20] =	vst v1;
	v1 =	vmul.f32 v55, v32  }
0x65a: {  	v60 =	vld [tilespmem:s22+$0xB0];
	[tilespmem:s22+$0x30] =	vst v2;
	v2 =	vmul.f32 v56, v32  }
0x65b: {  	v61 =	vld [tilespmem:s22+$0xC0];
	[tilespmem:s22+$0x40] =	vst v1;
	v1 =	vmul.f32 v57, v32  }
0x65c: {  	v62 =	vld [tilespmem:s22+$0xD0];
	[tilespmem:s22+$0x50] =	vst v2;
	v2 =	vmul.f32 v58, v5  }
0x65d: {  	[tilespmem:s22+$0x60] =	vst v1;
	v1 =	vmul.f32 v3, v5;
	v3 =	vld [tilespmem:s22+$0xE0]  }
0x65e: {  	v63 =	vld [tilespmem:s22+$0xF0];
	[tilespmem:s22+$0x80] =	vst v2;
	v2 =	vmul.f32 v59, v5  }
0x65f: {  	[tilespmem:s22+$0x90] =	vst v1;
	v1 =	vmul.f32 v60, v5  }
0x660: {  	[tilespmem:s22+$0xA0] =	vst v2;
	v2 =	vmul.f32 v61, v5  }
0x661: {  	[tilespmem:s22+$0xB0] =	vst v1;
	v1 =	vmul.f32 v62, v5  }
0x662: {  	[tilespmem:s22+$0xC0] =	vst v2;
	v2 =	vmul.f32 v3, v5  }
0x663: {  	[tilespmem:s22+$0xD0] =	vst v1;
	v1 =	vmul.f32 v63, v5  }
0x664: {  	[tilespmem:s22+$0xE0] =	vst v2  }
0x665: {  	s19 =	simm.s32 $0xC;
	[tilespmem:s22+$0xF0] =	vst v1  }
0x666: {  	[spmem:s3] =	stream.indirect.scatter.add.f32 [tilespmem:s5], [sflag:$0x9], $0x80, s13, s29, $0xb8;
	[tilespmem:$0x1DE80] =	vst v63  }
0x667: {  	_ =	swait.ge [sflag:s19], $0x2800  }
0x668: {  	[sflag:s19] =	ssyncset.done $0x0  }
0x669: {  	[sflag:s19] =	ssyncadd.s32 $0xFFFFD800  }
0x66a: {  	_ =	swait.ge [sflag:s31], $0x2800  }
0x66b: {  	[sflag:s31] =	ssyncset.done $0x0  }
0x66c: {  	[sflag:s31] =	ssyncadd.s32 $0xFFFFD800  }
0x66d: {  	s22 =	stileid.u32;
	[bflag:$0x0] =	sbarrier.arrive $0xFFFF  }
0x66e: {  	s1 =	sshll.u32 s22, $0x6;
	s22 =	rddreg [dreg:$0x7]  }
0x66f: {  	s18 =	sor.u32 $0x1C0D, s1;
	s9 =	rddreg [dreg:$0x12];
	s25 =	sshrl.u32 s22, $0x3  }
0x670: {  	[hbm:s9], [sflag:s18] =	dma.local [spmem:s25], $0x2700  }
.Ltmp21:
0x671: {  	_ = 	snop;
	(pc) =	sbr.rel @p2 .LBB2_32-.Ltmp21, $4  }
.Ltmp22:
0x672: {  	s25 =	simm.s32 $0xD;
	(pc) =	sbr.rel @!p2 .LBB2_33-.Ltmp22, $4  }
0x673: {  	_ =	swait.ge [sflag:s25], $0x2700  }
0x674: {  	[sflag:s25] =	ssyncset.done $0x0;
	s19 =	sld [smem:$0x7FD]  }
0x675: {  	s28 =	simm.s32 $0x13B80;
	s1 =	rddreg [dreg:$0x5];
	[sflag:s25] =	ssyncadd.s32 $0xFFFFD900  }
0x676: {  	_ = 	snop  }
.LBB2_34:
0x677: {  	_ =	sfence.sel $0x180000  }
0x678: {  	[bflag:$0x0] =	sbarrier.arrive $0xFFFF  }
0x679: {  	_ =	strace $0x90000047  }
0x67a: {  	s0 =	stileid.u32;
	[bflag:$0x2] =	sbarrier.arrive $0xFFFF  }
0x67b: {  	p0 =	sne.s32 s0, $0x0;
	s0 =	rddreg [dreg:$0x4]  }
0x67c: {  	s0 =	sadd.s32 @!p0 $0x100000, s0  }
0x67d: {  	[sflag:s0] =	ssyncadd.tile.s32 @!p0 $0x1;
	_ =	shalt  }
.Lfunc_end2:
_tile_overlayer_lowered:
.L_overlay_start_2:
0x67e: {  	(tag) =	ssettag $0x2  }
0x67f: {  	s0 =	rddreg [dreg:$0x0];
	s2 =	stileid.u32  }
0x680: {  	s1 =	rddreg [dreg:$0x1];
	p0 =	sne.s32 s2, $0x0  }
0x681: {  	s3 =	rddreg [dreg:$0x2];
	[bflag:$0x3] =	sbarrier.arrive $0xFFFF;
	s2 =	simm.s32 @!p0 $0x1C0D  }
0x682: {  	[timem:s3], [sflag:s2] =	dma.local @!p0 [hbm:s0], s1  }
0x683: {  	s0 =	simm.s32 @!p0 $0xD  }
0x684: {  	_ =	swait.ge @!p0 [sflag:s0], s1  }
0x685: {  	s1 =	ssub.s32 @!p0 $0x0, s1;
	[sflag:s0] =	ssyncset.done @!p0 $0x0  }
0x686: {  	[sflag:s0] =	ssyncadd.s32 @!p0 s1  }
0x687: {  	[bflag:$0x3] =	sbarrier.arrive $0xFFFF  }
0x688: {  	_ =	shalt  }

</sc_bundles>
